<compile_context>
chip_gen: v7x
topology: tpu7x:2x2x1
jax: 0.10.2.dev20260603
libtpu: 0.0.44.dev20260713+nightly
codegen_flags: <defaults>
</compile_context>

<pallas_src>
import functools

import jax
import jax.numpy as jnp
from jax import lax
from jax.experimental import pallas as pl
from jax.experimental.pallas import tpu as pltpu
from jax.experimental.pallas import tpu_sc as plsc

N = 10000
NNZ = 160000
D = 256
HD = 128
NC = 2
NS = 16
P = 10240
RPT = P // NS
CH = 128
NCH = 80
PT = NCH * CH
NNZ_PAD = NS * PT
NCHP = NCH + 2
ZR = 16
ZRD = 64
NZCD = 640 // ZRD
NZC = RPT // ZR

R = 1000
GRID = N // R

_MESH = plsc.VectorSubcoreMesh(core_axis_name="c", subcore_axis_name="s")


def _deg_body(sidx, ones_hbm, zeros_hbm, out, idx_a, idx_b, ones_v, hbuf,
              obuf, hist, semd_a, semd_b):
    cid = lax.axis_index("c")
    sid = lax.axis_index("s")
    pltpu.sync_copy(ones_hbm, ones_v)
    pltpu.sync_copy(zeros_hbm, hbuf)

    def zero_chunk(j, c):
        pltpu.sync_copy(hbuf, hist.at[pl.ds(sid * RPT + j * ZRD, ZRD)])
        return c

    lax.fori_loop(0, NZCD, zero_chunk, 0)
    plsc.subcore_barrier()

    def start_idx(j, buf, sem):
        pltpu.async_copy(sidx.at[1 - cid, sid, j], buf, sem)

    def wait_idx(buf, sem):
        pltpu.make_async_copy(sidx.at[0, sid, 0], buf, sem).wait()

    start_idx(0, idx_a, semd_a)
    start_idx(1, idx_b, semd_b)

    def scatter_pair(t, c):
        a = 2 * t
        wait_idx(idx_a, semd_a)
        pltpu.sync_copy(ones_v, hist.at[idx_a], add=True)
        start_idx(a + 2, idx_a, semd_a)
        wait_idx(idx_b, semd_b)
        pltpu.sync_copy(ones_v, hist.at[idx_b], add=True)
        start_idx(a + 3, idx_b, semd_b)
        return c

    lax.fori_loop(0, NCH // 2, scatter_pair, 0)
    wait_idx(idx_a, semd_a)
    wait_idx(idx_b, semd_b)
    plsc.subcore_barrier()

    def inv_chunk(j, c):
        pltpu.sync_copy(hist.at[pl.ds(sid * RPT + j * ZRD, ZRD)], hbuf)

        def inv_row(r, c2):
            v = hbuf[r, pl.ds(0, 16)]
            obuf[r] = jnp.where(v > 0.0, 1.0 / v, 0.0)
            return c2

        lax.fori_loop(0, ZRD, inv_row, 0)
        pltpu.sync_copy(obuf, out.at[cid, sid, pl.ds(j * ZRD, ZRD)])
        return c

    lax.fori_loop(0, NZCD, inv_chunk, 0)


_deg_call = pl.kernel(
    _deg_body,
    out_type=jax.ShapeDtypeStruct((NC, NS, RPT, 16), jnp.float32),
    mesh=_MESH,
    scratch_types=[
        pltpu.VMEM((CH,), jnp.int32),
        pltpu.VMEM((CH,), jnp.int32),
        pltpu.VMEM((CH, HD), jnp.float32),
        pltpu.VMEM((ZRD, HD), jnp.float32),
        pltpu.VMEM((ZRD, 16), jnp.float32),
        pltpu.VMEM_SHARED((P, HD), jnp.float32),
        pltpu.SemaphoreType.DMA,
        pltpu.SemaphoreType.DMA,
    ],
)


def _hconv_body(x_hbm, gidx, sidx, binv_hbm, dinv_hbm, zeros_hbm,
                out, ef,
                gi_a, si_a, gi_b, si_b, rows_a, rows_b, sbuf, sbuf_b,
                inv_v, inv_b, acc,
                semi_a, semi_b, semj_a, semj_b, semg_a, semg_b,
                sems_a, sems_b):
    cid = lax.axis_index("c")
    sid = lax.axis_index("s")

    def stage(st, table, inv_hbm, emit):
        pltpu.sync_copy(zeros_hbm, sbuf)

        def zero_chunk(j, c):
            pltpu.async_copy(
                sbuf, acc.at[pl.ds(sid * RPT + j * ZR, ZR)], semg_a)
            return c

        lax.fori_loop(0, NZC, zero_chunk, 0)

        def zero_drain(j, c):
            pltpu.make_async_copy(
                sbuf, acc.at[pl.ds(sid * RPT, ZR)], semg_a).wait()
            return c

        lax.fori_loop(0, NZC, zero_drain, 0)
        plsc.subcore_barrier()

        def start_gi(j, gi, sem):
            pltpu.async_copy(gidx.at[st, cid, sid, j], gi, sem)

        def start_si(j, si, sem):
            pltpu.async_copy(sidx.at[st, sid, j], si, sem)

        def wait_gi(gi, sem):
            pltpu.make_async_copy(gidx.at[st, cid, sid, 0], gi, sem).wait()

        def wait_si(si, sem):
            pltpu.make_async_copy(sidx.at[st, sid, 0], si, sem).wait()

        start_gi(0, gi_a, semi_a)
        start_si(0, si_a, semj_a)
        start_gi(1, gi_b, semi_b)
        start_si(1, si_b, semj_b)

        def pair(t, c):
            a = 2 * t
            wait_gi(gi_a, semi_a)
            ga = pltpu.async_copy(table.at[gi_a], rows_a, semg_a)
            wait_gi(gi_b, semi_b)
            gb = pltpu.async_copy(table.at[gi_b], rows_b, semg_b)
            ga.wait()
            wait_si(si_a, semj_a)
            pltpu.sync_copy(rows_a, acc.at[si_a], add=True)
            start_gi(a + 2, gi_a, semi_a)
            start_si(a + 2, si_a, semj_a)
            gb.wait()
            wait_si(si_b, semj_b)
            pltpu.sync_copy(rows_b, acc.at[si_b], add=True)
            start_gi(a + 3, gi_b, semi_b)
            start_si(a + 3, si_b, semj_b)
            return c

        lax.fori_loop(0, NCH // 2, pair, 0)
        wait_gi(gi_a, semi_a)
        wait_si(si_a, semj_a)
        wait_gi(gi_b, semi_b)
        wait_si(si_b, semj_b)
        plsc.subcore_barrier()

        def start_reads(j, sb, iv, sem_acc, sem_inv):
            jc = jnp.minimum(j, NZC - 1)
            pltpu.async_copy(
                acc.at[pl.ds(sid * RPT + jc * ZR, ZR)], sb, sem_acc)
            pltpu.async_copy(inv_hbm.at[sid, pl.ds(jc * ZR, ZR)], iv, sem_inv)

        def wait_reads(sb, iv, sem_acc, sem_inv):
            pltpu.make_async_copy(
                acc.at[pl.ds(sid * RPT, ZR)], sb, sem_acc).wait()
            pltpu.make_async_copy(
                inv_hbm.at[sid, pl.ds(0, ZR)], iv, sem_inv).wait()

        def scale_rows(sb, iv):
            def scale_row(r, c2):
                s = iv[r]
                for k in range(HD // 16):
                    sl = pl.ds(k * 16, 16)
                    sb[r, sl] = sb[r, sl] * s
                return c2

            lax.fori_loop(0, ZR, scale_row, 0)

        start_reads(0, sbuf, inv_v, semg_a, semi_a)
        start_reads(1, sbuf_b, inv_b, semg_b, semi_b)

        def scale_pair(t, c):
            u = 2 * t
            wait_reads(sbuf, inv_v, semg_a, semi_a)
            scale_rows(sbuf, inv_v)
            ea = emit(u, sbuf, sems_a)
            wait_reads(sbuf_b, inv_b, semg_b, semi_b)
            scale_rows(sbuf_b, inv_b)
            eb = emit(u + 1, sbuf_b, sems_b)
            ea.wait()
            start_reads(u + 2, sbuf, inv_v, semg_a, semi_a)
            eb.wait()
            start_reads(u + 3, sbuf_b, inv_b, semg_b, semi_b)
            return c

        lax.fori_loop(0, NZC // 2, scale_pair, 0)
        wait_reads(sbuf, inv_v, semg_a, semi_a)
        wait_reads(sbuf_b, inv_b, semg_b, semi_b)

    def emit_ef(j, sb, sem):
        return pltpu.async_copy(
            sb, ef.at[pl.ds(cid * P + sid * RPT + j * ZR, ZR)], sem)

    stage(0, x_hbm, binv_hbm, emit_ef)

    def emit_out(j, sb, sem):
        return pltpu.async_copy(
            sb, out.at[cid, pl.ds(sid * RPT + j * ZR, ZR)], sem)

    stage(1, ef, dinv_hbm, emit_out)


_hconv_call = pl.kernel(
    _hconv_body,
    out_type=(
        jax.ShapeDtypeStruct((NC, P, HD), jnp.float32),
        jax.ShapeDtypeStruct((NC * P, HD), jnp.float32),
    ),
    mesh=_MESH,
    scratch_types=[
        pltpu.VMEM((CH,), jnp.int32),
        pltpu.VMEM((CH,), jnp.int32),
        pltpu.VMEM((CH,), jnp.int32),
        pltpu.VMEM((CH,), jnp.int32),
        pltpu.VMEM((CH, HD), jnp.float32),
        pltpu.VMEM((CH, HD), jnp.float32),
        pltpu.VMEM((ZR, HD), jnp.float32),
        pltpu.VMEM((ZR, HD), jnp.float32),
        pltpu.VMEM((ZR, 16), jnp.float32),
        pltpu.VMEM((ZR, 16), jnp.float32),
        pltpu.VMEM_SHARED((P, HD), jnp.float32),
        pltpu.SemaphoreType.DMA,
        pltpu.SemaphoreType.DMA,
        pltpu.SemaphoreType.DMA,
        pltpu.SemaphoreType.DMA,
        pltpu.SemaphoreType.DMA,
        pltpu.SemaphoreType.DMA,
        pltpu.SemaphoreType.DMA,
        pltpu.SemaphoreType.DMA,
    ],
)


def _mm_a_body(feat, tr, wphi, bphi, w1, phi_out, x1s_out):
    ph = jnp.dot(feat[...], wphi[...],
                 preferred_element_type=jnp.float32) + bphi[...]
    phi_out[...] = ph
    xt = tr[...] * ph
    x1 = jnp.dot(xt, w1[...], preferred_element_type=jnp.float32)
    x1s_out[0] = x1[:, :HD]
    x1s_out[1] = x1[:, HD:]


_mm_a_call = pl.pallas_call(
    _mm_a_body,
    grid=(GRID,),
    in_specs=[
        pl.BlockSpec((R, D), lambda i: (i, 0)),
        pl.BlockSpec((R, 1), lambda i: (i, 0)),
        pl.BlockSpec((D, D), lambda i: (0, 0)),
        pl.BlockSpec((1, D), lambda i: (0, 0)),
        pl.BlockSpec((D, D), lambda i: (0, 0)),
    ],
    out_specs=[
        pl.BlockSpec((R, D), lambda i: (i, 0)),
        pl.BlockSpec((NC, R, HD), lambda i: (0, i, 0)),
    ],
    out_shape=[
        jax.ShapeDtypeStruct((N, D), jnp.float32),
        jax.ShapeDtypeStruct((NC, N, HD), jnp.float32),
    ],
)


def _mm_b_body(agg, b1, w2, x2s_out):
    h = jnp.concatenate([agg[0], agg[1]], axis=1) + b1[...]
    rep = jnp.maximum(h, 0.0)
    x2 = jnp.dot(rep, w2[...], preferred_element_type=jnp.float32)
    x2s_out[0] = x2[:, :HD]
    x2s_out[1] = x2[:, HD:]


_mm_b_call = pl.pallas_call(
    _mm_b_body,
    grid=(GRID,),
    in_specs=[
        pl.BlockSpec((NC, R, HD), lambda i: (0, i, 0)),
        pl.BlockSpec((1, D), lambda i: (0, 0)),
        pl.BlockSpec((D, D), lambda i: (0, 0)),
    ],
    out_specs=[
        pl.BlockSpec((NC, R, HD), lambda i: (0, i, 0)),
    ],
    out_shape=[
        jax.ShapeDtypeStruct((NC, N, HD), jnp.float32),
    ],
)


def _mm_c_body(phi, agg, b2, w00b, b00, w10t, w10b, b10, w01, b01, w11, b11,
               y1_out, y0_out):
    rep = jnp.maximum(
        jnp.concatenate([agg[0], agg[1]], axis=1) + b2[...], 0.0)
    t0 = jnp.maximum(
        jnp.dot(rep, w00b[...], preferred_element_type=jnp.float32)
        + b00[...], 0.0)
    y0_out[...] = jnp.dot(t0, w01[...],
                          preferred_element_type=jnp.float32) + b01[...]
    t1 = jnp.maximum(
        jnp.dot(phi[...], w10t[...], preferred_element_type=jnp.float32)
        + jnp.dot(rep, w10b[...], preferred_element_type=jnp.float32)
        + b10[...], 0.0)
    y1_out[...] = jnp.dot(t1, w11[...],
                          preferred_element_type=jnp.float32) + b11[...]


_mm_c_call = pl.pallas_call(
    _mm_c_body,
    grid=(GRID,),
    in_specs=[
        pl.BlockSpec((R, D), lambda i: (i, 0)),
        pl.BlockSpec((NC, R, HD), lambda i: (0, i, 0)),
        pl.BlockSpec((1, D), lambda i: (0, 0)),
        pl.BlockSpec((D, 2 * D), lambda i: (0, 0)),
        pl.BlockSpec((1, 2 * D), lambda i: (0, 0)),
        pl.BlockSpec((D, 2 * D), lambda i: (0, 0)),
        pl.BlockSpec((D, 2 * D), lambda i: (0, 0)),
        pl.BlockSpec((1, 2 * D), lambda i: (0, 0)),
        pl.BlockSpec((2 * D, 1), lambda i: (0, 0)),
        pl.BlockSpec((1, 1), lambda i: (0, 0)),
        pl.BlockSpec((2 * D, 1), lambda i: (0, 0)),
        pl.BlockSpec((1, 1), lambda i: (0, 0)),
    ],
    out_specs=[
        pl.BlockSpec((R, 1), lambda i: (i, 0)),
        pl.BlockSpec((R, 1), lambda i: (i, 0)),
    ],
    out_shape=[
        jax.ShapeDtypeStruct((N, 1), jnp.float32),
        jax.ShapeDtypeStruct((N, 1), jnp.float32),
    ],
)


def kernel(features, treatments, hyperedge_index, W_phi, b_phi, W1, b1,
           W2, b2, W00, b00, W10, b10, W01, b01, W11, b11):
    n_idx = hyperedge_index[0].astype(jnp.int32)
    e_idx = hyperedge_index[1].astype(jnp.int32)
    pad = NNZ_PAD - NNZ
    zpad = jnp.zeros((pad,), jnp.int32)
    dump = jnp.full((pad,), P - 1, jnp.int32)
    n_g = jnp.concatenate([n_idx, zpad])
    e_g = jnp.concatenate([e_idx, zpad])
    n_s = jnp.concatenate([n_idx, dump])
    e_s = jnp.concatenate([e_idx, dump])
    g1 = jnp.stack([n_g, n_g + N])
    g2 = jnp.stack([e_g, e_g + P])
    gidx = jnp.stack([g1, g2]).reshape(2, NC, NS, NCH, CH)
    sidx = jnp.stack([e_s, n_s]).reshape(2, NS, NCH, CH)
    gidx = jnp.concatenate(
        [gidx, jnp.zeros((2, NC, NS, 2, CH), jnp.int32)], axis=3)
    sidx = jnp.concatenate(
        [sidx, jnp.zeros((2, NS, 2, CH), jnp.int32)], axis=2)
    ones_hd = jnp.ones((CH, HD), jnp.float32)
    zhd = jnp.zeros((ZR, HD), jnp.float32)
    zhd_d = jnp.zeros((ZRD, HD), jnp.float32)

    deg = _deg_call(sidx, ones_hd, zhd_d)
    dinv, binv = deg[0], deg[1]

    phi, x1s = _mm_a_call(
        features, treatments.reshape(N, 1), W_phi, b_phi.reshape(1, D), W1)
    agg1, _ = _hconv_call(
        x1s.reshape(NC * N, HD), gidx, sidx, binv, dinv, zhd)
    (x2s,) = _mm_b_call(agg1, b1.reshape(1, D), W2)
    agg2, _ = _hconv_call(
        x2s.reshape(NC * N, HD), gidx, sidx, binv, dinv, zhd)
    y1, y0 = _mm_c_call(
        phi, agg2, b2.reshape(1, D), W00[D:], b00.reshape(1, 2 * D),
        W10[:D], W10[D:], b10.reshape(1, 2 * D), W01, b01.reshape(1, 1),
        W11, b11.reshape(1, 1))
    return (y1.reshape(-1), y0.reshape(-1), phi)

# --- scband reference (transcript-rebuilt; emitter-appended) ---
"""Pipeline reference for scband-hyper-sci-70196945486195 (READ-ONLY COPY).

The authoritative reference and input builder live on the scoring server;
editing this copy changes nothing except your own understanding.
"""

import jax, jax.numpy as jnp
import numpy as np

N = 10000
NNZ = 160000
X_DIM = 256
H_DIM = 256
G_DIM = 256
NUM_HE = 10000
Y_REP = H_DIM + G_DIM


def _lin_init(key, fan_in, fan_out):
    k1, k2 = jax.random.split(key)
    s = 1.0 / np.sqrt(fan_in)
    W = jax.random.uniform(k1, (fan_in, fan_out), minval=-s, maxval=s, dtype=jnp.float32)
    b = jax.random.uniform(k2, (fan_out,), minval=-s, maxval=s, dtype=jnp.float32)
    return W, b


def setup_inputs(seed: int = 0):
    key = jax.random.key(seed)
    ks = jax.random.split(key, 12)
    inp = {}
    inp['features'] = jax.random.normal(ks[0], (N, X_DIM), dtype=jnp.float32)
    inp['treatments'] = jax.random.uniform(ks[1], (N,), dtype=jnp.float32)
    inp['hyperedge_index'] = jax.random.randint(ks[2], (2, NNZ), 0, NUM_HE, dtype=jnp.int32)
    inp['W_phi'], inp['b_phi'] = _lin_init(ks[3], X_DIM, H_DIM)
    inp['W1'], inp['b1'] = _lin_init(ks[4], H_DIM, G_DIM)
    inp['W2'], inp['b2'] = _lin_init(ks[5], G_DIM, G_DIM)
    inp['W00'], inp['b00'] = _lin_init(ks[6], Y_REP, Y_REP)
    inp['W10'], inp['b10'] = _lin_init(ks[7], Y_REP, Y_REP)
    inp['W01'], inp['b01'] = _lin_init(ks[8], Y_REP, 1)
    inp['W11'], inp['b11'] = _lin_init(ks[9], Y_REP, 1)
    return inp


def _hconv(x, hyperedge_index, W, b):
    # PyG HypergraphConv (gcn variant, heads=1, no attention):
    # x' = D^-1 H (B^-1 H^T (x Theta)) + bias
    x = x @ W
    n_idx = hyperedge_index[0]
    e_idx = hyperedge_index[1]
    ones_inc = jnp.ones((hyperedge_index.shape[1],), dtype=x.dtype)
    D = jax.ops.segment_sum(ones_inc, n_idx, num_segments=N)
    Dinv = jnp.where(D > 0, 1.0 / D, 0.0)
    B = jax.ops.segment_sum(ones_inc, e_idx, num_segments=NUM_HE)
    Binv = jnp.where(B > 0, 1.0 / B, 0.0)
    # stage 1: nodes -> hyperedges
    edge_feat = jax.ops.segment_sum(Binv[e_idx][:, None] * x[n_idx], e_idx, num_segments=NUM_HE)
    # stage 2: hyperedges -> nodes
    out = jax.ops.segment_sum(Dinv[n_idx][:, None] * edge_feat[e_idx], n_idx, num_segments=N)
    return out + b


def reference(features, treatments, hyperedge_index, W_phi, b_phi, W1, b1, W2, b2, W00, b00, W10, b10, W01, b01, W11, b11):
    phi_x = features @ W_phi + b_phi  # phi_layer == 1
    phi_x_t = treatments[:, None] * phi_x
    rep = _hconv(phi_x_t, hyperedge_index, W1, b1)
    rep = jax.nn.relu(rep)  # activate between layers
    rep = _hconv(rep, hyperedge_index, W2, b2)
    rep = jax.nn.relu(rep)
    # dropout p=0.0 -> identity
    rep_post_0 = jnp.concatenate([jnp.zeros_like(phi_x), rep], axis=1)  # skip '23'
    rep_post_1 = jnp.concatenate([phi_x, rep], axis=1)
    y00 = jax.nn.relu(rep_post_0 @ W00 + b00)  # n_out = 1
    y10 = jax.nn.relu(rep_post_1 @ W10 + b10)
    y0_pred = (y00 @ W01 + b01).reshape(-1)
    y1_pred = (y10 @ W11 + b11).reshape(-1)
    return (y1_pred, y0_pred, phi_x)

if __name__ == "__main__":
    import jax
    _d = setup_inputs()
    print(jax.jit(kernel)(*tuple(_d.values())))

</pallas_src>

<mosaic_0001>
#map = affine_map<(d0, d1) -> (0, 0, 0, 0)>
#map1 = affine_map<(d0, d1) -> (0, 0)>
module attributes {stable_mosaic.version = 14 : i64} {
  func.func @_deg_body(%arg0: i32, %arg1: i32, %arg2: memref<2x16x82x128xi32, #tpu.memory_space<hbm>>, %arg3: memref<128x128xf32, #tpu.memory_space<hbm>>, %arg4: memref<64x128xf32, #tpu.memory_space<hbm>>, %arg5: memref<2x16x640x16xf32, #tpu.memory_space<hbm>>, %arg6: memref<128xi32, #tpu.memory_space<vmem>>, %arg7: memref<128xi32, #tpu.memory_space<vmem>>, %arg8: memref<128x128xf32, #tpu.memory_space<vmem>>, %arg9: memref<64x128xf32, #tpu.memory_space<vmem>>, %arg10: memref<64x16xf32, #tpu.memory_space<vmem>>, %arg11: memref<10240x128xf32, #tpu.memory_space<vmem_shared>>, %arg12: memref<!tpu.dma_semaphore, #tpu.memory_space<semaphore_mem>>, %arg13: memref<!tpu.dma_semaphore, #tpu.memory_space<semaphore_mem>>) attributes {dimension_semantics = [#tpu.dimension_semantics<core_parallel>, #tpu.dimension_semantics<subcore_parallel>], iteration_bounds = array<i64: 2, 16>, scalar_prefetch = 0 : i64, scratch_operands = 8 : i64, tpu.core_type = #tpu.core_type<sc_vector_subcore>, window_params = [{transform_indices = #map}, {transform_indices = #map1}, {transform_indices = #map1}, {transform_indices = #map}]} {
    "tpu.region"() ({
      %run_scoped3A = tpu.sem_alloc : memref<!tpu.dma_semaphore, #tpu.memory_space<semaphore_mem>>
      tpu.enqueue_dma source(%arg3 : memref<128x128xf32, #tpu.memory_space<hbm>>) target(%arg8 : memref<128x128xf32, #tpu.memory_space<vmem>>) target_semaphore(%run_scoped3A : memref<!tpu.dma_semaphore, #tpu.memory_space<semaphore_mem>>)
      tpu.wait_dma2 semaphore(%run_scoped3A : memref<!tpu.dma_semaphore, #tpu.memory_space<semaphore_mem>>) src(%arg3 : memref<128x128xf32, #tpu.memory_space<hbm>>) dst(%arg8 : memref<128x128xf32, #tpu.memory_space<vmem>>)
      tpu.yield
    }) : () -> ()
    "tpu.region"() ({
      %run_scoped3A = tpu.sem_alloc : memref<!tpu.dma_semaphore, #tpu.memory_space<semaphore_mem>>
      tpu.enqueue_dma source(%arg4 : memref<64x128xf32, #tpu.memory_space<hbm>>) target(%arg9 : memref<64x128xf32, #tpu.memory_space<vmem>>) target_semaphore(%run_scoped3A : memref<!tpu.dma_semaphore, #tpu.memory_space<semaphore_mem>>)
      tpu.wait_dma2 semaphore(%run_scoped3A : memref<!tpu.dma_semaphore, #tpu.memory_space<semaphore_mem>>) src(%arg4 : memref<64x128xf32, #tpu.memory_space<hbm>>) dst(%arg9 : memref<64x128xf32, #tpu.memory_space<vmem>>)
      tpu.yield
    }) : () -> ()
    %scan3A = arith.constant 0 : i32
    %scan3A_0 = arith.constant 0 : i32
    %scan3A_1 = arith.constant 10 : i32
    %scan3A_2 = arith.addi %scan3A_0, %scan3A_1 : i32
    %scan3A_3 = arith.constant 1 : i32
    scf.for %scan3A_49 = %scan3A_0 to %scan3A_2 step %scan3A_3  : i32 {
      %mul3A = arith.constant 640 : i32
      %mul3A_50 = arith.muli %arg1, %mul3A : i32
      %mul3A_51 = arith.constant 64 : i32
      %mul3A_52 = arith.muli %scan3A_49, %mul3A_51 : i32
      %add3A = arith.addi %mul3A_50, %mul3A_52 : i32
      "tpu.region"() ({
        %run_scoped3A = tpu.sem_alloc : memref<!tpu.dma_semaphore, #tpu.memory_space<semaphore_mem>>
        %dma_start3A_53 = arith.constant 0 : i32
        %dma_start3A_54 = tpu.memref_slice %arg11[%add3A, %dma_start3A_53] : memref<10240x128xf32, #tpu.memory_space<vmem_shared>> -> memref<64x128xf32, #tpu.memory_space<vmem_shared>>
        %dma_start3A_55 = arith.constant 0 : i32
        %dma_start3A_56 = tpu.memref_slice %arg11[%add3A, %dma_start3A_55] : memref<10240x128xf32, #tpu.memory_space<vmem_shared>> -> memref<64x128xf32, #tpu.memory_space<vmem_shared>>
        tpu.enqueue_dma source(%arg9 : memref<64x128xf32, #tpu.memory_space<vmem>>) target(%dma_start3A_56 : memref<64x128xf32, #tpu.memory_space<vmem_shared>>) target_semaphore(%run_scoped3A : memref<!tpu.dma_semaphore, #tpu.memory_space<semaphore_mem>>)
        %dma_wait3A_57 = arith.constant 0 : i32
        %dma_wait3A_58 = tpu.memref_slice %arg11[%add3A, %dma_wait3A_57] : memref<10240x128xf32, #tpu.memory_space<vmem_shared>> -> memref<64x128xf32, #tpu.memory_space<vmem_shared>>
        %dma_wait3A_59 = arith.constant 0 : i32
        %dma_wait3A_60 = tpu.memref_slice %arg11[%add3A, %dma_wait3A_59] : memref<10240x128xf32, #tpu.memory_space<vmem_shared>> -> memref<64x128xf32, #tpu.memory_space<vmem_shared>>
        tpu.wait_dma2 semaphore(%run_scoped3A : memref<!tpu.dma_semaphore, #tpu.memory_space<semaphore_mem>>) src(%arg9 : memref<64x128xf32, #tpu.memory_space<vmem>>) dst(%dma_wait3A_60 : memref<64x128xf32, #tpu.memory_space<vmem_shared>>)
        tpu.yield
      }) : () -> ()
    }
    %scan3A_4 = arith.constant 10 : i32
    %barrier3A = arith.constant 0 : index
    tpu.barrier barrier_id(%barrier3A)
    %sub3A = arith.constant 1 : i32
    %sub3A_5 = arith.subi %sub3A, %arg0 : i32
    %dma_start3A = arith.constant 0 : i32
    %dma_start3A_6 = arith.constant 0 : i32
    %dma_start3A_7 = tpu.memref_slice %arg2[%sub3A_5, %arg1, %dma_start3A, %dma_start3A_6] : memref<2x16x82x128xi32, #tpu.memory_space<hbm>> -> memref<1x1x1x128xi32, #tpu.memory_space<hbm>>
    %dma_start3A_8 = tpu.memref_squeeze %dma_start3A_7 : memref<1x1x1x128xi32, #tpu.memory_space<hbm>> -> memref<128xi32, #tpu.memory_space<hbm>>
    %dma_start3A_9 = arith.constant 0 : i32
    %dma_start3A_10 = tpu.memref_slice %arg2[%sub3A_5, %arg1, %dma_start3A, %dma_start3A_9] : memref<2x16x82x128xi32, #tpu.memory_space<hbm>> -> memref<1x1x1x128xi32, #tpu.memory_space<hbm>>
    %dma_start3A_11 = tpu.memref_squeeze %dma_start3A_10 : memref<1x1x1x128xi32, #tpu.memory_space<hbm>> -> memref<128xi32, #tpu.memory_space<hbm>>
    tpu.enqueue_dma source(%dma_start3A_11 : memref<128xi32, #tpu.memory_space<hbm>>) target(%arg6 : memref<128xi32, #tpu.memory_space<vmem>>) target_semaphore(%arg12 : memref<!tpu.dma_semaphore, #tpu.memory_space<semaphore_mem>>)
    %sub3A_12 = arith.constant 1 : i32
    %sub3A_13 = arith.subi %sub3A_12, %arg0 : i32
    %dma_start3A_14 = arith.constant 1 : i32
    %dma_start3A_15 = arith.constant 0 : i32
    %dma_start3A_16 = tpu.memref_slice %arg2[%sub3A_13, %arg1, %dma_start3A_14, %dma_start3A_15] : memref<2x16x82x128xi32, #tpu.memory_space<hbm>> -> memref<1x1x1x128xi32, #tpu.memory_space<hbm>>
    %dma_start3A_17 = tpu.memref_squeeze %dma_start3A_16 : memref<1x1x1x128xi32, #tpu.memory_space<hbm>> -> memref<128xi32, #tpu.memory_space<hbm>>
    %dma_start3A_18 = arith.constant 0 : i32
    %dma_start3A_19 = tpu.memref_slice %arg2[%sub3A_13, %arg1, %dma_start3A_14, %dma_start3A_18] : memref<2x16x82x128xi32, #tpu.memory_space<hbm>> -> memref<1x1x1x128xi32, #tpu.memory_space<hbm>>
    %dma_start3A_20 = tpu.memref_squeeze %dma_start3A_19 : memref<1x1x1x128xi32, #tpu.memory_space<hbm>> -> memref<128xi32, #tpu.memory_space<hbm>>
    tpu.enqueue_dma source(%dma_start3A_20 : memref<128xi32, #tpu.memory_space<hbm>>) target(%arg7 : memref<128xi32, #tpu.memory_space<vmem>>) target_semaphore(%arg13 : memref<!tpu.dma_semaphore, #tpu.memory_space<semaphore_mem>>)
    %scan3A_21 = arith.constant 0 : i32
    %scan3A_22 = arith.constant 0 : i32
    %scan3A_23 = arith.constant 40 : i32
    %scan3A_24 = arith.addi %scan3A_22, %scan3A_23 : i32
    %scan3A_25 = arith.constant 1 : i32
    scf.for %scan3A_49 = %scan3A_22 to %scan3A_24 step %scan3A_25  : i32 {
      %mul3A = arith.constant 2 : i32
      %mul3A_50 = arith.muli %mul3A, %scan3A_49 : i32
      %dma_wait3A_51 = arith.constant 0 : i32
      %dma_wait3A_52 = arith.constant 0 : i32
      %dma_wait3A_53 = arith.constant 0 : i32
      %dma_wait3A_54 = tpu.memref_slice %arg2[%dma_wait3A_51, %arg1, %dma_wait3A_52, %dma_wait3A_53] : memref<2x16x82x128xi32, #tpu.memory_space<hbm>> -> memref<1x1x1x128xi32, #tpu.memory_space<hbm>>
      %dma_wait3A_55 = tpu.memref_squeeze %dma_wait3A_54 : memref<1x1x1x128xi32, #tpu.memory_space<hbm>> -> memref<128xi32, #tpu.memory_space<hbm>>
      %dma_wait3A_56 = arith.constant 0 : i32
      %dma_wait3A_57 = tpu.memref_slice %arg2[%dma_wait3A_51, %arg1, %dma_wait3A_52, %dma_wait3A_56] : memref<2x16x82x128xi32, #tpu.memory_space<hbm>> -> memref<1x1x1x128xi32, #tpu.memory_space<hbm>>
      %dma_wait3A_58 = tpu.memref_squeeze %dma_wait3A_57 : memref<1x1x1x128xi32, #tpu.memory_space<hbm>> -> memref<128xi32, #tpu.memory_space<hbm>>
      tpu.wait_dma2 semaphore(%arg12 : memref<!tpu.dma_semaphore, #tpu.memory_space<semaphore_mem>>) src(%dma_wait3A_58 : memref<128xi32, #tpu.memory_space<hbm>>) dst(%arg6 : memref<128xi32, #tpu.memory_space<vmem>>)
      "tpu.region"() ({
        %run_scoped3A = tpu.sem_alloc : memref<!tpu.dma_semaphore, #tpu.memory_space<semaphore_mem>>
        %dma_start3A_86 = arith.constant 0 : i32
        %dma_start3A_87 = arith.constant 0 : i32
        %dma_start3A_88 = tpu.memref_slice %arg11[%dma_start3A_86, %dma_start3A_87] : memref<10240x128xf32, #tpu.memory_space<vmem_shared>> -> memref<10240x128xf32, #tpu.memory_space<vmem_shared>>
        tpu.enqueue_indirect_dma source(%arg8 : memref<128x128xf32, #tpu.memory_space<vmem>>) target(%dma_start3A_88 : memref<10240x128xf32, #tpu.memory_space<vmem_shared>>) offsets(%arg6 : memref<128xi32, #tpu.memory_space<vmem>>) semaphore(%run_scoped3A : memref<!tpu.dma_semaphore, #tpu.memory_space<semaphore_mem>>) {add = true}
        %dma_wait3A_89 = arith.constant 0 : i32
        %dma_wait3A_90 = arith.constant 0 : i32
        %dma_wait3A_91 = tpu.memref_slice %arg11[%dma_wait3A_89, %dma_wait3A_90] : memref<10240x128xf32, #tpu.memory_space<vmem_shared>> -> memref<10240x128xf32, #tpu.memory_space<vmem_shared>>
        tpu.wait_indirect_dma semaphore(%run_scoped3A : memref<!tpu.dma_semaphore, #tpu.memory_space<semaphore_mem>>) src(%arg8 : memref<128x128xf32, #tpu.memory_space<vmem>>) dst(%dma_wait3A_91 : memref<10240x128xf32, #tpu.memory_space<vmem_shared>>)
        tpu.yield
      }) : () -> ()
      %add3A = arith.constant 2 : i32
      %add3A_59 = arith.addi %mul3A_50, %add3A : i32
      %sub3A_60 = arith.constant 1 : i32
      %sub3A_61 = arith.subi %sub3A_60, %arg0 : i32
      %dma_start3A_62 = arith.constant 0 : i32
      %dma_start3A_63 = tpu.memref_slice %arg2[%sub3A_61, %arg1, %add3A_59, %dma_start3A_62] : memref<2x16x82x128xi32, #tpu.memory_space<hbm>> -> memref<1x1x1x128xi32, #tpu.memory_space<hbm>>
      %dma_start3A_64 = tpu.memref_squeeze %dma_start3A_63 : memref<1x1x1x128xi32, #tpu.memory_space<hbm>> -> memref<128xi32, #tpu.memory_space<hbm>>
      %dma_start3A_65 = arith.constant 0 : i32
      %dma_start3A_66 = tpu.memref_slice %arg2[%sub3A_61, %arg1, %add3A_59, %dma_start3A_65] : memref<2x16x82x128xi32, #tpu.memory_space<hbm>> -> memref<1x1x1x128xi32, #tpu.memory_space<hbm>>
      %dma_start3A_67 = tpu.memref_squeeze %dma_start3A_66 : memref<1x1x1x128xi32, #tpu.memory_space<hbm>> -> memref<128xi32, #tpu.memory_space<hbm>>
      tpu.enqueue_dma source(%dma_start3A_67 : memref<128xi32, #tpu.memory_space<hbm>>) target(%arg6 : memref<128xi32, #tpu.memory_space<vmem>>) target_semaphore(%arg12 : memref<!tpu.dma_semaphore, #tpu.memory_space<semaphore_mem>>)
      %dma_wait3A_68 = arith.constant 0 : i32
      %dma_wait3A_69 = arith.constant 0 : i32
      %dma_wait3A_70 = arith.constant 0 : i32
      %dma_wait3A_71 = tpu.memref_slice %arg2[%dma_wait3A_68, %arg1, %dma_wait3A_69, %dma_wait3A_70] : memref<2x16x82x128xi32, #tpu.memory_space<hbm>> -> memref<1x1x1x128xi32, #tpu.memory_space<hbm>>
      %dma_wait3A_72 = tpu.memref_squeeze %dma_wait3A_71 : memref<1x1x1x128xi32, #tpu.memory_space<hbm>> -> memref<128xi32, #tpu.memory_space<hbm>>
      %dma_wait3A_73 = arith.constant 0 : i32
      %dma_wait3A_74 = tpu.memref_slice %arg2[%dma_wait3A_68, %arg1, %dma_wait3A_69, %dma_wait3A_73] : memref<2x16x82x128xi32, #tpu.memory_space<hbm>> -> memref<1x1x1x128xi32, #tpu.memory_space<hbm>>
      %dma_wait3A_75 = tpu.memref_squeeze %dma_wait3A_74 : memref<1x1x1x128xi32, #tpu.memory_space<hbm>> -> memref<128xi32, #tpu.memory_space<hbm>>
      tpu.wait_dma2 semaphore(%arg13 : memref<!tpu.dma_semaphore, #tpu.memory_space<semaphore_mem>>) src(%dma_wait3A_75 : memref<128xi32, #tpu.memory_space<hbm>>) dst(%arg7 : memref<128xi32, #tpu.memory_space<vmem>>)
      "tpu.region"() ({
        %run_scoped3A = tpu.sem_alloc : memref<!tpu.dma_semaphore, #tpu.memory_space<semaphore_mem>>
        %dma_start3A_86 = arith.constant 0 : i32
        %dma_start3A_87 = arith.constant 0 : i32
        %dma_start3A_88 = tpu.memref_slice %arg11[%dma_start3A_86, %dma_start3A_87] : memref<10240x128xf32, #tpu.memory_space<vmem_shared>> -> memref<10240x128xf32, #tpu.memory_space<vmem_shared>>
        tpu.enqueue_indirect_dma source(%arg8 : memref<128x128xf32, #tpu.memory_space<vmem>>) target(%dma_start3A_88 : memref<10240x128xf32, #tpu.memory_space<vmem_shared>>) offsets(%arg7 : memref<128xi32, #tpu.memory_space<vmem>>) semaphore(%run_scoped3A : memref<!tpu.dma_semaphore, #tpu.memory_space<semaphore_mem>>) {add = true}
        %dma_wait3A_89 = arith.constant 0 : i32
        %dma_wait3A_90 = arith.constant 0 : i32
        %dma_wait3A_91 = tpu.memref_slice %arg11[%dma_wait3A_89, %dma_wait3A_90] : memref<10240x128xf32, #tpu.memory_space<vmem_shared>> -> memref<10240x128xf32, #tpu.memory_space<vmem_shared>>
        tpu.wait_indirect_dma semaphore(%run_scoped3A : memref<!tpu.dma_semaphore, #tpu.memory_space<semaphore_mem>>) src(%arg8 : memref<128x128xf32, #tpu.memory_space<vmem>>) dst(%dma_wait3A_91 : memref<10240x128xf32, #tpu.memory_space<vmem_shared>>)
        tpu.yield
      }) : () -> ()
      %add3A_76 = arith.constant 3 : i32
      %add3A_77 = arith.addi %mul3A_50, %add3A_76 : i32
      %sub3A_78 = arith.constant 1 : i32
      %sub3A_79 = arith.subi %sub3A_78, %arg0 : i32
      %dma_start3A_80 = arith.constant 0 : i32
      %dma_start3A_81 = tpu.memref_slice %arg2[%sub3A_79, %arg1, %add3A_77, %dma_start3A_80] : memref<2x16x82x128xi32, #tpu.memory_space<hbm>> -> memref<1x1x1x128xi32, #tpu.memory_space<hbm>>
      %dma_start3A_82 = tpu.memref_squeeze %dma_start3A_81 : memref<1x1x1x128xi32, #tpu.memory_space<hbm>> -> memref<128xi32, #tpu.memory_space<hbm>>
      %dma_start3A_83 = arith.constant 0 : i32
      %dma_start3A_84 = tpu.memref_slice %arg2[%sub3A_79, %arg1, %add3A_77, %dma_start3A_83] : memref<2x16x82x128xi32, #tpu.memory_space<hbm>> -> memref<1x1x1x128xi32, #tpu.memory_space<hbm>>
      %dma_start3A_85 = tpu.memref_squeeze %dma_start3A_84 : memref<1x1x1x128xi32, #tpu.memory_space<hbm>> -> memref<128xi32, #tpu.memory_space<hbm>>
      tpu.enqueue_dma source(%dma_start3A_85 : memref<128xi32, #tpu.memory_space<hbm>>) target(%arg7 : memref<128xi32, #tpu.memory_space<vmem>>) target_semaphore(%arg13 : memref<!tpu.dma_semaphore, #tpu.memory_space<semaphore_mem>>)
    }
    %scan3A_26 = arith.constant 40 : i32
    %dma_wait3A = arith.constant 0 : i32
    %dma_wait3A_27 = arith.constant 0 : i32
    %dma_wait3A_28 = arith.constant 0 : i32
    %dma_wait3A_29 = tpu.memref_slice %arg2[%dma_wait3A, %arg1, %dma_wait3A_27, %dma_wait3A_28] : memref<2x16x82x128xi32, #tpu.memory_space<hbm>> -> memref<1x1x1x128xi32, #tpu.memory_space<hbm>>
    %dma_wait3A_30 = tpu.memref_squeeze %dma_wait3A_29 : memref<1x1x1x128xi32, #tpu.memory_space<hbm>> -> memref<128xi32, #tpu.memory_space<hbm>>
    %dma_wait3A_31 = arith.constant 0 : i32
    %dma_wait3A_32 = tpu.memref_slice %arg2[%dma_wait3A, %arg1, %dma_wait3A_27, %dma_wait3A_31] : memref<2x16x82x128xi32, #tpu.memory_space<hbm>> -> memref<1x1x1x128xi32, #tpu.memory_space<hbm>>
    %dma_wait3A_33 = tpu.memref_squeeze %dma_wait3A_32 : memref<1x1x1x128xi32, #tpu.memory_space<hbm>> -> memref<128xi32, #tpu.memory_space<hbm>>
    tpu.wait_dma2 semaphore(%arg12 : memref<!tpu.dma_semaphore, #tpu.memory_space<semaphore_mem>>) src(%dma_wait3A_33 : memref<128xi32, #tpu.memory_space<hbm>>) dst(%arg6 : memref<128xi32, #tpu.memory_space<vmem>>)
    %dma_wait3A_34 = arith.constant 0 : i32
    %dma_wait3A_35 = arith.constant 0 : i32
    %dma_wait3A_36 = arith.constant 0 : i32
    %dma_wait3A_37 = tpu.memref_slice %arg2[%dma_wait3A_34, %arg1, %dma_wait3A_35, %dma_wait3A_36] : memref<2x16x82x128xi32, #tpu.memory_space<hbm>> -> memref<1x1x1x128xi32, #tpu.memory_space<hbm>>
    %dma_wait3A_38 = tpu.memref_squeeze %dma_wait3A_37 : memref<1x1x1x128xi32, #tpu.memory_space<hbm>> -> memref<128xi32, #tpu.memory_space<hbm>>
    %dma_wait3A_39 = arith.constant 0 : i32
    %dma_wait3A_40 = tpu.memref_slice %arg2[%dma_wait3A_34, %arg1, %dma_wait3A_35, %dma_wait3A_39] : memref<2x16x82x128xi32, #tpu.memory_space<hbm>> -> memref<1x1x1x128xi32, #tpu.memory_space<hbm>>
    %dma_wait3A_41 = tpu.memref_squeeze %dma_wait3A_40 : memref<1x1x1x128xi32, #tpu.memory_space<hbm>> -> memref<128xi32, #tpu.memory_space<hbm>>
    tpu.wait_dma2 semaphore(%arg13 : memref<!tpu.dma_semaphore, #tpu.memory_space<semaphore_mem>>) src(%dma_wait3A_41 : memref<128xi32, #tpu.memory_space<hbm>>) dst(%arg7 : memref<128xi32, #tpu.memory_space<vmem>>)
    %barrier3A_42 = arith.constant 0 : index
    tpu.barrier barrier_id(%barrier3A_42)
    %scan3A_43 = arith.constant 0 : i32
    %scan3A_44 = arith.constant 0 : i32
    %scan3A_45 = arith.constant 10 : i32
    %scan3A_46 = arith.addi %scan3A_44, %scan3A_45 : i32
    %scan3A_47 = arith.constant 1 : i32
    scf.for %scan3A_49 = %scan3A_44 to %scan3A_46 step %scan3A_47  : i32 {
      %mul3A = arith.constant 640 : i32
      %mul3A_50 = arith.muli %arg1, %mul3A : i32
      %mul3A_51 = arith.constant 64 : i32
      %mul3A_52 = arith.muli %scan3A_49, %mul3A_51 : i32
      %add3A = arith.addi %mul3A_50, %mul3A_52 : i32
      "tpu.region"() ({
        %run_scoped3A = tpu.sem_alloc : memref<!tpu.dma_semaphore, #tpu.memory_space<semaphore_mem>>
        %dma_start3A_61 = arith.constant 0 : i32
        %dma_start3A_62 = tpu.memref_slice %arg11[%add3A, %dma_start3A_61] : memref<10240x128xf32, #tpu.memory_space<vmem_shared>> -> memref<64x128xf32, #tpu.memory_space<vmem_shared>>
        %dma_start3A_63 = arith.constant 0 : i32
        %dma_start3A_64 = tpu.memref_slice %arg11[%add3A, %dma_start3A_63] : memref<10240x128xf32, #tpu.memory_space<vmem_shared>> -> memref<64x128xf32, #tpu.memory_space<vmem_shared>>
        tpu.enqueue_dma source(%dma_start3A_64 : memref<64x128xf32, #tpu.memory_space<vmem_shared>>) target(%arg9 : memref<64x128xf32, #tpu.memory_space<vmem>>) target_semaphore(%run_scoped3A : memref<!tpu.dma_semaphore, #tpu.memory_space<semaphore_mem>>)
        %dma_wait3A_65 = arith.constant 0 : i32
        %dma_wait3A_66 = tpu.memref_slice %arg11[%add3A, %dma_wait3A_65] : memref<10240x128xf32, #tpu.memory_space<vmem_shared>> -> memref<64x128xf32, #tpu.memory_space<vmem_shared>>
        %dma_wait3A_67 = arith.constant 0 : i32
        %dma_wait3A_68 = tpu.memref_slice %arg11[%add3A, %dma_wait3A_67] : memref<10240x128xf32, #tpu.memory_space<vmem_shared>> -> memref<64x128xf32, #tpu.memory_space<vmem_shared>>
        tpu.wait_dma2 semaphore(%run_scoped3A : memref<!tpu.dma_semaphore, #tpu.memory_space<semaphore_mem>>) src(%dma_wait3A_68 : memref<64x128xf32, #tpu.memory_space<vmem_shared>>) dst(%arg9 : memref<64x128xf32, #tpu.memory_space<vmem>>)
        tpu.yield
      }) : () -> ()
      %scan3A_53 = arith.constant 0 : i32
      %scan3A_54 = arith.constant 0 : i32
      %scan3A_55 = arith.constant 64 : i32
      %scan3A_56 = arith.addi %scan3A_54, %scan3A_55 : i32
      %scan3A_57 = arith.constant 1 : i32
      scf.for %scan3A_61 = %scan3A_54 to %scan3A_56 step %scan3A_57  : i32 {
        %get3A = arith.index_cast %scan3A_61 : i32 to index
        %get3A_62 = arith.constant 0 : index
        %get3A_63 = tpu.vector_load %arg9[%get3A, %get3A_62] {strides = array<i32>} : memref<64x128xf32, #tpu.memory_space<vmem>>, vector<1x16xf32>,
        %get3A_64 = vector.shape_cast %get3A_63 : vector<1x16xf32> to vector<16xf32>
        %gt3A = arith.constant 0.000000e+00 : f32
        %gt3A_65 = vector.broadcast %gt3A : f32 to vector<16xf32>
        %gt3A_66 = arith.cmpf ogt, %get3A_64, %gt3A_65 : vector<16xf32>
        %div3A = arith.constant 1.000000e+00 : f32
        %div3A_67 = vector.broadcast %div3A : f32 to vector<16xf32>
        %div3A_68 = arith.divf %div3A_67, %get3A_64 : vector<16xf32>
        %jit3A = arith.constant 0.000000e+00 : f32
        %broadcast_in_dim3A = vector.broadcast %jit3A : f32 to vector<16xf32>
        %select_n3A = arith.select %gt3A_66, %div3A_68, %broadcast_in_dim3A : vector<16xi1>, vector<16xf32>
        %swap3A = arith.index_cast %scan3A_61 : i32 to index
        %swap3A_69 = arith.constant 0 : index
        %swap3A_70 = tpu.vector_load %arg10[%swap3A, %swap3A_69] {strides = array<i32>} : memref<64x16xf32, #tpu.memory_space<vmem>>, vector<1x16xf32>,
        %swap3A_71 = vector.shape_cast %swap3A_70 : vector<1x16xf32> to vector<16xf32>
        %swap3A_72 = vector.shape_cast %select_n3A : vector<16xf32> to vector<1x16xf32>
        tpu.vector_store %arg10[%swap3A, %swap3A_69], %swap3A_72 {strides = array<i32>} : memref<64x16xf32, #tpu.memory_space<vmem>>, vector<1x16xf32>,
      }
      %scan3A_58 = arith.constant 64 : i32
      %mul3A_59 = arith.constant 64 : i32
      %mul3A_60 = arith.muli %scan3A_49, %mul3A_59 : i32
      "tpu.region"() ({
        %run_scoped3A = tpu.sem_alloc : memref<!tpu.dma_semaphore, #tpu.memory_space<semaphore_mem>>
        %dma_start3A_61 = arith.constant 0 : i32
        %dma_start3A_62 = tpu.memref_slice %arg5[%arg0, %arg1, %mul3A_60, %dma_start3A_61] : memref<2x16x640x16xf32, #tpu.memory_space<hbm>> -> memref<1x1x64x16xf32, #tpu.memory_space<hbm>>
        %dma_start3A_63 = tpu.memref_squeeze %dma_start3A_62 : memref<1x1x64x16xf32, #tpu.memory_space<hbm>> -> memref<64x16xf32, #tpu.memory_space<hbm>>
        %dma_start3A_64 = arith.constant 0 : i32
        %dma_start3A_65 = tpu.memref_slice %arg5[%arg0, %arg1, %mul3A_60, %dma_start3A_64] : memref<2x16x640x16xf32, #tpu.memory_space<hbm>> -> memref<1x1x64x16xf32, #tpu.memory_space<hbm>>
        %dma_start3A_66 = tpu.memref_squeeze %dma_start3A_65 : memref<1x1x64x16xf32, #tpu.memory_space<hbm>> -> memref<64x16xf32, #tpu.memory_space<hbm>>
        tpu.enqueue_dma source(%arg10 : memref<64x16xf32, #tpu.memory_space<vmem>>) target(%dma_start3A_66 : memref<64x16xf32, #tpu.memory_space<hbm>>) target_semaphore(%run_scoped3A : memref<!tpu.dma_semaphore, #tpu.memory_space<semaphore_mem>>)
        %dma_wait3A_67 = arith.constant 0 : i32
        %dma_wait3A_68 = tpu.memref_slice %arg5[%arg0, %arg1, %mul3A_60, %dma_wait3A_67] : memref<2x16x640x16xf32, #tpu.memory_space<hbm>> -> memref<1x1x64x16xf32, #tpu.memory_space<hbm>>
        %dma_wait3A_69 = tpu.memref_squeeze %dma_wait3A_68 : memref<1x1x64x16xf32, #tpu.memory_space<hbm>> -> memref<64x16xf32, #tpu.memory_space<hbm>>
        %dma_wait3A_70 = arith.constant 0 : i32
        %dma_wait3A_71 = tpu.memref_slice %arg5[%arg0, %arg1, %mul3A_60, %dma_wait3A_70] : memref<2x16x640x16xf32, #tpu.memory_space<hbm>> -> memref<1x1x64x16xf32, #tpu.memory_space<hbm>>
        %dma_wait3A_72 = tpu.memref_squeeze %dma_wait3A_71 : memref<1x1x64x16xf32, #tpu.memory_space<hbm>> -> memref<64x16xf32, #tpu.memory_space<hbm>>
        tpu.wait_dma2 semaphore(%run_scoped3A : memref<!tpu.dma_semaphore, #tpu.memory_space<semaphore_mem>>) src(%arg10 : memref<64x16xf32, #tpu.memory_space<vmem>>) dst(%dma_wait3A_72 : memref<64x16xf32, #tpu.memory_space<hbm>>)
        tpu.yield
      }) : () -> ()
    }
    %scan3A_48 = arith.constant 10 : i32
    return
  }
}

#map = affine_map<(d0, d1) -> (0, 0)>
#map1 = affine_map<(d0, d1) -> (0, 0, 0, 0, 0)>
#map2 = affine_map<(d0, d1) -> (0, 0, 0, 0)>
#map3 = affine_map<(d0, d1) -> (0, 0, 0)>
module attributes {stable_mosaic.version = 14 : i64} {
  func.func @_hconv_body(%arg0: i32, %arg1: i32, %arg2: memref<20000x128xf32, #tpu.memory_space<hbm>>, %arg3: memref<2x2x16x82x128xi32, #tpu.memory_space<hbm>>, %arg4: memref<2x16x82x128xi32, #tpu.memory_space<hbm>>, %arg5: memref<16x640x16xf32, #tpu.memory_space<hbm>>, %arg6: memref<16x640x16xf32, #tpu.memory_space<hbm>>, %arg7: memref<16x128xf32, #tpu.memory_space<hbm>>, %arg8: memref<2x10240x128xf32, #tpu.memory_space<hbm>>, %arg9: memref<20480x128xf32, #tpu.memory_space<hbm>>, %arg10: memref<128xi32, #tpu.memory_space<vmem>>, %arg11: memref<128xi32, #tpu.memory_space<vmem>>, %arg12: memref<128xi32, #tpu.memory_space<vmem>>, %arg13: memref<128xi32, #tpu.memory_space<vmem>>, %arg14: memref<128x128xf32, #tpu.memory_space<vmem>>, %arg15: memref<128x128xf32, #tpu.memory_space<vmem>>, %arg16: memref<16x128xf32, #tpu.memory_space<vmem>>, %arg17: memref<16x128xf32, #tpu.memory_space<vmem>>, %arg18: memref<16x16xf32, #tpu.memory_space<vmem>>, %arg19: memref<16x16xf32, #tpu.memory_space<vmem>>, %arg20: memref<10240x128xf32, #tpu.memory_space<vmem_shared>>, %arg21: memref<!tpu.dma_semaphore, #tpu.memory_space<semaphore_mem>>, %arg22: memref<!tpu.dma_semaphore, #tpu.memory_space<semaphore_mem>>, %arg23: memref<!tpu.dma_semaphore, #tpu.memory_space<semaphore_mem>>, %arg24: memref<!tpu.dma_semaphore, #tpu.memory_space<semaphore_mem>>, %arg25: memref<!tpu.dma_semaphore, #tpu.memory_space<semaphore_mem>>, %arg26: memref<!tpu.dma_semaphore, #tpu.memory_space<semaphore_mem>>, %arg27: memref<!tpu.dma_semaphore, #tpu.memory_space<semaphore_mem>>, %arg28: memref<!tpu.dma_semaphore, #tpu.memory_space<semaphore_mem>>) attributes {dimension_semantics = [#tpu.dimension_semantics<core_parallel>, #tpu.dimension_semantics<subcore_parallel>], iteration_bounds = array<i64: 2, 16>, scalar_prefetch = 0 : i64, scratch_operands = 19 : i64, tpu.core_type = #tpu.core_type<sc_vector_subcore>, window_params = [{transform_indices = #map}, {transform_indices = #map1}, {transform_indices = #map2}, {transform_indices = #map3}, {transform_indices = #map3}, {transform_indices = #map}, {transform_indices = #map3}, {transform_indices = #map}]} {
    "tpu.region"() ({
      %run_scoped3A = tpu.sem_alloc : memref<!tpu.dma_semaphore, #tpu.memory_space<semaphore_mem>>
      tpu.enqueue_dma source(%arg7 : memref<16x128xf32, #tpu.memory_space<hbm>>) target(%arg16 : memref<16x128xf32, #tpu.memory_space<vmem>>) target_semaphore(%run_scoped3A : memref<!tpu.dma_semaphore, #tpu.memory_space<semaphore_mem>>)
      tpu.wait_dma2 semaphore(%run_scoped3A : memref<!tpu.dma_semaphore, #tpu.memory_space<semaphore_mem>>) src(%arg7 : memref<16x128xf32, #tpu.memory_space<hbm>>) dst(%arg16 : memref<16x128xf32, #tpu.memory_space<vmem>>)
      tpu.yield
    }) : () -> ()
    %scan3A = arith.constant 0 : i32
    %scan3A_0 = arith.constant 0 : i32
    %scan3A_1 = arith.constant 40 : i32
    %scan3A_2 = arith.addi %scan3A_0, %scan3A_1 : i32
    %scan3A_3 = arith.constant 1 : i32
    scf.for %scan3A_309 = %scan3A_0 to %scan3A_2 step %scan3A_3  : i32 {
      %mul3A_310 = arith.constant 640 : i32
      %mul3A_311 = arith.muli %arg1, %mul3A_310 : i32
      %mul3A_312 = arith.constant 16 : i32
      %mul3A_313 = arith.muli %scan3A_309, %mul3A_312 : i32
      %add3A_314 = arith.addi %mul3A_311, %mul3A_313 : i32
      %dma_start3A_315 = arith.constant 0 : i32
      %dma_start3A_316 = tpu.memref_slice %arg20[%add3A_314, %dma_start3A_315] : memref<10240x128xf32, #tpu.memory_space<vmem_shared>> -> memref<16x128xf32, #tpu.memory_space<vmem_shared>>
      %dma_start3A_317 = arith.constant 0 : i32
      %dma_start3A_318 = tpu.memref_slice %arg20[%add3A_314, %dma_start3A_317] : memref<10240x128xf32, #tpu.memory_space<vmem_shared>> -> memref<16x128xf32, #tpu.memory_space<vmem_shared>>
      tpu.enqueue_dma source(%arg16 : memref<16x128xf32, #tpu.memory_space<vmem>>) target(%dma_start3A_318 : memref<16x128xf32, #tpu.memory_space<vmem_shared>>) target_semaphore(%arg25 : memref<!tpu.dma_semaphore, #tpu.memory_space<semaphore_mem>>)
    }
    %scan3A_4 = arith.constant 40 : i32
    %scan3A_5 = arith.constant 0 : i32
    %scan3A_6 = arith.constant 0 : i32
    %scan3A_7 = arith.constant 40 : i32
    %scan3A_8 = arith.addi %scan3A_6, %scan3A_7 : i32
    %scan3A_9 = arith.constant 1 : i32
    scf.for %scan3A_309 = %scan3A_6 to %scan3A_8 step %scan3A_9  : i32 {
      %mul3A_310 = arith.constant 640 : i32
      %mul3A_311 = arith.muli %arg1, %mul3A_310 : i32
      %dma_wait3A_312 = arith.constant 0 : i32
      %dma_wait3A_313 = tpu.memref_slice %arg20[%mul3A_311, %dma_wait3A_312] : memref<10240x128xf32, #tpu.memory_space<vmem_shared>> -> memref<16x128xf32, #tpu.memory_space<vmem_shared>>
      %dma_wait3A_314 = arith.constant 0 : i32
      %dma_wait3A_315 = tpu.memref_slice %arg20[%mul3A_311, %dma_wait3A_314] : memref<10240x128xf32, #tpu.memory_space<vmem_shared>> -> memref<16x128xf32, #tpu.memory_space<vmem_shared>>
      tpu.wait_dma2 semaphore(%arg25 : memref<!tpu.dma_semaphore, #tpu.memory_space<semaphore_mem>>) src(%arg16 : memref<16x128xf32, #tpu.memory_space<vmem>>) dst(%dma_wait3A_315 : memref<16x128xf32, #tpu.memory_space<vmem_shared>>)
    }
    %scan3A_10 = arith.constant 40 : i32
    %barrier3A = arith.constant 0 : index
    tpu.barrier barrier_id(%barrier3A)
    %dma_start3A = arith.constant 0 : i32
    %dma_start3A_11 = arith.constant 0 : i32
    %dma_start3A_12 = arith.constant 0 : i32
    %dma_start3A_13 = tpu.memref_slice %arg3[%dma_start3A, %arg0, %arg1, %dma_start3A_11, %dma_start3A_12] : memref<2x2x16x82x128xi32, #tpu.memory_space<hbm>> -> memref<1x1x1x1x128xi32, #tpu.memory_space<hbm>>
    %dma_start3A_14 = tpu.memref_squeeze %dma_start3A_13 : memref<1x1x1x1x128xi32, #tpu.memory_space<hbm>> -> memref<128xi32, #tpu.memory_space<hbm>>
    %dma_start3A_15 = arith.constant 0 : i32
    %dma_start3A_16 = tpu.memref_slice %arg3[%dma_start3A, %arg0, %arg1, %dma_start3A_11, %dma_start3A_15] : memref<2x2x16x82x128xi32, #tpu.memory_space<hbm>> -> memref<1x1x1x1x128xi32, #tpu.memory_space<hbm>>
    %dma_start3A_17 = tpu.memref_squeeze %dma_start3A_16 : memref<1x1x1x1x128xi32, #tpu.memory_space<hbm>> -> memref<128xi32, #tpu.memory_space<hbm>>
    tpu.enqueue_dma source(%dma_start3A_17 : memref<128xi32, #tpu.memory_space<hbm>>) target(%arg10 : memref<128xi32, #tpu.memory_space<vmem>>) target_semaphore(%arg21 : memref<!tpu.dma_semaphore, #tpu.memory_space<semaphore_mem>>)
    %dma_start3A_18 = arith.constant 0 : i32
    %dma_start3A_19 = arith.constant 0 : i32
    %dma_start3A_20 = arith.constant 0 : i32
    %dma_start3A_21 = tpu.memref_slice %arg4[%dma_start3A_18, %arg1, %dma_start3A_19, %dma_start3A_20] : memref<2x16x82x128xi32, #tpu.memory_space<hbm>> -> memref<1x1x1x128xi32, #tpu.memory_space<hbm>>
    %dma_start3A_22 = tpu.memref_squeeze %dma_start3A_21 : memref<1x1x1x128xi32, #tpu.memory_space<hbm>> -> memref<128xi32, #tpu.memory_space<hbm>>
    %dma_start3A_23 = arith.constant 0 : i32
    %dma_start3A_24 = tpu.memref_slice %arg4[%dma_start3A_18, %arg1, %dma_start3A_19, %dma_start3A_23] : memref<2x16x82x128xi32, #tpu.memory_space<hbm>> -> memref<1x1x1x128xi32, #tpu.memory_space<hbm>>
    %dma_start3A_25 = tpu.memref_squeeze %dma_start3A_24 : memref<1x1x1x128xi32, #tpu.memory_space<hbm>> -> memref<128xi32, #tpu.memory_space<hbm>>
    tpu.enqueue_dma source(%dma_start3A_25 : memref<128xi32, #tpu.memory_space<hbm>>) target(%arg11 : memref<128xi32, #tpu.memory_space<vmem>>) target_semaphore(%arg23 : memref<!tpu.dma_semaphore, #tpu.memory_space<semaphore_mem>>)
    %dma_start3A_26 = arith.constant 0 : i32
    %dma_start3A_27 = arith.constant 1 : i32
    %dma_start3A_28 = arith.constant 0 : i32
    %dma_start3A_29 = tpu.memref_slice %arg3[%dma_start3A_26, %arg0, %arg1, %dma_start3A_27, %dma_start3A_28] : memref<2x2x16x82x128xi32, #tpu.memory_space<hbm>> -> memref<1x1x1x1x128xi32, #tpu.memory_space<hbm>>
    %dma_start3A_30 = tpu.memref_squeeze %dma_start3A_29 : memref<1x1x1x1x128xi32, #tpu.memory_space<hbm>> -> memref<128xi32, #tpu.memory_space<hbm>>
    %dma_start3A_31 = arith.constant 0 : i32
    %dma_start3A_32 = tpu.memref_slice %arg3[%dma_start3A_26, %arg0, %arg1, %dma_start3A_27, %dma_start3A_31] : memref<2x2x16x82x128xi32, #tpu.memory_space<hbm>> -> memref<1x1x1x1x128xi32, #tpu.memory_space<hbm>>
    %dma_start3A_33 = tpu.memref_squeeze %dma_start3A_32 : memref<1x1x1x1x128xi32, #tpu.memory_space<hbm>> -> memref<128xi32, #tpu.memory_space<hbm>>
    tpu.enqueue_dma source(%dma_start3A_33 : memref<128xi32, #tpu.memory_space<hbm>>) target(%arg12 : memref<128xi32, #tpu.memory_space<vmem>>) target_semaphore(%arg22 : memref<!tpu.dma_semaphore, #tpu.memory_space<semaphore_mem>>)
    %dma_start3A_34 = arith.constant 0 : i32
    %dma_start3A_35 = arith.constant 1 : i32
    %dma_start3A_36 = arith.constant 0 : i32
    %dma_start3A_37 = tpu.memref_slice %arg4[%dma_start3A_34, %arg1, %dma_start3A_35, %dma_start3A_36] : memref<2x16x82x128xi32, #tpu.memory_space<hbm>> -> memref<1x1x1x128xi32, #tpu.memory_space<hbm>>
    %dma_start3A_38 = tpu.memref_squeeze %dma_start3A_37 : memref<1x1x1x128xi32, #tpu.memory_space<hbm>> -> memref<128xi32, #tpu.memory_space<hbm>>
    %dma_start3A_39 = arith.constant 0 : i32
    %dma_start3A_40 = tpu.memref_slice %arg4[%dma_start3A_34, %arg1, %dma_start3A_35, %dma_start3A_39] : memref<2x16x82x128xi32, #tpu.memory_space<hbm>> -> memref<1x1x1x128xi32, #tpu.memory_space<hbm>>
    %dma_start3A_41 = tpu.memref_squeeze %dma_start3A_40 : memref<1x1x1x128xi32, #tpu.memory_space<hbm>> -> memref<128xi32, #tpu.memory_space<hbm>>
    tpu.enqueue_dma source(%dma_start3A_41 : memref<128xi32, #tpu.memory_space<hbm>>) target(%arg13 : memref<128xi32, #tpu.memory_space<vmem>>) target_semaphore(%arg24 : memref<!tpu.dma_semaphore, #tpu.memory_space<semaphore_mem>>)
    %scan3A_42 = arith.constant 0 : i32
    %scan3A_43 = arith.constant 0 : i32
    %scan3A_44 = arith.constant 40 : i32
    %scan3A_45 = arith.addi %scan3A_43, %scan3A_44 : i32
    %scan3A_46 = arith.constant 1 : i32
    scf.for %scan3A_309 = %scan3A_43 to %scan3A_45 step %scan3A_46  : i32 {
      %mul3A_310 = arith.constant 2 : i32
      %mul3A_311 = arith.muli %mul3A_310, %scan3A_309 : i32
      %dma_wait3A_312 = arith.constant 0 : i32
      %dma_wait3A_313 = arith.constant 0 : i32
      %dma_wait3A_314 = arith.constant 0 : i32
      %dma_wait3A_315 = tpu.memref_slice %arg3[%dma_wait3A_312, %arg0, %arg1, %dma_wait3A_313, %dma_wait3A_314] : memref<2x2x16x82x128xi32, #tpu.memory_space<hbm>> -> memref<1x1x1x1x128xi32, #tpu.memory_space<hbm>>
      %dma_wait3A_316 = tpu.memref_squeeze %dma_wait3A_315 : memref<1x1x1x1x128xi32, #tpu.memory_space<hbm>> -> memref<128xi32, #tpu.memory_space<hbm>>
      %dma_wait3A_317 = arith.constant 0 : i32
      %dma_wait3A_318 = tpu.memref_slice %arg3[%dma_wait3A_312, %arg0, %arg1, %dma_wait3A_313, %dma_wait3A_317] : memref<2x2x16x82x128xi32, #tpu.memory_space<hbm>> -> memref<1x1x1x1x128xi32, #tpu.memory_space<hbm>>
      %dma_wait3A_319 = tpu.memref_squeeze %dma_wait3A_318 : memref<1x1x1x1x128xi32, #tpu.memory_space<hbm>> -> memref<128xi32, #tpu.memory_space<hbm>>
      tpu.wait_dma2 semaphore(%arg21 : memref<!tpu.dma_semaphore, #tpu.memory_space<semaphore_mem>>) src(%dma_wait3A_319 : memref<128xi32, #tpu.memory_space<hbm>>) dst(%arg10 : memref<128xi32, #tpu.memory_space<vmem>>)
      %dma_start3A_320 = arith.constant 0 : i32
      %dma_start3A_321 = arith.constant 0 : i32
      %dma_start3A_322 = tpu.memref_slice %arg2[%dma_start3A_320, %dma_start3A_321] : memref<20000x128xf32, #tpu.memory_space<hbm>> -> memref<20000x128xf32, #tpu.memory_space<hbm>>
      tpu.enqueue_indirect_dma source(%dma_start3A_322 : memref<20000x128xf32, #tpu.memory_space<hbm>>) target(%arg14 : memref<128x128xf32, #tpu.memory_space<vmem>>) offsets(%arg10 : memref<128xi32, #tpu.memory_space<vmem>>) semaphore(%arg25 : memref<!tpu.dma_semaphore, #tpu.memory_space<semaphore_mem>>)
      %dma_wait3A_323 = arith.constant 0 : i32
      %dma_wait3A_324 = arith.constant 0 : i32
      %dma_wait3A_325 = arith.constant 0 : i32
      %dma_wait3A_326 = tpu.memref_slice %arg3[%dma_wait3A_323, %arg0, %arg1, %dma_wait3A_324, %dma_wait3A_325] : memref<2x2x16x82x128xi32, #tpu.memory_space<hbm>> -> memref<1x1x1x1x128xi32, #tpu.memory_space<hbm>>
      %dma_wait3A_327 = tpu.memref_squeeze %dma_wait3A_326 : memref<1x1x1x1x128xi32, #tpu.memory_space<hbm>> -> memref<128xi32, #tpu.memory_space<hbm>>
      %dma_wait3A_328 = arith.constant 0 : i32
      %dma_wait3A_329 = tpu.memref_slice %arg3[%dma_wait3A_323, %arg0, %arg1, %dma_wait3A_324, %dma_wait3A_328] : memref<2x2x16x82x128xi32, #tpu.memory_space<hbm>> -> memref<1x1x1x1x128xi32, #tpu.memory_space<hbm>>
      %dma_wait3A_330 = tpu.memref_squeeze %dma_wait3A_329 : memref<1x1x1x1x128xi32, #tpu.memory_space<hbm>> -> memref<128xi32, #tpu.memory_space<hbm>>
      tpu.wait_dma2 semaphore(%arg22 : memref<!tpu.dma_semaphore, #tpu.memory_space<semaphore_mem>>) src(%dma_wait3A_330 : memref<128xi32, #tpu.memory_space<hbm>>) dst(%arg12 : memref<128xi32, #tpu.memory_space<vmem>>)
      %dma_start3A_331 = arith.constant 0 : i32
      %dma_start3A_332 = arith.constant 0 : i32
      %dma_start3A_333 = tpu.memref_slice %arg2[%dma_start3A_331, %dma_start3A_332] : memref<20000x128xf32, #tpu.memory_space<hbm>> -> memref<20000x128xf32, #tpu.memory_space<hbm>>
      tpu.enqueue_indirect_dma source(%dma_start3A_333 : memref<20000x128xf32, #tpu.memory_space<hbm>>) target(%arg15 : memref<128x128xf32, #tpu.memory_space<vmem>>) offsets(%arg12 : memref<128xi32, #tpu.memory_space<vmem>>) semaphore(%arg26 : memref<!tpu.dma_semaphore, #tpu.memory_space<semaphore_mem>>)
      %dma_wait3A_334 = arith.constant 0 : i32
      %dma_wait3A_335 = arith.constant 0 : i32
      %dma_wait3A_336 = tpu.memref_slice %arg2[%dma_wait3A_334, %dma_wait3A_335] : memref<20000x128xf32, #tpu.memory_space<hbm>> -> memref<20000x128xf32, #tpu.memory_space<hbm>>
      tpu.wait_indirect_dma semaphore(%arg25 : memref<!tpu.dma_semaphore, #tpu.memory_space<semaphore_mem>>) src(%dma_wait3A_336 : memref<20000x128xf32, #tpu.memory_space<hbm>>) dst(%arg14 : memref<128x128xf32, #tpu.memory_space<vmem>>)
      %dma_wait3A_337 = arith.constant 0 : i32
      %dma_wait3A_338 = arith.constant 0 : i32
      %dma_wait3A_339 = arith.constant 0 : i32
      %dma_wait3A_340 = tpu.memref_slice %arg4[%dma_wait3A_337, %arg1, %dma_wait3A_338, %dma_wait3A_339] : memref<2x16x82x128xi32, #tpu.memory_space<hbm>> -> memref<1x1x1x128xi32, #tpu.memory_space<hbm>>
      %dma_wait3A_341 = tpu.memref_squeeze %dma_wait3A_340 : memref<1x1x1x128xi32, #tpu.memory_space<hbm>> -> memref<128xi32, #tpu.memory_space<hbm>>
      %dma_wait3A_342 = arith.constant 0 : i32
      %dma_wait3A_343 = tpu.memref_slice %arg4[%dma_wait3A_337, %arg1, %dma_wait3A_338, %dma_wait3A_342] : memref<2x16x82x128xi32, #tpu.memory_space<hbm>> -> memref<1x1x1x128xi32, #tpu.memory_space<hbm>>
      %dma_wait3A_344 = tpu.memref_squeeze %dma_wait3A_343 : memref<1x1x1x128xi32, #tpu.memory_space<hbm>> -> memref<128xi32, #tpu.memory_space<hbm>>
      tpu.wait_dma2 semaphore(%arg23 : memref<!tpu.dma_semaphore, #tpu.memory_space<semaphore_mem>>) src(%dma_wait3A_344 : memref<128xi32, #tpu.memory_space<hbm>>) dst(%arg11 : memref<128xi32, #tpu.memory_space<vmem>>)
      "tpu.region"() ({
        %run_scoped3A = tpu.sem_alloc : memref<!tpu.dma_semaphore, #tpu.memory_space<semaphore_mem>>
        %dma_start3A_392 = arith.constant 0 : i32
        %dma_start3A_393 = arith.constant 0 : i32
        %dma_start3A_394 = tpu.memref_slice %arg20[%dma_start3A_392, %dma_start3A_393] : memref<10240x128xf32, #tpu.memory_space<vmem_shared>> -> memref<10240x128xf32, #tpu.memory_space<vmem_shared>>
        tpu.enqueue_indirect_dma source(%arg14 : memref<128x128xf32, #tpu.memory_space<vmem>>) target(%dma_start3A_394 : memref<10240x128xf32, #tpu.memory_space<vmem_shared>>) offsets(%arg11 : memref<128xi32, #tpu.memory_space<vmem>>) semaphore(%run_scoped3A : memref<!tpu.dma_semaphore, #tpu.memory_space<semaphore_mem>>) {add = true}
        %dma_wait3A_395 = arith.constant 0 : i32
        %dma_wait3A_396 = arith.constant 0 : i32
        %dma_wait3A_397 = tpu.memref_slice %arg20[%dma_wait3A_395, %dma_wait3A_396] : memref<10240x128xf32, #tpu.memory_space<vmem_shared>> -> memref<10240x128xf32, #tpu.memory_space<vmem_shared>>
        tpu.wait_indirect_dma semaphore(%run_scoped3A : memref<!tpu.dma_semaphore, #tpu.memory_space<semaphore_mem>>) src(%arg14 : memref<128x128xf32, #tpu.memory_space<vmem>>) dst(%dma_wait3A_397 : memref<10240x128xf32, #tpu.memory_space<vmem_shared>>)
        tpu.yield
      }) : () -> ()
      %add3A_345 = arith.constant 2 : i32
      %add3A_346 = arith.addi %mul3A_311, %add3A_345 : i32
      %dma_start3A_347 = arith.constant 0 : i32
      %dma_start3A_348 = arith.constant 0 : i32
      %dma_start3A_349 = tpu.memref_slice %arg3[%dma_start3A_347, %arg0, %arg1, %add3A_346, %dma_start3A_348] : memref<2x2x16x82x128xi32, #tpu.memory_space<hbm>> -> memref<1x1x1x1x128xi32, #tpu.memory_space<hbm>>
      %dma_start3A_350 = tpu.memref_squeeze %dma_start3A_349 : memref<1x1x1x1x128xi32, #tpu.memory_space<hbm>> -> memref<128xi32, #tpu.memory_space<hbm>>
      %dma_start3A_351 = arith.constant 0 : i32
      %dma_start3A_352 = tpu.memref_slice %arg3[%dma_start3A_347, %arg0, %arg1, %add3A_346, %dma_start3A_351] : memref<2x2x16x82x128xi32, #tpu.memory_space<hbm>> -> memref<1x1x1x1x128xi32, #tpu.memory_space<hbm>>
      %dma_start3A_353 = tpu.memref_squeeze %dma_start3A_352 : memref<1x1x1x1x128xi32, #tpu.memory_space<hbm>> -> memref<128xi32, #tpu.memory_space<hbm>>
      tpu.enqueue_dma source(%dma_start3A_353 : memref<128xi32, #tpu.memory_space<hbm>>) target(%arg10 : memref<128xi32, #tpu.memory_space<vmem>>) target_semaphore(%arg21 : memref<!tpu.dma_semaphore, #tpu.memory_space<semaphore_mem>>)
      %add3A_354 = arith.constant 2 : i32
      %add3A_355 = arith.addi %mul3A_311, %add3A_354 : i32
      %dma_start3A_356 = arith.constant 0 : i32
      %dma_start3A_357 = arith.constant 0 : i32
      %dma_start3A_358 = tpu.memref_slice %arg4[%dma_start3A_356, %arg1, %add3A_355, %dma_start3A_357] : memref<2x16x82x128xi32, #tpu.memory_space<hbm>> -> memref<1x1x1x128xi32, #tpu.memory_space<hbm>>
      %dma_start3A_359 = tpu.memref_squeeze %dma_start3A_358 : memref<1x1x1x128xi32, #tpu.memory_space<hbm>> -> memref<128xi32, #tpu.memory_space<hbm>>
      %dma_start3A_360 = arith.constant 0 : i32
      %dma_start3A_361 = tpu.memref_slice %arg4[%dma_start3A_356, %arg1, %add3A_355, %dma_start3A_360] : memref<2x16x82x128xi32, #tpu.memory_space<hbm>> -> memref<1x1x1x128xi32, #tpu.memory_space<hbm>>
      %dma_start3A_362 = tpu.memref_squeeze %dma_start3A_361 : memref<1x1x1x128xi32, #tpu.memory_space<hbm>> -> memref<128xi32, #tpu.memory_space<hbm>>
      tpu.enqueue_dma source(%dma_start3A_362 : memref<128xi32, #tpu.memory_space<hbm>>) target(%arg11 : memref<128xi32, #tpu.memory_space<vmem>>) target_semaphore(%arg23 : memref<!tpu.dma_semaphore, #tpu.memory_space<semaphore_mem>>)
      %dma_wait3A_363 = arith.constant 0 : i32
      %dma_wait3A_364 = arith.constant 0 : i32
      %dma_wait3A_365 = tpu.memref_slice %arg2[%dma_wait3A_363, %dma_wait3A_364] : memref<20000x128xf32, #tpu.memory_space<hbm>> -> memref<20000x128xf32, #tpu.memory_space<hbm>>
      tpu.wait_indirect_dma semaphore(%arg26 : memref<!tpu.dma_semaphore, #tpu.memory_space<semaphore_mem>>) src(%dma_wait3A_365 : memref<20000x128xf32, #tpu.memory_space<hbm>>) dst(%arg15 : memref<128x128xf32, #tpu.memory_space<vmem>>)
      %dma_wait3A_366 = arith.constant 0 : i32
      %dma_wait3A_367 = arith.constant 0 : i32
      %dma_wait3A_368 = arith.constant 0 : i32
      %dma_wait3A_369 = tpu.memref_slice %arg4[%dma_wait3A_366, %arg1, %dma_wait3A_367, %dma_wait3A_368] : memref<2x16x82x128xi32, #tpu.memory_space<hbm>> -> memref<1x1x1x128xi32, #tpu.memory_space<hbm>>
      %dma_wait3A_370 = tpu.memref_squeeze %dma_wait3A_369 : memref<1x1x1x128xi32, #tpu.memory_space<hbm>> -> memref<128xi32, #tpu.memory_space<hbm>>
      %dma_wait3A_371 = arith.constant 0 : i32
      %dma_wait3A_372 = tpu.memref_slice %arg4[%dma_wait3A_366, %arg1, %dma_wait3A_367, %dma_wait3A_371] : memref<2x16x82x128xi32, #tpu.memory_space<hbm>> -> memref<1x1x1x128xi32, #tpu.memory_space<hbm>>
      %dma_wait3A_373 = tpu.memref_squeeze %dma_wait3A_372 : memref<1x1x1x128xi32, #tpu.memory_space<hbm>> -> memref<128xi32, #tpu.memory_space<hbm>>
      tpu.wait_dma2 semaphore(%arg24 : memref<!tpu.dma_semaphore, #tpu.memory_space<semaphore_mem>>) src(%dma_wait3A_373 : memref<128xi32, #tpu.memory_space<hbm>>) dst(%arg13 : memref<128xi32, #tpu.memory_space<vmem>>)
      "tpu.region"() ({
        %run_scoped3A = tpu.sem_alloc : memref<!tpu.dma_semaphore, #tpu.memory_space<semaphore_mem>>
        %dma_start3A_392 = arith.constant 0 : i32
        %dma_start3A_393 = arith.constant 0 : i32
        %dma_start3A_394 = tpu.memref_slice %arg20[%dma_start3A_392, %dma_start3A_393] : memref<10240x128xf32, #tpu.memory_space<vmem_shared>> -> memref<10240x128xf32, #tpu.memory_space<vmem_shared>>
        tpu.enqueue_indirect_dma source(%arg15 : memref<128x128xf32, #tpu.memory_space<vmem>>) target(%dma_start3A_394 : memref<10240x128xf32, #tpu.memory_space<vmem_shared>>) offsets(%arg13 : memref<128xi32, #tpu.memory_space<vmem>>) semaphore(%run_scoped3A : memref<!tpu.dma_semaphore, #tpu.memory_space<semaphore_mem>>) {add = true}
        %dma_wait3A_395 = arith.constant 0 : i32
        %dma_wait3A_396 = arith.constant 0 : i32
        %dma_wait3A_397 = tpu.memref_slice %arg20[%dma_wait3A_395, %dma_wait3A_396] : memref<10240x128xf32, #tpu.memory_space<vmem_shared>> -> memref<10240x128xf32, #tpu.memory_space<vmem_shared>>
        tpu.wait_indirect_dma semaphore(%run_scoped3A : memref<!tpu.dma_semaphore, #tpu.memory_space<semaphore_mem>>) src(%arg15 : memref<128x128xf32, #tpu.memory_space<vmem>>) dst(%dma_wait3A_397 : memref<10240x128xf32, #tpu.memory_space<vmem_shared>>)
        tpu.yield
      }) : () -> ()
      %add3A_374 = arith.constant 3 : i32
      %add3A_375 = arith.addi %mul3A_311, %add3A_374 : i32
      %dma_start3A_376 = arith.constant 0 : i32
      %dma_start3A_377 = arith.constant 0 : i32
      %dma_start3A_378 = tpu.memref_slice %arg3[%dma_start3A_376, %arg0, %arg1, %add3A_375, %dma_start3A_377] : memref<2x2x16x82x128xi32, #tpu.memory_space<hbm>> -> memref<1x1x1x1x128xi32, #tpu.memory_space<hbm>>
      %dma_start3A_379 = tpu.memref_squeeze %dma_start3A_378 : memref<1x1x1x1x128xi32, #tpu.memory_space<hbm>> -> memref<128xi32, #tpu.memory_space<hbm>>
      %dma_start3A_380 = arith.constant 0 : i32
      %dma_start3A_381 = tpu.memref_slice %arg3[%dma_start3A_376, %arg0, %arg1, %add3A_375, %dma_start3A_380] : memref<2x2x16x82x128xi32, #tpu.memory_space<hbm>> -> memref<1x1x1x1x128xi32, #tpu.memory_space<hbm>>
      %dma_start3A_382 = tpu.memref_squeeze %dma_start3A_381 : memref<1x1x1x1x128xi32, #tpu.memory_space<hbm>> -> memref<128xi32, #tpu.memory_space<hbm>>
      tpu.enqueue_dma source(%dma_start3A_382 : memref<128xi32, #tpu.memory_space<hbm>>) target(%arg12 : memref<128xi32, #tpu.memory_space<vmem>>) target_semaphore(%arg22 : memref<!tpu.dma_semaphore, #tpu.memory_space<semaphore_mem>>)
      %add3A_383 = arith.constant 3 : i32
      %add3A_384 = arith.addi %mul3A_311, %add3A_383 : i32
      %dma_start3A_385 = arith.constant 0 : i32
      %dma_start3A_386 = arith.constant 0 : i32
      %dma_start3A_387 = tpu.memref_slice %arg4[%dma_start3A_385, %arg1, %add3A_384, %dma_start3A_386] : memref<2x16x82x128xi32, #tpu.memory_space<hbm>> -> memref<1x1x1x128xi32, #tpu.memory_space<hbm>>
      %dma_start3A_388 = tpu.memref_squeeze %dma_start3A_387 : memref<1x1x1x128xi32, #tpu.memory_space<hbm>> -> memref<128xi32, #tpu.memory_space<hbm>>
      %dma_start3A_389 = arith.constant 0 : i32
      %dma_start3A_390 = tpu.memref_slice %arg4[%dma_start3A_385, %arg1, %add3A_384, %dma_start3A_389] : memref<2x16x82x128xi32, #tpu.memory_space<hbm>> -> memref<1x1x1x128xi32, #tpu.memory_space<hbm>>
      %dma_start3A_391 = tpu.memref_squeeze %dma_start3A_390 : memref<1x1x1x128xi32, #tpu.memory_space<hbm>> -> memref<128xi32, #tpu.memory_space<hbm>>
      tpu.enqueue_dma source(%dma_start3A_391 : memref<128xi32, #tpu.memory_space<hbm>>) target(%arg13 : memref<128xi32, #tpu.memory_space<vmem>>) target_semaphore(%arg24 : memref<!tpu.dma_semaphore, #tpu.memory_space<semaphore_mem>>)
    }
    %scan3A_47 = arith.constant 40 : i32
    %dma_wait3A = arith.constant 0 : i32
    %dma_wait3A_48 = arith.constant 0 : i32
    %dma_wait3A_49 = arith.constant 0 : i32
    %dma_wait3A_50 = tpu.memref_slice %arg3[%dma_wait3A, %arg0, %arg1, %dma_wait3A_48, %dma_wait3A_49] : memref<2x2x16x82x128xi32, #tpu.memory_space<hbm>> -> memref<1x1x1x1x128xi32, #tpu.memory_space<hbm>>
    %dma_wait3A_51 = tpu.memref_squeeze %dma_wait3A_50 : memref<1x1x1x1x128xi32, #tpu.memory_space<hbm>> -> memref<128xi32, #tpu.memory_space<hbm>>
    %dma_wait3A_52 = arith.constant 0 : i32
    %dma_wait3A_53 = tpu.memref_slice %arg3[%dma_wait3A, %arg0, %arg1, %dma_wait3A_48, %dma_wait3A_52] : memref<2x2x16x82x128xi32, #tpu.memory_space<hbm>> -> memref<1x1x1x1x128xi32, #tpu.memory_space<hbm>>
    %dma_wait3A_54 = tpu.memref_squeeze %dma_wait3A_53 : memref<1x1x1x1x128xi32, #tpu.memory_space<hbm>> -> memref<128xi32, #tpu.memory_space<hbm>>
    tpu.wait_dma2 semaphore(%arg21 : memref<!tpu.dma_semaphore, #tpu.memory_space<semaphore_mem>>) src(%dma_wait3A_54 : memref<128xi32, #tpu.memory_space<hbm>>) dst(%arg10 : memref<128xi32, #tpu.memory_space<vmem>>)
    %dma_wait3A_55 = arith.constant 0 : i32
    %dma_wait3A_56 = arith.constant 0 : i32
    %dma_wait3A_57 = arith.constant 0 : i32
    %dma_wait3A_58 = tpu.memref_slice %arg4[%dma_wait3A_55, %arg1, %dma_wait3A_56, %dma_wait3A_57] : memref<2x16x82x128xi32, #tpu.memory_space<hbm>> -> memref<1x1x1x128xi32, #tpu.memory_space<hbm>>
    %dma_wait3A_59 = tpu.memref_squeeze %dma_wait3A_58 : memref<1x1x1x128xi32, #tpu.memory_space<hbm>> -> memref<128xi32, #tpu.memory_space<hbm>>
    %dma_wait3A_60 = arith.constant 0 : i32
    %dma_wait3A_61 = tpu.memref_slice %arg4[%dma_wait3A_55, %arg1, %dma_wait3A_56, %dma_wait3A_60] : memref<2x16x82x128xi32, #tpu.memory_space<hbm>> -> memref<1x1x1x128xi32, #tpu.memory_space<hbm>>
    %dma_wait3A_62 = tpu.memref_squeeze %dma_wait3A_61 : memref<1x1x1x128xi32, #tpu.memory_space<hbm>> -> memref<128xi32, #tpu.memory_space<hbm>>
    tpu.wait_dma2 semaphore(%arg23 : memref<!tpu.dma_semaphore, #tpu.memory_space<semaphore_mem>>) src(%dma_wait3A_62 : memref<128xi32, #tpu.memory_space<hbm>>) dst(%arg11 : memref<128xi32, #tpu.memory_space<vmem>>)
    %dma_wait3A_63 = arith.constant 0 : i32
    %dma_wait3A_64 = arith.constant 0 : i32
    %dma_wait3A_65 = arith.constant 0 : i32
    %dma_wait3A_66 = tpu.memref_slice %arg3[%dma_wait3A_63, %arg0, %arg1, %dma_wait3A_64, %dma_wait3A_65] : memref<2x2x16x82x128xi32, #tpu.memory_space<hbm>> -> memref<1x1x1x1x128xi32, #tpu.memory_space<hbm>>
    %dma_wait3A_67 = tpu.memref_squeeze %dma_wait3A_66 : memref<1x1x1x1x128xi32, #tpu.memory_space<hbm>> -> memref<128xi32, #tpu.memory_space<hbm>>
    %dma_wait3A_68 = arith.constant 0 : i32
    %dma_wait3A_69 = tpu.memref_slice %arg3[%dma_wait3A_63, %arg0, %arg1, %dma_wait3A_64, %dma_wait3A_68] : memref<2x2x16x82x128xi32, #tpu.memory_space<hbm>> -> memref<1x1x1x1x128xi32, #tpu.memory_space<hbm>>
    %dma_wait3A_70 = tpu.memref_squeeze %dma_wait3A_69 : memref<1x1x1x1x128xi32, #tpu.memory_space<hbm>> -> memref<128xi32, #tpu.memory_space<hbm>>
    tpu.wait_dma2 semaphore(%arg22 : memref<!tpu.dma_semaphore, #tpu.memory_space<semaphore_mem>>) src(%dma_wait3A_70 : memref<128xi32, #tpu.memory_space<hbm>>) dst(%arg12 : memref<128xi32, #tpu.memory_space<vmem>>)
    %dma_wait3A_71 = arith.constant 0 : i32
    %dma_wait3A_72 = arith.constant 0 : i32
    %dma_wait3A_73 = arith.constant 0 : i32
    %dma_wait3A_74 = tpu.memref_slice %arg4[%dma_wait3A_71, %arg1, %dma_wait3A_72, %dma_wait3A_73] : memref<2x16x82x128xi32, #tpu.memory_space<hbm>> -> memref<1x1x1x128xi32, #tpu.memory_space<hbm>>
    %dma_wait3A_75 = tpu.memref_squeeze %dma_wait3A_74 : memref<1x1x1x128xi32, #tpu.memory_space<hbm>> -> memref<128xi32, #tpu.memory_space<hbm>>
    %dma_wait3A_76 = arith.constant 0 : i32
    %dma_wait3A_77 = tpu.memref_slice %arg4[%dma_wait3A_71, %arg1, %dma_wait3A_72, %dma_wait3A_76] : memref<2x16x82x128xi32, #tpu.memory_space<hbm>> -> memref<1x1x1x128xi32, #tpu.memory_space<hbm>>
    %dma_wait3A_78 = tpu.memref_squeeze %dma_wait3A_77 : memref<1x1x1x128xi32, #tpu.memory_space<hbm>> -> memref<128xi32, #tpu.memory_space<hbm>>
    tpu.wait_dma2 semaphore(%arg24 : memref<!tpu.dma_semaphore, #tpu.memory_space<semaphore_mem>>) src(%dma_wait3A_78 : memref<128xi32, #tpu.memory_space<hbm>>) dst(%arg13 : memref<128xi32, #tpu.memory_space<vmem>>)
    %barrier3A_79 = arith.constant 0 : index
    tpu.barrier barrier_id(%barrier3A_79)
    %min3A = arith.constant 0 : i32
    %min3A_80 = arith.constant 39 : i32
    %min3A_81 = arith.minsi %min3A, %min3A_80 : i32
    %mul3A = arith.constant 640 : i32
    %mul3A_82 = arith.muli %arg1, %mul3A : i32
    %mul3A_83 = arith.constant 16 : i32
    %mul3A_84 = arith.muli %min3A_81, %mul3A_83 : i32
    %add3A = arith.addi %mul3A_82, %mul3A_84 : i32
    %dma_start3A_85 = arith.constant 0 : i32
    %dma_start3A_86 = tpu.memref_slice %arg20[%add3A, %dma_start3A_85] : memref<10240x128xf32, #tpu.memory_space<vmem_shared>> -> memref<16x128xf32, #tpu.memory_space<vmem_shared>>
    %dma_start3A_87 = arith.constant 0 : i32
    %dma_start3A_88 = tpu.memref_slice %arg20[%add3A, %dma_start3A_87] : memref<10240x128xf32, #tpu.memory_space<vmem_shared>> -> memref<16x128xf32, #tpu.memory_space<vmem_shared>>
    tpu.enqueue_dma source(%dma_start3A_88 : memref<16x128xf32, #tpu.memory_space<vmem_shared>>) target(%arg16 : memref<16x128xf32, #tpu.memory_space<vmem>>) target_semaphore(%arg25 : memref<!tpu.dma_semaphore, #tpu.memory_space<semaphore_mem>>)
    %mul3A_89 = arith.constant 16 : i32
    %mul3A_90 = arith.muli %min3A_81, %mul3A_89 : i32
    %dma_start3A_91 = arith.constant 0 : i32
    %dma_start3A_92 = tpu.memref_slice %arg5[%arg1, %mul3A_90, %dma_start3A_91] : memref<16x640x16xf32, #tpu.memory_space<hbm>> -> memref<1x16x16xf32, #tpu.memory_space<hbm>>
    %dma_start3A_93 = tpu.memref_squeeze %dma_start3A_92 : memref<1x16x16xf32, #tpu.memory_space<hbm>> -> memref<16x16xf32, #tpu.memory_space<hbm>>
    %dma_start3A_94 = arith.constant 0 : i32
    %dma_start3A_95 = tpu.memref_slice %arg5[%arg1, %mul3A_90, %dma_start3A_94] : memref<16x640x16xf32, #tpu.memory_space<hbm>> -> memref<1x16x16xf32, #tpu.memory_space<hbm>>
    %dma_start3A_96 = tpu.memref_squeeze %dma_start3A_95 : memref<1x16x16xf32, #tpu.memory_space<hbm>> -> memref<16x16xf32, #tpu.memory_space<hbm>>
    tpu.enqueue_dma source(%dma_start3A_96 : memref<16x16xf32, #tpu.memory_space<hbm>>) target(%arg18 : memref<16x16xf32, #tpu.memory_space<vmem>>) target_semaphore(%arg21 : memref<!tpu.dma_semaphore, #tpu.memory_space<semaphore_mem>>)
    %min3A_97 = arith.constant 1 : i32
    %min3A_98 = arith.constant 39 : i32
    %min3A_99 = arith.minsi %min3A_97, %min3A_98 : i32
    %mul3A_100 = arith.constant 640 : i32
    %mul3A_101 = arith.muli %arg1, %mul3A_100 : i32
    %mul3A_102 = arith.constant 16 : i32
    %mul3A_103 = arith.muli %min3A_99, %mul3A_102 : i32
    %add3A_104 = arith.addi %mul3A_101, %mul3A_103 : i32
    %dma_start3A_105 = arith.constant 0 : i32
    %dma_start3A_106 = tpu.memref_slice %arg20[%add3A_104, %dma_start3A_105] : memref<10240x128xf32, #tpu.memory_space<vmem_shared>> -> memref<16x128xf32, #tpu.memory_space<vmem_shared>>
    %dma_start3A_107 = arith.constant 0 : i32
    %dma_start3A_108 = tpu.memref_slice %arg20[%add3A_104, %dma_start3A_107] : memref<10240x128xf32, #tpu.memory_space<vmem_shared>> -> memref<16x128xf32, #tpu.memory_space<vmem_shared>>
    tpu.enqueue_dma source(%dma_start3A_108 : memref<16x128xf32, #tpu.memory_space<vmem_shared>>) target(%arg17 : memref<16x128xf32, #tpu.memory_space<vmem>>) target_semaphore(%arg26 : memref<!tpu.dma_semaphore, #tpu.memory_space<semaphore_mem>>)
    %mul3A_109 = arith.constant 16 : i32
    %mul3A_110 = arith.muli %min3A_99, %mul3A_109 : i32
    %dma_start3A_111 = arith.constant 0 : i32
    %dma_start3A_112 = tpu.memref_slice %arg5[%arg1, %mul3A_110, %dma_start3A_111] : memref<16x640x16xf32, #tpu.memory_space<hbm>> -> memref<1x16x16xf32, #tpu.memory_space<hbm>>
    %dma_start3A_113 = tpu.memref_squeeze %dma_start3A_112 : memref<1x16x16xf32, #tpu.memory_space<hbm>> -> memref<16x16xf32, #tpu.memory_space<hbm>>
    %dma_start3A_114 = arith.constant 0 : i32
    %dma_start3A_115 = tpu.memref_slice %arg5[%arg1, %mul3A_110, %dma_start3A_114] : memref<16x640x16xf32, #tpu.memory_space<hbm>> -> memref<1x16x16xf32, #tpu.memory_space<hbm>>
    %dma_start3A_116 = tpu.memref_squeeze %dma_start3A_115 : memref<1x16x16xf32, #tpu.memory_space<hbm>> -> memref<16x16xf32, #tpu.memory_space<hbm>>
    tpu.enqueue_dma source(%dma_start3A_116 : memref<16x16xf32, #tpu.memory_space<hbm>>) target(%arg19 : memref<16x16xf32, #tpu.memory_space<vmem>>) target_semaphore(%arg22 : memref<!tpu.dma_semaphore, #tpu.memory_space<semaphore_mem>>)
    %scan3A_117 = arith.constant 0 : i32
    %scan3A_118 = arith.constant 0 : i32
    %scan3A_119 = arith.constant 20 : i32
    %scan3A_120 = arith.addi %scan3A_118, %scan3A_119 : i32
    %scan3A_121 = arith.constant 1 : i32
    scf.for %scan3A_309 = %scan3A_118 to %scan3A_120 step %scan3A_121  : i32 {
      %mul3A_310 = arith.constant 2 : i32
      %mul3A_311 = arith.muli %mul3A_310, %scan3A_309 : i32
      %mul3A_312 = arith.constant 640 : i32
      %mul3A_313 = arith.muli %arg1, %mul3A_312 : i32
      %dma_wait3A_314 = arith.constant 0 : i32
      %dma_wait3A_315 = tpu.memref_slice %arg20[%mul3A_313, %dma_wait3A_314] : memref<10240x128xf32, #tpu.memory_space<vmem_shared>> -> memref<16x128xf32, #tpu.memory_space<vmem_shared>>
      %dma_wait3A_316 = arith.constant 0 : i32
      %dma_wait3A_317 = tpu.memref_slice %arg20[%mul3A_313, %dma_wait3A_316] : memref<10240x128xf32, #tpu.memory_space<vmem_shared>> -> memref<16x128xf32, #tpu.memory_space<vmem_shared>>
      tpu.wait_dma2 semaphore(%arg25 : memref<!tpu.dma_semaphore, #tpu.memory_space<semaphore_mem>>) src(%dma_wait3A_317 : memref<16x128xf32, #tpu.memory_space<vmem_shared>>) dst(%arg16 : memref<16x128xf32, #tpu.memory_space<vmem>>)
      %dma_wait3A_318 = arith.constant 0 : i32
      %dma_wait3A_319 = arith.constant 0 : i32
      %dma_wait3A_320 = tpu.memref_slice %arg5[%arg1, %dma_wait3A_318, %dma_wait3A_319] : memref<16x640x16xf32, #tpu.memory_space<hbm>> -> memref<1x16x16xf32, #tpu.memory_space<hbm>>
      %dma_wait3A_321 = tpu.memref_squeeze %dma_wait3A_320 : memref<1x16x16xf32, #tpu.memory_space<hbm>> -> memref<16x16xf32, #tpu.memory_space<hbm>>
      %dma_wait3A_322 = arith.constant 0 : i32
      %dma_wait3A_323 = arith.constant 0 : i32
      %dma_wait3A_324 = tpu.memref_slice %arg5[%arg1, %dma_wait3A_322, %dma_wait3A_323] : memref<16x640x16xf32, #tpu.memory_space<hbm>> -> memref<1x16x16xf32, #tpu.memory_space<hbm>>
      %dma_wait3A_325 = tpu.memref_squeeze %dma_wait3A_324 : memref<1x16x16xf32, #tpu.memory_space<hbm>> -> memref<16x16xf32, #tpu.memory_space<hbm>>
      tpu.wait_dma2 semaphore(%arg21 : memref<!tpu.dma_semaphore, #tpu.memory_space<semaphore_mem>>) src(%dma_wait3A_325 : memref<16x16xf32, #tpu.memory_space<hbm>>) dst(%arg18 : memref<16x16xf32, #tpu.memory_space<vmem>>)
      %scan3A_326 = arith.constant 0 : i32
      %scan3A_327 = arith.constant 0 : i32
      %scan3A_328 = arith.constant 16 : i32
      %scan3A_329 = arith.addi %scan3A_327, %scan3A_328 : i32
      %scan3A_330 = arith.constant 1 : i32
      scf.for %scan3A_428 = %scan3A_327 to %scan3A_329 step %scan3A_330  : i32 {
        %get3A = arith.index_cast %scan3A_428 : i32 to index
        %get3A_429 = arith.constant 0 : index
        %get3A_430 = tpu.vector_load %arg18[%get3A, %get3A_429] {strides = array<i32>} : memref<16x16xf32, #tpu.memory_space<vmem>>, vector<1x16xf32>,
        %get3A_431 = vector.shape_cast %get3A_430 : vector<1x16xf32> to vector<16xf32>
        %get3A_432 = arith.index_cast %scan3A_428 : i32 to index
        %get3A_433 = arith.constant 0 : index
        %get3A_434 = tpu.vector_load %arg16[%get3A_432, %get3A_433] {strides = array<i32>} : memref<16x128xf32, #tpu.memory_space<vmem>>, vector<1x16xf32>,
        %get3A_435 = vector.shape_cast %get3A_434 : vector<1x16xf32> to vector<16xf32>
        %mul3A_436 = arith.mulf %get3A_435, %get3A_431 : vector<16xf32>
        %swap3A = arith.index_cast %scan3A_428 : i32 to index
        %swap3A_437 = arith.constant 0 : index
        %swap3A_438 = tpu.vector_load %arg16[%swap3A, %swap3A_437] {strides = array<i32>} : memref<16x128xf32, #tpu.memory_space<vmem>>, vector<1x16xf32>,
        %swap3A_439 = vector.shape_cast %swap3A_438 : vector<1x16xf32> to vector<16xf32>
        %swap3A_440 = vector.shape_cast %mul3A_436 : vector<16xf32> to vector<1x16xf32>
        tpu.vector_store %arg16[%swap3A, %swap3A_437], %swap3A_440 {strides = array<i32>} : memref<16x128xf32, #tpu.memory_space<vmem>>, vector<1x16xf32>,
        %get3A_441 = arith.index_cast %scan3A_428 : i32 to index
        %get3A_442 = arith.constant 16 : index
        %get3A_443 = tpu.vector_load %arg16[%get3A_441, %get3A_442] {strides = array<i32>} : memref<16x128xf32, #tpu.memory_space<vmem>>, vector<1x16xf32>,
        %get3A_444 = vector.shape_cast %get3A_443 : vector<1x16xf32> to vector<16xf32>
        %mul3A_445 = arith.mulf %get3A_444, %get3A_431 : vector<16xf32>
        %swap3A_446 = arith.index_cast %scan3A_428 : i32 to index
        %swap3A_447 = arith.constant 16 : index
        %swap3A_448 = tpu.vector_load %arg16[%swap3A_446, %swap3A_447] {strides = array<i32>} : memref<16x128xf32, #tpu.memory_space<vmem>>, vector<1x16xf32>,
        %swap3A_449 = vector.shape_cast %swap3A_448 : vector<1x16xf32> to vector<16xf32>
        %swap3A_450 = vector.shape_cast %mul3A_445 : vector<16xf32> to vector<1x16xf32>
        tpu.vector_store %arg16[%swap3A_446, %swap3A_447], %swap3A_450 {strides = array<i32>} : memref<16x128xf32, #tpu.memory_space<vmem>>, vector<1x16xf32>,
        %get3A_451 = arith.index_cast %scan3A_428 : i32 to index
        %get3A_452 = arith.constant 32 : index
        %get3A_453 = tpu.vector_load %arg16[%get3A_451, %get3A_452] {strides = array<i32>} : memref<16x128xf32, #tpu.memory_space<vmem>>, vector<1x16xf32>,
        %get3A_454 = vector.shape_cast %get3A_453 : vector<1x16xf32> to vector<16xf32>
        %mul3A_455 = arith.mulf %get3A_454, %get3A_431 : vector<16xf32>
        %swap3A_456 = arith.index_cast %scan3A_428 : i32 to index
        %swap3A_457 = arith.constant 32 : index
        %swap3A_458 = tpu.vector_load %arg16[%swap3A_456, %swap3A_457] {strides = array<i32>} : memref<16x128xf32, #tpu.memory_space<vmem>>, vector<1x16xf32>,
        %swap3A_459 = vector.shape_cast %swap3A_458 : vector<1x16xf32> to vector<16xf32>
        %swap3A_460 = vector.shape_cast %mul3A_455 : vector<16xf32> to vector<1x16xf32>
        tpu.vector_store %arg16[%swap3A_456, %swap3A_457], %swap3A_460 {strides = array<i32>} : memref<16x128xf32, #tpu.memory_space<vmem>>, vector<1x16xf32>,
        %get3A_461 = arith.index_cast %scan3A_428 : i32 to index
        %get3A_462 = arith.constant 48 : index
        %get3A_463 = tpu.vector_load %arg16[%get3A_461, %get3A_462] {strides = array<i32>} : memref<16x128xf32, #tpu.memory_space<vmem>>, vector<1x16xf32>,
        %get3A_464 = vector.shape_cast %get3A_463 : vector<1x16xf32> to vector<16xf32>
        %mul3A_465 = arith.mulf %get3A_464, %get3A_431 : vector<16xf32>
        %swap3A_466 = arith.index_cast %scan3A_428 : i32 to index
        %swap3A_467 = arith.constant 48 : index
        %swap3A_468 = tpu.vector_load %arg16[%swap3A_466, %swap3A_467] {strides = array<i32>} : memref<16x128xf32, #tpu.memory_space<vmem>>, vector<1x16xf32>,
        %swap3A_469 = vector.shape_cast %swap3A_468 : vector<1x16xf32> to vector<16xf32>
        %swap3A_470 = vector.shape_cast %mul3A_465 : vector<16xf32> to vector<1x16xf32>
        tpu.vector_store %arg16[%swap3A_466, %swap3A_467], %swap3A_470 {strides = array<i32>} : memref<16x128xf32, #tpu.memory_space<vmem>>, vector<1x16xf32>,
        %get3A_471 = arith.index_cast %scan3A_428 : i32 to index
        %get3A_472 = arith.constant 64 : index
        %get3A_473 = tpu.vector_load %arg16[%get3A_471, %get3A_472] {strides = array<i32>} : memref<16x128xf32, #tpu.memory_space<vmem>>, vector<1x16xf32>,
        %get3A_474 = vector.shape_cast %get3A_473 : vector<1x16xf32> to vector<16xf32>
        %mul3A_475 = arith.mulf %get3A_474, %get3A_431 : vector<16xf32>
        %swap3A_476 = arith.index_cast %scan3A_428 : i32 to index
        %swap3A_477 = arith.constant 64 : index
        %swap3A_478 = tpu.vector_load %arg16[%swap3A_476, %swap3A_477] {strides = array<i32>} : memref<16x128xf32, #tpu.memory_space<vmem>>, vector<1x16xf32>,
        %swap3A_479 = vector.shape_cast %swap3A_478 : vector<1x16xf32> to vector<16xf32>
        %swap3A_480 = vector.shape_cast %mul3A_475 : vector<16xf32> to vector<1x16xf32>
        tpu.vector_store %arg16[%swap3A_476, %swap3A_477], %swap3A_480 {strides = array<i32>} : memref<16x128xf32, #tpu.memory_space<vmem>>, vector<1x16xf32>,
        %get3A_481 = arith.index_cast %scan3A_428 : i32 to index
        %get3A_482 = arith.constant 80 : index
        %get3A_483 = tpu.vector_load %arg16[%get3A_481, %get3A_482] {strides = array<i32>} : memref<16x128xf32, #tpu.memory_space<vmem>>, vector<1x16xf32>,
        %get3A_484 = vector.shape_cast %get3A_483 : vector<1x16xf32> to vector<16xf32>
        %mul3A_485 = arith.mulf %get3A_484, %get3A_431 : vector<16xf32>
        %swap3A_486 = arith.index_cast %scan3A_428 : i32 to index
        %swap3A_487 = arith.constant 80 : index
        %swap3A_488 = tpu.vector_load %arg16[%swap3A_486, %swap3A_487] {strides = array<i32>} : memref<16x128xf32, #tpu.memory_space<vmem>>, vector<1x16xf32>,
        %swap3A_489 = vector.shape_cast %swap3A_488 : vector<1x16xf32> to vector<16xf32>
        %swap3A_490 = vector.shape_cast %mul3A_485 : vector<16xf32> to vector<1x16xf32>
        tpu.vector_store %arg16[%swap3A_486, %swap3A_487], %swap3A_490 {strides = array<i32>} : memref<16x128xf32, #tpu.memory_space<vmem>>, vector<1x16xf32>,
        %get3A_491 = arith.index_cast %scan3A_428 : i32 to index
        %get3A_492 = arith.constant 96 : index
        %get3A_493 = tpu.vector_load %arg16[%get3A_491, %get3A_492] {strides = array<i32>} : memref<16x128xf32, #tpu.memory_space<vmem>>, vector<1x16xf32>,
        %get3A_494 = vector.shape_cast %get3A_493 : vector<1x16xf32> to vector<16xf32>
        %mul3A_495 = arith.mulf %get3A_494, %get3A_431 : vector<16xf32>
        %swap3A_496 = arith.index_cast %scan3A_428 : i32 to index
        %swap3A_497 = arith.constant 96 : index
        %swap3A_498 = tpu.vector_load %arg16[%swap3A_496, %swap3A_497] {strides = array<i32>} : memref<16x128xf32, #tpu.memory_space<vmem>>, vector<1x16xf32>,
        %swap3A_499 = vector.shape_cast %swap3A_498 : vector<1x16xf32> to vector<16xf32>
        %swap3A_500 = vector.shape_cast %mul3A_495 : vector<16xf32> to vector<1x16xf32>
        tpu.vector_store %arg16[%swap3A_496, %swap3A_497], %swap3A_500 {strides = array<i32>} : memref<16x128xf32, #tpu.memory_space<vmem>>, vector<1x16xf32>,
        %get3A_501 = arith.index_cast %scan3A_428 : i32 to index
        %get3A_502 = arith.constant 112 : index
        %get3A_503 = tpu.vector_load %arg16[%get3A_501, %get3A_502] {strides = array<i32>} : memref<16x128xf32, #tpu.memory_space<vmem>>, vector<1x16xf32>,
        %get3A_504 = vector.shape_cast %get3A_503 : vector<1x16xf32> to vector<16xf32>
        %mul3A_505 = arith.mulf %get3A_504, %get3A_431 : vector<16xf32>
        %swap3A_506 = arith.index_cast %scan3A_428 : i32 to index
        %swap3A_507 = arith.constant 112 : index
        %swap3A_508 = tpu.vector_load %arg16[%swap3A_506, %swap3A_507] {strides = array<i32>} : memref<16x128xf32, #tpu.memory_space<vmem>>, vector<1x16xf32>,
        %swap3A_509 = vector.shape_cast %swap3A_508 : vector<1x16xf32> to vector<16xf32>
        %swap3A_510 = vector.shape_cast %mul3A_505 : vector<16xf32> to vector<1x16xf32>
        tpu.vector_store %arg16[%swap3A_506, %swap3A_507], %swap3A_510 {strides = array<i32>} : memref<16x128xf32, #tpu.memory_space<vmem>>, vector<1x16xf32>,
      }
      %scan3A_331 = arith.constant 16 : i32
      %mul3A_332 = arith.constant 10240 : i32
      %mul3A_333 = arith.muli %arg0, %mul3A_332 : i32
      %mul3A_334 = arith.constant 640 : i32
      %mul3A_335 = arith.muli %arg1, %mul3A_334 : i32
      %add3A_336 = arith.addi %mul3A_333, %mul3A_335 : i32
      %mul3A_337 = arith.constant 16 : i32
      %mul3A_338 = arith.muli %mul3A_311, %mul3A_337 : i32
      %add3A_339 = arith.addi %add3A_336, %mul3A_338 : i32
      %dma_start3A_340 = arith.constant 0 : i32
      %dma_start3A_341 = tpu.memref_slice %arg9[%add3A_339, %dma_start3A_340] : memref<20480x128xf32, #tpu.memory_space<hbm>> -> memref<16x128xf32, #tpu.memory_space<hbm>>
      %dma_start3A_342 = arith.constant 0 : i32
      %dma_start3A_343 = tpu.memref_slice %arg9[%add3A_339, %dma_start3A_342] : memref<20480x128xf32, #tpu.memory_space<hbm>> -> memref<16x128xf32, #tpu.memory_space<hbm>>
      tpu.enqueue_dma source(%arg16 : memref<16x128xf32, #tpu.memory_space<vmem>>) target(%dma_start3A_343 : memref<16x128xf32, #tpu.memory_space<hbm>>) target_semaphore(%arg27 : memref<!tpu.dma_semaphore, #tpu.memory_space<semaphore_mem>>)
      %mul3A_344 = arith.constant 640 : i32
      %mul3A_345 = arith.muli %arg1, %mul3A_344 : i32
      %dma_wait3A_346 = arith.constant 0 : i32
      %dma_wait3A_347 = tpu.memref_slice %arg20[%mul3A_345, %dma_wait3A_346] : memref<10240x128xf32, #tpu.memory_space<vmem_shared>> -> memref<16x128xf32, #tpu.memory_space<vmem_shared>>
      %dma_wait3A_348 = arith.constant 0 : i32
      %dma_wait3A_349 = tpu.memref_slice %arg20[%mul3A_345, %dma_wait3A_348] : memref<10240x128xf32, #tpu.memory_space<vmem_shared>> -> memref<16x128xf32, #tpu.memory_space<vmem_shared>>
      tpu.wait_dma2 semaphore(%arg26 : memref<!tpu.dma_semaphore, #tpu.memory_space<semaphore_mem>>) src(%dma_wait3A_349 : memref<16x128xf32, #tpu.memory_space<vmem_shared>>) dst(%arg17 : memref<16x128xf32, #tpu.memory_space<vmem>>)
      %dma_wait3A_350 = arith.constant 0 : i32
      %dma_wait3A_351 = arith.constant 0 : i32
      %dma_wait3A_352 = tpu.memref_slice %arg5[%arg1, %dma_wait3A_350, %dma_wait3A_351] : memref<16x640x16xf32, #tpu.memory_space<hbm>> -> memref<1x16x16xf32, #tpu.memory_space<hbm>>
      %dma_wait3A_353 = tpu.memref_squeeze %dma_wait3A_352 : memref<1x16x16xf32, #tpu.memory_space<hbm>> -> memref<16x16xf32, #tpu.memory_space<hbm>>
      %dma_wait3A_354 = arith.constant 0 : i32
      %dma_wait3A_355 = arith.constant 0 : i32
      %dma_wait3A_356 = tpu.memref_slice %arg5[%arg1, %dma_wait3A_354, %dma_wait3A_355] : memref<16x640x16xf32, #tpu.memory_space<hbm>> -> memref<1x16x16xf32, #tpu.memory_space<hbm>>
      %dma_wait3A_357 = tpu.memref_squeeze %dma_wait3A_356 : memref<1x16x16xf32, #tpu.memory_space<hbm>> -> memref<16x16xf32, #tpu.memory_space<hbm>>
      tpu.wait_dma2 semaphore(%arg22 : memref<!tpu.dma_semaphore, #tpu.memory_space<semaphore_mem>>) src(%dma_wait3A_357 : memref<16x16xf32, #tpu.memory_space<hbm>>) dst(%arg19 : memref<16x16xf32, #tpu.memory_space<vmem>>)
      %scan3A_358 = arith.constant 0 : i32
      %scan3A_359 = arith.constant 0 : i32
      %scan3A_360 = arith.constant 16 : i32
      %scan3A_361 = arith.addi %scan3A_359, %scan3A_360 : i32
      %scan3A_362 = arith.constant 1 : i32
      scf.for %scan3A_428 = %scan3A_359 to %scan3A_361 step %scan3A_362  : i32 {
        %get3A = arith.index_cast %scan3A_428 : i32 to index
        %get3A_429 = arith.constant 0 : index
        %get3A_430 = tpu.vector_load %arg19[%get3A, %get3A_429] {strides = array<i32>} : memref<16x16xf32, #tpu.memory_space<vmem>>, vector<1x16xf32>,
        %get3A_431 = vector.shape_cast %get3A_430 : vector<1x16xf32> to vector<16xf32>
        %get3A_432 = arith.index_cast %scan3A_428 : i32 to index
        %get3A_433 = arith.constant 0 : index
        %get3A_434 = tpu.vector_load %arg17[%get3A_432, %get3A_433] {strides = array<i32>} : memref<16x128xf32, #tpu.memory_space<vmem>>, vector<1x16xf32>,
        %get3A_435 = vector.shape_cast %get3A_434 : vector<1x16xf32> to vector<16xf32>
        %mul3A_436 = arith.mulf %get3A_435, %get3A_431 : vector<16xf32>
        %swap3A = arith.index_cast %scan3A_428 : i32 to index
        %swap3A_437 = arith.constant 0 : index
        %swap3A_438 = tpu.vector_load %arg17[%swap3A, %swap3A_437] {strides = array<i32>} : memref<16x128xf32, #tpu.memory_space<vmem>>, vector<1x16xf32>,
        %swap3A_439 = vector.shape_cast %swap3A_438 : vector<1x16xf32> to vector<16xf32>
        %swap3A_440 = vector.shape_cast %mul3A_436 : vector<16xf32> to vector<1x16xf32>
        tpu.vector_store %arg17[%swap3A, %swap3A_437], %swap3A_440 {strides = array<i32>} : memref<16x128xf32, #tpu.memory_space<vmem>>, vector<1x16xf32>,
        %get3A_441 = arith.index_cast %scan3A_428 : i32 to index
        %get3A_442 = arith.constant 16 : index
        %get3A_443 = tpu.vector_load %arg17[%get3A_441, %get3A_442] {strides = array<i32>} : memref<16x128xf32, #tpu.memory_space<vmem>>, vector<1x16xf32>,
        %get3A_444 = vector.shape_cast %get3A_443 : vector<1x16xf32> to vector<16xf32>
        %mul3A_445 = arith.mulf %get3A_444, %get3A_431 : vector<16xf32>
        %swap3A_446 = arith.index_cast %scan3A_428 : i32 to index
        %swap3A_447 = arith.constant 16 : index
        %swap3A_448 = tpu.vector_load %arg17[%swap3A_446, %swap3A_447] {strides = array<i32>} : memref<16x128xf32, #tpu.memory_space<vmem>>, vector<1x16xf32>,
        %swap3A_449 = vector.shape_cast %swap3A_448 : vector<1x16xf32> to vector<16xf32>
        %swap3A_450 = vector.shape_cast %mul3A_445 : vector<16xf32> to vector<1x16xf32>
        tpu.vector_store %arg17[%swap3A_446, %swap3A_447], %swap3A_450 {strides = array<i32>} : memref<16x128xf32, #tpu.memory_space<vmem>>, vector<1x16xf32>,
        %get3A_451 = arith.index_cast %scan3A_428 : i32 to index
        %get3A_452 = arith.constant 32 : index
        %get3A_453 = tpu.vector_load %arg17[%get3A_451, %get3A_452] {strides = array<i32>} : memref<16x128xf32, #tpu.memory_space<vmem>>, vector<1x16xf32>,
        %get3A_454 = vector.shape_cast %get3A_453 : vector<1x16xf32> to vector<16xf32>
        %mul3A_455 = arith.mulf %get3A_454, %get3A_431 : vector<16xf32>
        %swap3A_456 = arith.index_cast %scan3A_428 : i32 to index
        %swap3A_457 = arith.constant 32 : index
        %swap3A_458 = tpu.vector_load %arg17[%swap3A_456, %swap3A_457] {strides = array<i32>} : memref<16x128xf32, #tpu.memory_space<vmem>>, vector<1x16xf32>,
        %swap3A_459 = vector.shape_cast %swap3A_458 : vector<1x16xf32> to vector<16xf32>
        %swap3A_460 = vector.shape_cast %mul3A_455 : vector<16xf32> to vector<1x16xf32>
        tpu.vector_store %arg17[%swap3A_456, %swap3A_457], %swap3A_460 {strides = array<i32>} : memref<16x128xf32, #tpu.memory_space<vmem>>, vector<1x16xf32>,
        %get3A_461 = arith.index_cast %scan3A_428 : i32 to index
        %get3A_462 = arith.constant 48 : index
        %get3A_463 = tpu.vector_load %arg17[%get3A_461, %get3A_462] {strides = array<i32>} : memref<16x128xf32, #tpu.memory_space<vmem>>, vector<1x16xf32>,
        %get3A_464 = vector.shape_cast %get3A_463 : vector<1x16xf32> to vector<16xf32>
        %mul3A_465 = arith.mulf %get3A_464, %get3A_431 : vector<16xf32>
        %swap3A_466 = arith.index_cast %scan3A_428 : i32 to index
        %swap3A_467 = arith.constant 48 : index
        %swap3A_468 = tpu.vector_load %arg17[%swap3A_466, %swap3A_467] {strides = array<i32>} : memref<16x128xf32, #tpu.memory_space<vmem>>, vector<1x16xf32>,
        %swap3A_469 = vector.shape_cast %swap3A_468 : vector<1x16xf32> to vector<16xf32>
        %swap3A_470 = vector.shape_cast %mul3A_465 : vector<16xf32> to vector<1x16xf32>
        tpu.vector_store %arg17[%swap3A_466, %swap3A_467], %swap3A_470 {strides = array<i32>} : memref<16x128xf32, #tpu.memory_space<vmem>>, vector<1x16xf32>,
        %get3A_471 = arith.index_cast %scan3A_428 : i32 to index
        %get3A_472 = arith.constant 64 : index
        %get3A_473 = tpu.vector_load %arg17[%get3A_471, %get3A_472] {strides = array<i32>} : memref<16x128xf32, #tpu.memory_space<vmem>>, vector<1x16xf32>,
        %get3A_474 = vector.shape_cast %get3A_473 : vector<1x16xf32> to vector<16xf32>
        %mul3A_475 = arith.mulf %get3A_474, %get3A_431 : vector<16xf32>
        %swap3A_476 = arith.index_cast %scan3A_428 : i32 to index
        %swap3A_477 = arith.constant 64 : index
        %swap3A_478 = tpu.vector_load %arg17[%swap3A_476, %swap3A_477] {strides = array<i32>} : memref<16x128xf32, #tpu.memory_space<vmem>>, vector<1x16xf32>,
        %swap3A_479 = vector.shape_cast %swap3A_478 : vector<1x16xf32> to vector<16xf32>
        %swap3A_480 = vector.shape_cast %mul3A_475 : vector<16xf32> to vector<1x16xf32>
        tpu.vector_store %arg17[%swap3A_476, %swap3A_477], %swap3A_480 {strides = array<i32>} : memref<16x128xf32, #tpu.memory_space<vmem>>, vector<1x16xf32>,
        %get3A_481 = arith.index_cast %scan3A_428 : i32 to index
        %get3A_482 = arith.constant 80 : index
        %get3A_483 = tpu.vector_load %arg17[%get3A_481, %get3A_482] {strides = array<i32>} : memref<16x128xf32, #tpu.memory_space<vmem>>, vector<1x16xf32>,
        %get3A_484 = vector.shape_cast %get3A_483 : vector<1x16xf32> to vector<16xf32>
        %mul3A_485 = arith.mulf %get3A_484, %get3A_431 : vector<16xf32>
        %swap3A_486 = arith.index_cast %scan3A_428 : i32 to index
        %swap3A_487 = arith.constant 80 : index
        %swap3A_488 = tpu.vector_load %arg17[%swap3A_486, %swap3A_487] {strides = array<i32>} : memref<16x128xf32, #tpu.memory_space<vmem>>, vector<1x16xf32>,
        %swap3A_489 = vector.shape_cast %swap3A_488 : vector<1x16xf32> to vector<16xf32>
        %swap3A_490 = vector.shape_cast %mul3A_485 : vector<16xf32> to vector<1x16xf32>
        tpu.vector_store %arg17[%swap3A_486, %swap3A_487], %swap3A_490 {strides = array<i32>} : memref<16x128xf32, #tpu.memory_space<vmem>>, vector<1x16xf32>,
        %get3A_491 = arith.index_cast %scan3A_428 : i32 to index
        %get3A_492 = arith.constant 96 : index
        %get3A_493 = tpu.vector_load %arg17[%get3A_491, %get3A_492] {strides = array<i32>} : memref<16x128xf32, #tpu.memory_space<vmem>>, vector<1x16xf32>,
        %get3A_494 = vector.shape_cast %get3A_493 : vector<1x16xf32> to vector<16xf32>
        %mul3A_495 = arith.mulf %get3A_494, %get3A_431 : vector<16xf32>
        %swap3A_496 = arith.index_cast %scan3A_428 : i32 to index
        %swap3A_497 = arith.constant 96 : index
        %swap3A_498 = tpu.vector_load %arg17[%swap3A_496, %swap3A_497] {strides = array<i32>} : memref<16x128xf32, #tpu.memory_space<vmem>>, vector<1x16xf32>,
        %swap3A_499 = vector.shape_cast %swap3A_498 : vector<1x16xf32> to vector<16xf32>
        %swap3A_500 = vector.shape_cast %mul3A_495 : vector<16xf32> to vector<1x16xf32>
        tpu.vector_store %arg17[%swap3A_496, %swap3A_497], %swap3A_500 {strides = array<i32>} : memref<16x128xf32, #tpu.memory_space<vmem>>, vector<1x16xf32>,
        %get3A_501 = arith.index_cast %scan3A_428 : i32 to index
        %get3A_502 = arith.constant 112 : index
        %get3A_503 = tpu.vector_load %arg17[%get3A_501, %get3A_502] {strides = array<i32>} : memref<16x128xf32, #tpu.memory_space<vmem>>, vector<1x16xf32>,
        %get3A_504 = vector.shape_cast %get3A_503 : vector<1x16xf32> to vector<16xf32>
        %mul3A_505 = arith.mulf %get3A_504, %get3A_431 : vector<16xf32>
        %swap3A_506 = arith.index_cast %scan3A_428 : i32 to index
        %swap3A_507 = arith.constant 112 : index
        %swap3A_508 = tpu.vector_load %arg17[%swap3A_506, %swap3A_507] {strides = array<i32>} : memref<16x128xf32, #tpu.memory_space<vmem>>, vector<1x16xf32>,
        %swap3A_509 = vector.shape_cast %swap3A_508 : vector<1x16xf32> to vector<16xf32>
        %swap3A_510 = vector.shape_cast %mul3A_505 : vector<16xf32> to vector<1x16xf32>
        tpu.vector_store %arg17[%swap3A_506, %swap3A_507], %swap3A_510 {strides = array<i32>} : memref<16x128xf32, #tpu.memory_space<vmem>>, vector<1x16xf32>,
      }
      %scan3A_363 = arith.constant 16 : i32
      %add3A_364 = arith.constant 1 : i32
      %add3A_365 = arith.addi %mul3A_311, %add3A_364 : i32
      %mul3A_366 = arith.constant 10240 : i32
      %mul3A_367 = arith.muli %arg0, %mul3A_366 : i32
      %mul3A_368 = arith.constant 640 : i32
      %mul3A_369 = arith.muli %arg1, %mul3A_368 : i32
      %add3A_370 = arith.addi %mul3A_367, %mul3A_369 : i32
      %mul3A_371 = arith.constant 16 : i32
      %mul3A_372 = arith.muli %add3A_365, %mul3A_371 : i32
      %add3A_373 = arith.addi %add3A_370, %mul3A_372 : i32
      %dma_start3A_374 = arith.constant 0 : i32
      %dma_start3A_375 = tpu.memref_slice %arg9[%add3A_373, %dma_start3A_374] : memref<20480x128xf32, #tpu.memory_space<hbm>> -> memref<16x128xf32, #tpu.memory_space<hbm>>
      %dma_start3A_376 = arith.constant 0 : i32
      %dma_start3A_377 = tpu.memref_slice %arg9[%add3A_373, %dma_start3A_376] : memref<20480x128xf32, #tpu.memory_space<hbm>> -> memref<16x128xf32, #tpu.memory_space<hbm>>
      tpu.enqueue_dma source(%arg17 : memref<16x128xf32, #tpu.memory_space<vmem>>) target(%dma_start3A_377 : memref<16x128xf32, #tpu.memory_space<hbm>>) target_semaphore(%arg28 : memref<!tpu.dma_semaphore, #tpu.memory_space<semaphore_mem>>)
      %dma_wait3A_378 = arith.constant 0 : i32
      %dma_wait3A_379 = tpu.memref_slice %arg9[%add3A_339, %dma_wait3A_378] : memref<20480x128xf32, #tpu.memory_space<hbm>> -> memref<16x128xf32, #tpu.memory_space<hbm>>
      %dma_wait3A_380 = arith.constant 0 : i32
      %dma_wait3A_381 = tpu.memref_slice %arg9[%add3A_339, %dma_wait3A_380] : memref<20480x128xf32, #tpu.memory_space<hbm>> -> memref<16x128xf32, #tpu.memory_space<hbm>>
      tpu.wait_dma2 semaphore(%arg27 : memref<!tpu.dma_semaphore, #tpu.memory_space<semaphore_mem>>) src(%arg16 : memref<16x128xf32, #tpu.memory_space<vmem>>) dst(%dma_wait3A_381 : memref<16x128xf32, #tpu.memory_space<hbm>>)
      %add3A_382 = arith.constant 2 : i32
      %add3A_383 = arith.addi %mul3A_311, %add3A_382 : i32
      %min3A_384 = arith.constant 39 : i32
      %min3A_385 = arith.minsi %add3A_383, %min3A_384 : i32
      %mul3A_386 = arith.constant 640 : i32
      %mul3A_387 = arith.muli %arg1, %mul3A_386 : i32
      %mul3A_388 = arith.constant 16 : i32
      %mul3A_389 = arith.muli %min3A_385, %mul3A_388 : i32
      %add3A_390 = arith.addi %mul3A_387, %mul3A_389 : i32
      %dma_start3A_391 = arith.constant 0 : i32
      %dma_start3A_392 = tpu.memref_slice %arg20[%add3A_390, %dma_start3A_391] : memref<10240x128xf32, #tpu.memory_space<vmem_shared>> -> memref<16x128xf32, #tpu.memory_space<vmem_shared>>
      %dma_start3A_393 = arith.constant 0 : i32
      %dma_start3A_394 = tpu.memref_slice %arg20[%add3A_390, %dma_start3A_393] : memref<10240x128xf32, #tpu.memory_space<vmem_shared>> -> memref<16x128xf32, #tpu.memory_space<vmem_shared>>
      tpu.enqueue_dma source(%dma_start3A_394 : memref<16x128xf32, #tpu.memory_space<vmem_shared>>) target(%arg16 : memref<16x128xf32, #tpu.memory_space<vmem>>) target_semaphore(%arg25 : memref<!tpu.dma_semaphore, #tpu.memory_space<semaphore_mem>>)
      %mul3A_395 = arith.constant 16 : i32
      %mul3A_396 = arith.muli %min3A_385, %mul3A_395 : i32
      %dma_start3A_397 = arith.constant 0 : i32
      %dma_start3A_398 = tpu.memref_slice %arg5[%arg1, %mul3A_396, %dma_start3A_397] : memref<16x640x16xf32, #tpu.memory_space<hbm>> -> memref<1x16x16xf32, #tpu.memory_space<hbm>>
      %dma_start3A_399 = tpu.memref_squeeze %dma_start3A_398 : memref<1x16x16xf32, #tpu.memory_space<hbm>> -> memref<16x16xf32, #tpu.memory_space<hbm>>
      %dma_start3A_400 = arith.constant 0 : i32
      %dma_start3A_401 = tpu.memref_slice %arg5[%arg1, %mul3A_396, %dma_start3A_400] : memref<16x640x16xf32, #tpu.memory_space<hbm>> -> memref<1x16x16xf32, #tpu.memory_space<hbm>>
      %dma_start3A_402 = tpu.memref_squeeze %dma_start3A_401 : memref<1x16x16xf32, #tpu.memory_space<hbm>> -> memref<16x16xf32, #tpu.memory_space<hbm>>
      tpu.enqueue_dma source(%dma_start3A_402 : memref<16x16xf32, #tpu.memory_space<hbm>>) target(%arg18 : memref<16x16xf32, #tpu.memory_space<vmem>>) target_semaphore(%arg21 : memref<!tpu.dma_semaphore, #tpu.memory_space<semaphore_mem>>)
      %dma_wait3A_403 = arith.constant 0 : i32
      %dma_wait3A_404 = tpu.memref_slice %arg9[%add3A_373, %dma_wait3A_403] : memref<20480x128xf32, #tpu.memory_space<hbm>> -> memref<16x128xf32, #tpu.memory_space<hbm>>
      %dma_wait3A_405 = arith.constant 0 : i32
      %dma_wait3A_406 = tpu.memref_slice %arg9[%add3A_373, %dma_wait3A_405] : memref<20480x128xf32, #tpu.memory_space<hbm>> -> memref<16x128xf32, #tpu.memory_space<hbm>>
      tpu.wait_dma2 semaphore(%arg28 : memref<!tpu.dma_semaphore, #tpu.memory_space<semaphore_mem>>) src(%arg17 : memref<16x128xf32, #tpu.memory_space<vmem>>) dst(%dma_wait3A_406 : memref<16x128xf32, #tpu.memory_space<hbm>>)
      %add3A_407 = arith.constant 3 : i32
      %add3A_408 = arith.addi %mul3A_311, %add3A_407 : i32
      %min3A_409 = arith.constant 39 : i32
      %min3A_410 = arith.minsi %add3A_408, %min3A_409 : i32
      %mul3A_411 = arith.constant 640 : i32
      %mul3A_412 = arith.muli %arg1, %mul3A_411 : i32
      %mul3A_413 = arith.constant 16 : i32
      %mul3A_414 = arith.muli %min3A_410, %mul3A_413 : i32
      %add3A_415 = arith.addi %mul3A_412, %mul3A_414 : i32
      %dma_start3A_416 = arith.constant 0 : i32
      %dma_start3A_417 = tpu.memref_slice %arg20[%add3A_415, %dma_start3A_416] : memref<10240x128xf32, #tpu.memory_space<vmem_shared>> -> memref<16x128xf32, #tpu.memory_space<vmem_shared>>
      %dma_start3A_418 = arith.constant 0 : i32
      %dma_start3A_419 = tpu.memref_slice %arg20[%add3A_415, %dma_start3A_418] : memref<10240x128xf32, #tpu.memory_space<vmem_shared>> -> memref<16x128xf32, #tpu.memory_space<vmem_shared>>
      tpu.enqueue_dma source(%dma_start3A_419 : memref<16x128xf32, #tpu.memory_space<vmem_shared>>) target(%arg17 : memref<16x128xf32, #tpu.memory_space<vmem>>) target_semaphore(%arg26 : memref<!tpu.dma_semaphore, #tpu.memory_space<semaphore_mem>>)
      %mul3A_420 = arith.constant 16 : i32
      %mul3A_421 = arith.muli %min3A_410, %mul3A_420 : i32
      %dma_start3A_422 = arith.constant 0 : i32
      %dma_start3A_423 = tpu.memref_slice %arg5[%arg1, %mul3A_421, %dma_start3A_422] : memref<16x640x16xf32, #tpu.memory_space<hbm>> -> memref<1x16x16xf32, #tpu.memory_space<hbm>>
      %dma_start3A_424 = tpu.memref_squeeze %dma_start3A_423 : memref<1x16x16xf32, #tpu.memory_space<hbm>> -> memref<16x16xf32, #tpu.memory_space<hbm>>
      %dma_start3A_425 = arith.constant 0 : i32
      %dma_start3A_426 = tpu.memref_slice %arg5[%arg1, %mul3A_421, %dma_start3A_425] : memref<16x640x16xf32, #tpu.memory_space<hbm>> -> memref<1x16x16xf32, #tpu.memory_space<hbm>>
      %dma_start3A_427 = tpu.memref_squeeze %dma_start3A_426 : memref<1x16x16xf32, #tpu.memory_space<hbm>> -> memref<16x16xf32, #tpu.memory_space<hbm>>
      tpu.enqueue_dma source(%dma_start3A_427 : memref<16x16xf32, #tpu.memory_space<hbm>>) target(%arg19 : memref<16x16xf32, #tpu.memory_space<vmem>>) target_semaphore(%arg22 : memref<!tpu.dma_semaphore, #tpu.memory_space<semaphore_mem>>)
    }
    %scan3A_122 = arith.constant 20 : i32
    %mul3A_123 = arith.constant 640 : i32
    %mul3A_124 = arith.muli %arg1, %mul3A_123 : i32
    %dma_wait3A_125 = arith.constant 0 : i32
    %dma_wait3A_126 = tpu.memref_slice %arg20[%mul3A_124, %dma_wait3A_125] : memref<10240x128xf32, #tpu.memory_space<vmem_shared>> -> memref<16x128xf32, #tpu.memory_space<vmem_shared>>
    %dma_wait3A_127 = arith.constant 0 : i32
    %dma_wait3A_128 = tpu.memref_slice %arg20[%mul3A_124, %dma_wait3A_127] : memref<10240x128xf32, #tpu.memory_space<vmem_shared>> -> memref<16x128xf32, #tpu.memory_space<vmem_shared>>
    tpu.wait_dma2 semaphore(%arg25 : memref<!tpu.dma_semaphore, #tpu.memory_space<semaphore_mem>>) src(%dma_wait3A_128 : memref<16x128xf32, #tpu.memory_space<vmem_shared>>) dst(%arg16 : memref<16x128xf32, #tpu.memory_space<vmem>>)
    %dma_wait3A_129 = arith.constant 0 : i32
    %dma_wait3A_130 = arith.constant 0 : i32
    %dma_wait3A_131 = tpu.memref_slice %arg5[%arg1, %dma_wait3A_129, %dma_wait3A_130] : memref<16x640x16xf32, #tpu.memory_space<hbm>> -> memref<1x16x16xf32, #tpu.memory_space<hbm>>
    %dma_wait3A_132 = tpu.memref_squeeze %dma_wait3A_131 : memref<1x16x16xf32, #tpu.memory_space<hbm>> -> memref<16x16xf32, #tpu.memory_space<hbm>>
    %dma_wait3A_133 = arith.constant 0 : i32
    %dma_wait3A_134 = arith.constant 0 : i32
    %dma_wait3A_135 = tpu.memref_slice %arg5[%arg1, %dma_wait3A_133, %dma_wait3A_134] : memref<16x640x16xf32, #tpu.memory_space<hbm>> -> memref<1x16x16xf32, #tpu.memory_space<hbm>>
    %dma_wait3A_136 = tpu.memref_squeeze %dma_wait3A_135 : memref<1x16x16xf32, #tpu.memory_space<hbm>> -> memref<16x16xf32, #tpu.memory_space<hbm>>
    tpu.wait_dma2 semaphore(%arg21 : memref<!tpu.dma_semaphore, #tpu.memory_space<semaphore_mem>>) src(%dma_wait3A_136 : memref<16x16xf32, #tpu.memory_space<hbm>>) dst(%arg18 : memref<16x16xf32, #tpu.memory_space<vmem>>)
    %mul3A_137 = arith.constant 640 : i32
    %mul3A_138 = arith.muli %arg1, %mul3A_137 : i32
    %dma_wait3A_139 = arith.constant 0 : i32
    %dma_wait3A_140 = tpu.memref_slice %arg20[%mul3A_138, %dma_wait3A_139] : memref<10240x128xf32, #tpu.memory_space<vmem_shared>> -> memref<16x128xf32, #tpu.memory_space<vmem_shared>>
    %dma_wait3A_141 = arith.constant 0 : i32
    %dma_wait3A_142 = tpu.memref_slice %arg20[%mul3A_138, %dma_wait3A_141] : memref<10240x128xf32, #tpu.memory_space<vmem_shared>> -> memref<16x128xf32, #tpu.memory_space<vmem_shared>>
    tpu.wait_dma2 semaphore(%arg26 : memref<!tpu.dma_semaphore, #tpu.memory_space<semaphore_mem>>) src(%dma_wait3A_142 : memref<16x128xf32, #tpu.memory_space<vmem_shared>>) dst(%arg17 : memref<16x128xf32, #tpu.memory_space<vmem>>)
    %dma_wait3A_143 = arith.constant 0 : i32
    %dma_wait3A_144 = arith.constant 0 : i32
    %dma_wait3A_145 = tpu.memref_slice %arg5[%arg1, %dma_wait3A_143, %dma_wait3A_144] : memref<16x640x16xf32, #tpu.memory_space<hbm>> -> memref<1x16x16xf32, #tpu.memory_space<hbm>>
    %dma_wait3A_146 = tpu.memref_squeeze %dma_wait3A_145 : memref<1x16x16xf32, #tpu.memory_space<hbm>> -> memref<16x16xf32, #tpu.memory_space<hbm>>
    %dma_wait3A_147 = arith.constant 0 : i32
    %dma_wait3A_148 = arith.constant 0 : i32
    %dma_wait3A_149 = tpu.memref_slice %arg5[%arg1, %dma_wait3A_147, %dma_wait3A_148] : memref<16x640x16xf32, #tpu.memory_space<hbm>> -> memref<1x16x16xf32, #tpu.memory_space<hbm>>
    %dma_wait3A_150 = tpu.memref_squeeze %dma_wait3A_149 : memref<1x16x16xf32, #tpu.memory_space<hbm>> -> memref<16x16xf32, #tpu.memory_space<hbm>>
    tpu.wait_dma2 semaphore(%arg22 : memref<!tpu.dma_semaphore, #tpu.memory_space<semaphore_mem>>) src(%dma_wait3A_150 : memref<16x16xf32, #tpu.memory_space<hbm>>) dst(%arg19 : memref<16x16xf32, #tpu.memory_space<vmem>>)
    "tpu.region"() ({
      %run_scoped3A = tpu.sem_alloc : memref<!tpu.dma_semaphore, #tpu.memory_space<semaphore_mem>>
      tpu.enqueue_dma source(%arg7 : memref<16x128xf32, #tpu.memory_space<hbm>>) target(%arg16 : memref<16x128xf32, #tpu.memory_space<vmem>>) target_semaphore(%run_scoped3A : memref<!tpu.dma_semaphore, #tpu.memory_space<semaphore_mem>>)
      tpu.wait_dma2 semaphore(%run_scoped3A : memref<!tpu.dma_semaphore, #tpu.memory_space<semaphore_mem>>) src(%arg7 : memref<16x128xf32, #tpu.memory_space<hbm>>) dst(%arg16 : memref<16x128xf32, #tpu.memory_space<vmem>>)
      tpu.yield
    }) : () -> ()
    %scan3A_151 = arith.constant 0 : i32
    %scan3A_152 = arith.constant 0 : i32
    %scan3A_153 = arith.constant 40 : i32
    %scan3A_154 = arith.addi %scan3A_152, %scan3A_153 : i32
    %scan3A_155 = arith.constant 1 : i32
    scf.for %scan3A_309 = %scan3A_152 to %scan3A_154 step %scan3A_155  : i32 {
      %mul3A_310 = arith.constant 640 : i32
      %mul3A_311 = arith.muli %arg1, %mul3A_310 : i32
      %mul3A_312 = arith.constant 16 : i32
      %mul3A_313 = arith.muli %scan3A_309, %mul3A_312 : i32
      %add3A_314 = arith.addi %mul3A_311, %mul3A_313 : i32
      %dma_start3A_315 = arith.constant 0 : i32
      %dma_start3A_316 = tpu.memref_slice %arg20[%add3A_314, %dma_start3A_315] : memref<10240x128xf32, #tpu.memory_space<vmem_shared>> -> memref<16x128xf32, #tpu.memory_space<vmem_shared>>
      %dma_start3A_317 = arith.constant 0 : i32
      %dma_start3A_318 = tpu.memref_slice %arg20[%add3A_314, %dma_start3A_317] : memref<10240x128xf32, #tpu.memory_space<vmem_shared>> -> memref<16x128xf32, #tpu.memory_space<vmem_shared>>
      tpu.enqueue_dma source(%arg16 : memref<16x128xf32, #tpu.memory_space<vmem>>) target(%dma_start3A_318 : memref<16x128xf32, #tpu.memory_space<vmem_shared>>) target_semaphore(%arg25 : memref<!tpu.dma_semaphore, #tpu.memory_space<semaphore_mem>>)
    }
    %scan3A_156 = arith.constant 40 : i32
    %scan3A_157 = arith.constant 0 : i32
    %scan3A_158 = arith.constant 0 : i32
    %scan3A_159 = arith.constant 40 : i32
    %scan3A_160 = arith.addi %scan3A_158, %scan3A_159 : i32
    %scan3A_161 = arith.constant 1 : i32
    scf.for %scan3A_309 = %scan3A_158 to %scan3A_160 step %scan3A_161  : i32 {
      %mul3A_310 = arith.constant 640 : i32
      %mul3A_311 = arith.muli %arg1, %mul3A_310 : i32
      %dma_wait3A_312 = arith.constant 0 : i32
      %dma_wait3A_313 = tpu.memref_slice %arg20[%mul3A_311, %dma_wait3A_312] : memref<10240x128xf32, #tpu.memory_space<vmem_shared>> -> memref<16x128xf32, #tpu.memory_space<vmem_shared>>
      %dma_wait3A_314 = arith.constant 0 : i32
      %dma_wait3A_315 = tpu.memref_slice %arg20[%mul3A_311, %dma_wait3A_314] : memref<10240x128xf32, #tpu.memory_space<vmem_shared>> -> memref<16x128xf32, #tpu.memory_space<vmem_shared>>
      tpu.wait_dma2 semaphore(%arg25 : memref<!tpu.dma_semaphore, #tpu.memory_space<semaphore_mem>>) src(%arg16 : memref<16x128xf32, #tpu.memory_space<vmem>>) dst(%dma_wait3A_315 : memref<16x128xf32, #tpu.memory_space<vmem_shared>>)
    }
    %scan3A_162 = arith.constant 40 : i32
    %barrier3A_163 = arith.constant 0 : index
    tpu.barrier barrier_id(%barrier3A_163)
    %dma_start3A_164 = arith.constant 1 : i32
    %dma_start3A_165 = arith.constant 0 : i32
    %dma_start3A_166 = arith.constant 0 : i32
    %dma_start3A_167 = tpu.memref_slice %arg3[%dma_start3A_164, %arg0, %arg1, %dma_start3A_165, %dma_start3A_166] : memref<2x2x16x82x128xi32, #tpu.memory_space<hbm>> -> memref<1x1x1x1x128xi32, #tpu.memory_space<hbm>>
    %dma_start3A_168 = tpu.memref_squeeze %dma_start3A_167 : memref<1x1x1x1x128xi32, #tpu.memory_space<hbm>> -> memref<128xi32, #tpu.memory_space<hbm>>
    %dma_start3A_169 = arith.constant 0 : i32
    %dma_start3A_170 = tpu.memref_slice %arg3[%dma_start3A_164, %arg0, %arg1, %dma_start3A_165, %dma_start3A_169] : memref<2x2x16x82x128xi32, #tpu.memory_space<hbm>> -> memref<1x1x1x1x128xi32, #tpu.memory_space<hbm>>
    %dma_start3A_171 = tpu.memref_squeeze %dma_start3A_170 : memref<1x1x1x1x128xi32, #tpu.memory_space<hbm>> -> memref<128xi32, #tpu.memory_space<hbm>>
    tpu.enqueue_dma source(%dma_start3A_171 : memref<128xi32, #tpu.memory_space<hbm>>) target(%arg10 : memref<128xi32, #tpu.memory_space<vmem>>) target_semaphore(%arg21 : memref<!tpu.dma_semaphore, #tpu.memory_space<semaphore_mem>>)
    %dma_start3A_172 = arith.constant 1 : i32
    %dma_start3A_173 = arith.constant 0 : i32
    %dma_start3A_174 = arith.constant 0 : i32
    %dma_start3A_175 = tpu.memref_slice %arg4[%dma_start3A_172, %arg1, %dma_start3A_173, %dma_start3A_174] : memref<2x16x82x128xi32, #tpu.memory_space<hbm>> -> memref<1x1x1x128xi32, #tpu.memory_space<hbm>>
    %dma_start3A_176 = tpu.memref_squeeze %dma_start3A_175 : memref<1x1x1x128xi32, #tpu.memory_space<hbm>> -> memref<128xi32, #tpu.memory_space<hbm>>
    %dma_start3A_177 = arith.constant 0 : i32
    %dma_start3A_178 = tpu.memref_slice %arg4[%dma_start3A_172, %arg1, %dma_start3A_173, %dma_start3A_177] : memref<2x16x82x128xi32, #tpu.memory_space<hbm>> -> memref<1x1x1x128xi32, #tpu.memory_space<hbm>>
    %dma_start3A_179 = tpu.memref_squeeze %dma_start3A_178 : memref<1x1x1x128xi32, #tpu.memory_space<hbm>> -> memref<128xi32, #tpu.memory_space<hbm>>
    tpu.enqueue_dma source(%dma_start3A_179 : memref<128xi32, #tpu.memory_space<hbm>>) target(%arg11 : memref<128xi32, #tpu.memory_space<vmem>>) target_semaphore(%arg23 : memref<!tpu.dma_semaphore, #tpu.memory_space<semaphore_mem>>)
    %dma_start3A_180 = arith.constant 1 : i32
    %dma_start3A_181 = arith.constant 1 : i32
    %dma_start3A_182 = arith.constant 0 : i32
    %dma_start3A_183 = tpu.memref_slice %arg3[%dma_start3A_180, %arg0, %arg1, %dma_start3A_181, %dma_start3A_182] : memref<2x2x16x82x128xi32, #tpu.memory_space<hbm>> -> memref<1x1x1x1x128xi32, #tpu.memory_space<hbm>>
    %dma_start3A_184 = tpu.memref_squeeze %dma_start3A_183 : memref<1x1x1x1x128xi32, #tpu.memory_space<hbm>> -> memref<128xi32, #tpu.memory_space<hbm>>
    %dma_start3A_185 = arith.constant 0 : i32
    %dma_start3A_186 = tpu.memref_slice %arg3[%dma_start3A_180, %arg0, %arg1, %dma_start3A_181, %dma_start3A_185] : memref<2x2x16x82x128xi32, #tpu.memory_space<hbm>> -> memref<1x1x1x1x128xi32, #tpu.memory_space<hbm>>
    %dma_start3A_187 = tpu.memref_squeeze %dma_start3A_186 : memref<1x1x1x1x128xi32, #tpu.memory_space<hbm>> -> memref<128xi32, #tpu.memory_space<hbm>>
    tpu.enqueue_dma source(%dma_start3A_187 : memref<128xi32, #tpu.memory_space<hbm>>) target(%arg12 : memref<128xi32, #tpu.memory_space<vmem>>) target_semaphore(%arg22 : memref<!tpu.dma_semaphore, #tpu.memory_space<semaphore_mem>>)
    %dma_start3A_188 = arith.constant 1 : i32
    %dma_start3A_189 = arith.constant 1 : i32
    %dma_start3A_190 = arith.constant 0 : i32
    %dma_start3A_191 = tpu.memref_slice %arg4[%dma_start3A_188, %arg1, %dma_start3A_189, %dma_start3A_190] : memref<2x16x82x128xi32, #tpu.memory_space<hbm>> -> memref<1x1x1x128xi32, #tpu.memory_space<hbm>>
    %dma_start3A_192 = tpu.memref_squeeze %dma_start3A_191 : memref<1x1x1x128xi32, #tpu.memory_space<hbm>> -> memref<128xi32, #tpu.memory_space<hbm>>
    %dma_start3A_193 = arith.constant 0 : i32
    %dma_start3A_194 = tpu.memref_slice %arg4[%dma_start3A_188, %arg1, %dma_start3A_189, %dma_start3A_193] : memref<2x16x82x128xi32, #tpu.memory_space<hbm>> -> memref<1x1x1x128xi32, #tpu.memory_space<hbm>>
    %dma_start3A_195 = tpu.memref_squeeze %dma_start3A_194 : memref<1x1x1x128xi32, #tpu.memory_space<hbm>> -> memref<128xi32, #tpu.memory_space<hbm>>
    tpu.enqueue_dma source(%dma_start3A_195 : memref<128xi32, #tpu.memory_space<hbm>>) target(%arg13 : memref<128xi32, #tpu.memory_space<vmem>>) target_semaphore(%arg24 : memref<!tpu.dma_semaphore, #tpu.memory_space<semaphore_mem>>)
    %scan3A_196 = arith.constant 0 : i32
    %scan3A_197 = arith.constant 0 : i32
    %scan3A_198 = arith.constant 40 : i32
    %scan3A_199 = arith.addi %scan3A_197, %scan3A_198 : i32
    %scan3A_200 = arith.constant 1 : i32
    scf.for %scan3A_309 = %scan3A_197 to %scan3A_199 step %scan3A_200  : i32 {
      %mul3A_310 = arith.constant 2 : i32
      %mul3A_311 = arith.muli %mul3A_310, %scan3A_309 : i32
      %dma_wait3A_312 = arith.constant 1 : i32
      %dma_wait3A_313 = arith.constant 0 : i32
      %dma_wait3A_314 = arith.constant 0 : i32
      %dma_wait3A_315 = tpu.memref_slice %arg3[%dma_wait3A_312, %arg0, %arg1, %dma_wait3A_313, %dma_wait3A_314] : memref<2x2x16x82x128xi32, #tpu.memory_space<hbm>> -> memref<1x1x1x1x128xi32, #tpu.memory_space<hbm>>
      %dma_wait3A_316 = tpu.memref_squeeze %dma_wait3A_315 : memref<1x1x1x1x128xi32, #tpu.memory_space<hbm>> -> memref<128xi32, #tpu.memory_space<hbm>>
      %dma_wait3A_317 = arith.constant 0 : i32
      %dma_wait3A_318 = tpu.memref_slice %arg3[%dma_wait3A_312, %arg0, %arg1, %dma_wait3A_313, %dma_wait3A_317] : memref<2x2x16x82x128xi32, #tpu.memory_space<hbm>> -> memref<1x1x1x1x128xi32, #tpu.memory_space<hbm>>
      %dma_wait3A_319 = tpu.memref_squeeze %dma_wait3A_318 : memref<1x1x1x1x128xi32, #tpu.memory_space<hbm>> -> memref<128xi32, #tpu.memory_space<hbm>>
      tpu.wait_dma2 semaphore(%arg21 : memref<!tpu.dma_semaphore, #tpu.memory_space<semaphore_mem>>) src(%dma_wait3A_319 : memref<128xi32, #tpu.memory_space<hbm>>) dst(%arg10 : memref<128xi32, #tpu.memory_space<vmem>>)
      %dma_start3A_320 = arith.constant 0 : i32
      %dma_start3A_321 = arith.constant 0 : i32
      %dma_start3A_322 = tpu.memref_slice %arg9[%dma_start3A_320, %dma_start3A_321] : memref<20480x128xf32, #tpu.memory_space<hbm>> -> memref<20480x128xf32, #tpu.memory_space<hbm>>
      tpu.enqueue_indirect_dma source(%dma_start3A_322 : memref<20480x128xf32, #tpu.memory_space<hbm>>) target(%arg14 : memref<128x128xf32, #tpu.memory_space<vmem>>) offsets(%arg10 : memref<128xi32, #tpu.memory_space<vmem>>) semaphore(%arg25 : memref<!tpu.dma_semaphore, #tpu.memory_space<semaphore_mem>>)
      %dma_wait3A_323 = arith.constant 1 : i32
      %dma_wait3A_324 = arith.constant 0 : i32
      %dma_wait3A_325 = arith.constant 0 : i32
      %dma_wait3A_326 = tpu.memref_slice %arg3[%dma_wait3A_323, %arg0, %arg1, %dma_wait3A_324, %dma_wait3A_325] : memref<2x2x16x82x128xi32, #tpu.memory_space<hbm>> -> memref<1x1x1x1x128xi32, #tpu.memory_space<hbm>>
      %dma_wait3A_327 = tpu.memref_squeeze %dma_wait3A_326 : memref<1x1x1x1x128xi32, #tpu.memory_space<hbm>> -> memref<128xi32, #tpu.memory_space<hbm>>
      %dma_wait3A_328 = arith.constant 0 : i32
      %dma_wait3A_329 = tpu.memref_slice %arg3[%dma_wait3A_323, %arg0, %arg1, %dma_wait3A_324, %dma_wait3A_328] : memref<2x2x16x82x128xi32, #tpu.memory_space<hbm>> -> memref<1x1x1x1x128xi32, #tpu.memory_space<hbm>>
      %dma_wait3A_330 = tpu.memref_squeeze %dma_wait3A_329 : memref<1x1x1x1x128xi32, #tpu.memory_space<hbm>> -> memref<128xi32, #tpu.memory_space<hbm>>
      tpu.wait_dma2 semaphore(%arg22 : memref<!tpu.dma_semaphore, #tpu.memory_space<semaphore_mem>>) src(%dma_wait3A_330 : memref<128xi32, #tpu.memory_space<hbm>>) dst(%arg12 : memref<128xi32, #tpu.memory_space<vmem>>)
      %dma_start3A_331 = arith.constant 0 : i32
      %dma_start3A_332 = arith.constant 0 : i32
      %dma_start3A_333 = tpu.memref_slice %arg9[%dma_start3A_331, %dma_start3A_332] : memref<20480x128xf32, #tpu.memory_space<hbm>> -> memref<20480x128xf32, #tpu.memory_space<hbm>>
      tpu.enqueue_indirect_dma source(%dma_start3A_333 : memref<20480x128xf32, #tpu.memory_space<hbm>>) target(%arg15 : memref<128x128xf32, #tpu.memory_space<vmem>>) offsets(%arg12 : memref<128xi32, #tpu.memory_space<vmem>>) semaphore(%arg26 : memref<!tpu.dma_semaphore, #tpu.memory_space<semaphore_mem>>)
      %dma_wait3A_334 = arith.constant 0 : i32
      %dma_wait3A_335 = arith.constant 0 : i32
      %dma_wait3A_336 = tpu.memref_slice %arg9[%dma_wait3A_334, %dma_wait3A_335] : memref<20480x128xf32, #tpu.memory_space<hbm>> -> memref<20480x128xf32, #tpu.memory_space<hbm>>
      tpu.wait_indirect_dma semaphore(%arg25 : memref<!tpu.dma_semaphore, #tpu.memory_space<semaphore_mem>>) src(%dma_wait3A_336 : memref<20480x128xf32, #tpu.memory_space<hbm>>) dst(%arg14 : memref<128x128xf32, #tpu.memory_space<vmem>>)
      %dma_wait3A_337 = arith.constant 1 : i32
      %dma_wait3A_338 = arith.constant 0 : i32
      %dma_wait3A_339 = arith.constant 0 : i32
      %dma_wait3A_340 = tpu.memref_slice %arg4[%dma_wait3A_337, %arg1, %dma_wait3A_338, %dma_wait3A_339] : memref<2x16x82x128xi32, #tpu.memory_space<hbm>> -> memref<1x1x1x128xi32, #tpu.memory_space<hbm>>
      %dma_wait3A_341 = tpu.memref_squeeze %dma_wait3A_340 : memref<1x1x1x128xi32, #tpu.memory_space<hbm>> -> memref<128xi32, #tpu.memory_space<hbm>>
      %dma_wait3A_342 = arith.constant 0 : i32
      %dma_wait3A_343 = tpu.memref_slice %arg4[%dma_wait3A_337, %arg1, %dma_wait3A_338, %dma_wait3A_342] : memref<2x16x82x128xi32, #tpu.memory_space<hbm>> -> memref<1x1x1x128xi32, #tpu.memory_space<hbm>>
      %dma_wait3A_344 = tpu.memref_squeeze %dma_wait3A_343 : memref<1x1x1x128xi32, #tpu.memory_space<hbm>> -> memref<128xi32, #tpu.memory_space<hbm>>
      tpu.wait_dma2 semaphore(%arg23 : memref<!tpu.dma_semaphore, #tpu.memory_space<semaphore_mem>>) src(%dma_wait3A_344 : memref<128xi32, #tpu.memory_space<hbm>>) dst(%arg11 : memref<128xi32, #tpu.memory_space<vmem>>)
      "tpu.region"() ({
        %run_scoped3A = tpu.sem_alloc : memref<!tpu.dma_semaphore, #tpu.memory_space<semaphore_mem>>
        %dma_start3A_392 = arith.constant 0 : i32
        %dma_start3A_393 = arith.constant 0 : i32
        %dma_start3A_394 = tpu.memref_slice %arg20[%dma_start3A_392, %dma_start3A_393] : memref<10240x128xf32, #tpu.memory_space<vmem_shared>> -> memref<10240x128xf32, #tpu.memory_space<vmem_shared>>
        tpu.enqueue_indirect_dma source(%arg14 : memref<128x128xf32, #tpu.memory_space<vmem>>) target(%dma_start3A_394 : memref<10240x128xf32, #tpu.memory_space<vmem_shared>>) offsets(%arg11 : memref<128xi32, #tpu.memory_space<vmem>>) semaphore(%run_scoped3A : memref<!tpu.dma_semaphore, #tpu.memory_space<semaphore_mem>>) {add = true}
        %dma_wait3A_395 = arith.constant 0 : i32
        %dma_wait3A_396 = arith.constant 0 : i32
        %dma_wait3A_397 = tpu.memref_slice %arg20[%dma_wait3A_395, %dma_wait3A_396] : memref<10240x128xf32, #tpu.memory_space<vmem_shared>> -> memref<10240x128xf32, #tpu.memory_space<vmem_shared>>
        tpu.wait_indirect_dma semaphore(%run_scoped3A : memref<!tpu.dma_semaphore, #tpu.memory_space<semaphore_mem>>) src(%arg14 : memref<128x128xf32, #tpu.memory_space<vmem>>) dst(%dma_wait3A_397 : memref<10240x128xf32, #tpu.memory_space<vmem_shared>>)
        tpu.yield
      }) : () -> ()
      %add3A_345 = arith.constant 2 : i32
      %add3A_346 = arith.addi %mul3A_311, %add3A_345 : i32
      %dma_start3A_347 = arith.constant 1 : i32
      %dma_start3A_348 = arith.constant 0 : i32
      %dma_start3A_349 = tpu.memref_slice %arg3[%dma_start3A_347, %arg0, %arg1, %add3A_346, %dma_start3A_348] : memref<2x2x16x82x128xi32, #tpu.memory_space<hbm>> -> memref<1x1x1x1x128xi32, #tpu.memory_space<hbm>>
      %dma_start3A_350 = tpu.memref_squeeze %dma_start3A_349 : memref<1x1x1x1x128xi32, #tpu.memory_space<hbm>> -> memref<128xi32, #tpu.memory_space<hbm>>
      %dma_start3A_351 = arith.constant 0 : i32
      %dma_start3A_352 = tpu.memref_slice %arg3[%dma_start3A_347, %arg0, %arg1, %add3A_346, %dma_start3A_351] : memref<2x2x16x82x128xi32, #tpu.memory_space<hbm>> -> memref<1x1x1x1x128xi32, #tpu.memory_space<hbm>>
      %dma_start3A_353 = tpu.memref_squeeze %dma_start3A_352 : memref<1x1x1x1x128xi32, #tpu.memory_space<hbm>> -> memref<128xi32, #tpu.memory_space<hbm>>
      tpu.enqueue_dma source(%dma_start3A_353 : memref<128xi32, #tpu.memory_space<hbm>>) target(%arg10 : memref<128xi32, #tpu.memory_space<vmem>>) target_semaphore(%arg21 : memref<!tpu.dma_semaphore, #tpu.memory_space<semaphore_mem>>)
      %add3A_354 = arith.constant 2 : i32
      %add3A_355 = arith.addi %mul3A_311, %add3A_354 : i32
      %dma_start3A_356 = arith.constant 1 : i32
      %dma_start3A_357 = arith.constant 0 : i32
      %dma_start3A_358 = tpu.memref_slice %arg4[%dma_start3A_356, %arg1, %add3A_355, %dma_start3A_357] : memref<2x16x82x128xi32, #tpu.memory_space<hbm>> -> memref<1x1x1x128xi32, #tpu.memory_space<hbm>>
      %dma_start3A_359 = tpu.memref_squeeze %dma_start3A_358 : memref<1x1x1x128xi32, #tpu.memory_space<hbm>> -> memref<128xi32, #tpu.memory_space<hbm>>
      %dma_start3A_360 = arith.constant 0 : i32
      %dma_start3A_361 = tpu.memref_slice %arg4[%dma_start3A_356, %arg1, %add3A_355, %dma_start3A_360] : memref<2x16x82x128xi32, #tpu.memory_space<hbm>> -> memref<1x1x1x128xi32, #tpu.memory_space<hbm>>
      %dma_start3A_362 = tpu.memref_squeeze %dma_start3A_361 : memref<1x1x1x128xi32, #tpu.memory_space<hbm>> -> memref<128xi32, #tpu.memory_space<hbm>>
      tpu.enqueue_dma source(%dma_start3A_362 : memref<128xi32, #tpu.memory_space<hbm>>) target(%arg11 : memref<128xi32, #tpu.memory_space<vmem>>) target_semaphore(%arg23 : memref<!tpu.dma_semaphore, #tpu.memory_space<semaphore_mem>>)
      %dma_wait3A_363 = arith.constant 0 : i32
      %dma_wait3A_364 = arith.constant 0 : i32
      %dma_wait3A_365 = tpu.memref_slice %arg9[%dma_wait3A_363, %dma_wait3A_364] : memref<20480x128xf32, #tpu.memory_space<hbm>> -> memref<20480x128xf32, #tpu.memory_space<hbm>>
      tpu.wait_indirect_dma semaphore(%arg26 : memref<!tpu.dma_semaphore, #tpu.memory_space<semaphore_mem>>) src(%dma_wait3A_365 : memref<20480x128xf32, #tpu.memory_space<hbm>>) dst(%arg15 : memref<128x128xf32, #tpu.memory_space<vmem>>)
      %dma_wait3A_366 = arith.constant 1 : i32
      %dma_wait3A_367 = arith.constant 0 : i32
      %dma_wait3A_368 = arith.constant 0 : i32
      %dma_wait3A_369 = tpu.memref_slice %arg4[%dma_wait3A_366, %arg1, %dma_wait3A_367, %dma_wait3A_368] : memref<2x16x82x128xi32, #tpu.memory_space<hbm>> -> memref<1x1x1x128xi32, #tpu.memory_space<hbm>>
      %dma_wait3A_370 = tpu.memref_squeeze %dma_wait3A_369 : memref<1x1x1x128xi32, #tpu.memory_space<hbm>> -> memref<128xi32, #tpu.memory_space<hbm>>
      %dma_wait3A_371 = arith.constant 0 : i32
      %dma_wait3A_372 = tpu.memref_slice %arg4[%dma_wait3A_366, %arg1, %dma_wait3A_367, %dma_wait3A_371] : memref<2x16x82x128xi32, #tpu.memory_space<hbm>> -> memref<1x1x1x128xi32, #tpu.memory_space<hbm>>
      %dma_wait3A_373 = tpu.memref_squeeze %dma_wait3A_372 : memref<1x1x1x128xi32, #tpu.memory_space<hbm>> -> memref<128xi32, #tpu.memory_space<hbm>>
      tpu.wait_dma2 semaphore(%arg24 : memref<!tpu.dma_semaphore, #tpu.memory_space<semaphore_mem>>) src(%dma_wait3A_373 : memref<128xi32, #tpu.memory_space<hbm>>) dst(%arg13 : memref<128xi32, #tpu.memory_space<vmem>>)
      "tpu.region"() ({
        %run_scoped3A = tpu.sem_alloc : memref<!tpu.dma_semaphore, #tpu.memory_space<semaphore_mem>>
        %dma_start3A_392 = arith.constant 0 : i32
        %dma_start3A_393 = arith.constant 0 : i32
        %dma_start3A_394 = tpu.memref_slice %arg20[%dma_start3A_392, %dma_start3A_393] : memref<10240x128xf32, #tpu.memory_space<vmem_shared>> -> memref<10240x128xf32, #tpu.memory_space<vmem_shared>>
        tpu.enqueue_indirect_dma source(%arg15 : memref<128x128xf32, #tpu.memory_space<vmem>>) target(%dma_start3A_394 : memref<10240x128xf32, #tpu.memory_space<vmem_shared>>) offsets(%arg13 : memref<128xi32, #tpu.memory_space<vmem>>) semaphore(%run_scoped3A : memref<!tpu.dma_semaphore, #tpu.memory_space<semaphore_mem>>) {add = true}
        %dma_wait3A_395 = arith.constant 0 : i32
        %dma_wait3A_396 = arith.constant 0 : i32
        %dma_wait3A_397 = tpu.memref_slice %arg20[%dma_wait3A_395, %dma_wait3A_396] : memref<10240x128xf32, #tpu.memory_space<vmem_shared>> -> memref<10240x128xf32, #tpu.memory_space<vmem_shared>>
        tpu.wait_indirect_dma semaphore(%run_scoped3A : memref<!tpu.dma_semaphore, #tpu.memory_space<semaphore_mem>>) src(%arg15 : memref<128x128xf32, #tpu.memory_space<vmem>>) dst(%dma_wait3A_397 : memref<10240x128xf32, #tpu.memory_space<vmem_shared>>)
        tpu.yield
      }) : () -> ()
      %add3A_374 = arith.constant 3 : i32
      %add3A_375 = arith.addi %mul3A_311, %add3A_374 : i32
      %dma_start3A_376 = arith.constant 1 : i32
      %dma_start3A_377 = arith.constant 0 : i32
      %dma_start3A_378 = tpu.memref_slice %arg3[%dma_start3A_376, %arg0, %arg1, %add3A_375, %dma_start3A_377] : memref<2x2x16x82x128xi32, #tpu.memory_space<hbm>> -> memref<1x1x1x1x128xi32, #tpu.memory_space<hbm>>
      %dma_start3A_379 = tpu.memref_squeeze %dma_start3A_378 : memref<1x1x1x1x128xi32, #tpu.memory_space<hbm>> -> memref<128xi32, #tpu.memory_space<hbm>>
      %dma_start3A_380 = arith.constant 0 : i32
      %dma_start3A_381 = tpu.memref_slice %arg3[%dma_start3A_376, %arg0, %arg1, %add3A_375, %dma_start3A_380] : memref<2x2x16x82x128xi32, #tpu.memory_space<hbm>> -> memref<1x1x1x1x128xi32, #tpu.memory_space<hbm>>
      %dma_start3A_382 = tpu.memref_squeeze %dma_start3A_381 : memref<1x1x1x1x128xi32, #tpu.memory_space<hbm>> -> memref<128xi32, #tpu.memory_space<hbm>>
      tpu.enqueue_dma source(%dma_start3A_382 : memref<128xi32, #tpu.memory_space<hbm>>) target(%arg12 : memref<128xi32, #tpu.memory_space<vmem>>) target_semaphore(%arg22 : memref<!tpu.dma_semaphore, #tpu.memory_space<semaphore_mem>>)
      %add3A_383 = arith.constant 3 : i32
      %add3A_384 = arith.addi %mul3A_311, %add3A_383 : i32
      %dma_start3A_385 = arith.constant 1 : i32
      %dma_start3A_386 = arith.constant 0 : i32
      %dma_start3A_387 = tpu.memref_slice %arg4[%dma_start3A_385, %arg1, %add3A_384, %dma_start3A_386] : memref<2x16x82x128xi32, #tpu.memory_space<hbm>> -> memref<1x1x1x128xi32, #tpu.memory_space<hbm>>
      %dma_start3A_388 = tpu.memref_squeeze %dma_start3A_387 : memref<1x1x1x128xi32, #tpu.memory_space<hbm>> -> memref<128xi32, #tpu.memory_space<hbm>>
      %dma_start3A_389 = arith.constant 0 : i32
      %dma_start3A_390 = tpu.memref_slice %arg4[%dma_start3A_385, %arg1, %add3A_384, %dma_start3A_389] : memref<2x16x82x128xi32, #tpu.memory_space<hbm>> -> memref<1x1x1x128xi32, #tpu.memory_space<hbm>>
      %dma_start3A_391 = tpu.memref_squeeze %dma_start3A_390 : memref<1x1x1x128xi32, #tpu.memory_space<hbm>> -> memref<128xi32, #tpu.memory_space<hbm>>
      tpu.enqueue_dma source(%dma_start3A_391 : memref<128xi32, #tpu.memory_space<hbm>>) target(%arg13 : memref<128xi32, #tpu.memory_space<vmem>>) target_semaphore(%arg24 : memref<!tpu.dma_semaphore, #tpu.memory_space<semaphore_mem>>)
    }
    %scan3A_201 = arith.constant 40 : i32
    %dma_wait3A_202 = arith.constant 1 : i32
    %dma_wait3A_203 = arith.constant 0 : i32
    %dma_wait3A_204 = arith.constant 0 : i32
    %dma_wait3A_205 = tpu.memref_slice %arg3[%dma_wait3A_202, %arg0, %arg1, %dma_wait3A_203, %dma_wait3A_204] : memref<2x2x16x82x128xi32, #tpu.memory_space<hbm>> -> memref<1x1x1x1x128xi32, #tpu.memory_space<hbm>>
    %dma_wait3A_206 = tpu.memref_squeeze %dma_wait3A_205 : memref<1x1x1x1x128xi32, #tpu.memory_space<hbm>> -> memref<128xi32, #tpu.memory_space<hbm>>
    %dma_wait3A_207 = arith.constant 0 : i32
    %dma_wait3A_208 = tpu.memref_slice %arg3[%dma_wait3A_202, %arg0, %arg1, %dma_wait3A_203, %dma_wait3A_207] : memref<2x2x16x82x128xi32, #tpu.memory_space<hbm>> -> memref<1x1x1x1x128xi32, #tpu.memory_space<hbm>>
    %dma_wait3A_209 = tpu.memref_squeeze %dma_wait3A_208 : memref<1x1x1x1x128xi32, #tpu.memory_space<hbm>> -> memref<128xi32, #tpu.memory_space<hbm>>
    tpu.wait_dma2 semaphore(%arg21 : memref<!tpu.dma_semaphore, #tpu.memory_space<semaphore_mem>>) src(%dma_wait3A_209 : memref<128xi32, #tpu.memory_space<hbm>>) dst(%arg10 : memref<128xi32, #tpu.memory_space<vmem>>)
    %dma_wait3A_210 = arith.constant 1 : i32
    %dma_wait3A_211 = arith.constant 0 : i32
    %dma_wait3A_212 = arith.constant 0 : i32
    %dma_wait3A_213 = tpu.memref_slice %arg4[%dma_wait3A_210, %arg1, %dma_wait3A_211, %dma_wait3A_212] : memref<2x16x82x128xi32, #tpu.memory_space<hbm>> -> memref<1x1x1x128xi32, #tpu.memory_space<hbm>>
    %dma_wait3A_214 = tpu.memref_squeeze %dma_wait3A_213 : memref<1x1x1x128xi32, #tpu.memory_space<hbm>> -> memref<128xi32, #tpu.memory_space<hbm>>
    %dma_wait3A_215 = arith.constant 0 : i32
    %dma_wait3A_216 = tpu.memref_slice %arg4[%dma_wait3A_210, %arg1, %dma_wait3A_211, %dma_wait3A_215] : memref<2x16x82x128xi32, #tpu.memory_space<hbm>> -> memref<1x1x1x128xi32, #tpu.memory_space<hbm>>
    %dma_wait3A_217 = tpu.memref_squeeze %dma_wait3A_216 : memref<1x1x1x128xi32, #tpu.memory_space<hbm>> -> memref<128xi32, #tpu.memory_space<hbm>>
    tpu.wait_dma2 semaphore(%arg23 : memref<!tpu.dma_semaphore, #tpu.memory_space<semaphore_mem>>) src(%dma_wait3A_217 : memref<128xi32, #tpu.memory_space<hbm>>) dst(%arg11 : memref<128xi32, #tpu.memory_space<vmem>>)
    %dma_wait3A_218 = arith.constant 1 : i32
    %dma_wait3A_219 = arith.constant 0 : i32
    %dma_wait3A_220 = arith.constant 0 : i32
    %dma_wait3A_221 = tpu.memref_slice %arg3[%dma_wait3A_218, %arg0, %arg1, %dma_wait3A_219, %dma_wait3A_220] : memref<2x2x16x82x128xi32, #tpu.memory_space<hbm>> -> memref<1x1x1x1x128xi32, #tpu.memory_space<hbm>>
    %dma_wait3A_222 = tpu.memref_squeeze %dma_wait3A_221 : memref<1x1x1x1x128xi32, #tpu.memory_space<hbm>> -> memref<128xi32, #tpu.memory_space<hbm>>
    %dma_wait3A_223 = arith.constant 0 : i32
    %dma_wait3A_224 = tpu.memref_slice %arg3[%dma_wait3A_218, %arg0, %arg1, %dma_wait3A_219, %dma_wait3A_223] : memref<2x2x16x82x128xi32, #tpu.memory_space<hbm>> -> memref<1x1x1x1x128xi32, #tpu.memory_space<hbm>>
    %dma_wait3A_225 = tpu.memref_squeeze %dma_wait3A_224 : memref<1x1x1x1x128xi32, #tpu.memory_space<hbm>> -> memref<128xi32, #tpu.memory_space<hbm>>
    tpu.wait_dma2 semaphore(%arg22 : memref<!tpu.dma_semaphore, #tpu.memory_space<semaphore_mem>>) src(%dma_wait3A_225 : memref<128xi32, #tpu.memory_space<hbm>>) dst(%arg12 : memref<128xi32, #tpu.memory_space<vmem>>)
    %dma_wait3A_226 = arith.constant 1 : i32
    %dma_wait3A_227 = arith.constant 0 : i32
    %dma_wait3A_228 = arith.constant 0 : i32
    %dma_wait3A_229 = tpu.memref_slice %arg4[%dma_wait3A_226, %arg1, %dma_wait3A_227, %dma_wait3A_228] : memref<2x16x82x128xi32, #tpu.memory_space<hbm>> -> memref<1x1x1x128xi32, #tpu.memory_space<hbm>>
    %dma_wait3A_230 = tpu.memref_squeeze %dma_wait3A_229 : memref<1x1x1x128xi32, #tpu.memory_space<hbm>> -> memref<128xi32, #tpu.memory_space<hbm>>
    %dma_wait3A_231 = arith.constant 0 : i32
    %dma_wait3A_232 = tpu.memref_slice %arg4[%dma_wait3A_226, %arg1, %dma_wait3A_227, %dma_wait3A_231] : memref<2x16x82x128xi32, #tpu.memory_space<hbm>> -> memref<1x1x1x128xi32, #tpu.memory_space<hbm>>
    %dma_wait3A_233 = tpu.memref_squeeze %dma_wait3A_232 : memref<1x1x1x128xi32, #tpu.memory_space<hbm>> -> memref<128xi32, #tpu.memory_space<hbm>>
    tpu.wait_dma2 semaphore(%arg24 : memref<!tpu.dma_semaphore, #tpu.memory_space<semaphore_mem>>) src(%dma_wait3A_233 : memref<128xi32, #tpu.memory_space<hbm>>) dst(%arg13 : memref<128xi32, #tpu.memory_space<vmem>>)
    %barrier3A_234 = arith.constant 0 : index
    tpu.barrier barrier_id(%barrier3A_234)
    %min3A_235 = arith.constant 0 : i32
    %min3A_236 = arith.constant 39 : i32
    %min3A_237 = arith.minsi %min3A_235, %min3A_236 : i32
    %mul3A_238 = arith.constant 640 : i32
    %mul3A_239 = arith.muli %arg1, %mul3A_238 : i32
    %mul3A_240 = arith.constant 16 : i32
    %mul3A_241 = arith.muli %min3A_237, %mul3A_240 : i32
    %add3A_242 = arith.addi %mul3A_239, %mul3A_241 : i32
    %dma_start3A_243 = arith.constant 0 : i32
    %dma_start3A_244 = tpu.memref_slice %arg20[%add3A_242, %dma_start3A_243] : memref<10240x128xf32, #tpu.memory_space<vmem_shared>> -> memref<16x128xf32, #tpu.memory_space<vmem_shared>>
    %dma_start3A_245 = arith.constant 0 : i32
    %dma_start3A_246 = tpu.memref_slice %arg20[%add3A_242, %dma_start3A_245] : memref<10240x128xf32, #tpu.memory_space<vmem_shared>> -> memref<16x128xf32, #tpu.memory_space<vmem_shared>>
    tpu.enqueue_dma source(%dma_start3A_246 : memref<16x128xf32, #tpu.memory_space<vmem_shared>>) target(%arg16 : memref<16x128xf32, #tpu.memory_space<vmem>>) target_semaphore(%arg25 : memref<!tpu.dma_semaphore, #tpu.memory_space<semaphore_mem>>)
    %mul3A_247 = arith.constant 16 : i32
    %mul3A_248 = arith.muli %min3A_237, %mul3A_247 : i32
    %dma_start3A_249 = arith.constant 0 : i32
    %dma_start3A_250 = tpu.memref_slice %arg6[%arg1, %mul3A_248, %dma_start3A_249] : memref<16x640x16xf32, #tpu.memory_space<hbm>> -> memref<1x16x16xf32, #tpu.memory_space<hbm>>
    %dma_start3A_251 = tpu.memref_squeeze %dma_start3A_250 : memref<1x16x16xf32, #tpu.memory_space<hbm>> -> memref<16x16xf32, #tpu.memory_space<hbm>>
    %dma_start3A_252 = arith.constant 0 : i32
    %dma_start3A_253 = tpu.memref_slice %arg6[%arg1, %mul3A_248, %dma_start3A_252] : memref<16x640x16xf32, #tpu.memory_space<hbm>> -> memref<1x16x16xf32, #tpu.memory_space<hbm>>
    %dma_start3A_254 = tpu.memref_squeeze %dma_start3A_253 : memref<1x16x16xf32, #tpu.memory_space<hbm>> -> memref<16x16xf32, #tpu.memory_space<hbm>>
    tpu.enqueue_dma source(%dma_start3A_254 : memref<16x16xf32, #tpu.memory_space<hbm>>) target(%arg18 : memref<16x16xf32, #tpu.memory_space<vmem>>) target_semaphore(%arg21 : memref<!tpu.dma_semaphore, #tpu.memory_space<semaphore_mem>>)
    %min3A_255 = arith.constant 1 : i32
    %min3A_256 = arith.constant 39 : i32
    %min3A_257 = arith.minsi %min3A_255, %min3A_256 : i32
    %mul3A_258 = arith.constant 640 : i32
    %mul3A_259 = arith.muli %arg1, %mul3A_258 : i32
    %mul3A_260 = arith.constant 16 : i32
    %mul3A_261 = arith.muli %min3A_257, %mul3A_260 : i32
    %add3A_262 = arith.addi %mul3A_259, %mul3A_261 : i32
    %dma_start3A_263 = arith.constant 0 : i32
    %dma_start3A_264 = tpu.memref_slice %arg20[%add3A_262, %dma_start3A_263] : memref<10240x128xf32, #tpu.memory_space<vmem_shared>> -> memref<16x128xf32, #tpu.memory_space<vmem_shared>>
    %dma_start3A_265 = arith.constant 0 : i32
    %dma_start3A_266 = tpu.memref_slice %arg20[%add3A_262, %dma_start3A_265] : memref<10240x128xf32, #tpu.memory_space<vmem_shared>> -> memref<16x128xf32, #tpu.memory_space<vmem_shared>>
    tpu.enqueue_dma source(%dma_start3A_266 : memref<16x128xf32, #tpu.memory_space<vmem_shared>>) target(%arg17 : memref<16x128xf32, #tpu.memory_space<vmem>>) target_semaphore(%arg26 : memref<!tpu.dma_semaphore, #tpu.memory_space<semaphore_mem>>)
    %mul3A_267 = arith.constant 16 : i32
    %mul3A_268 = arith.muli %min3A_257, %mul3A_267 : i32
    %dma_start3A_269 = arith.constant 0 : i32
    %dma_start3A_270 = tpu.memref_slice %arg6[%arg1, %mul3A_268, %dma_start3A_269] : memref<16x640x16xf32, #tpu.memory_space<hbm>> -> memref<1x16x16xf32, #tpu.memory_space<hbm>>
    %dma_start3A_271 = tpu.memref_squeeze %dma_start3A_270 : memref<1x16x16xf32, #tpu.memory_space<hbm>> -> memref<16x16xf32, #tpu.memory_space<hbm>>
    %dma_start3A_272 = arith.constant 0 : i32
    %dma_start3A_273 = tpu.memref_slice %arg6[%arg1, %mul3A_268, %dma_start3A_272] : memref<16x640x16xf32, #tpu.memory_space<hbm>> -> memref<1x16x16xf32, #tpu.memory_space<hbm>>
    %dma_start3A_274 = tpu.memref_squeeze %dma_start3A_273 : memref<1x16x16xf32, #tpu.memory_space<hbm>> -> memref<16x16xf32, #tpu.memory_space<hbm>>
    tpu.enqueue_dma source(%dma_start3A_274 : memref<16x16xf32, #tpu.memory_space<hbm>>) target(%arg19 : memref<16x16xf32, #tpu.memory_space<vmem>>) target_semaphore(%arg22 : memref<!tpu.dma_semaphore, #tpu.memory_space<semaphore_mem>>)
    %scan3A_275 = arith.constant 0 : i32
    %scan3A_276 = arith.constant 0 : i32
    %scan3A_277 = arith.constant 20 : i32
    %scan3A_278 = arith.addi %scan3A_276, %scan3A_277 : i32
    %scan3A_279 = arith.constant 1 : i32
    scf.for %scan3A_309 = %scan3A_276 to %scan3A_278 step %scan3A_279  : i32 {
      %mul3A_310 = arith.constant 2 : i32
      %mul3A_311 = arith.muli %mul3A_310, %scan3A_309 : i32
      %mul3A_312 = arith.constant 640 : i32
      %mul3A_313 = arith.muli %arg1, %mul3A_312 : i32
      %dma_wait3A_314 = arith.constant 0 : i32
      %dma_wait3A_315 = tpu.memref_slice %arg20[%mul3A_313, %dma_wait3A_314] : memref<10240x128xf32, #tpu.memory_space<vmem_shared>> -> memref<16x128xf32, #tpu.memory_space<vmem_shared>>
      %dma_wait3A_316 = arith.constant 0 : i32
      %dma_wait3A_317 = tpu.memref_slice %arg20[%mul3A_313, %dma_wait3A_316] : memref<10240x128xf32, #tpu.memory_space<vmem_shared>> -> memref<16x128xf32, #tpu.memory_space<vmem_shared>>
      tpu.wait_dma2 semaphore(%arg25 : memref<!tpu.dma_semaphore, #tpu.memory_space<semaphore_mem>>) src(%dma_wait3A_317 : memref<16x128xf32, #tpu.memory_space<vmem_shared>>) dst(%arg16 : memref<16x128xf32, #tpu.memory_space<vmem>>)
      %dma_wait3A_318 = arith.constant 0 : i32
      %dma_wait3A_319 = arith.constant 0 : i32
      %dma_wait3A_320 = tpu.memref_slice %arg6[%arg1, %dma_wait3A_318, %dma_wait3A_319] : memref<16x640x16xf32, #tpu.memory_space<hbm>> -> memref<1x16x16xf32, #tpu.memory_space<hbm>>
      %dma_wait3A_321 = tpu.memref_squeeze %dma_wait3A_320 : memref<1x16x16xf32, #tpu.memory_space<hbm>> -> memref<16x16xf32, #tpu.memory_space<hbm>>
      %dma_wait3A_322 = arith.constant 0 : i32
      %dma_wait3A_323 = arith.constant 0 : i32
      %dma_wait3A_324 = tpu.memref_slice %arg6[%arg1, %dma_wait3A_322, %dma_wait3A_323] : memref<16x640x16xf32, #tpu.memory_space<hbm>> -> memref<1x16x16xf32, #tpu.memory_space<hbm>>
      %dma_wait3A_325 = tpu.memref_squeeze %dma_wait3A_324 : memref<1x16x16xf32, #tpu.memory_space<hbm>> -> memref<16x16xf32, #tpu.memory_space<hbm>>
      tpu.wait_dma2 semaphore(%arg21 : memref<!tpu.dma_semaphore, #tpu.memory_space<semaphore_mem>>) src(%dma_wait3A_325 : memref<16x16xf32, #tpu.memory_space<hbm>>) dst(%arg18 : memref<16x16xf32, #tpu.memory_space<vmem>>)
      %scan3A_326 = arith.constant 0 : i32
      %scan3A_327 = arith.constant 0 : i32
      %scan3A_328 = arith.constant 16 : i32
      %scan3A_329 = arith.addi %scan3A_327, %scan3A_328 : i32
      %scan3A_330 = arith.constant 1 : i32
      scf.for %scan3A_430 = %scan3A_327 to %scan3A_329 step %scan3A_330  : i32 {
        %get3A = arith.index_cast %scan3A_430 : i32 to index
        %get3A_431 = arith.constant 0 : index
        %get3A_432 = tpu.vector_load %arg18[%get3A, %get3A_431] {strides = array<i32>} : memref<16x16xf32, #tpu.memory_space<vmem>>, vector<1x16xf32>,
        %get3A_433 = vector.shape_cast %get3A_432 : vector<1x16xf32> to vector<16xf32>
        %get3A_434 = arith.index_cast %scan3A_430 : i32 to index
        %get3A_435 = arith.constant 0 : index
        %get3A_436 = tpu.vector_load %arg16[%get3A_434, %get3A_435] {strides = array<i32>} : memref<16x128xf32, #tpu.memory_space<vmem>>, vector<1x16xf32>,
        %get3A_437 = vector.shape_cast %get3A_436 : vector<1x16xf32> to vector<16xf32>
        %mul3A_438 = arith.mulf %get3A_437, %get3A_433 : vector<16xf32>
        %swap3A = arith.index_cast %scan3A_430 : i32 to index
        %swap3A_439 = arith.constant 0 : index
        %swap3A_440 = tpu.vector_load %arg16[%swap3A, %swap3A_439] {strides = array<i32>} : memref<16x128xf32, #tpu.memory_space<vmem>>, vector<1x16xf32>,
        %swap3A_441 = vector.shape_cast %swap3A_440 : vector<1x16xf32> to vector<16xf32>
        %swap3A_442 = vector.shape_cast %mul3A_438 : vector<16xf32> to vector<1x16xf32>
        tpu.vector_store %arg16[%swap3A, %swap3A_439], %swap3A_442 {strides = array<i32>} : memref<16x128xf32, #tpu.memory_space<vmem>>, vector<1x16xf32>,
        %get3A_443 = arith.index_cast %scan3A_430 : i32 to index
        %get3A_444 = arith.constant 16 : index
        %get3A_445 = tpu.vector_load %arg16[%get3A_443, %get3A_444] {strides = array<i32>} : memref<16x128xf32, #tpu.memory_space<vmem>>, vector<1x16xf32>,
        %get3A_446 = vector.shape_cast %get3A_445 : vector<1x16xf32> to vector<16xf32>
        %mul3A_447 = arith.mulf %get3A_446, %get3A_433 : vector<16xf32>
        %swap3A_448 = arith.index_cast %scan3A_430 : i32 to index
        %swap3A_449 = arith.constant 16 : index
        %swap3A_450 = tpu.vector_load %arg16[%swap3A_448, %swap3A_449] {strides = array<i32>} : memref<16x128xf32, #tpu.memory_space<vmem>>, vector<1x16xf32>,
        %swap3A_451 = vector.shape_cast %swap3A_450 : vector<1x16xf32> to vector<16xf32>
        %swap3A_452 = vector.shape_cast %mul3A_447 : vector<16xf32> to vector<1x16xf32>
        tpu.vector_store %arg16[%swap3A_448, %swap3A_449], %swap3A_452 {strides = array<i32>} : memref<16x128xf32, #tpu.memory_space<vmem>>, vector<1x16xf32>,
        %get3A_453 = arith.index_cast %scan3A_430 : i32 to index
        %get3A_454 = arith.constant 32 : index
        %get3A_455 = tpu.vector_load %arg16[%get3A_453, %get3A_454] {strides = array<i32>} : memref<16x128xf32, #tpu.memory_space<vmem>>, vector<1x16xf32>,
        %get3A_456 = vector.shape_cast %get3A_455 : vector<1x16xf32> to vector<16xf32>
        %mul3A_457 = arith.mulf %get3A_456, %get3A_433 : vector<16xf32>
        %swap3A_458 = arith.index_cast %scan3A_430 : i32 to index
        %swap3A_459 = arith.constant 32 : index
        %swap3A_460 = tpu.vector_load %arg16[%swap3A_458, %swap3A_459] {strides = array<i32>} : memref<16x128xf32, #tpu.memory_space<vmem>>, vector<1x16xf32>,
        %swap3A_461 = vector.shape_cast %swap3A_460 : vector<1x16xf32> to vector<16xf32>
        %swap3A_462 = vector.shape_cast %mul3A_457 : vector<16xf32> to vector<1x16xf32>
        tpu.vector_store %arg16[%swap3A_458, %swap3A_459], %swap3A_462 {strides = array<i32>} : memref<16x128xf32, #tpu.memory_space<vmem>>, vector<1x16xf32>,
        %get3A_463 = arith.index_cast %scan3A_430 : i32 to index
        %get3A_464 = arith.constant 48 : index
        %get3A_465 = tpu.vector_load %arg16[%get3A_463, %get3A_464] {strides = array<i32>} : memref<16x128xf32, #tpu.memory_space<vmem>>, vector<1x16xf32>,
        %get3A_466 = vector.shape_cast %get3A_465 : vector<1x16xf32> to vector<16xf32>
        %mul3A_467 = arith.mulf %get3A_466, %get3A_433 : vector<16xf32>
        %swap3A_468 = arith.index_cast %scan3A_430 : i32 to index
        %swap3A_469 = arith.constant 48 : index
        %swap3A_470 = tpu.vector_load %arg16[%swap3A_468, %swap3A_469] {strides = array<i32>} : memref<16x128xf32, #tpu.memory_space<vmem>>, vector<1x16xf32>,
        %swap3A_471 = vector.shape_cast %swap3A_470 : vector<1x16xf32> to vector<16xf32>
        %swap3A_472 = vector.shape_cast %mul3A_467 : vector<16xf32> to vector<1x16xf32>
        tpu.vector_store %arg16[%swap3A_468, %swap3A_469], %swap3A_472 {strides = array<i32>} : memref<16x128xf32, #tpu.memory_space<vmem>>, vector<1x16xf32>,
        %get3A_473 = arith.index_cast %scan3A_430 : i32 to index
        %get3A_474 = arith.constant 64 : index
        %get3A_475 = tpu.vector_load %arg16[%get3A_473, %get3A_474] {strides = array<i32>} : memref<16x128xf32, #tpu.memory_space<vmem>>, vector<1x16xf32>,
        %get3A_476 = vector.shape_cast %get3A_475 : vector<1x16xf32> to vector<16xf32>
        %mul3A_477 = arith.mulf %get3A_476, %get3A_433 : vector<16xf32>
        %swap3A_478 = arith.index_cast %scan3A_430 : i32 to index
        %swap3A_479 = arith.constant 64 : index
        %swap3A_480 = tpu.vector_load %arg16[%swap3A_478, %swap3A_479] {strides = array<i32>} : memref<16x128xf32, #tpu.memory_space<vmem>>, vector<1x16xf32>,
        %swap3A_481 = vector.shape_cast %swap3A_480 : vector<1x16xf32> to vector<16xf32>
        %swap3A_482 = vector.shape_cast %mul3A_477 : vector<16xf32> to vector<1x16xf32>
        tpu.vector_store %arg16[%swap3A_478, %swap3A_479], %swap3A_482 {strides = array<i32>} : memref<16x128xf32, #tpu.memory_space<vmem>>, vector<1x16xf32>,
        %get3A_483 = arith.index_cast %scan3A_430 : i32 to index
        %get3A_484 = arith.constant 80 : index
        %get3A_485 = tpu.vector_load %arg16[%get3A_483, %get3A_484] {strides = array<i32>} : memref<16x128xf32, #tpu.memory_space<vmem>>, vector<1x16xf32>,
        %get3A_486 = vector.shape_cast %get3A_485 : vector<1x16xf32> to vector<16xf32>
        %mul3A_487 = arith.mulf %get3A_486, %get3A_433 : vector<16xf32>
        %swap3A_488 = arith.index_cast %scan3A_430 : i32 to index
        %swap3A_489 = arith.constant 80 : index
        %swap3A_490 = tpu.vector_load %arg16[%swap3A_488, %swap3A_489] {strides = array<i32>} : memref<16x128xf32, #tpu.memory_space<vmem>>, vector<1x16xf32>,
        %swap3A_491 = vector.shape_cast %swap3A_490 : vector<1x16xf32> to vector<16xf32>
        %swap3A_492 = vector.shape_cast %mul3A_487 : vector<16xf32> to vector<1x16xf32>
        tpu.vector_store %arg16[%swap3A_488, %swap3A_489], %swap3A_492 {strides = array<i32>} : memref<16x128xf32, #tpu.memory_space<vmem>>, vector<1x16xf32>,
        %get3A_493 = arith.index_cast %scan3A_430 : i32 to index
        %get3A_494 = arith.constant 96 : index
        %get3A_495 = tpu.vector_load %arg16[%get3A_493, %get3A_494] {strides = array<i32>} : memref<16x128xf32, #tpu.memory_space<vmem>>, vector<1x16xf32>,
        %get3A_496 = vector.shape_cast %get3A_495 : vector<1x16xf32> to vector<16xf32>
        %mul3A_497 = arith.mulf %get3A_496, %get3A_433 : vector<16xf32>
        %swap3A_498 = arith.index_cast %scan3A_430 : i32 to index
        %swap3A_499 = arith.constant 96 : index
        %swap3A_500 = tpu.vector_load %arg16[%swap3A_498, %swap3A_499] {strides = array<i32>} : memref<16x128xf32, #tpu.memory_space<vmem>>, vector<1x16xf32>,
        %swap3A_501 = vector.shape_cast %swap3A_500 : vector<1x16xf32> to vector<16xf32>
        %swap3A_502 = vector.shape_cast %mul3A_497 : vector<16xf32> to vector<1x16xf32>
        tpu.vector_store %arg16[%swap3A_498, %swap3A_499], %swap3A_502 {strides = array<i32>} : memref<16x128xf32, #tpu.memory_space<vmem>>, vector<1x16xf32>,
        %get3A_503 = arith.index_cast %scan3A_430 : i32 to index
        %get3A_504 = arith.constant 112 : index
        %get3A_505 = tpu.vector_load %arg16[%get3A_503, %get3A_504] {strides = array<i32>} : memref<16x128xf32, #tpu.memory_space<vmem>>, vector<1x16xf32>,
        %get3A_506 = vector.shape_cast %get3A_505 : vector<1x16xf32> to vector<16xf32>
        %mul3A_507 = arith.mulf %get3A_506, %get3A_433 : vector<16xf32>
        %swap3A_508 = arith.index_cast %scan3A_430 : i32 to index
        %swap3A_509 = arith.constant 112 : index
        %swap3A_510 = tpu.vector_load %arg16[%swap3A_508, %swap3A_509] {strides = array<i32>} : memref<16x128xf32, #tpu.memory_space<vmem>>, vector<1x16xf32>,
        %swap3A_511 = vector.shape_cast %swap3A_510 : vector<1x16xf32> to vector<16xf32>
        %swap3A_512 = vector.shape_cast %mul3A_507 : vector<16xf32> to vector<1x16xf32>
        tpu.vector_store %arg16[%swap3A_508, %swap3A_509], %swap3A_512 {strides = array<i32>} : memref<16x128xf32, #tpu.memory_space<vmem>>, vector<1x16xf32>,
      }
      %scan3A_331 = arith.constant 16 : i32
      %mul3A_332 = arith.constant 640 : i32
      %mul3A_333 = arith.muli %arg1, %mul3A_332 : i32
      %mul3A_334 = arith.constant 16 : i32
      %mul3A_335 = arith.muli %mul3A_311, %mul3A_334 : i32
      %add3A_336 = arith.addi %mul3A_333, %mul3A_335 : i32
      %dma_start3A_337 = arith.constant 0 : i32
      %dma_start3A_338 = tpu.memref_slice %arg8[%arg0, %add3A_336, %dma_start3A_337] : memref<2x10240x128xf32, #tpu.memory_space<hbm>> -> memref<1x16x128xf32, #tpu.memory_space<hbm>>
      %dma_start3A_339 = tpu.memref_squeeze %dma_start3A_338 : memref<1x16x128xf32, #tpu.memory_space<hbm>> -> memref<16x128xf32, #tpu.memory_space<hbm>>
      %dma_start3A_340 = arith.constant 0 : i32
      %dma_start3A_341 = tpu.memref_slice %arg8[%arg0, %add3A_336, %dma_start3A_340] : memref<2x10240x128xf32, #tpu.memory_space<hbm>> -> memref<1x16x128xf32, #tpu.memory_space<hbm>>
      %dma_start3A_342 = tpu.memref_squeeze %dma_start3A_341 : memref<1x16x128xf32, #tpu.memory_space<hbm>> -> memref<16x128xf32, #tpu.memory_space<hbm>>
      tpu.enqueue_dma source(%arg16 : memref<16x128xf32, #tpu.memory_space<vmem>>) target(%dma_start3A_342 : memref<16x128xf32, #tpu.memory_space<hbm>>) target_semaphore(%arg27 : memref<!tpu.dma_semaphore, #tpu.memory_space<semaphore_mem>>)
      %mul3A_343 = arith.constant 640 : i32
      %mul3A_344 = arith.muli %arg1, %mul3A_343 : i32
      %dma_wait3A_345 = arith.constant 0 : i32
      %dma_wait3A_346 = tpu.memref_slice %arg20[%mul3A_344, %dma_wait3A_345] : memref<10240x128xf32, #tpu.memory_space<vmem_shared>> -> memref<16x128xf32, #tpu.memory_space<vmem_shared>>
      %dma_wait3A_347 = arith.constant 0 : i32
      %dma_wait3A_348 = tpu.memref_slice %arg20[%mul3A_344, %dma_wait3A_347] : memref<10240x128xf32, #tpu.memory_space<vmem_shared>> -> memref<16x128xf32, #tpu.memory_space<vmem_shared>>
      tpu.wait_dma2 semaphore(%arg26 : memref<!tpu.dma_semaphore, #tpu.memory_space<semaphore_mem>>) src(%dma_wait3A_348 : memref<16x128xf32, #tpu.memory_space<vmem_shared>>) dst(%arg17 : memref<16x128xf32, #tpu.memory_space<vmem>>)
      %dma_wait3A_349 = arith.constant 0 : i32
      %dma_wait3A_350 = arith.constant 0 : i32
      %dma_wait3A_351 = tpu.memref_slice %arg6[%arg1, %dma_wait3A_349, %dma_wait3A_350] : memref<16x640x16xf32, #tpu.memory_space<hbm>> -> memref<1x16x16xf32, #tpu.memory_space<hbm>>
      %dma_wait3A_352 = tpu.memref_squeeze %dma_wait3A_351 : memref<1x16x16xf32, #tpu.memory_space<hbm>> -> memref<16x16xf32, #tpu.memory_space<hbm>>
      %dma_wait3A_353 = arith.constant 0 : i32
      %dma_wait3A_354 = arith.constant 0 : i32
      %dma_wait3A_355 = tpu.memref_slice %arg6[%arg1, %dma_wait3A_353, %dma_wait3A_354] : memref<16x640x16xf32, #tpu.memory_space<hbm>> -> memref<1x16x16xf32, #tpu.memory_space<hbm>>
      %dma_wait3A_356 = tpu.memref_squeeze %dma_wait3A_355 : memref<1x16x16xf32, #tpu.memory_space<hbm>> -> memref<16x16xf32, #tpu.memory_space<hbm>>
      tpu.wait_dma2 semaphore(%arg22 : memref<!tpu.dma_semaphore, #tpu.memory_space<semaphore_mem>>) src(%dma_wait3A_356 : memref<16x16xf32, #tpu.memory_space<hbm>>) dst(%arg19 : memref<16x16xf32, #tpu.memory_space<vmem>>)
      %scan3A_357 = arith.constant 0 : i32
      %scan3A_358 = arith.constant 0 : i32
      %scan3A_359 = arith.constant 16 : i32
      %scan3A_360 = arith.addi %scan3A_358, %scan3A_359 : i32
      %scan3A_361 = arith.constant 1 : i32
      scf.for %scan3A_430 = %scan3A_358 to %scan3A_360 step %scan3A_361  : i32 {
        %get3A = arith.index_cast %scan3A_430 : i32 to index
        %get3A_431 = arith.constant 0 : index
        %get3A_432 = tpu.vector_load %arg19[%get3A, %get3A_431] {strides = array<i32>} : memref<16x16xf32, #tpu.memory_space<vmem>>, vector<1x16xf32>,
        %get3A_433 = vector.shape_cast %get3A_432 : vector<1x16xf32> to vector<16xf32>
        %get3A_434 = arith.index_cast %scan3A_430 : i32 to index
        %get3A_435 = arith.constant 0 : index
        %get3A_436 = tpu.vector_load %arg17[%get3A_434, %get3A_435] {strides = array<i32>} : memref<16x128xf32, #tpu.memory_space<vmem>>, vector<1x16xf32>,
        %get3A_437 = vector.shape_cast %get3A_436 : vector<1x16xf32> to vector<16xf32>
        %mul3A_438 = arith.mulf %get3A_437, %get3A_433 : vector<16xf32>
        %swap3A = arith.index_cast %scan3A_430 : i32 to index
        %swap3A_439 = arith.constant 0 : index
        %swap3A_440 = tpu.vector_load %arg17[%swap3A, %swap3A_439] {strides = array<i32>} : memref<16x128xf32, #tpu.memory_space<vmem>>, vector<1x16xf32>,
        %swap3A_441 = vector.shape_cast %swap3A_440 : vector<1x16xf32> to vector<16xf32>
        %swap3A_442 = vector.shape_cast %mul3A_438 : vector<16xf32> to vector<1x16xf32>
        tpu.vector_store %arg17[%swap3A, %swap3A_439], %swap3A_442 {strides = array<i32>} : memref<16x128xf32, #tpu.memory_space<vmem>>, vector<1x16xf32>,
        %get3A_443 = arith.index_cast %scan3A_430 : i32 to index
        %get3A_444 = arith.constant 16 : index
        %get3A_445 = tpu.vector_load %arg17[%get3A_443, %get3A_444] {strides = array<i32>} : memref<16x128xf32, #tpu.memory_space<vmem>>, vector<1x16xf32>,
        %get3A_446 = vector.shape_cast %get3A_445 : vector<1x16xf32> to vector<16xf32>
        %mul3A_447 = arith.mulf %get3A_446, %get3A_433 : vector<16xf32>
        %swap3A_448 = arith.index_cast %scan3A_430 : i32 to index
        %swap3A_449 = arith.constant 16 : index
        %swap3A_450 = tpu.vector_load %arg17[%swap3A_448, %swap3A_449] {strides = array<i32>} : memref<16x128xf32, #tpu.memory_space<vmem>>, vector<1x16xf32>,
        %swap3A_451 = vector.shape_cast %swap3A_450 : vector<1x16xf32> to vector<16xf32>
        %swap3A_452 = vector.shape_cast %mul3A_447 : vector<16xf32> to vector<1x16xf32>
        tpu.vector_store %arg17[%swap3A_448, %swap3A_449], %swap3A_452 {strides = array<i32>} : memref<16x128xf32, #tpu.memory_space<vmem>>, vector<1x16xf32>,
        %get3A_453 = arith.index_cast %scan3A_430 : i32 to index
        %get3A_454 = arith.constant 32 : index
        %get3A_455 = tpu.vector_load %arg17[%get3A_453, %get3A_454] {strides = array<i32>} : memref<16x128xf32, #tpu.memory_space<vmem>>, vector<1x16xf32>,
        %get3A_456 = vector.shape_cast %get3A_455 : vector<1x16xf32> to vector<16xf32>
        %mul3A_457 = arith.mulf %get3A_456, %get3A_433 : vector<16xf32>
        %swap3A_458 = arith.index_cast %scan3A_430 : i32 to index
        %swap3A_459 = arith.constant 32 : index
        %swap3A_460 = tpu.vector_load %arg17[%swap3A_458, %swap3A_459] {strides = array<i32>} : memref<16x128xf32, #tpu.memory_space<vmem>>, vector<1x16xf32>,
        %swap3A_461 = vector.shape_cast %swap3A_460 : vector<1x16xf32> to vector<16xf32>
        %swap3A_462 = vector.shape_cast %mul3A_457 : vector<16xf32> to vector<1x16xf32>
        tpu.vector_store %arg17[%swap3A_458, %swap3A_459], %swap3A_462 {strides = array<i32>} : memref<16x128xf32, #tpu.memory_space<vmem>>, vector<1x16xf32>,
        %get3A_463 = arith.index_cast %scan3A_430 : i32 to index
        %get3A_464 = arith.constant 48 : index
        %get3A_465 = tpu.vector_load %arg17[%get3A_463, %get3A_464] {strides = array<i32>} : memref<16x128xf32, #tpu.memory_space<vmem>>, vector<1x16xf32>,
        %get3A_466 = vector.shape_cast %get3A_465 : vector<1x16xf32> to vector<16xf32>
        %mul3A_467 = arith.mulf %get3A_466, %get3A_433 : vector<16xf32>
        %swap3A_468 = arith.index_cast %scan3A_430 : i32 to index
        %swap3A_469 = arith.constant 48 : index
        %swap3A_470 = tpu.vector_load %arg17[%swap3A_468, %swap3A_469] {strides = array<i32>} : memref<16x128xf32, #tpu.memory_space<vmem>>, vector<1x16xf32>,
        %swap3A_471 = vector.shape_cast %swap3A_470 : vector<1x16xf32> to vector<16xf32>
        %swap3A_472 = vector.shape_cast %mul3A_467 : vector<16xf32> to vector<1x16xf32>
        tpu.vector_store %arg17[%swap3A_468, %swap3A_469], %swap3A_472 {strides = array<i32>} : memref<16x128xf32, #tpu.memory_space<vmem>>, vector<1x16xf32>,
        %get3A_473 = arith.index_cast %scan3A_430 : i32 to index
        %get3A_474 = arith.constant 64 : index
        %get3A_475 = tpu.vector_load %arg17[%get3A_473, %get3A_474] {strides = array<i32>} : memref<16x128xf32, #tpu.memory_space<vmem>>, vector<1x16xf32>,
        %get3A_476 = vector.shape_cast %get3A_475 : vector<1x16xf32> to vector<16xf32>
        %mul3A_477 = arith.mulf %get3A_476, %get3A_433 : vector<16xf32>
        %swap3A_478 = arith.index_cast %scan3A_430 : i32 to index
        %swap3A_479 = arith.constant 64 : index
        %swap3A_480 = tpu.vector_load %arg17[%swap3A_478, %swap3A_479] {strides = array<i32>} : memref<16x128xf32, #tpu.memory_space<vmem>>, vector<1x16xf32>,
        %swap3A_481 = vector.shape_cast %swap3A_480 : vector<1x16xf32> to vector<16xf32>
        %swap3A_482 = vector.shape_cast %mul3A_477 : vector<16xf32> to vector<1x16xf32>
        tpu.vector_store %arg17[%swap3A_478, %swap3A_479], %swap3A_482 {strides = array<i32>} : memref<16x128xf32, #tpu.memory_space<vmem>>, vector<1x16xf32>,
        %get3A_483 = arith.index_cast %scan3A_430 : i32 to index
        %get3A_484 = arith.constant 80 : index
        %get3A_485 = tpu.vector_load %arg17[%get3A_483, %get3A_484] {strides = array<i32>} : memref<16x128xf32, #tpu.memory_space<vmem>>, vector<1x16xf32>,
        %get3A_486 = vector.shape_cast %get3A_485 : vector<1x16xf32> to vector<16xf32>
        %mul3A_487 = arith.mulf %get3A_486, %get3A_433 : vector<16xf32>
        %swap3A_488 = arith.index_cast %scan3A_430 : i32 to index
        %swap3A_489 = arith.constant 80 : index
        %swap3A_490 = tpu.vector_load %arg17[%swap3A_488, %swap3A_489] {strides = array<i32>} : memref<16x128xf32, #tpu.memory_space<vmem>>, vector<1x16xf32>,
        %swap3A_491 = vector.shape_cast %swap3A_490 : vector<1x16xf32> to vector<16xf32>
        %swap3A_492 = vector.shape_cast %mul3A_487 : vector<16xf32> to vector<1x16xf32>
        tpu.vector_store %arg17[%swap3A_488, %swap3A_489], %swap3A_492 {strides = array<i32>} : memref<16x128xf32, #tpu.memory_space<vmem>>, vector<1x16xf32>,
        %get3A_493 = arith.index_cast %scan3A_430 : i32 to index
        %get3A_494 = arith.constant 96 : index
        %get3A_495 = tpu.vector_load %arg17[%get3A_493, %get3A_494] {strides = array<i32>} : memref<16x128xf32, #tpu.memory_space<vmem>>, vector<1x16xf32>,
        %get3A_496 = vector.shape_cast %get3A_495 : vector<1x16xf32> to vector<16xf32>
        %mul3A_497 = arith.mulf %get3A_496, %get3A_433 : vector<16xf32>
        %swap3A_498 = arith.index_cast %scan3A_430 : i32 to index
        %swap3A_499 = arith.constant 96 : index
        %swap3A_500 = tpu.vector_load %arg17[%swap3A_498, %swap3A_499] {strides = array<i32>} : memref<16x128xf32, #tpu.memory_space<vmem>>, vector<1x16xf32>,
        %swap3A_501 = vector.shape_cast %swap3A_500 : vector<1x16xf32> to vector<16xf32>
        %swap3A_502 = vector.shape_cast %mul3A_497 : vector<16xf32> to vector<1x16xf32>
        tpu.vector_store %arg17[%swap3A_498, %swap3A_499], %swap3A_502 {strides = array<i32>} : memref<16x128xf32, #tpu.memory_space<vmem>>, vector<1x16xf32>,
        %get3A_503 = arith.index_cast %scan3A_430 : i32 to index
        %get3A_504 = arith.constant 112 : index
        %get3A_505 = tpu.vector_load %arg17[%get3A_503, %get3A_504] {strides = array<i32>} : memref<16x128xf32, #tpu.memory_space<vmem>>, vector<1x16xf32>,
        %get3A_506 = vector.shape_cast %get3A_505 : vector<1x16xf32> to vector<16xf32>
        %mul3A_507 = arith.mulf %get3A_506, %get3A_433 : vector<16xf32>
        %swap3A_508 = arith.index_cast %scan3A_430 : i32 to index
        %swap3A_509 = arith.constant 112 : index
        %swap3A_510 = tpu.vector_load %arg17[%swap3A_508, %swap3A_509] {strides = array<i32>} : memref<16x128xf32, #tpu.memory_space<vmem>>, vector<1x16xf32>,
        %swap3A_511 = vector.shape_cast %swap3A_510 : vector<1x16xf32> to vector<16xf32>
        %swap3A_512 = vector.shape_cast %mul3A_507 : vector<16xf32> to vector<1x16xf32>
        tpu.vector_store %arg17[%swap3A_508, %swap3A_509], %swap3A_512 {strides = array<i32>} : memref<16x128xf32, #tpu.memory_space<vmem>>, vector<1x16xf32>,
      }
      %scan3A_362 = arith.constant 16 : i32
      %add3A_363 = arith.constant 1 : i32
      %add3A_364 = arith.addi %mul3A_311, %add3A_363 : i32
      %mul3A_365 = arith.constant 640 : i32
      %mul3A_366 = arith.muli %arg1, %mul3A_365 : i32
      %mul3A_367 = arith.constant 16 : i32
      %mul3A_368 = arith.muli %add3A_364, %mul3A_367 : i32
      %add3A_369 = arith.addi %mul3A_366, %mul3A_368 : i32
      %dma_start3A_370 = arith.constant 0 : i32
      %dma_start3A_371 = tpu.memref_slice %arg8[%arg0, %add3A_369, %dma_start3A_370] : memref<2x10240x128xf32, #tpu.memory_space<hbm>> -> memref<1x16x128xf32, #tpu.memory_space<hbm>>
      %dma_start3A_372 = tpu.memref_squeeze %dma_start3A_371 : memref<1x16x128xf32, #tpu.memory_space<hbm>> -> memref<16x128xf32, #tpu.memory_space<hbm>>
      %dma_start3A_373 = arith.constant 0 : i32
      %dma_start3A_374 = tpu.memref_slice %arg8[%arg0, %add3A_369, %dma_start3A_373] : memref<2x10240x128xf32, #tpu.memory_space<hbm>> -> memref<1x16x128xf32, #tpu.memory_space<hbm>>
      %dma_start3A_375 = tpu.memref_squeeze %dma_start3A_374 : memref<1x16x128xf32, #tpu.memory_space<hbm>> -> memref<16x128xf32, #tpu.memory_space<hbm>>
      tpu.enqueue_dma source(%arg17 : memref<16x128xf32, #tpu.memory_space<vmem>>) target(%dma_start3A_375 : memref<16x128xf32, #tpu.memory_space<hbm>>) target_semaphore(%arg28 : memref<!tpu.dma_semaphore, #tpu.memory_space<semaphore_mem>>)
      %dma_wait3A_376 = arith.constant 0 : i32
      %dma_wait3A_377 = tpu.memref_slice %arg8[%arg0, %add3A_336, %dma_wait3A_376] : memref<2x10240x128xf32, #tpu.memory_space<hbm>> -> memref<1x16x128xf32, #tpu.memory_space<hbm>>
      %dma_wait3A_378 = tpu.memref_squeeze %dma_wait3A_377 : memref<1x16x128xf32, #tpu.memory_space<hbm>> -> memref<16x128xf32, #tpu.memory_space<hbm>>
      %dma_wait3A_379 = arith.constant 0 : i32
      %dma_wait3A_380 = tpu.memref_slice %arg8[%arg0, %add3A_336, %dma_wait3A_379] : memref<2x10240x128xf32, #tpu.memory_space<hbm>> -> memref<1x16x128xf32, #tpu.memory_space<hbm>>
      %dma_wait3A_381 = tpu.memref_squeeze %dma_wait3A_380 : memref<1x16x128xf32, #tpu.memory_space<hbm>> -> memref<16x128xf32, #tpu.memory_space<hbm>>
      tpu.wait_dma2 semaphore(%arg27 : memref<!tpu.dma_semaphore, #tpu.memory_space<semaphore_mem>>) src(%arg16 : memref<16x128xf32, #tpu.memory_space<vmem>>) dst(%dma_wait3A_381 : memref<16x128xf32, #tpu.memory_space<hbm>>)
      %add3A_382 = arith.constant 2 : i32
      %add3A_383 = arith.addi %mul3A_311, %add3A_382 : i32
      %min3A_384 = arith.constant 39 : i32
      %min3A_385 = arith.minsi %add3A_383, %min3A_384 : i32
      %mul3A_386 = arith.constant 640 : i32
      %mul3A_387 = arith.muli %arg1, %mul3A_386 : i32
      %mul3A_388 = arith.constant 16 : i32
      %mul3A_389 = arith.muli %min3A_385, %mul3A_388 : i32
      %add3A_390 = arith.addi %mul3A_387, %mul3A_389 : i32
      %dma_start3A_391 = arith.constant 0 : i32
      %dma_start3A_392 = tpu.memref_slice %arg20[%add3A_390, %dma_start3A_391] : memref<10240x128xf32, #tpu.memory_space<vmem_shared>> -> memref<16x128xf32, #tpu.memory_space<vmem_shared>>
      %dma_start3A_393 = arith.constant 0 : i32
      %dma_start3A_394 = tpu.memref_slice %arg20[%add3A_390, %dma_start3A_393] : memref<10240x128xf32, #tpu.memory_space<vmem_shared>> -> memref<16x128xf32, #tpu.memory_space<vmem_shared>>
      tpu.enqueue_dma source(%dma_start3A_394 : memref<16x128xf32, #tpu.memory_space<vmem_shared>>) target(%arg16 : memref<16x128xf32, #tpu.memory_space<vmem>>) target_semaphore(%arg25 : memref<!tpu.dma_semaphore, #tpu.memory_space<semaphore_mem>>)
      %mul3A_395 = arith.constant 16 : i32
      %mul3A_396 = arith.muli %min3A_385, %mul3A_395 : i32
      %dma_start3A_397 = arith.constant 0 : i32
      %dma_start3A_398 = tpu.memref_slice %arg6[%arg1, %mul3A_396, %dma_start3A_397] : memref<16x640x16xf32, #tpu.memory_space<hbm>> -> memref<1x16x16xf32, #tpu.memory_space<hbm>>
      %dma_start3A_399 = tpu.memref_squeeze %dma_start3A_398 : memref<1x16x16xf32, #tpu.memory_space<hbm>> -> memref<16x16xf32, #tpu.memory_space<hbm>>
      %dma_start3A_400 = arith.constant 0 : i32
      %dma_start3A_401 = tpu.memref_slice %arg6[%arg1, %mul3A_396, %dma_start3A_400] : memref<16x640x16xf32, #tpu.memory_space<hbm>> -> memref<1x16x16xf32, #tpu.memory_space<hbm>>
      %dma_start3A_402 = tpu.memref_squeeze %dma_start3A_401 : memref<1x16x16xf32, #tpu.memory_space<hbm>> -> memref<16x16xf32, #tpu.memory_space<hbm>>
      tpu.enqueue_dma source(%dma_start3A_402 : memref<16x16xf32, #tpu.memory_space<hbm>>) target(%arg18 : memref<16x16xf32, #tpu.memory_space<vmem>>) target_semaphore(%arg21 : memref<!tpu.dma_semaphore, #tpu.memory_space<semaphore_mem>>)
      %dma_wait3A_403 = arith.constant 0 : i32
      %dma_wait3A_404 = tpu.memref_slice %arg8[%arg0, %add3A_369, %dma_wait3A_403] : memref<2x10240x128xf32, #tpu.memory_space<hbm>> -> memref<1x16x128xf32, #tpu.memory_space<hbm>>
      %dma_wait3A_405 = tpu.memref_squeeze %dma_wait3A_404 : memref<1x16x128xf32, #tpu.memory_space<hbm>> -> memref<16x128xf32, #tpu.memory_space<hbm>>
      %dma_wait3A_406 = arith.constant 0 : i32
      %dma_wait3A_407 = tpu.memref_slice %arg8[%arg0, %add3A_369, %dma_wait3A_406] : memref<2x10240x128xf32, #tpu.memory_space<hbm>> -> memref<1x16x128xf32, #tpu.memory_space<hbm>>
      %dma_wait3A_408 = tpu.memref_squeeze %dma_wait3A_407 : memref<1x16x128xf32, #tpu.memory_space<hbm>> -> memref<16x128xf32, #tpu.memory_space<hbm>>
      tpu.wait_dma2 semaphore(%arg28 : memref<!tpu.dma_semaphore, #tpu.memory_space<semaphore_mem>>) src(%arg17 : memref<16x128xf32, #tpu.memory_space<vmem>>) dst(%dma_wait3A_408 : memref<16x128xf32, #tpu.memory_space<hbm>>)
      %add3A_409 = arith.constant 3 : i32
      %add3A_410 = arith.addi %mul3A_311, %add3A_409 : i32
      %min3A_411 = arith.constant 39 : i32
      %min3A_412 = arith.minsi %add3A_410, %min3A_411 : i32
      %mul3A_413 = arith.constant 640 : i32
      %mul3A_414 = arith.muli %arg1, %mul3A_413 : i32
      %mul3A_415 = arith.constant 16 : i32
      %mul3A_416 = arith.muli %min3A_412, %mul3A_415 : i32
      %add3A_417 = arith.addi %mul3A_414, %mul3A_416 : i32
      %dma_start3A_418 = arith.constant 0 : i32
      %dma_start3A_419 = tpu.memref_slice %arg20[%add3A_417, %dma_start3A_418] : memref<10240x128xf32, #tpu.memory_space<vmem_shared>> -> memref<16x128xf32, #tpu.memory_space<vmem_shared>>
      %dma_start3A_420 = arith.constant 0 : i32
      %dma_start3A_421 = tpu.memref_slice %arg20[%add3A_417, %dma_start3A_420] : memref<10240x128xf32, #tpu.memory_space<vmem_shared>> -> memref<16x128xf32, #tpu.memory_space<vmem_shared>>
      tpu.enqueue_dma source(%dma_start3A_421 : memref<16x128xf32, #tpu.memory_space<vmem_shared>>) target(%arg17 : memref<16x128xf32, #tpu.memory_space<vmem>>) target_semaphore(%arg26 : memref<!tpu.dma_semaphore, #tpu.memory_space<semaphore_mem>>)
      %mul3A_422 = arith.constant 16 : i32
      %mul3A_423 = arith.muli %min3A_412, %mul3A_422 : i32
      %dma_start3A_424 = arith.constant 0 : i32
      %dma_start3A_425 = tpu.memref_slice %arg6[%arg1, %mul3A_423, %dma_start3A_424] : memref<16x640x16xf32, #tpu.memory_space<hbm>> -> memref<1x16x16xf32, #tpu.memory_space<hbm>>
      %dma_start3A_426 = tpu.memref_squeeze %dma_start3A_425 : memref<1x16x16xf32, #tpu.memory_space<hbm>> -> memref<16x16xf32, #tpu.memory_space<hbm>>
      %dma_start3A_427 = arith.constant 0 : i32
      %dma_start3A_428 = tpu.memref_slice %arg6[%arg1, %mul3A_423, %dma_start3A_427] : memref<16x640x16xf32, #tpu.memory_space<hbm>> -> memref<1x16x16xf32, #tpu.memory_space<hbm>>
      %dma_start3A_429 = tpu.memref_squeeze %dma_start3A_428 : memref<1x16x16xf32, #tpu.memory_space<hbm>> -> memref<16x16xf32, #tpu.memory_space<hbm>>
      tpu.enqueue_dma source(%dma_start3A_429 : memref<16x16xf32, #tpu.memory_space<hbm>>) target(%arg19 : memref<16x16xf32, #tpu.memory_space<vmem>>) target_semaphore(%arg22 : memref<!tpu.dma_semaphore, #tpu.memory_space<semaphore_mem>>)
    }
    %scan3A_280 = arith.constant 20 : i32
    %mul3A_281 = arith.constant 640 : i32
    %mul3A_282 = arith.muli %arg1, %mul3A_281 : i32
    %dma_wait3A_283 = arith.constant 0 : i32
    %dma_wait3A_284 = tpu.memref_slice %arg20[%mul3A_282, %dma_wait3A_283] : memref<10240x128xf32, #tpu.memory_space<vmem_shared>> -> memref<16x128xf32, #tpu.memory_space<vmem_shared>>
    %dma_wait3A_285 = arith.constant 0 : i32
    %dma_wait3A_286 = tpu.memref_slice %arg20[%mul3A_282, %dma_wait3A_285] : memref<10240x128xf32, #tpu.memory_space<vmem_shared>> -> memref<16x128xf32, #tpu.memory_space<vmem_shared>>
    tpu.wait_dma2 semaphore(%arg25 : memref<!tpu.dma_semaphore, #tpu.memory_space<semaphore_mem>>) src(%dma_wait3A_286 : memref<16x128xf32, #tpu.memory_space<vmem_shared>>) dst(%arg16 : memref<16x128xf32, #tpu.memory_space<vmem>>)
    %dma_wait3A_287 = arith.constant 0 : i32
    %dma_wait3A_288 = arith.constant 0 : i32
    %dma_wait3A_289 = tpu.memref_slice %arg6[%arg1, %dma_wait3A_287, %dma_wait3A_288] : memref<16x640x16xf32, #tpu.memory_space<hbm>> -> memref<1x16x16xf32, #tpu.memory_space<hbm>>
    %dma_wait3A_290 = tpu.memref_squeeze %dma_wait3A_289 : memref<1x16x16xf32, #tpu.memory_space<hbm>> -> memref<16x16xf32, #tpu.memory_space<hbm>>
    %dma_wait3A_291 = arith.constant 0 : i32
    %dma_wait3A_292 = arith.constant 0 : i32
    %dma_wait3A_293 = tpu.memref_slice %arg6[%arg1, %dma_wait3A_291, %dma_wait3A_292] : memref<16x640x16xf32, #tpu.memory_space<hbm>> -> memref<1x16x16xf32, #tpu.memory_space<hbm>>
    %dma_wait3A_294 = tpu.memref_squeeze %dma_wait3A_293 : memref<1x16x16xf32, #tpu.memory_space<hbm>> -> memref<16x16xf32, #tpu.memory_space<hbm>>
    tpu.wait_dma2 semaphore(%arg21 : memref<!tpu.dma_semaphore, #tpu.memory_space<semaphore_mem>>) src(%dma_wait3A_294 : memref<16x16xf32, #tpu.memory_space<hbm>>) dst(%arg18 : memref<16x16xf32, #tpu.memory_space<vmem>>)
    %mul3A_295 = arith.constant 640 : i32
    %mul3A_296 = arith.muli %arg1, %mul3A_295 : i32
    %dma_wait3A_297 = arith.constant 0 : i32
    %dma_wait3A_298 = tpu.memref_slice %arg20[%mul3A_296, %dma_wait3A_297] : memref<10240x128xf32, #tpu.memory_space<vmem_shared>> -> memref<16x128xf32, #tpu.memory_space<vmem_shared>>
    %dma_wait3A_299 = arith.constant 0 : i32
    %dma_wait3A_300 = tpu.memref_slice %arg20[%mul3A_296, %dma_wait3A_299] : memref<10240x128xf32, #tpu.memory_space<vmem_shared>> -> memref<16x128xf32, #tpu.memory_space<vmem_shared>>
    tpu.wait_dma2 semaphore(%arg26 : memref<!tpu.dma_semaphore, #tpu.memory_space<semaphore_mem>>) src(%dma_wait3A_300 : memref<16x128xf32, #tpu.memory_space<vmem_shared>>) dst(%arg17 : memref<16x128xf32, #tpu.memory_space<vmem>>)
    %dma_wait3A_301 = arith.constant 0 : i32
    %dma_wait3A_302 = arith.constant 0 : i32
    %dma_wait3A_303 = tpu.memref_slice %arg6[%arg1, %dma_wait3A_301, %dma_wait3A_302] : memref<16x640x16xf32, #tpu.memory_space<hbm>> -> memref<1x16x16xf32, #tpu.memory_space<hbm>>
    %dma_wait3A_304 = tpu.memref_squeeze %dma_wait3A_303 : memref<1x16x16xf32, #tpu.memory_space<hbm>> -> memref<16x16xf32, #tpu.memory_space<hbm>>
    %dma_wait3A_305 = arith.constant 0 : i32
    %dma_wait3A_306 = arith.constant 0 : i32
    %dma_wait3A_307 = tpu.memref_slice %arg6[%arg1, %dma_wait3A_305, %dma_wait3A_306] : memref<16x640x16xf32, #tpu.memory_space<hbm>> -> memref<1x16x16xf32, #tpu.memory_space<hbm>>
    %dma_wait3A_308 = tpu.memref_squeeze %dma_wait3A_307 : memref<1x16x16xf32, #tpu.memory_space<hbm>> -> memref<16x16xf32, #tpu.memory_space<hbm>>
    tpu.wait_dma2 semaphore(%arg22 : memref<!tpu.dma_semaphore, #tpu.memory_space<semaphore_mem>>) src(%dma_wait3A_308 : memref<16x16xf32, #tpu.memory_space<hbm>>) dst(%arg19 : memref<16x16xf32, #tpu.memory_space<vmem>>)
    return
  }
}

#map = affine_map<(d0, d1) -> (0, 0)>
#map1 = affine_map<(d0, d1) -> (0, 0, 0, 0, 0)>
#map2 = affine_map<(d0, d1) -> (0, 0, 0, 0)>
#map3 = affine_map<(d0, d1) -> (0, 0, 0)>
module attributes {stable_mosaic.version = 14 : i64} {
  func.func @_hconv_body(%arg0: i32, %arg1: i32, %arg2: memref<20000x128xf32, #tpu.memory_space<hbm>>, %arg3: memref<2x2x16x82x128xi32, #tpu.memory_space<hbm>>, %arg4: memref<2x16x82x128xi32, #tpu.memory_space<hbm>>, %arg5: memref<16x640x16xf32, #tpu.memory_space<hbm>>, %arg6: memref<16x640x16xf32, #tpu.memory_space<hbm>>, %arg7: memref<16x128xf32, #tpu.memory_space<hbm>>, %arg8: memref<2x10240x128xf32, #tpu.memory_space<hbm>>, %arg9: memref<20480x128xf32, #tpu.memory_space<hbm>>, %arg10: memref<128xi32, #tpu.memory_space<vmem>>, %arg11: memref<128xi32, #tpu.memory_space<vmem>>, %arg12: memref<128xi32, #tpu.memory_space<vmem>>, %arg13: memref<128xi32, #tpu.memory_space<vmem>>, %arg14: memref<128x128xf32, #tpu.memory_space<vmem>>, %arg15: memref<128x128xf32, #tpu.memory_space<vmem>>, %arg16: memref<16x128xf32, #tpu.memory_space<vmem>>, %arg17: memref<16x128xf32, #tpu.memory_space<vmem>>, %arg18: memref<16x16xf32, #tpu.memory_space<vmem>>, %arg19: memref<16x16xf32, #tpu.memory_space<vmem>>, %arg20: memref<10240x128xf32, #tpu.memory_space<vmem_shared>>, %arg21: memref<!tpu.dma_semaphore, #tpu.memory_space<semaphore_mem>>, %arg22: memref<!tpu.dma_semaphore, #tpu.memory_space<semaphore_mem>>, %arg23: memref<!tpu.dma_semaphore, #tpu.memory_space<semaphore_mem>>, %arg24: memref<!tpu.dma_semaphore, #tpu.memory_space<semaphore_mem>>, %arg25: memref<!tpu.dma_semaphore, #tpu.memory_space<semaphore_mem>>, %arg26: memref<!tpu.dma_semaphore, #tpu.memory_space<semaphore_mem>>, %arg27: memref<!tpu.dma_semaphore, #tpu.memory_space<semaphore_mem>>, %arg28: memref<!tpu.dma_semaphore, #tpu.memory_space<semaphore_mem>>) attributes {dimension_semantics = [#tpu.dimension_semantics<core_parallel>, #tpu.dimension_semantics<subcore_parallel>], iteration_bounds = array<i64: 2, 16>, scalar_prefetch = 0 : i64, scratch_operands = 19 : i64, tpu.core_type = #tpu.core_type<sc_vector_subcore>, window_params = [{transform_indices = #map}, {transform_indices = #map1}, {transform_indices = #map2}, {transform_indices = #map3}, {transform_indices = #map3}, {transform_indices = #map}, {transform_indices = #map3}, {transform_indices = #map}]} {
    "tpu.region"() ({
      %run_scoped3A = tpu.sem_alloc : memref<!tpu.dma_semaphore, #tpu.memory_space<semaphore_mem>>
      tpu.enqueue_dma source(%arg7 : memref<16x128xf32, #tpu.memory_space<hbm>>) target(%arg16 : memref<16x128xf32, #tpu.memory_space<vmem>>) target_semaphore(%run_scoped3A : memref<!tpu.dma_semaphore, #tpu.memory_space<semaphore_mem>>)
      tpu.wait_dma2 semaphore(%run_scoped3A : memref<!tpu.dma_semaphore, #tpu.memory_space<semaphore_mem>>) src(%arg7 : memref<16x128xf32, #tpu.memory_space<hbm>>) dst(%arg16 : memref<16x128xf32, #tpu.memory_space<vmem>>)
      tpu.yield
    }) : () -> ()
    %scan3A = arith.constant 0 : i32
    %scan3A_0 = arith.constant 0 : i32
    %scan3A_1 = arith.constant 40 : i32
    %scan3A_2 = arith.addi %scan3A_0, %scan3A_1 : i32
    %scan3A_3 = arith.constant 1 : i32
    scf.for %scan3A_309 = %scan3A_0 to %scan3A_2 step %scan3A_3  : i32 {
      %mul3A_310 = arith.constant 640 : i32
      %mul3A_311 = arith.muli %arg1, %mul3A_310 : i32
      %mul3A_312 = arith.constant 16 : i32
      %mul3A_313 = arith.muli %scan3A_309, %mul3A_312 : i32
      %add3A_314 = arith.addi %mul3A_311, %mul3A_313 : i32
      %dma_start3A_315 = arith.constant 0 : i32
      %dma_start3A_316 = tpu.memref_slice %arg20[%add3A_314, %dma_start3A_315] : memref<10240x128xf32, #tpu.memory_space<vmem_shared>> -> memref<16x128xf32, #tpu.memory_space<vmem_shared>>
      %dma_start3A_317 = arith.constant 0 : i32
      %dma_start3A_318 = tpu.memref_slice %arg20[%add3A_314, %dma_start3A_317] : memref<10240x128xf32, #tpu.memory_space<vmem_shared>> -> memref<16x128xf32, #tpu.memory_space<vmem_shared>>
      tpu.enqueue_dma source(%arg16 : memref<16x128xf32, #tpu.memory_space<vmem>>) target(%dma_start3A_318 : memref<16x128xf32, #tpu.memory_space<vmem_shared>>) target_semaphore(%arg25 : memref<!tpu.dma_semaphore, #tpu.memory_space<semaphore_mem>>)
    }
    %scan3A_4 = arith.constant 40 : i32
    %scan3A_5 = arith.constant 0 : i32
    %scan3A_6 = arith.constant 0 : i32
    %scan3A_7 = arith.constant 40 : i32
    %scan3A_8 = arith.addi %scan3A_6, %scan3A_7 : i32
    %scan3A_9 = arith.constant 1 : i32
    scf.for %scan3A_309 = %scan3A_6 to %scan3A_8 step %scan3A_9  : i32 {
      %mul3A_310 = arith.constant 640 : i32
      %mul3A_311 = arith.muli %arg1, %mul3A_310 : i32
      %dma_wait3A_312 = arith.constant 0 : i32
      %dma_wait3A_313 = tpu.memref_slice %arg20[%mul3A_311, %dma_wait3A_312] : memref<10240x128xf32, #tpu.memory_space<vmem_shared>> -> memref<16x128xf32, #tpu.memory_space<vmem_shared>>
      %dma_wait3A_314 = arith.constant 0 : i32
      %dma_wait3A_315 = tpu.memref_slice %arg20[%mul3A_311, %dma_wait3A_314] : memref<10240x128xf32, #tpu.memory_space<vmem_shared>> -> memref<16x128xf32, #tpu.memory_space<vmem_shared>>
      tpu.wait_dma2 semaphore(%arg25 : memref<!tpu.dma_semaphore, #tpu.memory_space<semaphore_mem>>) src(%arg16 : memref<16x128xf32, #tpu.memory_space<vmem>>) dst(%dma_wait3A_315 : memref<16x128xf32, #tpu.memory_space<vmem_shared>>)
    }
    %scan3A_10 = arith.constant 40 : i32
    %barrier3A = arith.constant 0 : index
    tpu.barrier barrier_id(%barrier3A)
    %dma_start3A = arith.constant 0 : i32
    %dma_start3A_11 = arith.constant 0 : i32
    %dma_start3A_12 = arith.constant 0 : i32
    %dma_start3A_13 = tpu.memref_slice %arg3[%dma_start3A, %arg0, %arg1, %dma_start3A_11, %dma_start3A_12] : memref<2x2x16x82x128xi32, #tpu.memory_space<hbm>> -> memref<1x1x1x1x128xi32, #tpu.memory_space<hbm>>
    %dma_start3A_14 = tpu.memref_squeeze %dma_start3A_13 : memref<1x1x1x1x128xi32, #tpu.memory_space<hbm>> -> memref<128xi32, #tpu.memory_space<hbm>>
    %dma_start3A_15 = arith.constant 0 : i32
    %dma_start3A_16 = tpu.memref_slice %arg3[%dma_start3A, %arg0, %arg1, %dma_start3A_11, %dma_start3A_15] : memref<2x2x16x82x128xi32, #tpu.memory_space<hbm>> -> memref<1x1x1x1x128xi32, #tpu.memory_space<hbm>>
    %dma_start3A_17 = tpu.memref_squeeze %dma_start3A_16 : memref<1x1x1x1x128xi32, #tpu.memory_space<hbm>> -> memref<128xi32, #tpu.memory_space<hbm>>
    tpu.enqueue_dma source(%dma_start3A_17 : memref<128xi32, #tpu.memory_space<hbm>>) target(%arg10 : memref<128xi32, #tpu.memory_space<vmem>>) target_semaphore(%arg21 : memref<!tpu.dma_semaphore, #tpu.memory_space<semaphore_mem>>)
    %dma_start3A_18 = arith.constant 0 : i32
    %dma_start3A_19 = arith.constant 0 : i32
    %dma_start3A_20 = arith.constant 0 : i32
    %dma_start3A_21 = tpu.memref_slice %arg4[%dma_start3A_18, %arg1, %dma_start3A_19, %dma_start3A_20] : memref<2x16x82x128xi32, #tpu.memory_space<hbm>> -> memref<1x1x1x128xi32, #tpu.memory_space<hbm>>
    %dma_start3A_22 = tpu.memref_squeeze %dma_start3A_21 : memref<1x1x1x128xi32, #tpu.memory_space<hbm>> -> memref<128xi32, #tpu.memory_space<hbm>>
    %dma_start3A_23 = arith.constant 0 : i32
    %dma_start3A_24 = tpu.memref_slice %arg4[%dma_start3A_18, %arg1, %dma_start3A_19, %dma_start3A_23] : memref<2x16x82x128xi32, #tpu.memory_space<hbm>> -> memref<1x1x1x128xi32, #tpu.memory_space<hbm>>
    %dma_start3A_25 = tpu.memref_squeeze %dma_start3A_24 : memref<1x1x1x128xi32, #tpu.memory_space<hbm>> -> memref<128xi32, #tpu.memory_space<hbm>>
    tpu.enqueue_dma source(%dma_start3A_25 : memref<128xi32, #tpu.memory_space<hbm>>) target(%arg11 : memref<128xi32, #tpu.memory_space<vmem>>) target_semaphore(%arg23 : memref<!tpu.dma_semaphore, #tpu.memory_space<semaphore_mem>>)
    %dma_start3A_26 = arith.constant 0 : i32
    %dma_start3A_27 = arith.constant 1 : i32
    %dma_start3A_28 = arith.constant 0 : i32
    %dma_start3A_29 = tpu.memref_slice %arg3[%dma_start3A_26, %arg0, %arg1, %dma_start3A_27, %dma_start3A_28] : memref<2x2x16x82x128xi32, #tpu.memory_space<hbm>> -> memref<1x1x1x1x128xi32, #tpu.memory_space<hbm>>
    %dma_start3A_30 = tpu.memref_squeeze %dma_start3A_29 : memref<1x1x1x1x128xi32, #tpu.memory_space<hbm>> -> memref<128xi32, #tpu.memory_space<hbm>>
    %dma_start3A_31 = arith.constant 0 : i32
    %dma_start3A_32 = tpu.memref_slice %arg3[%dma_start3A_26, %arg0, %arg1, %dma_start3A_27, %dma_start3A_31] : memref<2x2x16x82x128xi32, #tpu.memory_space<hbm>> -> memref<1x1x1x1x128xi32, #tpu.memory_space<hbm>>
    %dma_start3A_33 = tpu.memref_squeeze %dma_start3A_32 : memref<1x1x1x1x128xi32, #tpu.memory_space<hbm>> -> memref<128xi32, #tpu.memory_space<hbm>>
    tpu.enqueue_dma source(%dma_start3A_33 : memref<128xi32, #tpu.memory_space<hbm>>) target(%arg12 : memref<128xi32, #tpu.memory_space<vmem>>) target_semaphore(%arg22 : memref<!tpu.dma_semaphore, #tpu.memory_space<semaphore_mem>>)
    %dma_start3A_34 = arith.constant 0 : i32
    %dma_start3A_35 = arith.constant 1 : i32
    %dma_start3A_36 = arith.constant 0 : i32
    %dma_start3A_37 = tpu.memref_slice %arg4[%dma_start3A_34, %arg1, %dma_start3A_35, %dma_start3A_36] : memref<2x16x82x128xi32, #tpu.memory_space<hbm>> -> memref<1x1x1x128xi32, #tpu.memory_space<hbm>>
    %dma_start3A_38 = tpu.memref_squeeze %dma_start3A_37 : memref<1x1x1x128xi32, #tpu.memory_space<hbm>> -> memref<128xi32, #tpu.memory_space<hbm>>
    %dma_start3A_39 = arith.constant 0 : i32
    %dma_start3A_40 = tpu.memref_slice %arg4[%dma_start3A_34, %arg1, %dma_start3A_35, %dma_start3A_39] : memref<2x16x82x128xi32, #tpu.memory_space<hbm>> -> memref<1x1x1x128xi32, #tpu.memory_space<hbm>>
    %dma_start3A_41 = tpu.memref_squeeze %dma_start3A_40 : memref<1x1x1x128xi32, #tpu.memory_space<hbm>> -> memref<128xi32, #tpu.memory_space<hbm>>
    tpu.enqueue_dma source(%dma_start3A_41 : memref<128xi32, #tpu.memory_space<hbm>>) target(%arg13 : memref<128xi32, #tpu.memory_space<vmem>>) target_semaphore(%arg24 : memref<!tpu.dma_semaphore, #tpu.memory_space<semaphore_mem>>)
    %scan3A_42 = arith.constant 0 : i32
    %scan3A_43 = arith.constant 0 : i32
    %scan3A_44 = arith.constant 40 : i32
    %scan3A_45 = arith.addi %scan3A_43, %scan3A_44 : i32
    %scan3A_46 = arith.constant 1 : i32
    scf.for %scan3A_309 = %scan3A_43 to %scan3A_45 step %scan3A_46  : i32 {
      %mul3A_310 = arith.constant 2 : i32
      %mul3A_311 = arith.muli %mul3A_310, %scan3A_309 : i32
      %dma_wait3A_312 = arith.constant 0 : i32
      %dma_wait3A_313 = arith.constant 0 : i32
      %dma_wait3A_314 = arith.constant 0 : i32
      %dma_wait3A_315 = tpu.memref_slice %arg3[%dma_wait3A_312, %arg0, %arg1, %dma_wait3A_313, %dma_wait3A_314] : memref<2x2x16x82x128xi32, #tpu.memory_space<hbm>> -> memref<1x1x1x1x128xi32, #tpu.memory_space<hbm>>
      %dma_wait3A_316 = tpu.memref_squeeze %dma_wait3A_315 : memref<1x1x1x1x128xi32, #tpu.memory_space<hbm>> -> memref<128xi32, #tpu.memory_space<hbm>>
      %dma_wait3A_317 = arith.constant 0 : i32
      %dma_wait3A_318 = tpu.memref_slice %arg3[%dma_wait3A_312, %arg0, %arg1, %dma_wait3A_313, %dma_wait3A_317] : memref<2x2x16x82x128xi32, #tpu.memory_space<hbm>> -> memref<1x1x1x1x128xi32, #tpu.memory_space<hbm>>
      %dma_wait3A_319 = tpu.memref_squeeze %dma_wait3A_318 : memref<1x1x1x1x128xi32, #tpu.memory_space<hbm>> -> memref<128xi32, #tpu.memory_space<hbm>>
      tpu.wait_dma2 semaphore(%arg21 : memref<!tpu.dma_semaphore, #tpu.memory_space<semaphore_mem>>) src(%dma_wait3A_319 : memref<128xi32, #tpu.memory_space<hbm>>) dst(%arg10 : memref<128xi32, #tpu.memory_space<vmem>>)
      %dma_start3A_320 = arith.constant 0 : i32
      %dma_start3A_321 = arith.constant 0 : i32
      %dma_start3A_322 = tpu.memref_slice %arg2[%dma_start3A_320, %dma_start3A_321] : memref<20000x128xf32, #tpu.memory_space<hbm>> -> memref<20000x128xf32, #tpu.memory_space<hbm>>
      tpu.enqueue_indirect_dma source(%dma_start3A_322 : memref<20000x128xf32, #tpu.memory_space<hbm>>) target(%arg14 : memref<128x128xf32, #tpu.memory_space<vmem>>) offsets(%arg10 : memref<128xi32, #tpu.memory_space<vmem>>) semaphore(%arg25 : memref<!tpu.dma_semaphore, #tpu.memory_space<semaphore_mem>>)
      %dma_wait3A_323 = arith.constant 0 : i32
      %dma_wait3A_324 = arith.constant 0 : i32
      %dma_wait3A_325 = arith.constant 0 : i32
      %dma_wait3A_326 = tpu.memref_slice %arg3[%dma_wait3A_323, %arg0, %arg1, %dma_wait3A_324, %dma_wait3A_325] : memref<2x2x16x82x128xi32, #tpu.memory_space<hbm>> -> memref<1x1x1x1x128xi32, #tpu.memory_space<hbm>>
      %dma_wait3A_327 = tpu.memref_squeeze %dma_wait3A_326 : memref<1x1x1x1x128xi32, #tpu.memory_space<hbm>> -> memref<128xi32, #tpu.memory_space<hbm>>
      %dma_wait3A_328 = arith.constant 0 : i32
      %dma_wait3A_329 = tpu.memref_slice %arg3[%dma_wait3A_323, %arg0, %arg1, %dma_wait3A_324, %dma_wait3A_328] : memref<2x2x16x82x128xi32, #tpu.memory_space<hbm>> -> memref<1x1x1x1x128xi32, #tpu.memory_space<hbm>>
      %dma_wait3A_330 = tpu.memref_squeeze %dma_wait3A_329 : memref<1x1x1x1x128xi32, #tpu.memory_space<hbm>> -> memref<128xi32, #tpu.memory_space<hbm>>
      tpu.wait_dma2 semaphore(%arg22 : memref<!tpu.dma_semaphore, #tpu.memory_space<semaphore_mem>>) src(%dma_wait3A_330 : memref<128xi32, #tpu.memory_space<hbm>>) dst(%arg12 : memref<128xi32, #tpu.memory_space<vmem>>)
      %dma_start3A_331 = arith.constant 0 : i32
      %dma_start3A_332 = arith.constant 0 : i32
      %dma_start3A_333 = tpu.memref_slice %arg2[%dma_start3A_331, %dma_start3A_332] : memref<20000x128xf32, #tpu.memory_space<hbm>> -> memref<20000x128xf32, #tpu.memory_space<hbm>>
      tpu.enqueue_indirect_dma source(%dma_start3A_333 : memref<20000x128xf32, #tpu.memory_space<hbm>>) target(%arg15 : memref<128x128xf32, #tpu.memory_space<vmem>>) offsets(%arg12 : memref<128xi32, #tpu.memory_space<vmem>>) semaphore(%arg26 : memref<!tpu.dma_semaphore, #tpu.memory_space<semaphore_mem>>)
      %dma_wait3A_334 = arith.constant 0 : i32
      %dma_wait3A_335 = arith.constant 0 : i32
      %dma_wait3A_336 = tpu.memref_slice %arg2[%dma_wait3A_334, %dma_wait3A_335] : memref<20000x128xf32, #tpu.memory_space<hbm>> -> memref<20000x128xf32, #tpu.memory_space<hbm>>
      tpu.wait_indirect_dma semaphore(%arg25 : memref<!tpu.dma_semaphore, #tpu.memory_space<semaphore_mem>>) src(%dma_wait3A_336 : memref<20000x128xf32, #tpu.memory_space<hbm>>) dst(%arg14 : memref<128x128xf32, #tpu.memory_space<vmem>>)
      %dma_wait3A_337 = arith.constant 0 : i32
      %dma_wait3A_338 = arith.constant 0 : i32
      %dma_wait3A_339 = arith.constant 0 : i32
      %dma_wait3A_340 = tpu.memref_slice %arg4[%dma_wait3A_337, %arg1, %dma_wait3A_338, %dma_wait3A_339] : memref<2x16x82x128xi32, #tpu.memory_space<hbm>> -> memref<1x1x1x128xi32, #tpu.memory_space<hbm>>
      %dma_wait3A_341 = tpu.memref_squeeze %dma_wait3A_340 : memref<1x1x1x128xi32, #tpu.memory_space<hbm>> -> memref<128xi32, #tpu.memory_space<hbm>>
      %dma_wait3A_342 = arith.constant 0 : i32
      %dma_wait3A_343 = tpu.memref_slice %arg4[%dma_wait3A_337, %arg1, %dma_wait3A_338, %dma_wait3A_342] : memref<2x16x82x128xi32, #tpu.memory_space<hbm>> -> memref<1x1x1x128xi32, #tpu.memory_space<hbm>>
      %dma_wait3A_344 = tpu.memref_squeeze %dma_wait3A_343 : memref<1x1x1x128xi32, #tpu.memory_space<hbm>> -> memref<128xi32, #tpu.memory_space<hbm>>
      tpu.wait_dma2 semaphore(%arg23 : memref<!tpu.dma_semaphore, #tpu.memory_space<semaphore_mem>>) src(%dma_wait3A_344 : memref<128xi32, #tpu.memory_space<hbm>>) dst(%arg11 : memref<128xi32, #tpu.memory_space<vmem>>)
      "tpu.region"() ({
        %run_scoped3A = tpu.sem_alloc : memref<!tpu.dma_semaphore, #tpu.memory_space<semaphore_mem>>
        %dma_start3A_392 = arith.constant 0 : i32
        %dma_start3A_393 = arith.constant 0 : i32
        %dma_start3A_394 = tpu.memref_slice %arg20[%dma_start3A_392, %dma_start3A_393] : memref<10240x128xf32, #tpu.memory_space<vmem_shared>> -> memref<10240x128xf32, #tpu.memory_space<vmem_shared>>
        tpu.enqueue_indirect_dma source(%arg14 : memref<128x128xf32, #tpu.memory_space<vmem>>) target(%dma_start3A_394 : memref<10240x128xf32, #tpu.memory_space<vmem_shared>>) offsets(%arg11 : memref<128xi32, #tpu.memory_space<vmem>>) semaphore(%run_scoped3A : memref<!tpu.dma_semaphore, #tpu.memory_space<semaphore_mem>>) {add = true}
        %dma_wait3A_395 = arith.constant 0 : i32
        %dma_wait3A_396 = arith.constant 0 : i32
        %dma_wait3A_397 = tpu.memref_slice %arg20[%dma_wait3A_395, %dma_wait3A_396] : memref<10240x128xf32, #tpu.memory_space<vmem_shared>> -> memref<10240x128xf32, #tpu.memory_space<vmem_shared>>
        tpu.wait_indirect_dma semaphore(%run_scoped3A : memref<!tpu.dma_semaphore, #tpu.memory_space<semaphore_mem>>) src(%arg14 : memref<128x128xf32, #tpu.memory_space<vmem>>) dst(%dma_wait3A_397 : memref<10240x128xf32, #tpu.memory_space<vmem_shared>>)
        tpu.yield
      }) : () -> ()
      %add3A_345 = arith.constant 2 : i32
      %add3A_346 = arith.addi %mul3A_311, %add3A_345 : i32
      %dma_start3A_347 = arith.constant 0 : i32
      %dma_start3A_348 = arith.constant 0 : i32
      %dma_start3A_349 = tpu.memref_slice %arg3[%dma_start3A_347, %arg0, %arg1, %add3A_346, %dma_start3A_348] : memref<2x2x16x82x128xi32, #tpu.memory_space<hbm>> -> memref<1x1x1x1x128xi32, #tpu.memory_space<hbm>>
      %dma_start3A_350 = tpu.memref_squeeze %dma_start3A_349 : memref<1x1x1x1x128xi32, #tpu.memory_space<hbm>> -> memref<128xi32, #tpu.memory_space<hbm>>
      %dma_start3A_351 = arith.constant 0 : i32
      %dma_start3A_352 = tpu.memref_slice %arg3[%dma_start3A_347, %arg0, %arg1, %add3A_346, %dma_start3A_351] : memref<2x2x16x82x128xi32, #tpu.memory_space<hbm>> -> memref<1x1x1x1x128xi32, #tpu.memory_space<hbm>>
      %dma_start3A_353 = tpu.memref_squeeze %dma_start3A_352 : memref<1x1x1x1x128xi32, #tpu.memory_space<hbm>> -> memref<128xi32, #tpu.memory_space<hbm>>
      tpu.enqueue_dma source(%dma_start3A_353 : memref<128xi32, #tpu.memory_space<hbm>>) target(%arg10 : memref<128xi32, #tpu.memory_space<vmem>>) target_semaphore(%arg21 : memref<!tpu.dma_semaphore, #tpu.memory_space<semaphore_mem>>)
      %add3A_354 = arith.constant 2 : i32
      %add3A_355 = arith.addi %mul3A_311, %add3A_354 : i32
      %dma_start3A_356 = arith.constant 0 : i32
      %dma_start3A_357 = arith.constant 0 : i32
      %dma_start3A_358 = tpu.memref_slice %arg4[%dma_start3A_356, %arg1, %add3A_355, %dma_start3A_357] : memref<2x16x82x128xi32, #tpu.memory_space<hbm>> -> memref<1x1x1x128xi32, #tpu.memory_space<hbm>>
      %dma_start3A_359 = tpu.memref_squeeze %dma_start3A_358 : memref<1x1x1x128xi32, #tpu.memory_space<hbm>> -> memref<128xi32, #tpu.memory_space<hbm>>
      %dma_start3A_360 = arith.constant 0 : i32
      %dma_start3A_361 = tpu.memref_slice %arg4[%dma_start3A_356, %arg1, %add3A_355, %dma_start3A_360] : memref<2x16x82x128xi32, #tpu.memory_space<hbm>> -> memref<1x1x1x128xi32, #tpu.memory_space<hbm>>
      %dma_start3A_362 = tpu.memref_squeeze %dma_start3A_361 : memref<1x1x1x128xi32, #tpu.memory_space<hbm>> -> memref<128xi32, #tpu.memory_space<hbm>>
      tpu.enqueue_dma source(%dma_start3A_362 : memref<128xi32, #tpu.memory_space<hbm>>) target(%arg11 : memref<128xi32, #tpu.memory_space<vmem>>) target_semaphore(%arg23 : memref<!tpu.dma_semaphore, #tpu.memory_space<semaphore_mem>>)
      %dma_wait3A_363 = arith.constant 0 : i32
      %dma_wait3A_364 = arith.constant 0 : i32
      %dma_wait3A_365 = tpu.memref_slice %arg2[%dma_wait3A_363, %dma_wait3A_364] : memref<20000x128xf32, #tpu.memory_space<hbm>> -> memref<20000x128xf32, #tpu.memory_space<hbm>>
      tpu.wait_indirect_dma semaphore(%arg26 : memref<!tpu.dma_semaphore, #tpu.memory_space<semaphore_mem>>) src(%dma_wait3A_365 : memref<20000x128xf32, #tpu.memory_space<hbm>>) dst(%arg15 : memref<128x128xf32, #tpu.memory_space<vmem>>)
      %dma_wait3A_366 = arith.constant 0 : i32
      %dma_wait3A_367 = arith.constant 0 : i32
      %dma_wait3A_368 = arith.constant 0 : i32
      %dma_wait3A_369 = tpu.memref_slice %arg4[%dma_wait3A_366, %arg1, %dma_wait3A_367, %dma_wait3A_368] : memref<2x16x82x128xi32, #tpu.memory_space<hbm>> -> memref<1x1x1x128xi32, #tpu.memory_space<hbm>>
      %dma_wait3A_370 = tpu.memref_squeeze %dma_wait3A_369 : memref<1x1x1x128xi32, #tpu.memory_space<hbm>> -> memref<128xi32, #tpu.memory_space<hbm>>
      %dma_wait3A_371 = arith.constant 0 : i32
      %dma_wait3A_372 = tpu.memref_slice %arg4[%dma_wait3A_366, %arg1, %dma_wait3A_367, %dma_wait3A_371] : memref<2x16x82x128xi32, #tpu.memory_space<hbm>> -> memref<1x1x1x128xi32, #tpu.memory_space<hbm>>
      %dma_wait3A_373 = tpu.memref_squeeze %dma_wait3A_372 : memref<1x1x1x128xi32, #tpu.memory_space<hbm>> -> memref<128xi32, #tpu.memory_space<hbm>>
      tpu.wait_dma2 semaphore(%arg24 : memref<!tpu.dma_semaphore, #tpu.memory_space<semaphore_mem>>) src(%dma_wait3A_373 : memref<128xi32, #tpu.memory_space<hbm>>) dst(%arg13 : memref<128xi32, #tpu.memory_space<vmem>>)
      "tpu.region"() ({
        %run_scoped3A = tpu.sem_alloc : memref<!tpu.dma_semaphore, #tpu.memory_space<semaphore_mem>>
        %dma_start3A_392 = arith.constant 0 : i32
        %dma_start3A_393 = arith.constant 0 : i32
        %dma_start3A_394 = tpu.memref_slice %arg20[%dma_start3A_392, %dma_start3A_393] : memref<10240x128xf32, #tpu.memory_space<vmem_shared>> -> memref<10240x128xf32, #tpu.memory_space<vmem_shared>>
        tpu.enqueue_indirect_dma source(%arg15 : memref<128x128xf32, #tpu.memory_space<vmem>>) target(%dma_start3A_394 : memref<10240x128xf32, #tpu.memory_space<vmem_shared>>) offsets(%arg13 : memref<128xi32, #tpu.memory_space<vmem>>) semaphore(%run_scoped3A : memref<!tpu.dma_semaphore, #tpu.memory_space<semaphore_mem>>) {add = true}
        %dma_wait3A_395 = arith.constant 0 : i32
        %dma_wait3A_396 = arith.constant 0 : i32
        %dma_wait3A_397 = tpu.memref_slice %arg20[%dma_wait3A_395, %dma_wait3A_396] : memref<10240x128xf32, #tpu.memory_space<vmem_shared>> -> memref<10240x128xf32, #tpu.memory_space<vmem_shared>>
        tpu.wait_indirect_dma semaphore(%run_scoped3A : memref<!tpu.dma_semaphore, #tpu.memory_space<semaphore_mem>>) src(%arg15 : memref<128x128xf32, #tpu.memory_space<vmem>>) dst(%dma_wait3A_397 : memref<10240x128xf32, #tpu.memory_space<vmem_shared>>)
        tpu.yield
      }) : () -> ()
      %add3A_374 = arith.constant 3 : i32
      %add3A_375 = arith.addi %mul3A_311, %add3A_374 : i32
      %dma_start3A_376 = arith.constant 0 : i32
      %dma_start3A_377 = arith.constant 0 : i32
      %dma_start3A_378 = tpu.memref_slice %arg3[%dma_start3A_376, %arg0, %arg1, %add3A_375, %dma_start3A_377] : memref<2x2x16x82x128xi32, #tpu.memory_space<hbm>> -> memref<1x1x1x1x128xi32, #tpu.memory_space<hbm>>
      %dma_start3A_379 = tpu.memref_squeeze %dma_start3A_378 : memref<1x1x1x1x128xi32, #tpu.memory_space<hbm>> -> memref<128xi32, #tpu.memory_space<hbm>>
      %dma_start3A_380 = arith.constant 0 : i32
      %dma_start3A_381 = tpu.memref_slice %arg3[%dma_start3A_376, %arg0, %arg1, %add3A_375, %dma_start3A_380] : memref<2x2x16x82x128xi32, #tpu.memory_space<hbm>> -> memref<1x1x1x1x128xi32, #tpu.memory_space<hbm>>
      %dma_start3A_382 = tpu.memref_squeeze %dma_start3A_381 : memref<1x1x1x1x128xi32, #tpu.memory_space<hbm>> -> memref<128xi32, #tpu.memory_space<hbm>>
      tpu.enqueue_dma source(%dma_start3A_382 : memref<128xi32, #tpu.memory_space<hbm>>) target(%arg12 : memref<128xi32, #tpu.memory_space<vmem>>) target_semaphore(%arg22 : memref<!tpu.dma_semaphore, #tpu.memory_space<semaphore_mem>>)
      %add3A_383 = arith.constant 3 : i32
      %add3A_384 = arith.addi %mul3A_311, %add3A_383 : i32
      %dma_start3A_385 = arith.constant 0 : i32
      %dma_start3A_386 = arith.constant 0 : i32
      %dma_start3A_387 = tpu.memref_slice %arg4[%dma_start3A_385, %arg1, %add3A_384, %dma_start3A_386] : memref<2x16x82x128xi32, #tpu.memory_space<hbm>> -> memref<1x1x1x128xi32, #tpu.memory_space<hbm>>
      %dma_start3A_388 = tpu.memref_squeeze %dma_start3A_387 : memref<1x1x1x128xi32, #tpu.memory_space<hbm>> -> memref<128xi32, #tpu.memory_space<hbm>>
      %dma_start3A_389 = arith.constant 0 : i32
      %dma_start3A_390 = tpu.memref_slice %arg4[%dma_start3A_385, %arg1, %add3A_384, %dma_start3A_389] : memref<2x16x82x128xi32, #tpu.memory_space<hbm>> -> memref<1x1x1x128xi32, #tpu.memory_space<hbm>>
      %dma_start3A_391 = tpu.memref_squeeze %dma_start3A_390 : memref<1x1x1x128xi32, #tpu.memory_space<hbm>> -> memref<128xi32, #tpu.memory_space<hbm>>
      tpu.enqueue_dma source(%dma_start3A_391 : memref<128xi32, #tpu.memory_space<hbm>>) target(%arg13 : memref<128xi32, #tpu.memory_space<vmem>>) target_semaphore(%arg24 : memref<!tpu.dma_semaphore, #tpu.memory_space<semaphore_mem>>)
    }
    %scan3A_47 = arith.constant 40 : i32
    %dma_wait3A = arith.constant 0 : i32
    %dma_wait3A_48 = arith.constant 0 : i32
    %dma_wait3A_49 = arith.constant 0 : i32
    %dma_wait3A_50 = tpu.memref_slice %arg3[%dma_wait3A, %arg0, %arg1, %dma_wait3A_48, %dma_wait3A_49] : memref<2x2x16x82x128xi32, #tpu.memory_space<hbm>> -> memref<1x1x1x1x128xi32, #tpu.memory_space<hbm>>
    %dma_wait3A_51 = tpu.memref_squeeze %dma_wait3A_50 : memref<1x1x1x1x128xi32, #tpu.memory_space<hbm>> -> memref<128xi32, #tpu.memory_space<hbm>>
    %dma_wait3A_52 = arith.constant 0 : i32
    %dma_wait3A_53 = tpu.memref_slice %arg3[%dma_wait3A, %arg0, %arg1, %dma_wait3A_48, %dma_wait3A_52] : memref<2x2x16x82x128xi32, #tpu.memory_space<hbm>> -> memref<1x1x1x1x128xi32, #tpu.memory_space<hbm>>
    %dma_wait3A_54 = tpu.memref_squeeze %dma_wait3A_53 : memref<1x1x1x1x128xi32, #tpu.memory_space<hbm>> -> memref<128xi32, #tpu.memory_space<hbm>>
    tpu.wait_dma2 semaphore(%arg21 : memref<!tpu.dma_semaphore, #tpu.memory_space<semaphore_mem>>) src(%dma_wait3A_54 : memref<128xi32, #tpu.memory_space<hbm>>) dst(%arg10 : memref<128xi32, #tpu.memory_space<vmem>>)
    %dma_wait3A_55 = arith.constant 0 : i32
    %dma_wait3A_56 = arith.constant 0 : i32
    %dma_wait3A_57 = arith.constant 0 : i32
    %dma_wait3A_58 = tpu.memref_slice %arg4[%dma_wait3A_55, %arg1, %dma_wait3A_56, %dma_wait3A_57] : memref<2x16x82x128xi32, #tpu.memory_space<hbm>> -> memref<1x1x1x128xi32, #tpu.memory_space<hbm>>
    %dma_wait3A_59 = tpu.memref_squeeze %dma_wait3A_58 : memref<1x1x1x128xi32, #tpu.memory_space<hbm>> -> memref<128xi32, #tpu.memory_space<hbm>>
    %dma_wait3A_60 = arith.constant 0 : i32
    %dma_wait3A_61 = tpu.memref_slice %arg4[%dma_wait3A_55, %arg1, %dma_wait3A_56, %dma_wait3A_60] : memref<2x16x82x128xi32, #tpu.memory_space<hbm>> -> memref<1x1x1x128xi32, #tpu.memory_space<hbm>>
    %dma_wait3A_62 = tpu.memref_squeeze %dma_wait3A_61 : memref<1x1x1x128xi32, #tpu.memory_space<hbm>> -> memref<128xi32, #tpu.memory_space<hbm>>
    tpu.wait_dma2 semaphore(%arg23 : memref<!tpu.dma_semaphore, #tpu.memory_space<semaphore_mem>>) src(%dma_wait3A_62 : memref<128xi32, #tpu.memory_space<hbm>>) dst(%arg11 : memref<128xi32, #tpu.memory_space<vmem>>)
    %dma_wait3A_63 = arith.constant 0 : i32
    %dma_wait3A_64 = arith.constant 0 : i32
    %dma_wait3A_65 = arith.constant 0 : i32
    %dma_wait3A_66 = tpu.memref_slice %arg3[%dma_wait3A_63, %arg0, %arg1, %dma_wait3A_64, %dma_wait3A_65] : memref<2x2x16x82x128xi32, #tpu.memory_space<hbm>> -> memref<1x1x1x1x128xi32, #tpu.memory_space<hbm>>
    %dma_wait3A_67 = tpu.memref_squeeze %dma_wait3A_66 : memref<1x1x1x1x128xi32, #tpu.memory_space<hbm>> -> memref<128xi32, #tpu.memory_space<hbm>>
    %dma_wait3A_68 = arith.constant 0 : i32
    %dma_wait3A_69 = tpu.memref_slice %arg3[%dma_wait3A_63, %arg0, %arg1, %dma_wait3A_64, %dma_wait3A_68] : memref<2x2x16x82x128xi32, #tpu.memory_space<hbm>> -> memref<1x1x1x1x128xi32, #tpu.memory_space<hbm>>
    %dma_wait3A_70 = tpu.memref_squeeze %dma_wait3A_69 : memref<1x1x1x1x128xi32, #tpu.memory_space<hbm>> -> memref<128xi32, #tpu.memory_space<hbm>>
    tpu.wait_dma2 semaphore(%arg22 : memref<!tpu.dma_semaphore, #tpu.memory_space<semaphore_mem>>) src(%dma_wait3A_70 : memref<128xi32, #tpu.memory_space<hbm>>) dst(%arg12 : memref<128xi32, #tpu.memory_space<vmem>>)
    %dma_wait3A_71 = arith.constant 0 : i32
    %dma_wait3A_72 = arith.constant 0 : i32
    %dma_wait3A_73 = arith.constant 0 : i32
    %dma_wait3A_74 = tpu.memref_slice %arg4[%dma_wait3A_71, %arg1, %dma_wait3A_72, %dma_wait3A_73] : memref<2x16x82x128xi32, #tpu.memory_space<hbm>> -> memref<1x1x1x128xi32, #tpu.memory_space<hbm>>
    %dma_wait3A_75 = tpu.memref_squeeze %dma_wait3A_74 : memref<1x1x1x128xi32, #tpu.memory_space<hbm>> -> memref<128xi32, #tpu.memory_space<hbm>>
    %dma_wait3A_76 = arith.constant 0 : i32
    %dma_wait3A_77 = tpu.memref_slice %arg4[%dma_wait3A_71, %arg1, %dma_wait3A_72, %dma_wait3A_76] : memref<2x16x82x128xi32, #tpu.memory_space<hbm>> -> memref<1x1x1x128xi32, #tpu.memory_space<hbm>>
    %dma_wait3A_78 = tpu.memref_squeeze %dma_wait3A_77 : memref<1x1x1x128xi32, #tpu.memory_space<hbm>> -> memref<128xi32, #tpu.memory_space<hbm>>
    tpu.wait_dma2 semaphore(%arg24 : memref<!tpu.dma_semaphore, #tpu.memory_space<semaphore_mem>>) src(%dma_wait3A_78 : memref<128xi32, #tpu.memory_space<hbm>>) dst(%arg13 : memref<128xi32, #tpu.memory_space<vmem>>)
    %barrier3A_79 = arith.constant 0 : index
    tpu.barrier barrier_id(%barrier3A_79)
    %min3A = arith.constant 0 : i32
    %min3A_80 = arith.constant 39 : i32
    %min3A_81 = arith.minsi %min3A, %min3A_80 : i32
    %mul3A = arith.constant 640 : i32
    %mul3A_82 = arith.muli %arg1, %mul3A : i32
    %mul3A_83 = arith.constant 16 : i32
    %mul3A_84 = arith.muli %min3A_81, %mul3A_83 : i32
    %add3A = arith.addi %mul3A_82, %mul3A_84 : i32
    %dma_start3A_85 = arith.constant 0 : i32
    %dma_start3A_86 = tpu.memref_slice %arg20[%add3A, %dma_start3A_85] : memref<10240x128xf32, #tpu.memory_space<vmem_shared>> -> memref<16x128xf32, #tpu.memory_space<vmem_shared>>
    %dma_start3A_87 = arith.constant 0 : i32
    %dma_start3A_88 = tpu.memref_slice %arg20[%add3A, %dma_start3A_87] : memref<10240x128xf32, #tpu.memory_space<vmem_shared>> -> memref<16x128xf32, #tpu.memory_space<vmem_shared>>
    tpu.enqueue_dma source(%dma_start3A_88 : memref<16x128xf32, #tpu.memory_space<vmem_shared>>) target(%arg16 : memref<16x128xf32, #tpu.memory_space<vmem>>) target_semaphore(%arg25 : memref<!tpu.dma_semaphore, #tpu.memory_space<semaphore_mem>>)
    %mul3A_89 = arith.constant 16 : i32
    %mul3A_90 = arith.muli %min3A_81, %mul3A_89 : i32
    %dma_start3A_91 = arith.constant 0 : i32
    %dma_start3A_92 = tpu.memref_slice %arg5[%arg1, %mul3A_90, %dma_start3A_91] : memref<16x640x16xf32, #tpu.memory_space<hbm>> -> memref<1x16x16xf32, #tpu.memory_space<hbm>>
    %dma_start3A_93 = tpu.memref_squeeze %dma_start3A_92 : memref<1x16x16xf32, #tpu.memory_space<hbm>> -> memref<16x16xf32, #tpu.memory_space<hbm>>
    %dma_start3A_94 = arith.constant 0 : i32
    %dma_start3A_95 = tpu.memref_slice %arg5[%arg1, %mul3A_90, %dma_start3A_94] : memref<16x640x16xf32, #tpu.memory_space<hbm>> -> memref<1x16x16xf32, #tpu.memory_space<hbm>>
    %dma_start3A_96 = tpu.memref_squeeze %dma_start3A_95 : memref<1x16x16xf32, #tpu.memory_space<hbm>> -> memref<16x16xf32, #tpu.memory_space<hbm>>
    tpu.enqueue_dma source(%dma_start3A_96 : memref<16x16xf32, #tpu.memory_space<hbm>>) target(%arg18 : memref<16x16xf32, #tpu.memory_space<vmem>>) target_semaphore(%arg21 : memref<!tpu.dma_semaphore, #tpu.memory_space<semaphore_mem>>)
    %min3A_97 = arith.constant 1 : i32
    %min3A_98 = arith.constant 39 : i32
    %min3A_99 = arith.minsi %min3A_97, %min3A_98 : i32
    %mul3A_100 = arith.constant 640 : i32
    %mul3A_101 = arith.muli %arg1, %mul3A_100 : i32
    %mul3A_102 = arith.constant 16 : i32
    %mul3A_103 = arith.muli %min3A_99, %mul3A_102 : i32
    %add3A_104 = arith.addi %mul3A_101, %mul3A_103 : i32
    %dma_start3A_105 = arith.constant 0 : i32
    %dma_start3A_106 = tpu.memref_slice %arg20[%add3A_104, %dma_start3A_105] : memref<10240x128xf32, #tpu.memory_space<vmem_shared>> -> memref<16x128xf32, #tpu.memory_space<vmem_shared>>
    %dma_start3A_107 = arith.constant 0 : i32
    %dma_start3A_108 = tpu.memref_slice %arg20[%add3A_104, %dma_start3A_107] : memref<10240x128xf32, #tpu.memory_space<vmem_shared>> -> memref<16x128xf32, #tpu.memory_space<vmem_shared>>
    tpu.enqueue_dma source(%dma_start3A_108 : memref<16x128xf32, #tpu.memory_space<vmem_shared>>) target(%arg17 : memref<16x128xf32, #tpu.memory_space<vmem>>) target_semaphore(%arg26 : memref<!tpu.dma_semaphore, #tpu.memory_space<semaphore_mem>>)
    %mul3A_109 = arith.constant 16 : i32
    %mul3A_110 = arith.muli %min3A_99, %mul3A_109 : i32
    %dma_start3A_111 = arith.constant 0 : i32
    %dma_start3A_112 = tpu.memref_slice %arg5[%arg1, %mul3A_110, %dma_start3A_111] : memref<16x640x16xf32, #tpu.memory_space<hbm>> -> memref<1x16x16xf32, #tpu.memory_space<hbm>>
    %dma_start3A_113 = tpu.memref_squeeze %dma_start3A_112 : memref<1x16x16xf32, #tpu.memory_space<hbm>> -> memref<16x16xf32, #tpu.memory_space<hbm>>
    %dma_start3A_114 = arith.constant 0 : i32
    %dma_start3A_115 = tpu.memref_slice %arg5[%arg1, %mul3A_110, %dma_start3A_114] : memref<16x640x16xf32, #tpu.memory_space<hbm>> -> memref<1x16x16xf32, #tpu.memory_space<hbm>>
    %dma_start3A_116 = tpu.memref_squeeze %dma_start3A_115 : memref<1x16x16xf32, #tpu.memory_space<hbm>> -> memref<16x16xf32, #tpu.memory_space<hbm>>
    tpu.enqueue_dma source(%dma_start3A_116 : memref<16x16xf32, #tpu.memory_space<hbm>>) target(%arg19 : memref<16x16xf32, #tpu.memory_space<vmem>>) target_semaphore(%arg22 : memref<!tpu.dma_semaphore, #tpu.memory_space<semaphore_mem>>)
    %scan3A_117 = arith.constant 0 : i32
    %scan3A_118 = arith.constant 0 : i32
    %scan3A_119 = arith.constant 20 : i32
    %scan3A_120 = arith.addi %scan3A_118, %scan3A_119 : i32
    %scan3A_121 = arith.constant 1 : i32
    scf.for %scan3A_309 = %scan3A_118 to %scan3A_120 step %scan3A_121  : i32 {
      %mul3A_310 = arith.constant 2 : i32
      %mul3A_311 = arith.muli %mul3A_310, %scan3A_309 : i32
      %mul3A_312 = arith.constant 640 : i32
      %mul3A_313 = arith.muli %arg1, %mul3A_312 : i32
      %dma_wait3A_314 = arith.constant 0 : i32
      %dma_wait3A_315 = tpu.memref_slice %arg20[%mul3A_313, %dma_wait3A_314] : memref<10240x128xf32, #tpu.memory_space<vmem_shared>> -> memref<16x128xf32, #tpu.memory_space<vmem_shared>>
      %dma_wait3A_316 = arith.constant 0 : i32
      %dma_wait3A_317 = tpu.memref_slice %arg20[%mul3A_313, %dma_wait3A_316] : memref<10240x128xf32, #tpu.memory_space<vmem_shared>> -> memref<16x128xf32, #tpu.memory_space<vmem_shared>>
      tpu.wait_dma2 semaphore(%arg25 : memref<!tpu.dma_semaphore, #tpu.memory_space<semaphore_mem>>) src(%dma_wait3A_317 : memref<16x128xf32, #tpu.memory_space<vmem_shared>>) dst(%arg16 : memref<16x128xf32, #tpu.memory_space<vmem>>)
      %dma_wait3A_318 = arith.constant 0 : i32
      %dma_wait3A_319 = arith.constant 0 : i32
      %dma_wait3A_320 = tpu.memref_slice %arg5[%arg1, %dma_wait3A_318, %dma_wait3A_319] : memref<16x640x16xf32, #tpu.memory_space<hbm>> -> memref<1x16x16xf32, #tpu.memory_space<hbm>>
      %dma_wait3A_321 = tpu.memref_squeeze %dma_wait3A_320 : memref<1x16x16xf32, #tpu.memory_space<hbm>> -> memref<16x16xf32, #tpu.memory_space<hbm>>
      %dma_wait3A_322 = arith.constant 0 : i32
      %dma_wait3A_323 = arith.constant 0 : i32
      %dma_wait3A_324 = tpu.memref_slice %arg5[%arg1, %dma_wait3A_322, %dma_wait3A_323] : memref<16x640x16xf32, #tpu.memory_space<hbm>> -> memref<1x16x16xf32, #tpu.memory_space<hbm>>
      %dma_wait3A_325 = tpu.memref_squeeze %dma_wait3A_324 : memref<1x16x16xf32, #tpu.memory_space<hbm>> -> memref<16x16xf32, #tpu.memory_space<hbm>>
      tpu.wait_dma2 semaphore(%arg21 : memref<!tpu.dma_semaphore, #tpu.memory_space<semaphore_mem>>) src(%dma_wait3A_325 : memref<16x16xf32, #tpu.memory_space<hbm>>) dst(%arg18 : memref<16x16xf32, #tpu.memory_space<vmem>>)
      %scan3A_326 = arith.constant 0 : i32
      %scan3A_327 = arith.constant 0 : i32
      %scan3A_328 = arith.constant 16 : i32
      %scan3A_329 = arith.addi %scan3A_327, %scan3A_328 : i32
      %scan3A_330 = arith.constant 1 : i32
      scf.for %scan3A_428 = %scan3A_327 to %scan3A_329 step %scan3A_330  : i32 {
        %get3A = arith.index_cast %scan3A_428 : i32 to index
        %get3A_429 = arith.constant 0 : index
        %get3A_430 = tpu.vector_load %arg18[%get3A, %get3A_429] {strides = array<i32>} : memref<16x16xf32, #tpu.memory_space<vmem>>, vector<1x16xf32>,
        %get3A_431 = vector.shape_cast %get3A_430 : vector<1x16xf32> to vector<16xf32>
        %get3A_432 = arith.index_cast %scan3A_428 : i32 to index
        %get3A_433 = arith.constant 0 : index
        %get3A_434 = tpu.vector_load %arg16[%get3A_432, %get3A_433] {strides = array<i32>} : memref<16x128xf32, #tpu.memory_space<vmem>>, vector<1x16xf32>,
        %get3A_435 = vector.shape_cast %get3A_434 : vector<1x16xf32> to vector<16xf32>
        %mul3A_436 = arith.mulf %get3A_435, %get3A_431 : vector<16xf32>
        %swap3A = arith.index_cast %scan3A_428 : i32 to index
        %swap3A_437 = arith.constant 0 : index
        %swap3A_438 = tpu.vector_load %arg16[%swap3A, %swap3A_437] {strides = array<i32>} : memref<16x128xf32, #tpu.memory_space<vmem>>, vector<1x16xf32>,
        %swap3A_439 = vector.shape_cast %swap3A_438 : vector<1x16xf32> to vector<16xf32>
        %swap3A_440 = vector.shape_cast %mul3A_436 : vector<16xf32> to vector<1x16xf32>
        tpu.vector_store %arg16[%swap3A, %swap3A_437], %swap3A_440 {strides = array<i32>} : memref<16x128xf32, #tpu.memory_space<vmem>>, vector<1x16xf32>,
        %get3A_441 = arith.index_cast %scan3A_428 : i32 to index
        %get3A_442 = arith.constant 16 : index
        %get3A_443 = tpu.vector_load %arg16[%get3A_441, %get3A_442] {strides = array<i32>} : memref<16x128xf32, #tpu.memory_space<vmem>>, vector<1x16xf32>,
        %get3A_444 = vector.shape_cast %get3A_443 : vector<1x16xf32> to vector<16xf32>
        %mul3A_445 = arith.mulf %get3A_444, %get3A_431 : vector<16xf32>
        %swap3A_446 = arith.index_cast %scan3A_428 : i32 to index
        %swap3A_447 = arith.constant 16 : index
        %swap3A_448 = tpu.vector_load %arg16[%swap3A_446, %swap3A_447] {strides = array<i32>} : memref<16x128xf32, #tpu.memory_space<vmem>>, vector<1x16xf32>,
        %swap3A_449 = vector.shape_cast %swap3A_448 : vector<1x16xf32> to vector<16xf32>
        %swap3A_450 = vector.shape_cast %mul3A_445 : vector<16xf32> to vector<1x16xf32>
        tpu.vector_store %arg16[%swap3A_446, %swap3A_447], %swap3A_450 {strides = array<i32>} : memref<16x128xf32, #tpu.memory_space<vmem>>, vector<1x16xf32>,
        %get3A_451 = arith.index_cast %scan3A_428 : i32 to index
        %get3A_452 = arith.constant 32 : index
        %get3A_453 = tpu.vector_load %arg16[%get3A_451, %get3A_452] {strides = array<i32>} : memref<16x128xf32, #tpu.memory_space<vmem>>, vector<1x16xf32>,
        %get3A_454 = vector.shape_cast %get3A_453 : vector<1x16xf32> to vector<16xf32>
        %mul3A_455 = arith.mulf %get3A_454, %get3A_431 : vector<16xf32>
        %swap3A_456 = arith.index_cast %scan3A_428 : i32 to index
        %swap3A_457 = arith.constant 32 : index
        %swap3A_458 = tpu.vector_load %arg16[%swap3A_456, %swap3A_457] {strides = array<i32>} : memref<16x128xf32, #tpu.memory_space<vmem>>, vector<1x16xf32>,
        %swap3A_459 = vector.shape_cast %swap3A_458 : vector<1x16xf32> to vector<16xf32>
        %swap3A_460 = vector.shape_cast %mul3A_455 : vector<16xf32> to vector<1x16xf32>
        tpu.vector_store %arg16[%swap3A_456, %swap3A_457], %swap3A_460 {strides = array<i32>} : memref<16x128xf32, #tpu.memory_space<vmem>>, vector<1x16xf32>,
        %get3A_461 = arith.index_cast %scan3A_428 : i32 to index
        %get3A_462 = arith.constant 48 : index
        %get3A_463 = tpu.vector_load %arg16[%get3A_461, %get3A_462] {strides = array<i32>} : memref<16x128xf32, #tpu.memory_space<vmem>>, vector<1x16xf32>,
        %get3A_464 = vector.shape_cast %get3A_463 : vector<1x16xf32> to vector<16xf32>
        %mul3A_465 = arith.mulf %get3A_464, %get3A_431 : vector<16xf32>
        %swap3A_466 = arith.index_cast %scan3A_428 : i32 to index
        %swap3A_467 = arith.constant 48 : index
        %swap3A_468 = tpu.vector_load %arg16[%swap3A_466, %swap3A_467] {strides = array<i32>} : memref<16x128xf32, #tpu.memory_space<vmem>>, vector<1x16xf32>,
        %swap3A_469 = vector.shape_cast %swap3A_468 : vector<1x16xf32> to vector<16xf32>
        %swap3A_470 = vector.shape_cast %mul3A_465 : vector<16xf32> to vector<1x16xf32>
        tpu.vector_store %arg16[%swap3A_466, %swap3A_467], %swap3A_470 {strides = array<i32>} : memref<16x128xf32, #tpu.memory_space<vmem>>, vector<1x16xf32>,
        %get3A_471 = arith.index_cast %scan3A_428 : i32 to index
        %get3A_472 = arith.constant 64 : index
        %get3A_473 = tpu.vector_load %arg16[%get3A_471, %get3A_472] {strides = array<i32>} : memref<16x128xf32, #tpu.memory_space<vmem>>, vector<1x16xf32>,
        %get3A_474 = vector.shape_cast %get3A_473 : vector<1x16xf32> to vector<16xf32>
        %mul3A_475 = arith.mulf %get3A_474, %get3A_431 : vector<16xf32>
        %swap3A_476 = arith.index_cast %scan3A_428 : i32 to index
        %swap3A_477 = arith.constant 64 : index
        %swap3A_478 = tpu.vector_load %arg16[%swap3A_476, %swap3A_477] {strides = array<i32>} : memref<16x128xf32, #tpu.memory_space<vmem>>, vector<1x16xf32>,
        %swap3A_479 = vector.shape_cast %swap3A_478 : vector<1x16xf32> to vector<16xf32>
        %swap3A_480 = vector.shape_cast %mul3A_475 : vector<16xf32> to vector<1x16xf32>
        tpu.vector_store %arg16[%swap3A_476, %swap3A_477], %swap3A_480 {strides = array<i32>} : memref<16x128xf32, #tpu.memory_space<vmem>>, vector<1x16xf32>,
        %get3A_481 = arith.index_cast %scan3A_428 : i32 to index
        %get3A_482 = arith.constant 80 : index
        %get3A_483 = tpu.vector_load %arg16[%get3A_481, %get3A_482] {strides = array<i32>} : memref<16x128xf32, #tpu.memory_space<vmem>>, vector<1x16xf32>,
        %get3A_484 = vector.shape_cast %get3A_483 : vector<1x16xf32> to vector<16xf32>
        %mul3A_485 = arith.mulf %get3A_484, %get3A_431 : vector<16xf32>
        %swap3A_486 = arith.index_cast %scan3A_428 : i32 to index
        %swap3A_487 = arith.constant 80 : index
        %swap3A_488 = tpu.vector_load %arg16[%swap3A_486, %swap3A_487] {strides = array<i32>} : memref<16x128xf32, #tpu.memory_space<vmem>>, vector<1x16xf32>,
        %swap3A_489 = vector.shape_cast %swap3A_488 : vector<1x16xf32> to vector<16xf32>
        %swap3A_490 = vector.shape_cast %mul3A_485 : vector<16xf32> to vector<1x16xf32>
        tpu.vector_store %arg16[%swap3A_486, %swap3A_487], %swap3A_490 {strides = array<i32>} : memref<16x128xf32, #tpu.memory_space<vmem>>, vector<1x16xf32>,
        %get3A_491 = arith.index_cast %scan3A_428 : i32 to index
        %get3A_492 = arith.constant 96 : index
        %get3A_493 = tpu.vector_load %arg16[%get3A_491, %get3A_492] {strides = array<i32>} : memref<16x128xf32, #tpu.memory_space<vmem>>, vector<1x16xf32>,
        %get3A_494 = vector.shape_cast %get3A_493 : vector<1x16xf32> to vector<16xf32>
        %mul3A_495 = arith.mulf %get3A_494, %get3A_431 : vector<16xf32>
        %swap3A_496 = arith.index_cast %scan3A_428 : i32 to index
        %swap3A_497 = arith.constant 96 : index
        %swap3A_498 = tpu.vector_load %arg16[%swap3A_496, %swap3A_497] {strides = array<i32>} : memref<16x128xf32, #tpu.memory_space<vmem>>, vector<1x16xf32>,
        %swap3A_499 = vector.shape_cast %swap3A_498 : vector<1x16xf32> to vector<16xf32>
        %swap3A_500 = vector.shape_cast %mul3A_495 : vector<16xf32> to vector<1x16xf32>
        tpu.vector_store %arg16[%swap3A_496, %swap3A_497], %swap3A_500 {strides = array<i32>} : memref<16x128xf32, #tpu.memory_space<vmem>>, vector<1x16xf32>,
        %get3A_501 = arith.index_cast %scan3A_428 : i32 to index
        %get3A_502 = arith.constant 112 : index
        %get3A_503 = tpu.vector_load %arg16[%get3A_501, %get3A_502] {strides = array<i32>} : memref<16x128xf32, #tpu.memory_space<vmem>>, vector<1x16xf32>,
        %get3A_504 = vector.shape_cast %get3A_503 : vector<1x16xf32> to vector<16xf32>
        %mul3A_505 = arith.mulf %get3A_504, %get3A_431 : vector<16xf32>
        %swap3A_506 = arith.index_cast %scan3A_428 : i32 to index
        %swap3A_507 = arith.constant 112 : index
        %swap3A_508 = tpu.vector_load %arg16[%swap3A_506, %swap3A_507] {strides = array<i32>} : memref<16x128xf32, #tpu.memory_space<vmem>>, vector<1x16xf32>,
        %swap3A_509 = vector.shape_cast %swap3A_508 : vector<1x16xf32> to vector<16xf32>
        %swap3A_510 = vector.shape_cast %mul3A_505 : vector<16xf32> to vector<1x16xf32>
        tpu.vector_store %arg16[%swap3A_506, %swap3A_507], %swap3A_510 {strides = array<i32>} : memref<16x128xf32, #tpu.memory_space<vmem>>, vector<1x16xf32>,
      }
      %scan3A_331 = arith.constant 16 : i32
      %mul3A_332 = arith.constant 10240 : i32
      %mul3A_333 = arith.muli %arg0, %mul3A_332 : i32
      %mul3A_334 = arith.constant 640 : i32
      %mul3A_335 = arith.muli %arg1, %mul3A_334 : i32
      %add3A_336 = arith.addi %mul3A_333, %mul3A_335 : i32
      %mul3A_337 = arith.constant 16 : i32
      %mul3A_338 = arith.muli %mul3A_311, %mul3A_337 : i32
      %add3A_339 = arith.addi %add3A_336, %mul3A_338 : i32
      %dma_start3A_340 = arith.constant 0 : i32
      %dma_start3A_341 = tpu.memref_slice %arg9[%add3A_339, %dma_start3A_340] : memref<20480x128xf32, #tpu.memory_space<hbm>> -> memref<16x128xf32, #tpu.memory_space<hbm>>
      %dma_start3A_342 = arith.constant 0 : i32
      %dma_start3A_343 = tpu.memref_slice %arg9[%add3A_339, %dma_start3A_342] : memref<20480x128xf32, #tpu.memory_space<hbm>> -> memref<16x128xf32, #tpu.memory_space<hbm>>
      tpu.enqueue_dma source(%arg16 : memref<16x128xf32, #tpu.memory_space<vmem>>) target(%dma_start3A_343 : memref<16x128xf32, #tpu.memory_space<hbm>>) target_semaphore(%arg27 : memref<!tpu.dma_semaphore, #tpu.memory_space<semaphore_mem>>)
      %mul3A_344 = arith.constant 640 : i32
      %mul3A_345 = arith.muli %arg1, %mul3A_344 : i32
      %dma_wait3A_346 = arith.constant 0 : i32
      %dma_wait3A_347 = tpu.memref_slice %arg20[%mul3A_345, %dma_wait3A_346] : memref<10240x128xf32, #tpu.memory_space<vmem_shared>> -> memref<16x128xf32, #tpu.memory_space<vmem_shared>>
      %dma_wait3A_348 = arith.constant 0 : i32
      %dma_wait3A_349 = tpu.memref_slice %arg20[%mul3A_345, %dma_wait3A_348] : memref<10240x128xf32, #tpu.memory_space<vmem_shared>> -> memref<16x128xf32, #tpu.memory_space<vmem_shared>>
      tpu.wait_dma2 semaphore(%arg26 : memref<!tpu.dma_semaphore, #tpu.memory_space<semaphore_mem>>) src(%dma_wait3A_349 : memref<16x128xf32, #tpu.memory_space<vmem_shared>>) dst(%arg17 : memref<16x128xf32, #tpu.memory_space<vmem>>)
      %dma_wait3A_350 = arith.constant 0 : i32
      %dma_wait3A_351 = arith.constant 0 : i32
      %dma_wait3A_352 = tpu.memref_slice %arg5[%arg1, %dma_wait3A_350, %dma_wait3A_351] : memref<16x640x16xf32, #tpu.memory_space<hbm>> -> memref<1x16x16xf32, #tpu.memory_space<hbm>>
      %dma_wait3A_353 = tpu.memref_squeeze %dma_wait3A_352 : memref<1x16x16xf32, #tpu.memory_space<hbm>> -> memref<16x16xf32, #tpu.memory_space<hbm>>
      %dma_wait3A_354 = arith.constant 0 : i32
      %dma_wait3A_355 = arith.constant 0 : i32
      %dma_wait3A_356 = tpu.memref_slice %arg5[%arg1, %dma_wait3A_354, %dma_wait3A_355] : memref<16x640x16xf32, #tpu.memory_space<hbm>> -> memref<1x16x16xf32, #tpu.memory_space<hbm>>
      %dma_wait3A_357 = tpu.memref_squeeze %dma_wait3A_356 : memref<1x16x16xf32, #tpu.memory_space<hbm>> -> memref<16x16xf32, #tpu.memory_space<hbm>>
      tpu.wait_dma2 semaphore(%arg22 : memref<!tpu.dma_semaphore, #tpu.memory_space<semaphore_mem>>) src(%dma_wait3A_357 : memref<16x16xf32, #tpu.memory_space<hbm>>) dst(%arg19 : memref<16x16xf32, #tpu.memory_space<vmem>>)
      %scan3A_358 = arith.constant 0 : i32
      %scan3A_359 = arith.constant 0 : i32
      %scan3A_360 = arith.constant 16 : i32
      %scan3A_361 = arith.addi %scan3A_359, %scan3A_360 : i32
      %scan3A_362 = arith.constant 1 : i32
      scf.for %scan3A_428 = %scan3A_359 to %scan3A_361 step %scan3A_362  : i32 {
        %get3A = arith.index_cast %scan3A_428 : i32 to index
        %get3A_429 = arith.constant 0 : index
        %get3A_430 = tpu.vector_load %arg19[%get3A, %get3A_429] {strides = array<i32>} : memref<16x16xf32, #tpu.memory_space<vmem>>, vector<1x16xf32>,
        %get3A_431 = vector.shape_cast %get3A_430 : vector<1x16xf32> to vector<16xf32>
        %get3A_432 = arith.index_cast %scan3A_428 : i32 to index
        %get3A_433 = arith.constant 0 : index
        %get3A_434 = tpu.vector_load %arg17[%get3A_432, %get3A_433] {strides = array<i32>} : memref<16x128xf32, #tpu.memory_space<vmem>>, vector<1x16xf32>,
        %get3A_435 = vector.shape_cast %get3A_434 : vector<1x16xf32> to vector<16xf32>
        %mul3A_436 = arith.mulf %get3A_435, %get3A_431 : vector<16xf32>
        %swap3A = arith.index_cast %scan3A_428 : i32 to index
        %swap3A_437 = arith.constant 0 : index
        %swap3A_438 = tpu.vector_load %arg17[%swap3A, %swap3A_437] {strides = array<i32>} : memref<16x128xf32, #tpu.memory_space<vmem>>, vector<1x16xf32>,
        %swap3A_439 = vector.shape_cast %swap3A_438 : vector<1x16xf32> to vector<16xf32>
        %swap3A_440 = vector.shape_cast %mul3A_436 : vector<16xf32> to vector<1x16xf32>
        tpu.vector_store %arg17[%swap3A, %swap3A_437], %swap3A_440 {strides = array<i32>} : memref<16x128xf32, #tpu.memory_space<vmem>>, vector<1x16xf32>,
        %get3A_441 = arith.index_cast %scan3A_428 : i32 to index
        %get3A_442 = arith.constant 16 : index
        %get3A_443 = tpu.vector_load %arg17[%get3A_441, %get3A_442] {strides = array<i32>} : memref<16x128xf32, #tpu.memory_space<vmem>>, vector<1x16xf32>,
        %get3A_444 = vector.shape_cast %get3A_443 : vector<1x16xf32> to vector<16xf32>
        %mul3A_445 = arith.mulf %get3A_444, %get3A_431 : vector<16xf32>
        %swap3A_446 = arith.index_cast %scan3A_428 : i32 to index
        %swap3A_447 = arith.constant 16 : index
        %swap3A_448 = tpu.vector_load %arg17[%swap3A_446, %swap3A_447] {strides = array<i32>} : memref<16x128xf32, #tpu.memory_space<vmem>>, vector<1x16xf32>,
        %swap3A_449 = vector.shape_cast %swap3A_448 : vector<1x16xf32> to vector<16xf32>
        %swap3A_450 = vector.shape_cast %mul3A_445 : vector<16xf32> to vector<1x16xf32>
        tpu.vector_store %arg17[%swap3A_446, %swap3A_447], %swap3A_450 {strides = array<i32>} : memref<16x128xf32, #tpu.memory_space<vmem>>, vector<1x16xf32>,
        %get3A_451 = arith.index_cast %scan3A_428 : i32 to index
        %get3A_452 = arith.constant 32 : index
        %get3A_453 = tpu.vector_load %arg17[%get3A_451, %get3A_452] {strides = array<i32>} : memref<16x128xf32, #tpu.memory_space<vmem>>, vector<1x16xf32>,
        %get3A_454 = vector.shape_cast %get3A_453 : vector<1x16xf32> to vector<16xf32>
        %mul3A_455 = arith.mulf %get3A_454, %get3A_431 : vector<16xf32>
        %swap3A_456 = arith.index_cast %scan3A_428 : i32 to index
        %swap3A_457 = arith.constant 32 : index
        %swap3A_458 = tpu.vector_load %arg17[%swap3A_456, %swap3A_457] {strides = array<i32>} : memref<16x128xf32, #tpu.memory_space<vmem>>, vector<1x16xf32>,
        %swap3A_459 = vector.shape_cast %swap3A_458 : vector<1x16xf32> to vector<16xf32>
        %swap3A_460 = vector.shape_cast %mul3A_455 : vector<16xf32> to vector<1x16xf32>
        tpu.vector_store %arg17[%swap3A_456, %swap3A_457], %swap3A_460 {strides = array<i32>} : memref<16x128xf32, #tpu.memory_space<vmem>>, vector<1x16xf32>,
        %get3A_461 = arith.index_cast %scan3A_428 : i32 to index
        %get3A_462 = arith.constant 48 : index
        %get3A_463 = tpu.vector_load %arg17[%get3A_461, %get3A_462] {strides = array<i32>} : memref<16x128xf32, #tpu.memory_space<vmem>>, vector<1x16xf32>,
        %get3A_464 = vector.shape_cast %get3A_463 : vector<1x16xf32> to vector<16xf32>
        %mul3A_465 = arith.mulf %get3A_464, %get3A_431 : vector<16xf32>
        %swap3A_466 = arith.index_cast %scan3A_428 : i32 to index
        %swap3A_467 = arith.constant 48 : index
        %swap3A_468 = tpu.vector_load %arg17[%swap3A_466, %swap3A_467] {strides = array<i32>} : memref<16x128xf32, #tpu.memory_space<vmem>>, vector<1x16xf32>,
        %swap3A_469 = vector.shape_cast %swap3A_468 : vector<1x16xf32> to vector<16xf32>
        %swap3A_470 = vector.shape_cast %mul3A_465 : vector<16xf32> to vector<1x16xf32>
        tpu.vector_store %arg17[%swap3A_466, %swap3A_467], %swap3A_470 {strides = array<i32>} : memref<16x128xf32, #tpu.memory_space<vmem>>, vector<1x16xf32>,
        %get3A_471 = arith.index_cast %scan3A_428 : i32 to index
        %get3A_472 = arith.constant 64 : index
        %get3A_473 = tpu.vector_load %arg17[%get3A_471, %get3A_472] {strides = array<i32>} : memref<16x128xf32, #tpu.memory_space<vmem>>, vector<1x16xf32>,
        %get3A_474 = vector.shape_cast %get3A_473 : vector<1x16xf32> to vector<16xf32>
        %mul3A_475 = arith.mulf %get3A_474, %get3A_431 : vector<16xf32>
        %swap3A_476 = arith.index_cast %scan3A_428 : i32 to index
        %swap3A_477 = arith.constant 64 : index
        %swap3A_478 = tpu.vector_load %arg17[%swap3A_476, %swap3A_477] {strides = array<i32>} : memref<16x128xf32, #tpu.memory_space<vmem>>, vector<1x16xf32>,
        %swap3A_479 = vector.shape_cast %swap3A_478 : vector<1x16xf32> to vector<16xf32>
        %swap3A_480 = vector.shape_cast %mul3A_475 : vector<16xf32> to vector<1x16xf32>
        tpu.vector_store %arg17[%swap3A_476, %swap3A_477], %swap3A_480 {strides = array<i32>} : memref<16x128xf32, #tpu.memory_space<vmem>>, vector<1x16xf32>,
        %get3A_481 = arith.index_cast %scan3A_428 : i32 to index
        %get3A_482 = arith.constant 80 : index
        %get3A_483 = tpu.vector_load %arg17[%get3A_481, %get3A_482] {strides = array<i32>} : memref<16x128xf32, #tpu.memory_space<vmem>>, vector<1x16xf32>,
        %get3A_484 = vector.shape_cast %get3A_483 : vector<1x16xf32> to vector<16xf32>
        %mul3A_485 = arith.mulf %get3A_484, %get3A_431 : vector<16xf32>
        %swap3A_486 = arith.index_cast %scan3A_428 : i32 to index
        %swap3A_487 = arith.constant 80 : index
        %swap3A_488 = tpu.vector_load %arg17[%swap3A_486, %swap3A_487] {strides = array<i32>} : memref<16x128xf32, #tpu.memory_space<vmem>>, vector<1x16xf32>,
        %swap3A_489 = vector.shape_cast %swap3A_488 : vector<1x16xf32> to vector<16xf32>
        %swap3A_490 = vector.shape_cast %mul3A_485 : vector<16xf32> to vector<1x16xf32>
        tpu.vector_store %arg17[%swap3A_486, %swap3A_487], %swap3A_490 {strides = array<i32>} : memref<16x128xf32, #tpu.memory_space<vmem>>, vector<1x16xf32>,
        %get3A_491 = arith.index_cast %scan3A_428 : i32 to index
        %get3A_492 = arith.constant 96 : index
        %get3A_493 = tpu.vector_load %arg17[%get3A_491, %get3A_492] {strides = array<i32>} : memref<16x128xf32, #tpu.memory_space<vmem>>, vector<1x16xf32>,
        %get3A_494 = vector.shape_cast %get3A_493 : vector<1x16xf32> to vector<16xf32>
        %mul3A_495 = arith.mulf %get3A_494, %get3A_431 : vector<16xf32>
        %swap3A_496 = arith.index_cast %scan3A_428 : i32 to index
        %swap3A_497 = arith.constant 96 : index
        %swap3A_498 = tpu.vector_load %arg17[%swap3A_496, %swap3A_497] {strides = array<i32>} : memref<16x128xf32, #tpu.memory_space<vmem>>, vector<1x16xf32>,
        %swap3A_499 = vector.shape_cast %swap3A_498 : vector<1x16xf32> to vector<16xf32>
        %swap3A_500 = vector.shape_cast %mul3A_495 : vector<16xf32> to vector<1x16xf32>
        tpu.vector_store %arg17[%swap3A_496, %swap3A_497], %swap3A_500 {strides = array<i32>} : memref<16x128xf32, #tpu.memory_space<vmem>>, vector<1x16xf32>,
        %get3A_501 = arith.index_cast %scan3A_428 : i32 to index
        %get3A_502 = arith.constant 112 : index
        %get3A_503 = tpu.vector_load %arg17[%get3A_501, %get3A_502] {strides = array<i32>} : memref<16x128xf32, #tpu.memory_space<vmem>>, vector<1x16xf32>,
        %get3A_504 = vector.shape_cast %get3A_503 : vector<1x16xf32> to vector<16xf32>
        %mul3A_505 = arith.mulf %get3A_504, %get3A_431 : vector<16xf32>
        %swap3A_506 = arith.index_cast %scan3A_428 : i32 to index
        %swap3A_507 = arith.constant 112 : index
        %swap3A_508 = tpu.vector_load %arg17[%swap3A_506, %swap3A_507] {strides = array<i32>} : memref<16x128xf32, #tpu.memory_space<vmem>>, vector<1x16xf32>,
        %swap3A_509 = vector.shape_cast %swap3A_508 : vector<1x16xf32> to vector<16xf32>
        %swap3A_510 = vector.shape_cast %mul3A_505 : vector<16xf32> to vector<1x16xf32>
        tpu.vector_store %arg17[%swap3A_506, %swap3A_507], %swap3A_510 {strides = array<i32>} : memref<16x128xf32, #tpu.memory_space<vmem>>, vector<1x16xf32>,
      }
      %scan3A_363 = arith.constant 16 : i32
      %add3A_364 = arith.constant 1 : i32
      %add3A_365 = arith.addi %mul3A_311, %add3A_364 : i32
      %mul3A_366 = arith.constant 10240 : i32
      %mul3A_367 = arith.muli %arg0, %mul3A_366 : i32
      %mul3A_368 = arith.constant 640 : i32
      %mul3A_369 = arith.muli %arg1, %mul3A_368 : i32
      %add3A_370 = arith.addi %mul3A_367, %mul3A_369 : i32
      %mul3A_371 = arith.constant 16 : i32
      %mul3A_372 = arith.muli %add3A_365, %mul3A_371 : i32
      %add3A_373 = arith.addi %add3A_370, %mul3A_372 : i32
      %dma_start3A_374 = arith.constant 0 : i32
      %dma_start3A_375 = tpu.memref_slice %arg9[%add3A_373, %dma_start3A_374] : memref<20480x128xf32, #tpu.memory_space<hbm>> -> memref<16x128xf32, #tpu.memory_space<hbm>>
      %dma_start3A_376 = arith.constant 0 : i32
      %dma_start3A_377 = tpu.memref_slice %arg9[%add3A_373, %dma_start3A_376] : memref<20480x128xf32, #tpu.memory_space<hbm>> -> memref<16x128xf32, #tpu.memory_space<hbm>>
      tpu.enqueue_dma source(%arg17 : memref<16x128xf32, #tpu.memory_space<vmem>>) target(%dma_start3A_377 : memref<16x128xf32, #tpu.memory_space<hbm>>) target_semaphore(%arg28 : memref<!tpu.dma_semaphore, #tpu.memory_space<semaphore_mem>>)
      %dma_wait3A_378 = arith.constant 0 : i32
      %dma_wait3A_379 = tpu.memref_slice %arg9[%add3A_339, %dma_wait3A_378] : memref<20480x128xf32, #tpu.memory_space<hbm>> -> memref<16x128xf32, #tpu.memory_space<hbm>>
      %dma_wait3A_380 = arith.constant 0 : i32
      %dma_wait3A_381 = tpu.memref_slice %arg9[%add3A_339, %dma_wait3A_380] : memref<20480x128xf32, #tpu.memory_space<hbm>> -> memref<16x128xf32, #tpu.memory_space<hbm>>
      tpu.wait_dma2 semaphore(%arg27 : memref<!tpu.dma_semaphore, #tpu.memory_space<semaphore_mem>>) src(%arg16 : memref<16x128xf32, #tpu.memory_space<vmem>>) dst(%dma_wait3A_381 : memref<16x128xf32, #tpu.memory_space<hbm>>)
      %add3A_382 = arith.constant 2 : i32
      %add3A_383 = arith.addi %mul3A_311, %add3A_382 : i32
      %min3A_384 = arith.constant 39 : i32
      %min3A_385 = arith.minsi %add3A_383, %min3A_384 : i32
      %mul3A_386 = arith.constant 640 : i32
      %mul3A_387 = arith.muli %arg1, %mul3A_386 : i32
      %mul3A_388 = arith.constant 16 : i32
      %mul3A_389 = arith.muli %min3A_385, %mul3A_388 : i32
      %add3A_390 = arith.addi %mul3A_387, %mul3A_389 : i32
      %dma_start3A_391 = arith.constant 0 : i32
      %dma_start3A_392 = tpu.memref_slice %arg20[%add3A_390, %dma_start3A_391] : memref<10240x128xf32, #tpu.memory_space<vmem_shared>> -> memref<16x128xf32, #tpu.memory_space<vmem_shared>>
      %dma_start3A_393 = arith.constant 0 : i32
      %dma_start3A_394 = tpu.memref_slice %arg20[%add3A_390, %dma_start3A_393] : memref<10240x128xf32, #tpu.memory_space<vmem_shared>> -> memref<16x128xf32, #tpu.memory_space<vmem_shared>>
      tpu.enqueue_dma source(%dma_start3A_394 : memref<16x128xf32, #tpu.memory_space<vmem_shared>>) target(%arg16 : memref<16x128xf32, #tpu.memory_space<vmem>>) target_semaphore(%arg25 : memref<!tpu.dma_semaphore, #tpu.memory_space<semaphore_mem>>)
      %mul3A_395 = arith.constant 16 : i32
      %mul3A_396 = arith.muli %min3A_385, %mul3A_395 : i32
      %dma_start3A_397 = arith.constant 0 : i32
      %dma_start3A_398 = tpu.memref_slice %arg5[%arg1, %mul3A_396, %dma_start3A_397] : memref<16x640x16xf32, #tpu.memory_space<hbm>> -> memref<1x16x16xf32, #tpu.memory_space<hbm>>
      %dma_start3A_399 = tpu.memref_squeeze %dma_start3A_398 : memref<1x16x16xf32, #tpu.memory_space<hbm>> -> memref<16x16xf32, #tpu.memory_space<hbm>>
      %dma_start3A_400 = arith.constant 0 : i32
      %dma_start3A_401 = tpu.memref_slice %arg5[%arg1, %mul3A_396, %dma_start3A_400] : memref<16x640x16xf32, #tpu.memory_space<hbm>> -> memref<1x16x16xf32, #tpu.memory_space<hbm>>
      %dma_start3A_402 = tpu.memref_squeeze %dma_start3A_401 : memref<1x16x16xf32, #tpu.memory_space<hbm>> -> memref<16x16xf32, #tpu.memory_space<hbm>>
      tpu.enqueue_dma source(%dma_start3A_402 : memref<16x16xf32, #tpu.memory_space<hbm>>) target(%arg18 : memref<16x16xf32, #tpu.memory_space<vmem>>) target_semaphore(%arg21 : memref<!tpu.dma_semaphore, #tpu.memory_space<semaphore_mem>>)
      %dma_wait3A_403 = arith.constant 0 : i32
      %dma_wait3A_404 = tpu.memref_slice %arg9[%add3A_373, %dma_wait3A_403] : memref<20480x128xf32, #tpu.memory_space<hbm>> -> memref<16x128xf32, #tpu.memory_space<hbm>>
      %dma_wait3A_405 = arith.constant 0 : i32
      %dma_wait3A_406 = tpu.memref_slice %arg9[%add3A_373, %dma_wait3A_405] : memref<20480x128xf32, #tpu.memory_space<hbm>> -> memref<16x128xf32, #tpu.memory_space<hbm>>
      tpu.wait_dma2 semaphore(%arg28 : memref<!tpu.dma_semaphore, #tpu.memory_space<semaphore_mem>>) src(%arg17 : memref<16x128xf32, #tpu.memory_space<vmem>>) dst(%dma_wait3A_406 : memref<16x128xf32, #tpu.memory_space<hbm>>)
      %add3A_407 = arith.constant 3 : i32
      %add3A_408 = arith.addi %mul3A_311, %add3A_407 : i32
      %min3A_409 = arith.constant 39 : i32
      %min3A_410 = arith.minsi %add3A_408, %min3A_409 : i32
      %mul3A_411 = arith.constant 640 : i32
      %mul3A_412 = arith.muli %arg1, %mul3A_411 : i32
      %mul3A_413 = arith.constant 16 : i32
      %mul3A_414 = arith.muli %min3A_410, %mul3A_413 : i32
      %add3A_415 = arith.addi %mul3A_412, %mul3A_414 : i32
      %dma_start3A_416 = arith.constant 0 : i32
      %dma_start3A_417 = tpu.memref_slice %arg20[%add3A_415, %dma_start3A_416] : memref<10240x128xf32, #tpu.memory_space<vmem_shared>> -> memref<16x128xf32, #tpu.memory_space<vmem_shared>>
      %dma_start3A_418 = arith.constant 0 : i32
      %dma_start3A_419 = tpu.memref_slice %arg20[%add3A_415, %dma_start3A_418] : memref<10240x128xf32, #tpu.memory_space<vmem_shared>> -> memref<16x128xf32, #tpu.memory_space<vmem_shared>>
      tpu.enqueue_dma source(%dma_start3A_419 : memref<16x128xf32, #tpu.memory_space<vmem_shared>>) target(%arg17 : memref<16x128xf32, #tpu.memory_space<vmem>>) target_semaphore(%arg26 : memref<!tpu.dma_semaphore, #tpu.memory_space<semaphore_mem>>)
      %mul3A_420 = arith.constant 16 : i32
      %mul3A_421 = arith.muli %min3A_410, %mul3A_420 : i32
      %dma_start3A_422 = arith.constant 0 : i32
      %dma_start3A_423 = tpu.memref_slice %arg5[%arg1, %mul3A_421, %dma_start3A_422] : memref<16x640x16xf32, #tpu.memory_space<hbm>> -> memref<1x16x16xf32, #tpu.memory_space<hbm>>
      %dma_start3A_424 = tpu.memref_squeeze %dma_start3A_423 : memref<1x16x16xf32, #tpu.memory_space<hbm>> -> memref<16x16xf32, #tpu.memory_space<hbm>>
      %dma_start3A_425 = arith.constant 0 : i32
      %dma_start3A_426 = tpu.memref_slice %arg5[%arg1, %mul3A_421, %dma_start3A_425] : memref<16x640x16xf32, #tpu.memory_space<hbm>> -> memref<1x16x16xf32, #tpu.memory_space<hbm>>
      %dma_start3A_427 = tpu.memref_squeeze %dma_start3A_426 : memref<1x16x16xf32, #tpu.memory_space<hbm>> -> memref<16x16xf32, #tpu.memory_space<hbm>>
      tpu.enqueue_dma source(%dma_start3A_427 : memref<16x16xf32, #tpu.memory_space<hbm>>) target(%arg19 : memref<16x16xf32, #tpu.memory_space<vmem>>) target_semaphore(%arg22 : memref<!tpu.dma_semaphore, #tpu.memory_space<semaphore_mem>>)
    }
    %scan3A_122 = arith.constant 20 : i32
    %mul3A_123 = arith.constant 640 : i32
    %mul3A_124 = arith.muli %arg1, %mul3A_123 : i32
    %dma_wait3A_125 = arith.constant 0 : i32
    %dma_wait3A_126 = tpu.memref_slice %arg20[%mul3A_124, %dma_wait3A_125] : memref<10240x128xf32, #tpu.memory_space<vmem_shared>> -> memref<16x128xf32, #tpu.memory_space<vmem_shared>>
    %dma_wait3A_127 = arith.constant 0 : i32
    %dma_wait3A_128 = tpu.memref_slice %arg20[%mul3A_124, %dma_wait3A_127] : memref<10240x128xf32, #tpu.memory_space<vmem_shared>> -> memref<16x128xf32, #tpu.memory_space<vmem_shared>>
    tpu.wait_dma2 semaphore(%arg25 : memref<!tpu.dma_semaphore, #tpu.memory_space<semaphore_mem>>) src(%dma_wait3A_128 : memref<16x128xf32, #tpu.memory_space<vmem_shared>>) dst(%arg16 : memref<16x128xf32, #tpu.memory_space<vmem>>)
    %dma_wait3A_129 = arith.constant 0 : i32
    %dma_wait3A_130 = arith.constant 0 : i32
    %dma_wait3A_131 = tpu.memref_slice %arg5[%arg1, %dma_wait3A_129, %dma_wait3A_130] : memref<16x640x16xf32, #tpu.memory_space<hbm>> -> memref<1x16x16xf32, #tpu.memory_space<hbm>>
    %dma_wait3A_132 = tpu.memref_squeeze %dma_wait3A_131 : memref<1x16x16xf32, #tpu.memory_space<hbm>> -> memref<16x16xf32, #tpu.memory_space<hbm>>
    %dma_wait3A_133 = arith.constant 0 : i32
    %dma_wait3A_134 = arith.constant 0 : i32
    %dma_wait3A_135 = tpu.memref_slice %arg5[%arg1, %dma_wait3A_133, %dma_wait3A_134] : memref<16x640x16xf32, #tpu.memory_space<hbm>> -> memref<1x16x16xf32, #tpu.memory_space<hbm>>
    %dma_wait3A_136 = tpu.memref_squeeze %dma_wait3A_135 : memref<1x16x16xf32, #tpu.memory_space<hbm>> -> memref<16x16xf32, #tpu.memory_space<hbm>>
    tpu.wait_dma2 semaphore(%arg21 : memref<!tpu.dma_semaphore, #tpu.memory_space<semaphore_mem>>) src(%dma_wait3A_136 : memref<16x16xf32, #tpu.memory_space<hbm>>) dst(%arg18 : memref<16x16xf32, #tpu.memory_space<vmem>>)
    %mul3A_137 = arith.constant 640 : i32
    %mul3A_138 = arith.muli %arg1, %mul3A_137 : i32
    %dma_wait3A_139 = arith.constant 0 : i32
    %dma_wait3A_140 = tpu.memref_slice %arg20[%mul3A_138, %dma_wait3A_139] : memref<10240x128xf32, #tpu.memory_space<vmem_shared>> -> memref<16x128xf32, #tpu.memory_space<vmem_shared>>
    %dma_wait3A_141 = arith.constant 0 : i32
    %dma_wait3A_142 = tpu.memref_slice %arg20[%mul3A_138, %dma_wait3A_141] : memref<10240x128xf32, #tpu.memory_space<vmem_shared>> -> memref<16x128xf32, #tpu.memory_space<vmem_shared>>
    tpu.wait_dma2 semaphore(%arg26 : memref<!tpu.dma_semaphore, #tpu.memory_space<semaphore_mem>>) src(%dma_wait3A_142 : memref<16x128xf32, #tpu.memory_space<vmem_shared>>) dst(%arg17 : memref<16x128xf32, #tpu.memory_space<vmem>>)
    %dma_wait3A_143 = arith.constant 0 : i32
    %dma_wait3A_144 = arith.constant 0 : i32
    %dma_wait3A_145 = tpu.memref_slice %arg5[%arg1, %dma_wait3A_143, %dma_wait3A_144] : memref<16x640x16xf32, #tpu.memory_space<hbm>> -> memref<1x16x16xf32, #tpu.memory_space<hbm>>
    %dma_wait3A_146 = tpu.memref_squeeze %dma_wait3A_145 : memref<1x16x16xf32, #tpu.memory_space<hbm>> -> memref<16x16xf32, #tpu.memory_space<hbm>>
    %dma_wait3A_147 = arith.constant 0 : i32
    %dma_wait3A_148 = arith.constant 0 : i32
    %dma_wait3A_149 = tpu.memref_slice %arg5[%arg1, %dma_wait3A_147, %dma_wait3A_148] : memref<16x640x16xf32, #tpu.memory_space<hbm>> -> memref<1x16x16xf32, #tpu.memory_space<hbm>>
    %dma_wait3A_150 = tpu.memref_squeeze %dma_wait3A_149 : memref<1x16x16xf32, #tpu.memory_space<hbm>> -> memref<16x16xf32, #tpu.memory_space<hbm>>
    tpu.wait_dma2 semaphore(%arg22 : memref<!tpu.dma_semaphore, #tpu.memory_space<semaphore_mem>>) src(%dma_wait3A_150 : memref<16x16xf32, #tpu.memory_space<hbm>>) dst(%arg19 : memref<16x16xf32, #tpu.memory_space<vmem>>)
    "tpu.region"() ({
      %run_scoped3A = tpu.sem_alloc : memref<!tpu.dma_semaphore, #tpu.memory_space<semaphore_mem>>
      tpu.enqueue_dma source(%arg7 : memref<16x128xf32, #tpu.memory_space<hbm>>) target(%arg16 : memref<16x128xf32, #tpu.memory_space<vmem>>) target_semaphore(%run_scoped3A : memref<!tpu.dma_semaphore, #tpu.memory_space<semaphore_mem>>)
      tpu.wait_dma2 semaphore(%run_scoped3A : memref<!tpu.dma_semaphore, #tpu.memory_space<semaphore_mem>>) src(%arg7 : memref<16x128xf32, #tpu.memory_space<hbm>>) dst(%arg16 : memref<16x128xf32, #tpu.memory_space<vmem>>)
      tpu.yield
    }) : () -> ()
    %scan3A_151 = arith.constant 0 : i32
    %scan3A_152 = arith.constant 0 : i32
    %scan3A_153 = arith.constant 40 : i32
    %scan3A_154 = arith.addi %scan3A_152, %scan3A_153 : i32
    %scan3A_155 = arith.constant 1 : i32
    scf.for %scan3A_309 = %scan3A_152 to %scan3A_154 step %scan3A_155  : i32 {
      %mul3A_310 = arith.constant 640 : i32
      %mul3A_311 = arith.muli %arg1, %mul3A_310 : i32
      %mul3A_312 = arith.constant 16 : i32
      %mul3A_313 = arith.muli %scan3A_309, %mul3A_312 : i32
      %add3A_314 = arith.addi %mul3A_311, %mul3A_313 : i32
      %dma_start3A_315 = arith.constant 0 : i32
      %dma_start3A_316 = tpu.memref_slice %arg20[%add3A_314, %dma_start3A_315] : memref<10240x128xf32, #tpu.memory_space<vmem_shared>> -> memref<16x128xf32, #tpu.memory_space<vmem_shared>>
      %dma_start3A_317 = arith.constant 0 : i32
      %dma_start3A_318 = tpu.memref_slice %arg20[%add3A_314, %dma_start3A_317] : memref<10240x128xf32, #tpu.memory_space<vmem_shared>> -> memref<16x128xf32, #tpu.memory_space<vmem_shared>>
      tpu.enqueue_dma source(%arg16 : memref<16x128xf32, #tpu.memory_space<vmem>>) target(%dma_start3A_318 : memref<16x128xf32, #tpu.memory_space<vmem_shared>>) target_semaphore(%arg25 : memref<!tpu.dma_semaphore, #tpu.memory_space<semaphore_mem>>)
    }
    %scan3A_156 = arith.constant 40 : i32
    %scan3A_157 = arith.constant 0 : i32
    %scan3A_158 = arith.constant 0 : i32
    %scan3A_159 = arith.constant 40 : i32
    %scan3A_160 = arith.addi %scan3A_158, %scan3A_159 : i32
    %scan3A_161 = arith.constant 1 : i32
    scf.for %scan3A_309 = %scan3A_158 to %scan3A_160 step %scan3A_161  : i32 {
      %mul3A_310 = arith.constant 640 : i32
      %mul3A_311 = arith.muli %arg1, %mul3A_310 : i32
      %dma_wait3A_312 = arith.constant 0 : i32
      %dma_wait3A_313 = tpu.memref_slice %arg20[%mul3A_311, %dma_wait3A_312] : memref<10240x128xf32, #tpu.memory_space<vmem_shared>> -> memref<16x128xf32, #tpu.memory_space<vmem_shared>>
      %dma_wait3A_314 = arith.constant 0 : i32
      %dma_wait3A_315 = tpu.memref_slice %arg20[%mul3A_311, %dma_wait3A_314] : memref<10240x128xf32, #tpu.memory_space<vmem_shared>> -> memref<16x128xf32, #tpu.memory_space<vmem_shared>>
      tpu.wait_dma2 semaphore(%arg25 : memref<!tpu.dma_semaphore, #tpu.memory_space<semaphore_mem>>) src(%arg16 : memref<16x128xf32, #tpu.memory_space<vmem>>) dst(%dma_wait3A_315 : memref<16x128xf32, #tpu.memory_space<vmem_shared>>)
    }
    %scan3A_162 = arith.constant 40 : i32
    %barrier3A_163 = arith.constant 0 : index
    tpu.barrier barrier_id(%barrier3A_163)
    %dma_start3A_164 = arith.constant 1 : i32
    %dma_start3A_165 = arith.constant 0 : i32
    %dma_start3A_166 = arith.constant 0 : i32
    %dma_start3A_167 = tpu.memref_slice %arg3[%dma_start3A_164, %arg0, %arg1, %dma_start3A_165, %dma_start3A_166] : memref<2x2x16x82x128xi32, #tpu.memory_space<hbm>> -> memref<1x1x1x1x128xi32, #tpu.memory_space<hbm>>
    %dma_start3A_168 = tpu.memref_squeeze %dma_start3A_167 : memref<1x1x1x1x128xi32, #tpu.memory_space<hbm>> -> memref<128xi32, #tpu.memory_space<hbm>>
    %dma_start3A_169 = arith.constant 0 : i32
    %dma_start3A_170 = tpu.memref_slice %arg3[%dma_start3A_164, %arg0, %arg1, %dma_start3A_165, %dma_start3A_169] : memref<2x2x16x82x128xi32, #tpu.memory_space<hbm>> -> memref<1x1x1x1x128xi32, #tpu.memory_space<hbm>>
    %dma_start3A_171 = tpu.memref_squeeze %dma_start3A_170 : memref<1x1x1x1x128xi32, #tpu.memory_space<hbm>> -> memref<128xi32, #tpu.memory_space<hbm>>
    tpu.enqueue_dma source(%dma_start3A_171 : memref<128xi32, #tpu.memory_space<hbm>>) target(%arg10 : memref<128xi32, #tpu.memory_space<vmem>>) target_semaphore(%arg21 : memref<!tpu.dma_semaphore, #tpu.memory_space<semaphore_mem>>)
    %dma_start3A_172 = arith.constant 1 : i32
    %dma_start3A_173 = arith.constant 0 : i32
    %dma_start3A_174 = arith.constant 0 : i32
    %dma_start3A_175 = tpu.memref_slice %arg4[%dma_start3A_172, %arg1, %dma_start3A_173, %dma_start3A_174] : memref<2x16x82x128xi32, #tpu.memory_space<hbm>> -> memref<1x1x1x128xi32, #tpu.memory_space<hbm>>
    %dma_start3A_176 = tpu.memref_squeeze %dma_start3A_175 : memref<1x1x1x128xi32, #tpu.memory_space<hbm>> -> memref<128xi32, #tpu.memory_space<hbm>>
    %dma_start3A_177 = arith.constant 0 : i32
    %dma_start3A_178 = tpu.memref_slice %arg4[%dma_start3A_172, %arg1, %dma_start3A_173, %dma_start3A_177] : memref<2x16x82x128xi32, #tpu.memory_space<hbm>> -> memref<1x1x1x128xi32, #tpu.memory_space<hbm>>
    %dma_start3A_179 = tpu.memref_squeeze %dma_start3A_178 : memref<1x1x1x128xi32, #tpu.memory_space<hbm>> -> memref<128xi32, #tpu.memory_space<hbm>>
    tpu.enqueue_dma source(%dma_start3A_179 : memref<128xi32, #tpu.memory_space<hbm>>) target(%arg11 : memref<128xi32, #tpu.memory_space<vmem>>) target_semaphore(%arg23 : memref<!tpu.dma_semaphore, #tpu.memory_space<semaphore_mem>>)
    %dma_start3A_180 = arith.constant 1 : i32
    %dma_start3A_181 = arith.constant 1 : i32
    %dma_start3A_182 = arith.constant 0 : i32
    %dma_start3A_183 = tpu.memref_slice %arg3[%dma_start3A_180, %arg0, %arg1, %dma_start3A_181, %dma_start3A_182] : memref<2x2x16x82x128xi32, #tpu.memory_space<hbm>> -> memref<1x1x1x1x128xi32, #tpu.memory_space<hbm>>
    %dma_start3A_184 = tpu.memref_squeeze %dma_start3A_183 : memref<1x1x1x1x128xi32, #tpu.memory_space<hbm>> -> memref<128xi32, #tpu.memory_space<hbm>>
    %dma_start3A_185 = arith.constant 0 : i32
    %dma_start3A_186 = tpu.memref_slice %arg3[%dma_start3A_180, %arg0, %arg1, %dma_start3A_181, %dma_start3A_185] : memref<2x2x16x82x128xi32, #tpu.memory_space<hbm>> -> memref<1x1x1x1x128xi32, #tpu.memory_space<hbm>>
    %dma_start3A_187 = tpu.memref_squeeze %dma_start3A_186 : memref<1x1x1x1x128xi32, #tpu.memory_space<hbm>> -> memref<128xi32, #tpu.memory_space<hbm>>
    tpu.enqueue_dma source(%dma_start3A_187 : memref<128xi32, #tpu.memory_space<hbm>>) target(%arg12 : memref<128xi32, #tpu.memory_space<vmem>>) target_semaphore(%arg22 : memref<!tpu.dma_semaphore, #tpu.memory_space<semaphore_mem>>)
    %dma_start3A_188 = arith.constant 1 : i32
    %dma_start3A_189 = arith.constant 1 : i32
    %dma_start3A_190 = arith.constant 0 : i32
    %dma_start3A_191 = tpu.memref_slice %arg4[%dma_start3A_188, %arg1, %dma_start3A_189, %dma_start3A_190] : memref<2x16x82x128xi32, #tpu.memory_space<hbm>> -> memref<1x1x1x128xi32, #tpu.memory_space<hbm>>
    %dma_start3A_192 = tpu.memref_squeeze %dma_start3A_191 : memref<1x1x1x128xi32, #tpu.memory_space<hbm>> -> memref<128xi32, #tpu.memory_space<hbm>>
    %dma_start3A_193 = arith.constant 0 : i32
    %dma_start3A_194 = tpu.memref_slice %arg4[%dma_start3A_188, %arg1, %dma_start3A_189, %dma_start3A_193] : memref<2x16x82x128xi32, #tpu.memory_space<hbm>> -> memref<1x1x1x128xi32, #tpu.memory_space<hbm>>
    %dma_start3A_195 = tpu.memref_squeeze %dma_start3A_194 : memref<1x1x1x128xi32, #tpu.memory_space<hbm>> -> memref<128xi32, #tpu.memory_space<hbm>>
    tpu.enqueue_dma source(%dma_start3A_195 : memref<128xi32, #tpu.memory_space<hbm>>) target(%arg13 : memref<128xi32, #tpu.memory_space<vmem>>) target_semaphore(%arg24 : memref<!tpu.dma_semaphore, #tpu.memory_space<semaphore_mem>>)
    %scan3A_196 = arith.constant 0 : i32
    %scan3A_197 = arith.constant 0 : i32
    %scan3A_198 = arith.constant 40 : i32
    %scan3A_199 = arith.addi %scan3A_197, %scan3A_198 : i32
    %scan3A_200 = arith.constant 1 : i32
    scf.for %scan3A_309 = %scan3A_197 to %scan3A_199 step %scan3A_200  : i32 {
      %mul3A_310 = arith.constant 2 : i32
      %mul3A_311 = arith.muli %mul3A_310, %scan3A_309 : i32
      %dma_wait3A_312 = arith.constant 1 : i32
      %dma_wait3A_313 = arith.constant 0 : i32
      %dma_wait3A_314 = arith.constant 0 : i32
      %dma_wait3A_315 = tpu.memref_slice %arg3[%dma_wait3A_312, %arg0, %arg1, %dma_wait3A_313, %dma_wait3A_314] : memref<2x2x16x82x128xi32, #tpu.memory_space<hbm>> -> memref<1x1x1x1x128xi32, #tpu.memory_space<hbm>>
      %dma_wait3A_316 = tpu.memref_squeeze %dma_wait3A_315 : memref<1x1x1x1x128xi32, #tpu.memory_space<hbm>> -> memref<128xi32, #tpu.memory_space<hbm>>
      %dma_wait3A_317 = arith.constant 0 : i32
      %dma_wait3A_318 = tpu.memref_slice %arg3[%dma_wait3A_312, %arg0, %arg1, %dma_wait3A_313, %dma_wait3A_317] : memref<2x2x16x82x128xi32, #tpu.memory_space<hbm>> -> memref<1x1x1x1x128xi32, #tpu.memory_space<hbm>>
      %dma_wait3A_319 = tpu.memref_squeeze %dma_wait3A_318 : memref<1x1x1x1x128xi32, #tpu.memory_space<hbm>> -> memref<128xi32, #tpu.memory_space<hbm>>
      tpu.wait_dma2 semaphore(%arg21 : memref<!tpu.dma_semaphore, #tpu.memory_space<semaphore_mem>>) src(%dma_wait3A_319 : memref<128xi32, #tpu.memory_space<hbm>>) dst(%arg10 : memref<128xi32, #tpu.memory_space<vmem>>)
      %dma_start3A_320 = arith.constant 0 : i32
      %dma_start3A_321 = arith.constant 0 : i32
      %dma_start3A_322 = tpu.memref_slice %arg9[%dma_start3A_320, %dma_start3A_321] : memref<20480x128xf32, #tpu.memory_space<hbm>> -> memref<20480x128xf32, #tpu.memory_space<hbm>>
      tpu.enqueue_indirect_dma source(%dma_start3A_322 : memref<20480x128xf32, #tpu.memory_space<hbm>>) target(%arg14 : memref<128x128xf32, #tpu.memory_space<vmem>>) offsets(%arg10 : memref<128xi32, #tpu.memory_space<vmem>>) semaphore(%arg25 : memref<!tpu.dma_semaphore, #tpu.memory_space<semaphore_mem>>)
      %dma_wait3A_323 = arith.constant 1 : i32
      %dma_wait3A_324 = arith.constant 0 : i32
      %dma_wait3A_325 = arith.constant 0 : i32
      %dma_wait3A_326 = tpu.memref_slice %arg3[%dma_wait3A_323, %arg0, %arg1, %dma_wait3A_324, %dma_wait3A_325] : memref<2x2x16x82x128xi32, #tpu.memory_space<hbm>> -> memref<1x1x1x1x128xi32, #tpu.memory_space<hbm>>
      %dma_wait3A_327 = tpu.memref_squeeze %dma_wait3A_326 : memref<1x1x1x1x128xi32, #tpu.memory_space<hbm>> -> memref<128xi32, #tpu.memory_space<hbm>>
      %dma_wait3A_328 = arith.constant 0 : i32
      %dma_wait3A_329 = tpu.memref_slice %arg3[%dma_wait3A_323, %arg0, %arg1, %dma_wait3A_324, %dma_wait3A_328] : memref<2x2x16x82x128xi32, #tpu.memory_space<hbm>> -> memref<1x1x1x1x128xi32, #tpu.memory_space<hbm>>
      %dma_wait3A_330 = tpu.memref_squeeze %dma_wait3A_329 : memref<1x1x1x1x128xi32, #tpu.memory_space<hbm>> -> memref<128xi32, #tpu.memory_space<hbm>>
      tpu.wait_dma2 semaphore(%arg22 : memref<!tpu.dma_semaphore, #tpu.memory_space<semaphore_mem>>) src(%dma_wait3A_330 : memref<128xi32, #tpu.memory_space<hbm>>) dst(%arg12 : memref<128xi32, #tpu.memory_space<vmem>>)
      %dma_start3A_331 = arith.constant 0 : i32
      %dma_start3A_332 = arith.constant 0 : i32
      %dma_start3A_333 = tpu.memref_slice %arg9[%dma_start3A_331, %dma_start3A_332] : memref<20480x128xf32, #tpu.memory_space<hbm>> -> memref<20480x128xf32, #tpu.memory_space<hbm>>
      tpu.enqueue_indirect_dma source(%dma_start3A_333 : memref<20480x128xf32, #tpu.memory_space<hbm>>) target(%arg15 : memref<128x128xf32, #tpu.memory_space<vmem>>) offsets(%arg12 : memref<128xi32, #tpu.memory_space<vmem>>) semaphore(%arg26 : memref<!tpu.dma_semaphore, #tpu.memory_space<semaphore_mem>>)
      %dma_wait3A_334 = arith.constant 0 : i32
      %dma_wait3A_335 = arith.constant 0 : i32
      %dma_wait3A_336 = tpu.memref_slice %arg9[%dma_wait3A_334, %dma_wait3A_335] : memref<20480x128xf32, #tpu.memory_space<hbm>> -> memref<20480x128xf32, #tpu.memory_space<hbm>>
      tpu.wait_indirect_dma semaphore(%arg25 : memref<!tpu.dma_semaphore, #tpu.memory_space<semaphore_mem>>) src(%dma_wait3A_336 : memref<20480x128xf32, #tpu.memory_space<hbm>>) dst(%arg14 : memref<128x128xf32, #tpu.memory_space<vmem>>)
      %dma_wait3A_337 = arith.constant 1 : i32
      %dma_wait3A_338 = arith.constant 0 : i32
      %dma_wait3A_339 = arith.constant 0 : i32
      %dma_wait3A_340 = tpu.memref_slice %arg4[%dma_wait3A_337, %arg1, %dma_wait3A_338, %dma_wait3A_339] : memref<2x16x82x128xi32, #tpu.memory_space<hbm>> -> memref<1x1x1x128xi32, #tpu.memory_space<hbm>>
      %dma_wait3A_341 = tpu.memref_squeeze %dma_wait3A_340 : memref<1x1x1x128xi32, #tpu.memory_space<hbm>> -> memref<128xi32, #tpu.memory_space<hbm>>
      %dma_wait3A_342 = arith.constant 0 : i32
      %dma_wait3A_343 = tpu.memref_slice %arg4[%dma_wait3A_337, %arg1, %dma_wait3A_338, %dma_wait3A_342] : memref<2x16x82x128xi32, #tpu.memory_space<hbm>> -> memref<1x1x1x128xi32, #tpu.memory_space<hbm>>
      %dma_wait3A_344 = tpu.memref_squeeze %dma_wait3A_343 : memref<1x1x1x128xi32, #tpu.memory_space<hbm>> -> memref<128xi32, #tpu.memory_space<hbm>>
      tpu.wait_dma2 semaphore(%arg23 : memref<!tpu.dma_semaphore, #tpu.memory_space<semaphore_mem>>) src(%dma_wait3A_344 : memref<128xi32, #tpu.memory_space<hbm>>) dst(%arg11 : memref<128xi32, #tpu.memory_space<vmem>>)
      "tpu.region"() ({
        %run_scoped3A = tpu.sem_alloc : memref<!tpu.dma_semaphore, #tpu.memory_space<semaphore_mem>>
        %dma_start3A_392 = arith.constant 0 : i32
        %dma_start3A_393 = arith.constant 0 : i32
        %dma_start3A_394 = tpu.memref_slice %arg20[%dma_start3A_392, %dma_start3A_393] : memref<10240x128xf32, #tpu.memory_space<vmem_shared>> -> memref<10240x128xf32, #tpu.memory_space<vmem_shared>>
        tpu.enqueue_indirect_dma source(%arg14 : memref<128x128xf32, #tpu.memory_space<vmem>>) target(%dma_start3A_394 : memref<10240x128xf32, #tpu.memory_space<vmem_shared>>) offsets(%arg11 : memref<128xi32, #tpu.memory_space<vmem>>) semaphore(%run_scoped3A : memref<!tpu.dma_semaphore, #tpu.memory_space<semaphore_mem>>) {add = true}
        %dma_wait3A_395 = arith.constant 0 : i32
        %dma_wait3A_396 = arith.constant 0 : i32
        %dma_wait3A_397 = tpu.memref_slice %arg20[%dma_wait3A_395, %dma_wait3A_396] : memref<10240x128xf32, #tpu.memory_space<vmem_shared>> -> memref<10240x128xf32, #tpu.memory_space<vmem_shared>>
        tpu.wait_indirect_dma semaphore(%run_scoped3A : memref<!tpu.dma_semaphore, #tpu.memory_space<semaphore_mem>>) src(%arg14 : memref<128x128xf32, #tpu.memory_space<vmem>>) dst(%dma_wait3A_397 : memref<10240x128xf32, #tpu.memory_space<vmem_shared>>)
        tpu.yield
      }) : () -> ()
      %add3A_345 = arith.constant 2 : i32
      %add3A_346 = arith.addi %mul3A_311, %add3A_345 : i32
      %dma_start3A_347 = arith.constant 1 : i32
      %dma_start3A_348 = arith.constant 0 : i32
      %dma_start3A_349 = tpu.memref_slice %arg3[%dma_start3A_347, %arg0, %arg1, %add3A_346, %dma_start3A_348] : memref<2x2x16x82x128xi32, #tpu.memory_space<hbm>> -> memref<1x1x1x1x128xi32, #tpu.memory_space<hbm>>
      %dma_start3A_350 = tpu.memref_squeeze %dma_start3A_349 : memref<1x1x1x1x128xi32, #tpu.memory_space<hbm>> -> memref<128xi32, #tpu.memory_space<hbm>>
      %dma_start3A_351 = arith.constant 0 : i32
      %dma_start3A_352 = tpu.memref_slice %arg3[%dma_start3A_347, %arg0, %arg1, %add3A_346, %dma_start3A_351] : memref<2x2x16x82x128xi32, #tpu.memory_space<hbm>> -> memref<1x1x1x1x128xi32, #tpu.memory_space<hbm>>
      %dma_start3A_353 = tpu.memref_squeeze %dma_start3A_352 : memref<1x1x1x1x128xi32, #tpu.memory_space<hbm>> -> memref<128xi32, #tpu.memory_space<hbm>>
      tpu.enqueue_dma source(%dma_start3A_353 : memref<128xi32, #tpu.memory_space<hbm>>) target(%arg10 : memref<128xi32, #tpu.memory_space<vmem>>) target_semaphore(%arg21 : memref<!tpu.dma_semaphore, #tpu.memory_space<semaphore_mem>>)
      %add3A_354 = arith.constant 2 : i32
      %add3A_355 = arith.addi %mul3A_311, %add3A_354 : i32
      %dma_start3A_356 = arith.constant 1 : i32
      %dma_start3A_357 = arith.constant 0 : i32
      %dma_start3A_358 = tpu.memref_slice %arg4[%dma_start3A_356, %arg1, %add3A_355, %dma_start3A_357] : memref<2x16x82x128xi32, #tpu.memory_space<hbm>> -> memref<1x1x1x128xi32, #tpu.memory_space<hbm>>
      %dma_start3A_359 = tpu.memref_squeeze %dma_start3A_358 : memref<1x1x1x128xi32, #tpu.memory_space<hbm>> -> memref<128xi32, #tpu.memory_space<hbm>>
      %dma_start3A_360 = arith.constant 0 : i32
      %dma_start3A_361 = tpu.memref_slice %arg4[%dma_start3A_356, %arg1, %add3A_355, %dma_start3A_360] : memref<2x16x82x128xi32, #tpu.memory_space<hbm>> -> memref<1x1x1x128xi32, #tpu.memory_space<hbm>>
      %dma_start3A_362 = tpu.memref_squeeze %dma_start3A_361 : memref<1x1x1x128xi32, #tpu.memory_space<hbm>> -> memref<128xi32, #tpu.memory_space<hbm>>
      tpu.enqueue_dma source(%dma_start3A_362 : memref<128xi32, #tpu.memory_space<hbm>>) target(%arg11 : memref<128xi32, #tpu.memory_space<vmem>>) target_semaphore(%arg23 : memref<!tpu.dma_semaphore, #tpu.memory_space<semaphore_mem>>)
      %dma_wait3A_363 = arith.constant 0 : i32
      %dma_wait3A_364 = arith.constant 0 : i32
      %dma_wait3A_365 = tpu.memref_slice %arg9[%dma_wait3A_363, %dma_wait3A_364] : memref<20480x128xf32, #tpu.memory_space<hbm>> -> memref<20480x128xf32, #tpu.memory_space<hbm>>
      tpu.wait_indirect_dma semaphore(%arg26 : memref<!tpu.dma_semaphore, #tpu.memory_space<semaphore_mem>>) src(%dma_wait3A_365 : memref<20480x128xf32, #tpu.memory_space<hbm>>) dst(%arg15 : memref<128x128xf32, #tpu.memory_space<vmem>>)
      %dma_wait3A_366 = arith.constant 1 : i32
      %dma_wait3A_367 = arith.constant 0 : i32
      %dma_wait3A_368 = arith.constant 0 : i32
      %dma_wait3A_369 = tpu.memref_slice %arg4[%dma_wait3A_366, %arg1, %dma_wait3A_367, %dma_wait3A_368] : memref<2x16x82x128xi32, #tpu.memory_space<hbm>> -> memref<1x1x1x128xi32, #tpu.memory_space<hbm>>
      %dma_wait3A_370 = tpu.memref_squeeze %dma_wait3A_369 : memref<1x1x1x128xi32, #tpu.memory_space<hbm>> -> memref<128xi32, #tpu.memory_space<hbm>>
      %dma_wait3A_371 = arith.constant 0 : i32
      %dma_wait3A_372 = tpu.memref_slice %arg4[%dma_wait3A_366, %arg1, %dma_wait3A_367, %dma_wait3A_371] : memref<2x16x82x128xi32, #tpu.memory_space<hbm>> -> memref<1x1x1x128xi32, #tpu.memory_space<hbm>>
      %dma_wait3A_373 = tpu.memref_squeeze %dma_wait3A_372 : memref<1x1x1x128xi32, #tpu.memory_space<hbm>> -> memref<128xi32, #tpu.memory_space<hbm>>
      tpu.wait_dma2 semaphore(%arg24 : memref<!tpu.dma_semaphore, #tpu.memory_space<semaphore_mem>>) src(%dma_wait3A_373 : memref<128xi32, #tpu.memory_space<hbm>>) dst(%arg13 : memref<128xi32, #tpu.memory_space<vmem>>)
      "tpu.region"() ({
        %run_scoped3A = tpu.sem_alloc : memref<!tpu.dma_semaphore, #tpu.memory_space<semaphore_mem>>
        %dma_start3A_392 = arith.constant 0 : i32
        %dma_start3A_393 = arith.constant 0 : i32
        %dma_start3A_394 = tpu.memref_slice %arg20[%dma_start3A_392, %dma_start3A_393] : memref<10240x128xf32, #tpu.memory_space<vmem_shared>> -> memref<10240x128xf32, #tpu.memory_space<vmem_shared>>
        tpu.enqueue_indirect_dma source(%arg15 : memref<128x128xf32, #tpu.memory_space<vmem>>) target(%dma_start3A_394 : memref<10240x128xf32, #tpu.memory_space<vmem_shared>>) offsets(%arg13 : memref<128xi32, #tpu.memory_space<vmem>>) semaphore(%run_scoped3A : memref<!tpu.dma_semaphore, #tpu.memory_space<semaphore_mem>>) {add = true}
        %dma_wait3A_395 = arith.constant 0 : i32
        %dma_wait3A_396 = arith.constant 0 : i32
        %dma_wait3A_397 = tpu.memref_slice %arg20[%dma_wait3A_395, %dma_wait3A_396] : memref<10240x128xf32, #tpu.memory_space<vmem_shared>> -> memref<10240x128xf32, #tpu.memory_space<vmem_shared>>
        tpu.wait_indirect_dma semaphore(%run_scoped3A : memref<!tpu.dma_semaphore, #tpu.memory_space<semaphore_mem>>) src(%arg15 : memref<128x128xf32, #tpu.memory_space<vmem>>) dst(%dma_wait3A_397 : memref<10240x128xf32, #tpu.memory_space<vmem_shared>>)
        tpu.yield
      }) : () -> ()
      %add3A_374 = arith.constant 3 : i32
      %add3A_375 = arith.addi %mul3A_311, %add3A_374 : i32
      %dma_start3A_376 = arith.constant 1 : i32
      %dma_start3A_377 = arith.constant 0 : i32
      %dma_start3A_378 = tpu.memref_slice %arg3[%dma_start3A_376, %arg0, %arg1, %add3A_375, %dma_start3A_377] : memref<2x2x16x82x128xi32, #tpu.memory_space<hbm>> -> memref<1x1x1x1x128xi32, #tpu.memory_space<hbm>>
      %dma_start3A_379 = tpu.memref_squeeze %dma_start3A_378 : memref<1x1x1x1x128xi32, #tpu.memory_space<hbm>> -> memref<128xi32, #tpu.memory_space<hbm>>
      %dma_start3A_380 = arith.constant 0 : i32
      %dma_start3A_381 = tpu.memref_slice %arg3[%dma_start3A_376, %arg0, %arg1, %add3A_375, %dma_start3A_380] : memref<2x2x16x82x128xi32, #tpu.memory_space<hbm>> -> memref<1x1x1x1x128xi32, #tpu.memory_space<hbm>>
      %dma_start3A_382 = tpu.memref_squeeze %dma_start3A_381 : memref<1x1x1x1x128xi32, #tpu.memory_space<hbm>> -> memref<128xi32, #tpu.memory_space<hbm>>
      tpu.enqueue_dma source(%dma_start3A_382 : memref<128xi32, #tpu.memory_space<hbm>>) target(%arg12 : memref<128xi32, #tpu.memory_space<vmem>>) target_semaphore(%arg22 : memref<!tpu.dma_semaphore, #tpu.memory_space<semaphore_mem>>)
      %add3A_383 = arith.constant 3 : i32
      %add3A_384 = arith.addi %mul3A_311, %add3A_383 : i32
      %dma_start3A_385 = arith.constant 1 : i32
      %dma_start3A_386 = arith.constant 0 : i32
      %dma_start3A_387 = tpu.memref_slice %arg4[%dma_start3A_385, %arg1, %add3A_384, %dma_start3A_386] : memref<2x16x82x128xi32, #tpu.memory_space<hbm>> -> memref<1x1x1x128xi32, #tpu.memory_space<hbm>>
      %dma_start3A_388 = tpu.memref_squeeze %dma_start3A_387 : memref<1x1x1x128xi32, #tpu.memory_space<hbm>> -> memref<128xi32, #tpu.memory_space<hbm>>
      %dma_start3A_389 = arith.constant 0 : i32
      %dma_start3A_390 = tpu.memref_slice %arg4[%dma_start3A_385, %arg1, %add3A_384, %dma_start3A_389] : memref<2x16x82x128xi32, #tpu.memory_space<hbm>> -> memref<1x1x1x128xi32, #tpu.memory_space<hbm>>
      %dma_start3A_391 = tpu.memref_squeeze %dma_start3A_390 : memref<1x1x1x128xi32, #tpu.memory_space<hbm>> -> memref<128xi32, #tpu.memory_space<hbm>>
      tpu.enqueue_dma source(%dma_start3A_391 : memref<128xi32, #tpu.memory_space<hbm>>) target(%arg13 : memref<128xi32, #tpu.memory_space<vmem>>) target_semaphore(%arg24 : memref<!tpu.dma_semaphore, #tpu.memory_space<semaphore_mem>>)
    }
    %scan3A_201 = arith.constant 40 : i32
    %dma_wait3A_202 = arith.constant 1 : i32
    %dma_wait3A_203 = arith.constant 0 : i32
    %dma_wait3A_204 = arith.constant 0 : i32
    %dma_wait3A_205 = tpu.memref_slice %arg3[%dma_wait3A_202, %arg0, %arg1, %dma_wait3A_203, %dma_wait3A_204] : memref<2x2x16x82x128xi32, #tpu.memory_space<hbm>> -> memref<1x1x1x1x128xi32, #tpu.memory_space<hbm>>
    %dma_wait3A_206 = tpu.memref_squeeze %dma_wait3A_205 : memref<1x1x1x1x128xi32, #tpu.memory_space<hbm>> -> memref<128xi32, #tpu.memory_space<hbm>>
    %dma_wait3A_207 = arith.constant 0 : i32
    %dma_wait3A_208 = tpu.memref_slice %arg3[%dma_wait3A_202, %arg0, %arg1, %dma_wait3A_203, %dma_wait3A_207] : memref<2x2x16x82x128xi32, #tpu.memory_space<hbm>> -> memref<1x1x1x1x128xi32, #tpu.memory_space<hbm>>
    %dma_wait3A_209 = tpu.memref_squeeze %dma_wait3A_208 : memref<1x1x1x1x128xi32, #tpu.memory_space<hbm>> -> memref<128xi32, #tpu.memory_space<hbm>>
    tpu.wait_dma2 semaphore(%arg21 : memref<!tpu.dma_semaphore, #tpu.memory_space<semaphore_mem>>) src(%dma_wait3A_209 : memref<128xi32, #tpu.memory_space<hbm>>) dst(%arg10 : memref<128xi32, #tpu.memory_space<vmem>>)
    %dma_wait3A_210 = arith.constant 1 : i32
    %dma_wait3A_211 = arith.constant 0 : i32
    %dma_wait3A_212 = arith.constant 0 : i32
    %dma_wait3A_213 = tpu.memref_slice %arg4[%dma_wait3A_210, %arg1, %dma_wait3A_211, %dma_wait3A_212] : memref<2x16x82x128xi32, #tpu.memory_space<hbm>> -> memref<1x1x1x128xi32, #tpu.memory_space<hbm>>
    %dma_wait3A_214 = tpu.memref_squeeze %dma_wait3A_213 : memref<1x1x1x128xi32, #tpu.memory_space<hbm>> -> memref<128xi32, #tpu.memory_space<hbm>>
    %dma_wait3A_215 = arith.constant 0 : i32
    %dma_wait3A_216 = tpu.memref_slice %arg4[%dma_wait3A_210, %arg1, %dma_wait3A_211, %dma_wait3A_215] : memref<2x16x82x128xi32, #tpu.memory_space<hbm>> -> memref<1x1x1x128xi32, #tpu.memory_space<hbm>>
    %dma_wait3A_217 = tpu.memref_squeeze %dma_wait3A_216 : memref<1x1x1x128xi32, #tpu.memory_space<hbm>> -> memref<128xi32, #tpu.memory_space<hbm>>
    tpu.wait_dma2 semaphore(%arg23 : memref<!tpu.dma_semaphore, #tpu.memory_space<semaphore_mem>>) src(%dma_wait3A_217 : memref<128xi32, #tpu.memory_space<hbm>>) dst(%arg11 : memref<128xi32, #tpu.memory_space<vmem>>)
    %dma_wait3A_218 = arith.constant 1 : i32
    %dma_wait3A_219 = arith.constant 0 : i32
    %dma_wait3A_220 = arith.constant 0 : i32
    %dma_wait3A_221 = tpu.memref_slice %arg3[%dma_wait3A_218, %arg0, %arg1, %dma_wait3A_219, %dma_wait3A_220] : memref<2x2x16x82x128xi32, #tpu.memory_space<hbm>> -> memref<1x1x1x1x128xi32, #tpu.memory_space<hbm>>
    %dma_wait3A_222 = tpu.memref_squeeze %dma_wait3A_221 : memref<1x1x1x1x128xi32, #tpu.memory_space<hbm>> -> memref<128xi32, #tpu.memory_space<hbm>>
    %dma_wait3A_223 = arith.constant 0 : i32
    %dma_wait3A_224 = tpu.memref_slice %arg3[%dma_wait3A_218, %arg0, %arg1, %dma_wait3A_219, %dma_wait3A_223] : memref<2x2x16x82x128xi32, #tpu.memory_space<hbm>> -> memref<1x1x1x1x128xi32, #tpu.memory_space<hbm>>
    %dma_wait3A_225 = tpu.memref_squeeze %dma_wait3A_224 : memref<1x1x1x1x128xi32, #tpu.memory_space<hbm>> -> memref<128xi32, #tpu.memory_space<hbm>>
    tpu.wait_dma2 semaphore(%arg22 : memref<!tpu.dma_semaphore, #tpu.memory_space<semaphore_mem>>) src(%dma_wait3A_225 : memref<128xi32, #tpu.memory_space<hbm>>) dst(%arg12 : memref<128xi32, #tpu.memory_space<vmem>>)
    %dma_wait3A_226 = arith.constant 1 : i32
    %dma_wait3A_227 = arith.constant 0 : i32
    %dma_wait3A_228 = arith.constant 0 : i32
    %dma_wait3A_229 = tpu.memref_slice %arg4[%dma_wait3A_226, %arg1, %dma_wait3A_227, %dma_wait3A_228] : memref<2x16x82x128xi32, #tpu.memory_space<hbm>> -> memref<1x1x1x128xi32, #tpu.memory_space<hbm>>
    %dma_wait3A_230 = tpu.memref_squeeze %dma_wait3A_229 : memref<1x1x1x128xi32, #tpu.memory_space<hbm>> -> memref<128xi32, #tpu.memory_space<hbm>>
    %dma_wait3A_231 = arith.constant 0 : i32
    %dma_wait3A_232 = tpu.memref_slice %arg4[%dma_wait3A_226, %arg1, %dma_wait3A_227, %dma_wait3A_231] : memref<2x16x82x128xi32, #tpu.memory_space<hbm>> -> memref<1x1x1x128xi32, #tpu.memory_space<hbm>>
    %dma_wait3A_233 = tpu.memref_squeeze %dma_wait3A_232 : memref<1x1x1x128xi32, #tpu.memory_space<hbm>> -> memref<128xi32, #tpu.memory_space<hbm>>
    tpu.wait_dma2 semaphore(%arg24 : memref<!tpu.dma_semaphore, #tpu.memory_space<semaphore_mem>>) src(%dma_wait3A_233 : memref<128xi32, #tpu.memory_space<hbm>>) dst(%arg13 : memref<128xi32, #tpu.memory_space<vmem>>)
    %barrier3A_234 = arith.constant 0 : index
    tpu.barrier barrier_id(%barrier3A_234)
    %min3A_235 = arith.constant 0 : i32
    %min3A_236 = arith.constant 39 : i32
    %min3A_237 = arith.minsi %min3A_235, %min3A_236 : i32
    %mul3A_238 = arith.constant 640 : i32
    %mul3A_239 = arith.muli %arg1, %mul3A_238 : i32
    %mul3A_240 = arith.constant 16 : i32
    %mul3A_241 = arith.muli %min3A_237, %mul3A_240 : i32
    %add3A_242 = arith.addi %mul3A_239, %mul3A_241 : i32
    %dma_start3A_243 = arith.constant 0 : i32
    %dma_start3A_244 = tpu.memref_slice %arg20[%add3A_242, %dma_start3A_243] : memref<10240x128xf32, #tpu.memory_space<vmem_shared>> -> memref<16x128xf32, #tpu.memory_space<vmem_shared>>
    %dma_start3A_245 = arith.constant 0 : i32
    %dma_start3A_246 = tpu.memref_slice %arg20[%add3A_242, %dma_start3A_245] : memref<10240x128xf32, #tpu.memory_space<vmem_shared>> -> memref<16x128xf32, #tpu.memory_space<vmem_shared>>
    tpu.enqueue_dma source(%dma_start3A_246 : memref<16x128xf32, #tpu.memory_space<vmem_shared>>) target(%arg16 : memref<16x128xf32, #tpu.memory_space<vmem>>) target_semaphore(%arg25 : memref<!tpu.dma_semaphore, #tpu.memory_space<semaphore_mem>>)
    %mul3A_247 = arith.constant 16 : i32
    %mul3A_248 = arith.muli %min3A_237, %mul3A_247 : i32
    %dma_start3A_249 = arith.constant 0 : i32
    %dma_start3A_250 = tpu.memref_slice %arg6[%arg1, %mul3A_248, %dma_start3A_249] : memref<16x640x16xf32, #tpu.memory_space<hbm>> -> memref<1x16x16xf32, #tpu.memory_space<hbm>>
    %dma_start3A_251 = tpu.memref_squeeze %dma_start3A_250 : memref<1x16x16xf32, #tpu.memory_space<hbm>> -> memref<16x16xf32, #tpu.memory_space<hbm>>
    %dma_start3A_252 = arith.constant 0 : i32
    %dma_start3A_253 = tpu.memref_slice %arg6[%arg1, %mul3A_248, %dma_start3A_252] : memref<16x640x16xf32, #tpu.memory_space<hbm>> -> memref<1x16x16xf32, #tpu.memory_space<hbm>>
    %dma_start3A_254 = tpu.memref_squeeze %dma_start3A_253 : memref<1x16x16xf32, #tpu.memory_space<hbm>> -> memref<16x16xf32, #tpu.memory_space<hbm>>
    tpu.enqueue_dma source(%dma_start3A_254 : memref<16x16xf32, #tpu.memory_space<hbm>>) target(%arg18 : memref<16x16xf32, #tpu.memory_space<vmem>>) target_semaphore(%arg21 : memref<!tpu.dma_semaphore, #tpu.memory_space<semaphore_mem>>)
    %min3A_255 = arith.constant 1 : i32
    %min3A_256 = arith.constant 39 : i32
    %min3A_257 = arith.minsi %min3A_255, %min3A_256 : i32
    %mul3A_258 = arith.constant 640 : i32
    %mul3A_259 = arith.muli %arg1, %mul3A_258 : i32
    %mul3A_260 = arith.constant 16 : i32
    %mul3A_261 = arith.muli %min3A_257, %mul3A_260 : i32
    %add3A_262 = arith.addi %mul3A_259, %mul3A_261 : i32
    %dma_start3A_263 = arith.constant 0 : i32
    %dma_start3A_264 = tpu.memref_slice %arg20[%add3A_262, %dma_start3A_263] : memref<10240x128xf32, #tpu.memory_space<vmem_shared>> -> memref<16x128xf32, #tpu.memory_space<vmem_shared>>
    %dma_start3A_265 = arith.constant 0 : i32
    %dma_start3A_266 = tpu.memref_slice %arg20[%add3A_262, %dma_start3A_265] : memref<10240x128xf32, #tpu.memory_space<vmem_shared>> -> memref<16x128xf32, #tpu.memory_space<vmem_shared>>
    tpu.enqueue_dma source(%dma_start3A_266 : memref<16x128xf32, #tpu.memory_space<vmem_shared>>) target(%arg17 : memref<16x128xf32, #tpu.memory_space<vmem>>) target_semaphore(%arg26 : memref<!tpu.dma_semaphore, #tpu.memory_space<semaphore_mem>>)
    %mul3A_267 = arith.constant 16 : i32
    %mul3A_268 = arith.muli %min3A_257, %mul3A_267 : i32
    %dma_start3A_269 = arith.constant 0 : i32
    %dma_start3A_270 = tpu.memref_slice %arg6[%arg1, %mul3A_268, %dma_start3A_269] : memref<16x640x16xf32, #tpu.memory_space<hbm>> -> memref<1x16x16xf32, #tpu.memory_space<hbm>>
    %dma_start3A_271 = tpu.memref_squeeze %dma_start3A_270 : memref<1x16x16xf32, #tpu.memory_space<hbm>> -> memref<16x16xf32, #tpu.memory_space<hbm>>
    %dma_start3A_272 = arith.constant 0 : i32
    %dma_start3A_273 = tpu.memref_slice %arg6[%arg1, %mul3A_268, %dma_start3A_272] : memref<16x640x16xf32, #tpu.memory_space<hbm>> -> memref<1x16x16xf32, #tpu.memory_space<hbm>>
    %dma_start3A_274 = tpu.memref_squeeze %dma_start3A_273 : memref<1x16x16xf32, #tpu.memory_space<hbm>> -> memref<16x16xf32, #tpu.memory_space<hbm>>
    tpu.enqueue_dma source(%dma_start3A_274 : memref<16x16xf32, #tpu.memory_space<hbm>>) target(%arg19 : memref<16x16xf32, #tpu.memory_space<vmem>>) target_semaphore(%arg22 : memref<!tpu.dma_semaphore, #tpu.memory_space<semaphore_mem>>)
    %scan3A_275 = arith.constant 0 : i32
    %scan3A_276 = arith.constant 0 : i32
    %scan3A_277 = arith.constant 20 : i32
    %scan3A_278 = arith.addi %scan3A_276, %scan3A_277 : i32
    %scan3A_279 = arith.constant 1 : i32
    scf.for %scan3A_309 = %scan3A_276 to %scan3A_278 step %scan3A_279  : i32 {
      %mul3A_310 = arith.constant 2 : i32
      %mul3A_311 = arith.muli %mul3A_310, %scan3A_309 : i32
      %mul3A_312 = arith.constant 640 : i32
      %mul3A_313 = arith.muli %arg1, %mul3A_312 : i32
      %dma_wait3A_314 = arith.constant 0 : i32
      %dma_wait3A_315 = tpu.memref_slice %arg20[%mul3A_313, %dma_wait3A_314] : memref<10240x128xf32, #tpu.memory_space<vmem_shared>> -> memref<16x128xf32, #tpu.memory_space<vmem_shared>>
      %dma_wait3A_316 = arith.constant 0 : i32
      %dma_wait3A_317 = tpu.memref_slice %arg20[%mul3A_313, %dma_wait3A_316] : memref<10240x128xf32, #tpu.memory_space<vmem_shared>> -> memref<16x128xf32, #tpu.memory_space<vmem_shared>>
      tpu.wait_dma2 semaphore(%arg25 : memref<!tpu.dma_semaphore, #tpu.memory_space<semaphore_mem>>) src(%dma_wait3A_317 : memref<16x128xf32, #tpu.memory_space<vmem_shared>>) dst(%arg16 : memref<16x128xf32, #tpu.memory_space<vmem>>)
      %dma_wait3A_318 = arith.constant 0 : i32
      %dma_wait3A_319 = arith.constant 0 : i32
      %dma_wait3A_320 = tpu.memref_slice %arg6[%arg1, %dma_wait3A_318, %dma_wait3A_319] : memref<16x640x16xf32, #tpu.memory_space<hbm>> -> memref<1x16x16xf32, #tpu.memory_space<hbm>>
      %dma_wait3A_321 = tpu.memref_squeeze %dma_wait3A_320 : memref<1x16x16xf32, #tpu.memory_space<hbm>> -> memref<16x16xf32, #tpu.memory_space<hbm>>
      %dma_wait3A_322 = arith.constant 0 : i32
      %dma_wait3A_323 = arith.constant 0 : i32
      %dma_wait3A_324 = tpu.memref_slice %arg6[%arg1, %dma_wait3A_322, %dma_wait3A_323] : memref<16x640x16xf32, #tpu.memory_space<hbm>> -> memref<1x16x16xf32, #tpu.memory_space<hbm>>
      %dma_wait3A_325 = tpu.memref_squeeze %dma_wait3A_324 : memref<1x16x16xf32, #tpu.memory_space<hbm>> -> memref<16x16xf32, #tpu.memory_space<hbm>>
      tpu.wait_dma2 semaphore(%arg21 : memref<!tpu.dma_semaphore, #tpu.memory_space<semaphore_mem>>) src(%dma_wait3A_325 : memref<16x16xf32, #tpu.memory_space<hbm>>) dst(%arg18 : memref<16x16xf32, #tpu.memory_space<vmem>>)
      %scan3A_326 = arith.constant 0 : i32
      %scan3A_327 = arith.constant 0 : i32
      %scan3A_328 = arith.constant 16 : i32
      %scan3A_329 = arith.addi %scan3A_327, %scan3A_328 : i32
      %scan3A_330 = arith.constant 1 : i32
      scf.for %scan3A_430 = %scan3A_327 to %scan3A_329 step %scan3A_330  : i32 {
        %get3A = arith.index_cast %scan3A_430 : i32 to index
        %get3A_431 = arith.constant 0 : index
        %get3A_432 = tpu.vector_load %arg18[%get3A, %get3A_431] {strides = array<i32>} : memref<16x16xf32, #tpu.memory_space<vmem>>, vector<1x16xf32>,
        %get3A_433 = vector.shape_cast %get3A_432 : vector<1x16xf32> to vector<16xf32>
        %get3A_434 = arith.index_cast %scan3A_430 : i32 to index
        %get3A_435 = arith.constant 0 : index
        %get3A_436 = tpu.vector_load %arg16[%get3A_434, %get3A_435] {strides = array<i32>} : memref<16x128xf32, #tpu.memory_space<vmem>>, vector<1x16xf32>,
        %get3A_437 = vector.shape_cast %get3A_436 : vector<1x16xf32> to vector<16xf32>
        %mul3A_438 = arith.mulf %get3A_437, %get3A_433 : vector<16xf32>
        %swap3A = arith.index_cast %scan3A_430 : i32 to index
        %swap3A_439 = arith.constant 0 : index
        %swap3A_440 = tpu.vector_load %arg16[%swap3A, %swap3A_439] {strides = array<i32>} : memref<16x128xf32, #tpu.memory_space<vmem>>, vector<1x16xf32>,
        %swap3A_441 = vector.shape_cast %swap3A_440 : vector<1x16xf32> to vector<16xf32>
        %swap3A_442 = vector.shape_cast %mul3A_438 : vector<16xf32> to vector<1x16xf32>
        tpu.vector_store %arg16[%swap3A, %swap3A_439], %swap3A_442 {strides = array<i32>} : memref<16x128xf32, #tpu.memory_space<vmem>>, vector<1x16xf32>,
        %get3A_443 = arith.index_cast %scan3A_430 : i32 to index
        %get3A_444 = arith.constant 16 : index
        %get3A_445 = tpu.vector_load %arg16[%get3A_443, %get3A_444] {strides = array<i32>} : memref<16x128xf32, #tpu.memory_space<vmem>>, vector<1x16xf32>,
        %get3A_446 = vector.shape_cast %get3A_445 : vector<1x16xf32> to vector<16xf32>
        %mul3A_447 = arith.mulf %get3A_446, %get3A_433 : vector<16xf32>
        %swap3A_448 = arith.index_cast %scan3A_430 : i32 to index
        %swap3A_449 = arith.constant 16 : index
        %swap3A_450 = tpu.vector_load %arg16[%swap3A_448, %swap3A_449] {strides = array<i32>} : memref<16x128xf32, #tpu.memory_space<vmem>>, vector<1x16xf32>,
        %swap3A_451 = vector.shape_cast %swap3A_450 : vector<1x16xf32> to vector<16xf32>
        %swap3A_452 = vector.shape_cast %mul3A_447 : vector<16xf32> to vector<1x16xf32>
        tpu.vector_store %arg16[%swap3A_448, %swap3A_449], %swap3A_452 {strides = array<i32>} : memref<16x128xf32, #tpu.memory_space<vmem>>, vector<1x16xf32>,
        %get3A_453 = arith.index_cast %scan3A_430 : i32 to index
        %get3A_454 = arith.constant 32 : index
        %get3A_455 = tpu.vector_load %arg16[%get3A_453, %get3A_454] {strides = array<i32>} : memref<16x128xf32, #tpu.memory_space<vmem>>, vector<1x16xf32>,
        %get3A_456 = vector.shape_cast %get3A_455 : vector<1x16xf32> to vector<16xf32>
        %mul3A_457 = arith.mulf %get3A_456, %get3A_433 : vector<16xf32>
        %swap3A_458 = arith.index_cast %scan3A_430 : i32 to index
        %swap3A_459 = arith.constant 32 : index
        %swap3A_460 = tpu.vector_load %arg16[%swap3A_458, %swap3A_459] {strides = array<i32>} : memref<16x128xf32, #tpu.memory_space<vmem>>, vector<1x16xf32>,
        %swap3A_461 = vector.shape_cast %swap3A_460 : vector<1x16xf32> to vector<16xf32>
        %swap3A_462 = vector.shape_cast %mul3A_457 : vector<16xf32> to vector<1x16xf32>
        tpu.vector_store %arg16[%swap3A_458, %swap3A_459], %swap3A_462 {strides = array<i32>} : memref<16x128xf32, #tpu.memory_space<vmem>>, vector<1x16xf32>,
        %get3A_463 = arith.index_cast %scan3A_430 : i32 to index
        %get3A_464 = arith.constant 48 : index
        %get3A_465 = tpu.vector_load %arg16[%get3A_463, %get3A_464] {strides = array<i32>} : memref<16x128xf32, #tpu.memory_space<vmem>>, vector<1x16xf32>,
        %get3A_466 = vector.shape_cast %get3A_465 : vector<1x16xf32> to vector<16xf32>
        %mul3A_467 = arith.mulf %get3A_466, %get3A_433 : vector<16xf32>
        %swap3A_468 = arith.index_cast %scan3A_430 : i32 to index
        %swap3A_469 = arith.constant 48 : index
        %swap3A_470 = tpu.vector_load %arg16[%swap3A_468, %swap3A_469] {strides = array<i32>} : memref<16x128xf32, #tpu.memory_space<vmem>>, vector<1x16xf32>,
        %swap3A_471 = vector.shape_cast %swap3A_470 : vector<1x16xf32> to vector<16xf32>
        %swap3A_472 = vector.shape_cast %mul3A_467 : vector<16xf32> to vector<1x16xf32>
        tpu.vector_store %arg16[%swap3A_468, %swap3A_469], %swap3A_472 {strides = array<i32>} : memref<16x128xf32, #tpu.memory_space<vmem>>, vector<1x16xf32>,
        %get3A_473 = arith.index_cast %scan3A_430 : i32 to index
        %get3A_474 = arith.constant 64 : index
        %get3A_475 = tpu.vector_load %arg16[%get3A_473, %get3A_474] {strides = array<i32>} : memref<16x128xf32, #tpu.memory_space<vmem>>, vector<1x16xf32>,
        %get3A_476 = vector.shape_cast %get3A_475 : vector<1x16xf32> to vector<16xf32>
        %mul3A_477 = arith.mulf %get3A_476, %get3A_433 : vector<16xf32>
        %swap3A_478 = arith.index_cast %scan3A_430 : i32 to index
        %swap3A_479 = arith.constant 64 : index
        %swap3A_480 = tpu.vector_load %arg16[%swap3A_478, %swap3A_479] {strides = array<i32>} : memref<16x128xf32, #tpu.memory_space<vmem>>, vector<1x16xf32>,
        %swap3A_481 = vector.shape_cast %swap3A_480 : vector<1x16xf32> to vector<16xf32>
        %swap3A_482 = vector.shape_cast %mul3A_477 : vector<16xf32> to vector<1x16xf32>
        tpu.vector_store %arg16[%swap3A_478, %swap3A_479], %swap3A_482 {strides = array<i32>} : memref<16x128xf32, #tpu.memory_space<vmem>>, vector<1x16xf32>,
        %get3A_483 = arith.index_cast %scan3A_430 : i32 to index
        %get3A_484 = arith.constant 80 : index
        %get3A_485 = tpu.vector_load %arg16[%get3A_483, %get3A_484] {strides = array<i32>} : memref<16x128xf32, #tpu.memory_space<vmem>>, vector<1x16xf32>,
        %get3A_486 = vector.shape_cast %get3A_485 : vector<1x16xf32> to vector<16xf32>
        %mul3A_487 = arith.mulf %get3A_486, %get3A_433 : vector<16xf32>
        %swap3A_488 = arith.index_cast %scan3A_430 : i32 to index
        %swap3A_489 = arith.constant 80 : index
        %swap3A_490 = tpu.vector_load %arg16[%swap3A_488, %swap3A_489] {strides = array<i32>} : memref<16x128xf32, #tpu.memory_space<vmem>>, vector<1x16xf32>,
        %swap3A_491 = vector.shape_cast %swap3A_490 : vector<1x16xf32> to vector<16xf32>
        %swap3A_492 = vector.shape_cast %mul3A_487 : vector<16xf32> to vector<1x16xf32>
        tpu.vector_store %arg16[%swap3A_488, %swap3A_489], %swap3A_492 {strides = array<i32>} : memref<16x128xf32, #tpu.memory_space<vmem>>, vector<1x16xf32>,
        %get3A_493 = arith.index_cast %scan3A_430 : i32 to index
        %get3A_494 = arith.constant 96 : index
        %get3A_495 = tpu.vector_load %arg16[%get3A_493, %get3A_494] {strides = array<i32>} : memref<16x128xf32, #tpu.memory_space<vmem>>, vector<1x16xf32>,
        %get3A_496 = vector.shape_cast %get3A_495 : vector<1x16xf32> to vector<16xf32>
        %mul3A_497 = arith.mulf %get3A_496, %get3A_433 : vector<16xf32>
        %swap3A_498 = arith.index_cast %scan3A_430 : i32 to index
        %swap3A_499 = arith.constant 96 : index
        %swap3A_500 = tpu.vector_load %arg16[%swap3A_498, %swap3A_499] {strides = array<i32>} : memref<16x128xf32, #tpu.memory_space<vmem>>, vector<1x16xf32>,
        %swap3A_501 = vector.shape_cast %swap3A_500 : vector<1x16xf32> to vector<16xf32>
        %swap3A_502 = vector.shape_cast %mul3A_497 : vector<16xf32> to vector<1x16xf32>
        tpu.vector_store %arg16[%swap3A_498, %swap3A_499], %swap3A_502 {strides = array<i32>} : memref<16x128xf32, #tpu.memory_space<vmem>>, vector<1x16xf32>,
        %get3A_503 = arith.index_cast %scan3A_430 : i32 to index
        %get3A_504 = arith.constant 112 : index
        %get3A_505 = tpu.vector_load %arg16[%get3A_503, %get3A_504] {strides = array<i32>} : memref<16x128xf32, #tpu.memory_space<vmem>>, vector<1x16xf32>,
        %get3A_506 = vector.shape_cast %get3A_505 : vector<1x16xf32> to vector<16xf32>
        %mul3A_507 = arith.mulf %get3A_506, %get3A_433 : vector<16xf32>
        %swap3A_508 = arith.index_cast %scan3A_430 : i32 to index
        %swap3A_509 = arith.constant 112 : index
        %swap3A_510 = tpu.vector_load %arg16[%swap3A_508, %swap3A_509] {strides = array<i32>} : memref<16x128xf32, #tpu.memory_space<vmem>>, vector<1x16xf32>,
        %swap3A_511 = vector.shape_cast %swap3A_510 : vector<1x16xf32> to vector<16xf32>
        %swap3A_512 = vector.shape_cast %mul3A_507 : vector<16xf32> to vector<1x16xf32>
        tpu.vector_store %arg16[%swap3A_508, %swap3A_509], %swap3A_512 {strides = array<i32>} : memref<16x128xf32, #tpu.memory_space<vmem>>, vector<1x16xf32>,
      }
      %scan3A_331 = arith.constant 16 : i32
      %mul3A_332 = arith.constant 640 : i32
      %mul3A_333 = arith.muli %arg1, %mul3A_332 : i32
      %mul3A_334 = arith.constant 16 : i32
      %mul3A_335 = arith.muli %mul3A_311, %mul3A_334 : i32
      %add3A_336 = arith.addi %mul3A_333, %mul3A_335 : i32
      %dma_start3A_337 = arith.constant 0 : i32
      %dma_start3A_338 = tpu.memref_slice %arg8[%arg0, %add3A_336, %dma_start3A_337] : memref<2x10240x128xf32, #tpu.memory_space<hbm>> -> memref<1x16x128xf32, #tpu.memory_space<hbm>>
      %dma_start3A_339 = tpu.memref_squeeze %dma_start3A_338 : memref<1x16x128xf32, #tpu.memory_space<hbm>> -> memref<16x128xf32, #tpu.memory_space<hbm>>
      %dma_start3A_340 = arith.constant 0 : i32
      %dma_start3A_341 = tpu.memref_slice %arg8[%arg0, %add3A_336, %dma_start3A_340] : memref<2x10240x128xf32, #tpu.memory_space<hbm>> -> memref<1x16x128xf32, #tpu.memory_space<hbm>>
      %dma_start3A_342 = tpu.memref_squeeze %dma_start3A_341 : memref<1x16x128xf32, #tpu.memory_space<hbm>> -> memref<16x128xf32, #tpu.memory_space<hbm>>
      tpu.enqueue_dma source(%arg16 : memref<16x128xf32, #tpu.memory_space<vmem>>) target(%dma_start3A_342 : memref<16x128xf32, #tpu.memory_space<hbm>>) target_semaphore(%arg27 : memref<!tpu.dma_semaphore, #tpu.memory_space<semaphore_mem>>)
      %mul3A_343 = arith.constant 640 : i32
      %mul3A_344 = arith.muli %arg1, %mul3A_343 : i32
      %dma_wait3A_345 = arith.constant 0 : i32
      %dma_wait3A_346 = tpu.memref_slice %arg20[%mul3A_344, %dma_wait3A_345] : memref<10240x128xf32, #tpu.memory_space<vmem_shared>> -> memref<16x128xf32, #tpu.memory_space<vmem_shared>>
      %dma_wait3A_347 = arith.constant 0 : i32
      %dma_wait3A_348 = tpu.memref_slice %arg20[%mul3A_344, %dma_wait3A_347] : memref<10240x128xf32, #tpu.memory_space<vmem_shared>> -> memref<16x128xf32, #tpu.memory_space<vmem_shared>>
      tpu.wait_dma2 semaphore(%arg26 : memref<!tpu.dma_semaphore, #tpu.memory_space<semaphore_mem>>) src(%dma_wait3A_348 : memref<16x128xf32, #tpu.memory_space<vmem_shared>>) dst(%arg17 : memref<16x128xf32, #tpu.memory_space<vmem>>)
      %dma_wait3A_349 = arith.constant 0 : i32
      %dma_wait3A_350 = arith.constant 0 : i32
      %dma_wait3A_351 = tpu.memref_slice %arg6[%arg1, %dma_wait3A_349, %dma_wait3A_350] : memref<16x640x16xf32, #tpu.memory_space<hbm>> -> memref<1x16x16xf32, #tpu.memory_space<hbm>>
      %dma_wait3A_352 = tpu.memref_squeeze %dma_wait3A_351 : memref<1x16x16xf32, #tpu.memory_space<hbm>> -> memref<16x16xf32, #tpu.memory_space<hbm>>
      %dma_wait3A_353 = arith.constant 0 : i32
      %dma_wait3A_354 = arith.constant 0 : i32
      %dma_wait3A_355 = tpu.memref_slice %arg6[%arg1, %dma_wait3A_353, %dma_wait3A_354] : memref<16x640x16xf32, #tpu.memory_space<hbm>> -> memref<1x16x16xf32, #tpu.memory_space<hbm>>
      %dma_wait3A_356 = tpu.memref_squeeze %dma_wait3A_355 : memref<1x16x16xf32, #tpu.memory_space<hbm>> -> memref<16x16xf32, #tpu.memory_space<hbm>>
      tpu.wait_dma2 semaphore(%arg22 : memref<!tpu.dma_semaphore, #tpu.memory_space<semaphore_mem>>) src(%dma_wait3A_356 : memref<16x16xf32, #tpu.memory_space<hbm>>) dst(%arg19 : memref<16x16xf32, #tpu.memory_space<vmem>>)
      %scan3A_357 = arith.constant 0 : i32
      %scan3A_358 = arith.constant 0 : i32
      %scan3A_359 = arith.constant 16 : i32
      %scan3A_360 = arith.addi %scan3A_358, %scan3A_359 : i32
      %scan3A_361 = arith.constant 1 : i32
      scf.for %scan3A_430 = %scan3A_358 to %scan3A_360 step %scan3A_361  : i32 {
        %get3A = arith.index_cast %scan3A_430 : i32 to index
        %get3A_431 = arith.constant 0 : index
        %get3A_432 = tpu.vector_load %arg19[%get3A, %get3A_431] {strides = array<i32>} : memref<16x16xf32, #tpu.memory_space<vmem>>, vector<1x16xf32>,
        %get3A_433 = vector.shape_cast %get3A_432 : vector<1x16xf32> to vector<16xf32>
        %get3A_434 = arith.index_cast %scan3A_430 : i32 to index
        %get3A_435 = arith.constant 0 : index
        %get3A_436 = tpu.vector_load %arg17[%get3A_434, %get3A_435] {strides = array<i32>} : memref<16x128xf32, #tpu.memory_space<vmem>>, vector<1x16xf32>,
        %get3A_437 = vector.shape_cast %get3A_436 : vector<1x16xf32> to vector<16xf32>
        %mul3A_438 = arith.mulf %get3A_437, %get3A_433 : vector<16xf32>
        %swap3A = arith.index_cast %scan3A_430 : i32 to index
        %swap3A_439 = arith.constant 0 : index
        %swap3A_440 = tpu.vector_load %arg17[%swap3A, %swap3A_439] {strides = array<i32>} : memref<16x128xf32, #tpu.memory_space<vmem>>, vector<1x16xf32>,
        %swap3A_441 = vector.shape_cast %swap3A_440 : vector<1x16xf32> to vector<16xf32>
        %swap3A_442 = vector.shape_cast %mul3A_438 : vector<16xf32> to vector<1x16xf32>
        tpu.vector_store %arg17[%swap3A, %swap3A_439], %swap3A_442 {strides = array<i32>} : memref<16x128xf32, #tpu.memory_space<vmem>>, vector<1x16xf32>,
        %get3A_443 = arith.index_cast %scan3A_430 : i32 to index
        %get3A_444 = arith.constant 16 : index
        %get3A_445 = tpu.vector_load %arg17[%get3A_443, %get3A_444] {strides = array<i32>} : memref<16x128xf32, #tpu.memory_space<vmem>>, vector<1x16xf32>,
        %get3A_446 = vector.shape_cast %get3A_445 : vector<1x16xf32> to vector<16xf32>
        %mul3A_447 = arith.mulf %get3A_446, %get3A_433 : vector<16xf32>
        %swap3A_448 = arith.index_cast %scan3A_430 : i32 to index
        %swap3A_449 = arith.constant 16 : index
        %swap3A_450 = tpu.vector_load %arg17[%swap3A_448, %swap3A_449] {strides = array<i32>} : memref<16x128xf32, #tpu.memory_space<vmem>>, vector<1x16xf32>,
        %swap3A_451 = vector.shape_cast %swap3A_450 : vector<1x16xf32> to vector<16xf32>
        %swap3A_452 = vector.shape_cast %mul3A_447 : vector<16xf32> to vector<1x16xf32>
        tpu.vector_store %arg17[%swap3A_448, %swap3A_449], %swap3A_452 {strides = array<i32>} : memref<16x128xf32, #tpu.memory_space<vmem>>, vector<1x16xf32>,
        %get3A_453 = arith.index_cast %scan3A_430 : i32 to index
        %get3A_454 = arith.constant 32 : index
        %get3A_455 = tpu.vector_load %arg17[%get3A_453, %get3A_454] {strides = array<i32>} : memref<16x128xf32, #tpu.memory_space<vmem>>, vector<1x16xf32>,
        %get3A_456 = vector.shape_cast %get3A_455 : vector<1x16xf32> to vector<16xf32>
        %mul3A_457 = arith.mulf %get3A_456, %get3A_433 : vector<16xf32>
        %swap3A_458 = arith.index_cast %scan3A_430 : i32 to index
        %swap3A_459 = arith.constant 32 : index
        %swap3A_460 = tpu.vector_load %arg17[%swap3A_458, %swap3A_459] {strides = array<i32>} : memref<16x128xf32, #tpu.memory_space<vmem>>, vector<1x16xf32>,
        %swap3A_461 = vector.shape_cast %swap3A_460 : vector<1x16xf32> to vector<16xf32>
        %swap3A_462 = vector.shape_cast %mul3A_457 : vector<16xf32> to vector<1x16xf32>
        tpu.vector_store %arg17[%swap3A_458, %swap3A_459], %swap3A_462 {strides = array<i32>} : memref<16x128xf32, #tpu.memory_space<vmem>>, vector<1x16xf32>,
        %get3A_463 = arith.index_cast %scan3A_430 : i32 to index
        %get3A_464 = arith.constant 48 : index
        %get3A_465 = tpu.vector_load %arg17[%get3A_463, %get3A_464] {strides = array<i32>} : memref<16x128xf32, #tpu.memory_space<vmem>>, vector<1x16xf32>,
        %get3A_466 = vector.shape_cast %get3A_465 : vector<1x16xf32> to vector<16xf32>
        %mul3A_467 = arith.mulf %get3A_466, %get3A_433 : vector<16xf32>
        %swap3A_468 = arith.index_cast %scan3A_430 : i32 to index
        %swap3A_469 = arith.constant 48 : index
        %swap3A_470 = tpu.vector_load %arg17[%swap3A_468, %swap3A_469] {strides = array<i32>} : memref<16x128xf32, #tpu.memory_space<vmem>>, vector<1x16xf32>,
        %swap3A_471 = vector.shape_cast %swap3A_470 : vector<1x16xf32> to vector<16xf32>
        %swap3A_472 = vector.shape_cast %mul3A_467 : vector<16xf32> to vector<1x16xf32>
        tpu.vector_store %arg17[%swap3A_468, %swap3A_469], %swap3A_472 {strides = array<i32>} : memref<16x128xf32, #tpu.memory_space<vmem>>, vector<1x16xf32>,
        %get3A_473 = arith.index_cast %scan3A_430 : i32 to index
        %get3A_474 = arith.constant 64 : index
        %get3A_475 = tpu.vector_load %arg17[%get3A_473, %get3A_474] {strides = array<i32>} : memref<16x128xf32, #tpu.memory_space<vmem>>, vector<1x16xf32>,
        %get3A_476 = vector.shape_cast %get3A_475 : vector<1x16xf32> to vector<16xf32>
        %mul3A_477 = arith.mulf %get3A_476, %get3A_433 : vector<16xf32>
        %swap3A_478 = arith.index_cast %scan3A_430 : i32 to index
        %swap3A_479 = arith.constant 64 : index
        %swap3A_480 = tpu.vector_load %arg17[%swap3A_478, %swap3A_479] {strides = array<i32>} : memref<16x128xf32, #tpu.memory_space<vmem>>, vector<1x16xf32>,
        %swap3A_481 = vector.shape_cast %swap3A_480 : vector<1x16xf32> to vector<16xf32>
        %swap3A_482 = vector.shape_cast %mul3A_477 : vector<16xf32> to vector<1x16xf32>
        tpu.vector_store %arg17[%swap3A_478, %swap3A_479], %swap3A_482 {strides = array<i32>} : memref<16x128xf32, #tpu.memory_space<vmem>>, vector<1x16xf32>,
        %get3A_483 = arith.index_cast %scan3A_430 : i32 to index
        %get3A_484 = arith.constant 80 : index
        %get3A_485 = tpu.vector_load %arg17[%get3A_483, %get3A_484] {strides = array<i32>} : memref<16x128xf32, #tpu.memory_space<vmem>>, vector<1x16xf32>,
        %get3A_486 = vector.shape_cast %get3A_485 : vector<1x16xf32> to vector<16xf32>
        %mul3A_487 = arith.mulf %get3A_486, %get3A_433 : vector<16xf32>
        %swap3A_488 = arith.index_cast %scan3A_430 : i32 to index
        %swap3A_489 = arith.constant 80 : index
        %swap3A_490 = tpu.vector_load %arg17[%swap3A_488, %swap3A_489] {strides = array<i32>} : memref<16x128xf32, #tpu.memory_space<vmem>>, vector<1x16xf32>,
        %swap3A_491 = vector.shape_cast %swap3A_490 : vector<1x16xf32> to vector<16xf32>
        %swap3A_492 = vector.shape_cast %mul3A_487 : vector<16xf32> to vector<1x16xf32>
        tpu.vector_store %arg17[%swap3A_488, %swap3A_489], %swap3A_492 {strides = array<i32>} : memref<16x128xf32, #tpu.memory_space<vmem>>, vector<1x16xf32>,
        %get3A_493 = arith.index_cast %scan3A_430 : i32 to index
        %get3A_494 = arith.constant 96 : index
        %get3A_495 = tpu.vector_load %arg17[%get3A_493, %get3A_494] {strides = array<i32>} : memref<16x128xf32, #tpu.memory_space<vmem>>, vector<1x16xf32>,
        %get3A_496 = vector.shape_cast %get3A_495 : vector<1x16xf32> to vector<16xf32>
        %mul3A_497 = arith.mulf %get3A_496, %get3A_433 : vector<16xf32>
        %swap3A_498 = arith.index_cast %scan3A_430 : i32 to index
        %swap3A_499 = arith.constant 96 : index
        %swap3A_500 = tpu.vector_load %arg17[%swap3A_498, %swap3A_499] {strides = array<i32>} : memref<16x128xf32, #tpu.memory_space<vmem>>, vector<1x16xf32>,
        %swap3A_501 = vector.shape_cast %swap3A_500 : vector<1x16xf32> to vector<16xf32>
        %swap3A_502 = vector.shape_cast %mul3A_497 : vector<16xf32> to vector<1x16xf32>
        tpu.vector_store %arg17[%swap3A_498, %swap3A_499], %swap3A_502 {strides = array<i32>} : memref<16x128xf32, #tpu.memory_space<vmem>>, vector<1x16xf32>,
        %get3A_503 = arith.index_cast %scan3A_430 : i32 to index
        %get3A_504 = arith.constant 112 : index
        %get3A_505 = tpu.vector_load %arg17[%get3A_503, %get3A_504] {strides = array<i32>} : memref<16x128xf32, #tpu.memory_space<vmem>>, vector<1x16xf32>,
        %get3A_506 = vector.shape_cast %get3A_505 : vector<1x16xf32> to vector<16xf32>
        %mul3A_507 = arith.mulf %get3A_506, %get3A_433 : vector<16xf32>
        %swap3A_508 = arith.index_cast %scan3A_430 : i32 to index
        %swap3A_509 = arith.constant 112 : index
        %swap3A_510 = tpu.vector_load %arg17[%swap3A_508, %swap3A_509] {strides = array<i32>} : memref<16x128xf32, #tpu.memory_space<vmem>>, vector<1x16xf32>,
        %swap3A_511 = vector.shape_cast %swap3A_510 : vector<1x16xf32> to vector<16xf32>
        %swap3A_512 = vector.shape_cast %mul3A_507 : vector<16xf32> to vector<1x16xf32>
        tpu.vector_store %arg17[%swap3A_508, %swap3A_509], %swap3A_512 {strides = array<i32>} : memref<16x128xf32, #tpu.memory_space<vmem>>, vector<1x16xf32>,
      }
      %scan3A_362 = arith.constant 16 : i32
      %add3A_363 = arith.constant 1 : i32
      %add3A_364 = arith.addi %mul3A_311, %add3A_363 : i32
      %mul3A_365 = arith.constant 640 : i32
      %mul3A_366 = arith.muli %arg1, %mul3A_365 : i32
      %mul3A_367 = arith.constant 16 : i32
      %mul3A_368 = arith.muli %add3A_364, %mul3A_367 : i32
      %add3A_369 = arith.addi %mul3A_366, %mul3A_368 : i32
      %dma_start3A_370 = arith.constant 0 : i32
      %dma_start3A_371 = tpu.memref_slice %arg8[%arg0, %add3A_369, %dma_start3A_370] : memref<2x10240x128xf32, #tpu.memory_space<hbm>> -> memref<1x16x128xf32, #tpu.memory_space<hbm>>
      %dma_start3A_372 = tpu.memref_squeeze %dma_start3A_371 : memref<1x16x128xf32, #tpu.memory_space<hbm>> -> memref<16x128xf32, #tpu.memory_space<hbm>>
      %dma_start3A_373 = arith.constant 0 : i32
      %dma_start3A_374 = tpu.memref_slice %arg8[%arg0, %add3A_369, %dma_start3A_373] : memref<2x10240x128xf32, #tpu.memory_space<hbm>> -> memref<1x16x128xf32, #tpu.memory_space<hbm>>
      %dma_start3A_375 = tpu.memref_squeeze %dma_start3A_374 : memref<1x16x128xf32, #tpu.memory_space<hbm>> -> memref<16x128xf32, #tpu.memory_space<hbm>>
      tpu.enqueue_dma source(%arg17 : memref<16x128xf32, #tpu.memory_space<vmem>>) target(%dma_start3A_375 : memref<16x128xf32, #tpu.memory_space<hbm>>) target_semaphore(%arg28 : memref<!tpu.dma_semaphore, #tpu.memory_space<semaphore_mem>>)
      %dma_wait3A_376 = arith.constant 0 : i32
      %dma_wait3A_377 = tpu.memref_slice %arg8[%arg0, %add3A_336, %dma_wait3A_376] : memref<2x10240x128xf32, #tpu.memory_space<hbm>> -> memref<1x16x128xf32, #tpu.memory_space<hbm>>
      %dma_wait3A_378 = tpu.memref_squeeze %dma_wait3A_377 : memref<1x16x128xf32, #tpu.memory_space<hbm>> -> memref<16x128xf32, #tpu.memory_space<hbm>>
      %dma_wait3A_379 = arith.constant 0 : i32
      %dma_wait3A_380 = tpu.memref_slice %arg8[%arg0, %add3A_336, %dma_wait3A_379] : memref<2x10240x128xf32, #tpu.memory_space<hbm>> -> memref<1x16x128xf32, #tpu.memory_space<hbm>>
      %dma_wait3A_381 = tpu.memref_squeeze %dma_wait3A_380 : memref<1x16x128xf32, #tpu.memory_space<hbm>> -> memref<16x128xf32, #tpu.memory_space<hbm>>
      tpu.wait_dma2 semaphore(%arg27 : memref<!tpu.dma_semaphore, #tpu.memory_space<semaphore_mem>>) src(%arg16 : memref<16x128xf32, #tpu.memory_space<vmem>>) dst(%dma_wait3A_381 : memref<16x128xf32, #tpu.memory_space<hbm>>)
      %add3A_382 = arith.constant 2 : i32
      %add3A_383 = arith.addi %mul3A_311, %add3A_382 : i32
      %min3A_384 = arith.constant 39 : i32
      %min3A_385 = arith.minsi %add3A_383, %min3A_384 : i32
      %mul3A_386 = arith.constant 640 : i32
      %mul3A_387 = arith.muli %arg1, %mul3A_386 : i32
      %mul3A_388 = arith.constant 16 : i32
      %mul3A_389 = arith.muli %min3A_385, %mul3A_388 : i32
      %add3A_390 = arith.addi %mul3A_387, %mul3A_389 : i32
      %dma_start3A_391 = arith.constant 0 : i32
      %dma_start3A_392 = tpu.memref_slice %arg20[%add3A_390, %dma_start3A_391] : memref<10240x128xf32, #tpu.memory_space<vmem_shared>> -> memref<16x128xf32, #tpu.memory_space<vmem_shared>>
      %dma_start3A_393 = arith.constant 0 : i32
      %dma_start3A_394 = tpu.memref_slice %arg20[%add3A_390, %dma_start3A_393] : memref<10240x128xf32, #tpu.memory_space<vmem_shared>> -> memref<16x128xf32, #tpu.memory_space<vmem_shared>>
      tpu.enqueue_dma source(%dma_start3A_394 : memref<16x128xf32, #tpu.memory_space<vmem_shared>>) target(%arg16 : memref<16x128xf32, #tpu.memory_space<vmem>>) target_semaphore(%arg25 : memref<!tpu.dma_semaphore, #tpu.memory_space<semaphore_mem>>)
      %mul3A_395 = arith.constant 16 : i32
      %mul3A_396 = arith.muli %min3A_385, %mul3A_395 : i32
      %dma_start3A_397 = arith.constant 0 : i32
      %dma_start3A_398 = tpu.memref_slice %arg6[%arg1, %mul3A_396, %dma_start3A_397] : memref<16x640x16xf32, #tpu.memory_space<hbm>> -> memref<1x16x16xf32, #tpu.memory_space<hbm>>
      %dma_start3A_399 = tpu.memref_squeeze %dma_start3A_398 : memref<1x16x16xf32, #tpu.memory_space<hbm>> -> memref<16x16xf32, #tpu.memory_space<hbm>>
      %dma_start3A_400 = arith.constant 0 : i32
      %dma_start3A_401 = tpu.memref_slice %arg6[%arg1, %mul3A_396, %dma_start3A_400] : memref<16x640x16xf32, #tpu.memory_space<hbm>> -> memref<1x16x16xf32, #tpu.memory_space<hbm>>
      %dma_start3A_402 = tpu.memref_squeeze %dma_start3A_401 : memref<1x16x16xf32, #tpu.memory_space<hbm>> -> memref<16x16xf32, #tpu.memory_space<hbm>>
      tpu.enqueue_dma source(%dma_start3A_402 : memref<16x16xf32, #tpu.memory_space<hbm>>) target(%arg18 : memref<16x16xf32, #tpu.memory_space<vmem>>) target_semaphore(%arg21 : memref<!tpu.dma_semaphore, #tpu.memory_space<semaphore_mem>>)
      %dma_wait3A_403 = arith.constant 0 : i32
      %dma_wait3A_404 = tpu.memref_slice %arg8[%arg0, %add3A_369, %dma_wait3A_403] : memref<2x10240x128xf32, #tpu.memory_space<hbm>> -> memref<1x16x128xf32, #tpu.memory_space<hbm>>
      %dma_wait3A_405 = tpu.memref_squeeze %dma_wait3A_404 : memref<1x16x128xf32, #tpu.memory_space<hbm>> -> memref<16x128xf32, #tpu.memory_space<hbm>>
      %dma_wait3A_406 = arith.constant 0 : i32
      %dma_wait3A_407 = tpu.memref_slice %arg8[%arg0, %add3A_369, %dma_wait3A_406] : memref<2x10240x128xf32, #tpu.memory_space<hbm>> -> memref<1x16x128xf32, #tpu.memory_space<hbm>>
      %dma_wait3A_408 = tpu.memref_squeeze %dma_wait3A_407 : memref<1x16x128xf32, #tpu.memory_space<hbm>> -> memref<16x128xf32, #tpu.memory_space<hbm>>
      tpu.wait_dma2 semaphore(%arg28 : memref<!tpu.dma_semaphore, #tpu.memory_space<semaphore_mem>>) src(%arg17 : memref<16x128xf32, #tpu.memory_space<vmem>>) dst(%dma_wait3A_408 : memref<16x128xf32, #tpu.memory_space<hbm>>)
      %add3A_409 = arith.constant 3 : i32
      %add3A_410 = arith.addi %mul3A_311, %add3A_409 : i32
      %min3A_411 = arith.constant 39 : i32
      %min3A_412 = arith.minsi %add3A_410, %min3A_411 : i32
      %mul3A_413 = arith.constant 640 : i32
      %mul3A_414 = arith.muli %arg1, %mul3A_413 : i32
      %mul3A_415 = arith.constant 16 : i32
      %mul3A_416 = arith.muli %min3A_412, %mul3A_415 : i32
      %add3A_417 = arith.addi %mul3A_414, %mul3A_416 : i32
      %dma_start3A_418 = arith.constant 0 : i32
      %dma_start3A_419 = tpu.memref_slice %arg20[%add3A_417, %dma_start3A_418] : memref<10240x128xf32, #tpu.memory_space<vmem_shared>> -> memref<16x128xf32, #tpu.memory_space<vmem_shared>>
      %dma_start3A_420 = arith.constant 0 : i32
      %dma_start3A_421 = tpu.memref_slice %arg20[%add3A_417, %dma_start3A_420] : memref<10240x128xf32, #tpu.memory_space<vmem_shared>> -> memref<16x128xf32, #tpu.memory_space<vmem_shared>>
      tpu.enqueue_dma source(%dma_start3A_421 : memref<16x128xf32, #tpu.memory_space<vmem_shared>>) target(%arg17 : memref<16x128xf32, #tpu.memory_space<vmem>>) target_semaphore(%arg26 : memref<!tpu.dma_semaphore, #tpu.memory_space<semaphore_mem>>)
      %mul3A_422 = arith.constant 16 : i32
      %mul3A_423 = arith.muli %min3A_412, %mul3A_422 : i32
      %dma_start3A_424 = arith.constant 0 : i32
      %dma_start3A_425 = tpu.memref_slice %arg6[%arg1, %mul3A_423, %dma_start3A_424] : memref<16x640x16xf32, #tpu.memory_space<hbm>> -> memref<1x16x16xf32, #tpu.memory_space<hbm>>
      %dma_start3A_426 = tpu.memref_squeeze %dma_start3A_425 : memref<1x16x16xf32, #tpu.memory_space<hbm>> -> memref<16x16xf32, #tpu.memory_space<hbm>>
      %dma_start3A_427 = arith.constant 0 : i32
      %dma_start3A_428 = tpu.memref_slice %arg6[%arg1, %mul3A_423, %dma_start3A_427] : memref<16x640x16xf32, #tpu.memory_space<hbm>> -> memref<1x16x16xf32, #tpu.memory_space<hbm>>
      %dma_start3A_429 = tpu.memref_squeeze %dma_start3A_428 : memref<1x16x16xf32, #tpu.memory_space<hbm>> -> memref<16x16xf32, #tpu.memory_space<hbm>>
      tpu.enqueue_dma source(%dma_start3A_429 : memref<16x16xf32, #tpu.memory_space<hbm>>) target(%arg19 : memref<16x16xf32, #tpu.memory_space<vmem>>) target_semaphore(%arg22 : memref<!tpu.dma_semaphore, #tpu.memory_space<semaphore_mem>>)
    }
    %scan3A_280 = arith.constant 20 : i32
    %mul3A_281 = arith.constant 640 : i32
    %mul3A_282 = arith.muli %arg1, %mul3A_281 : i32
    %dma_wait3A_283 = arith.constant 0 : i32
    %dma_wait3A_284 = tpu.memref_slice %arg20[%mul3A_282, %dma_wait3A_283] : memref<10240x128xf32, #tpu.memory_space<vmem_shared>> -> memref<16x128xf32, #tpu.memory_space<vmem_shared>>
    %dma_wait3A_285 = arith.constant 0 : i32
    %dma_wait3A_286 = tpu.memref_slice %arg20[%mul3A_282, %dma_wait3A_285] : memref<10240x128xf32, #tpu.memory_space<vmem_shared>> -> memref<16x128xf32, #tpu.memory_space<vmem_shared>>
    tpu.wait_dma2 semaphore(%arg25 : memref<!tpu.dma_semaphore, #tpu.memory_space<semaphore_mem>>) src(%dma_wait3A_286 : memref<16x128xf32, #tpu.memory_space<vmem_shared>>) dst(%arg16 : memref<16x128xf32, #tpu.memory_space<vmem>>)
    %dma_wait3A_287 = arith.constant 0 : i32
    %dma_wait3A_288 = arith.constant 0 : i32
    %dma_wait3A_289 = tpu.memref_slice %arg6[%arg1, %dma_wait3A_287, %dma_wait3A_288] : memref<16x640x16xf32, #tpu.memory_space<hbm>> -> memref<1x16x16xf32, #tpu.memory_space<hbm>>
    %dma_wait3A_290 = tpu.memref_squeeze %dma_wait3A_289 : memref<1x16x16xf32, #tpu.memory_space<hbm>> -> memref<16x16xf32, #tpu.memory_space<hbm>>
    %dma_wait3A_291 = arith.constant 0 : i32
    %dma_wait3A_292 = arith.constant 0 : i32
    %dma_wait3A_293 = tpu.memref_slice %arg6[%arg1, %dma_wait3A_291, %dma_wait3A_292] : memref<16x640x16xf32, #tpu.memory_space<hbm>> -> memref<1x16x16xf32, #tpu.memory_space<hbm>>
    %dma_wait3A_294 = tpu.memref_squeeze %dma_wait3A_293 : memref<1x16x16xf32, #tpu.memory_space<hbm>> -> memref<16x16xf32, #tpu.memory_space<hbm>>
    tpu.wait_dma2 semaphore(%arg21 : memref<!tpu.dma_semaphore, #tpu.memory_space<semaphore_mem>>) src(%dma_wait3A_294 : memref<16x16xf32, #tpu.memory_space<hbm>>) dst(%arg18 : memref<16x16xf32, #tpu.memory_space<vmem>>)
    %mul3A_295 = arith.constant 640 : i32
    %mul3A_296 = arith.muli %arg1, %mul3A_295 : i32
    %dma_wait3A_297 = arith.constant 0 : i32
    %dma_wait3A_298 = tpu.memref_slice %arg20[%mul3A_296, %dma_wait3A_297] : memref<10240x128xf32, #tpu.memory_space<vmem_shared>> -> memref<16x128xf32, #tpu.memory_space<vmem_shared>>
    %dma_wait3A_299 = arith.constant 0 : i32
    %dma_wait3A_300 = tpu.memref_slice %arg20[%mul3A_296, %dma_wait3A_299] : memref<10240x128xf32, #tpu.memory_space<vmem_shared>> -> memref<16x128xf32, #tpu.memory_space<vmem_shared>>
    tpu.wait_dma2 semaphore(%arg26 : memref<!tpu.dma_semaphore, #tpu.memory_space<semaphore_mem>>) src(%dma_wait3A_300 : memref<16x128xf32, #tpu.memory_space<vmem_shared>>) dst(%arg17 : memref<16x128xf32, #tpu.memory_space<vmem>>)
    %dma_wait3A_301 = arith.constant 0 : i32
    %dma_wait3A_302 = arith.constant 0 : i32
    %dma_wait3A_303 = tpu.memref_slice %arg6[%arg1, %dma_wait3A_301, %dma_wait3A_302] : memref<16x640x16xf32, #tpu.memory_space<hbm>> -> memref<1x16x16xf32, #tpu.memory_space<hbm>>
    %dma_wait3A_304 = tpu.memref_squeeze %dma_wait3A_303 : memref<1x16x16xf32, #tpu.memory_space<hbm>> -> memref<16x16xf32, #tpu.memory_space<hbm>>
    %dma_wait3A_305 = arith.constant 0 : i32
    %dma_wait3A_306 = arith.constant 0 : i32
    %dma_wait3A_307 = tpu.memref_slice %arg6[%arg1, %dma_wait3A_305, %dma_wait3A_306] : memref<16x640x16xf32, #tpu.memory_space<hbm>> -> memref<1x16x16xf32, #tpu.memory_space<hbm>>
    %dma_wait3A_308 = tpu.memref_squeeze %dma_wait3A_307 : memref<1x16x16xf32, #tpu.memory_space<hbm>> -> memref<16x16xf32, #tpu.memory_space<hbm>>
    tpu.wait_dma2 semaphore(%arg22 : memref<!tpu.dma_semaphore, #tpu.memory_space<semaphore_mem>>) src(%dma_wait3A_308 : memref<16x16xf32, #tpu.memory_space<hbm>>) dst(%arg19 : memref<16x16xf32, #tpu.memory_space<vmem>>)
    return
  }
}

module attributes {stable_mosaic.version = 14 : i64} {
  func.func @_mm_a_body(%arg0: i32, %arg1: memref<1000x256xf32, #tpu.memory_space<vmem>>, %arg2: memref<1000x1xf32, #tpu.memory_space<vmem>>, %arg3: memref<256x256xf32, #tpu.memory_space<vmem>>, %arg4: memref<1x256xf32, #tpu.memory_space<vmem>>, %arg5: memref<256x256xf32, #tpu.memory_space<vmem>>, %arg6: memref<1000x256xf32, #tpu.memory_space<vmem>>, %arg7: memref<2x1000x128xf32, #tpu.memory_space<vmem>>) attributes {dimension_semantics = [#tpu.dimension_semantics<arbitrary>], iteration_bounds = array<i64: 10>, scalar_prefetch = 0 : i64, scratch_operands = 0 : i64, tpu.core_type = #tpu.core_type<tc>, window_params = [{transform_indices = @transform_0, window_bounds = array<i64: 1000, 256>}, {transform_indices = @transform_1, window_bounds = array<i64: 1000, 1>}, {pipeline_mode = #tpu.pipeline_mode<synchronous>, transform_indices = @transform_2, window_bounds = array<i64: 256, 256>}, {pipeline_mode = #tpu.pipeline_mode<synchronous>, transform_indices = @transform_3, window_bounds = array<i64: 1, 256>}, {pipeline_mode = #tpu.pipeline_mode<synchronous>, transform_indices = @transform_4, window_bounds = array<i64: 256, 256>}, {transform_indices = @transform_5, window_bounds = array<i64: 1000, 256>}, {transform_indices = @transform_6, window_bounds = array<i64: 2, 1000, 128>}]} {
    %get3A = arith.constant 0 : index
    %get3A_0 = arith.constant 0 : index
    %get3A_1 = vector.load %arg1[%get3A, %get3A_0] : memref<1000x256xf32, #tpu.memory_space<vmem>>, vector<1000x256xf32>
    %get3A_2 = arith.constant 0 : index
    %get3A_3 = arith.constant 0 : index
    %get3A_4 = vector.load %arg3[%get3A_2, %get3A_3] : memref<256x256xf32, #tpu.memory_space<vmem>>, vector<256x256xf32>
    %dot_general3A = arith.constant dense<0.000000e+00> : vector<1000x256xf32>
    %dot_general3A_5 = tpu.matmul %get3A_1, %get3A_4, %dot_general3A {dimension_numbers = #tpu.dot_dimension_numbers<[1], [0], [0], [1], [0, 0, 1, 1], [], []>, transpose_lhs_hint = false} : vector<1000x256xf32>, vector<256x256xf32>, vector<1000x256xf32> -> vector<1000x256xf32>
    %get3A_6 = arith.constant 0 : index
    %get3A_7 = arith.constant 0 : index
    %get3A_8 = vector.load %arg4[%get3A_6, %get3A_7] : memref<1x256xf32, #tpu.memory_space<vmem>>, vector<1x256xf32>
    %add3A = vector.broadcast %get3A_8 : vector<1x256xf32> to vector<1000x256xf32>
    %add3A_9 = arith.addf %dot_general3A_5, %add3A : vector<1000x256xf32>
    %swap3A = arith.constant 0 : index
    %swap3A_10 = arith.constant 0 : index
    %swap3A_11 = vector.load %arg6[%swap3A, %swap3A_10] : memref<1000x256xf32, #tpu.memory_space<vmem>>, vector<1000x256xf32>
    tpu.vector_store %arg6[%swap3A, %swap3A_10], %add3A_9 {strides = array<i32>} : memref<1000x256xf32, #tpu.memory_space<vmem>>, vector<1000x256xf32>,
    %get3A_12 = arith.constant 0 : index
    %get3A_13 = arith.constant 0 : index
    %get3A_14 = vector.load %arg2[%get3A_12, %get3A_13] : memref<1000x1xf32, #tpu.memory_space<vmem>>, vector<1000x1xf32>
    %mul3A = vector.broadcast %get3A_14 : vector<1000x1xf32> to vector<1000x256xf32>
    %mul3A_15 = arith.mulf %mul3A, %add3A_9 : vector<1000x256xf32>
    %get3A_16 = arith.constant 0 : index
    %get3A_17 = arith.constant 0 : index
    %get3A_18 = vector.load %arg5[%get3A_16, %get3A_17] : memref<256x256xf32, #tpu.memory_space<vmem>>, vector<256x256xf32>
    %dot_general3A_19 = arith.constant dense<0.000000e+00> : vector<1000x256xf32>
    %dot_general3A_20 = tpu.matmul %mul3A_15, %get3A_18, %dot_general3A_19 {dimension_numbers = #tpu.dot_dimension_numbers<[1], [0], [0], [1], [0, 0, 1, 1], [], []>, transpose_lhs_hint = false} : vector<1000x256xf32>, vector<256x256xf32>, vector<1000x256xf32> -> vector<1000x256xf32>
    %slice3A = vector.extract_strided_slice %dot_general3A_20 {offsets = [0, 0], sizes = [1000, 128], strides = [1, 1]} : vector<1000x256xf32> to vector<1000x128xf32>
    %swap3A_21 = arith.constant 0 : index
    %swap3A_22 = arith.constant 0 : index
    %swap3A_23 = arith.constant 0 : index
    %swap3A_24 = vector.load %arg7[%swap3A_21, %swap3A_22, %swap3A_23] : memref<2x1000x128xf32, #tpu.memory_space<vmem>>, vector<1x1000x128xf32>
    %swap3A_25 = vector.shape_cast %swap3A_24 : vector<1x1000x128xf32> to vector<1000x128xf32>
    %swap3A_26 = vector.shape_cast %slice3A : vector<1000x128xf32> to vector<1x1000x128xf32>
    tpu.vector_store %arg7[%swap3A_21, %swap3A_22, %swap3A_23], %swap3A_26 {strides = array<i32>} : memref<2x1000x128xf32, #tpu.memory_space<vmem>>, vector<1x1000x128xf32>,
    %slice3A_27 = vector.extract_strided_slice %dot_general3A_20 {offsets = [0, 128], sizes = [1000, 128], strides = [1, 1]} : vector<1000x256xf32> to vector<1000x128xf32>
    %swap3A_28 = arith.constant 1 : index
    %swap3A_29 = arith.constant 0 : index
    %swap3A_30 = arith.constant 0 : index
    %swap3A_31 = vector.load %arg7[%swap3A_28, %swap3A_29, %swap3A_30] : memref<2x1000x128xf32, #tpu.memory_space<vmem>>, vector<1x1000x128xf32>
    %swap3A_32 = vector.shape_cast %swap3A_31 : vector<1x1000x128xf32> to vector<1000x128xf32>
    %swap3A_33 = vector.shape_cast %slice3A_27 : vector<1000x128xf32> to vector<1x1000x128xf32>
    tpu.vector_store %arg7[%swap3A_28, %swap3A_29, %swap3A_30], %swap3A_33 {strides = array<i32>} : memref<2x1000x128xf32, #tpu.memory_space<vmem>>, vector<1x1000x128xf32>,
    return
  }
  func.func @transform_0(%arg0: i32) -> (i32, i32) {
    %c0_i32 = arith.constant 0 : i32
    %c0_i32_0 = arith.constant 0 : i32
    return %arg0, %c0_i32 : i32, i32
  }
  func.func @transform_1(%arg0: i32) -> (i32, i32) {
    %c0_i32 = arith.constant 0 : i32
    %c0_i32_0 = arith.constant 0 : i32
    return %arg0, %c0_i32 : i32, i32
  }
  func.func @transform_2(%arg0: i32) -> (i32, i32) {
    %c0_i32 = arith.constant 0 : i32
    %c0_i32_0 = arith.constant 0 : i32
    %c0_i32_1 = arith.constant 0 : i32
    return %c0_i32, %c0_i32_0 : i32, i32
  }
  func.func @transform_3(%arg0: i32) -> (i32, i32) {
    %c0_i32 = arith.constant 0 : i32
    %c0_i32_0 = arith.constant 0 : i32
    %c0_i32_1 = arith.constant 0 : i32
    return %c0_i32, %c0_i32_0 : i32, i32
  }
  func.func @transform_4(%arg0: i32) -> (i32, i32) {
    %c0_i32 = arith.constant 0 : i32
    %c0_i32_0 = arith.constant 0 : i32
    %c0_i32_1 = arith.constant 0 : i32
    return %c0_i32, %c0_i32_0 : i32, i32
  }
  func.func @transform_5(%arg0: i32) -> (i32, i32) {
    %c0_i32 = arith.constant 0 : i32
    %c0_i32_0 = arith.constant 0 : i32
    return %arg0, %c0_i32 : i32, i32
  }
  func.func @transform_6(%arg0: i32) -> (i32, i32, i32) {
    %c0_i32 = arith.constant 0 : i32
    %c0_i32_0 = arith.constant 0 : i32
    %c0_i32_1 = arith.constant 0 : i32
    return %c0_i32, %arg0, %c0_i32_0 : i32, i32, i32
  }
}

module attributes {stable_mosaic.version = 14 : i64} {
  func.func @_mm_b_body(%arg0: i32, %arg1: memref<2x1000x128xf32, #tpu.memory_space<vmem>>, %arg2: memref<1x256xf32, #tpu.memory_space<vmem>>, %arg3: memref<256x256xf32, #tpu.memory_space<vmem>>, %arg4: memref<2x1000x128xf32, #tpu.memory_space<vmem>>) attributes {dimension_semantics = [#tpu.dimension_semantics<arbitrary>], iteration_bounds = array<i64: 10>, scalar_prefetch = 0 : i64, scratch_operands = 0 : i64, tpu.core_type = #tpu.core_type<tc>, window_params = [{transform_indices = @transform_0, window_bounds = array<i64: 2, 1000, 128>}, {pipeline_mode = #tpu.pipeline_mode<synchronous>, transform_indices = @transform_1, window_bounds = array<i64: 1, 256>}, {pipeline_mode = #tpu.pipeline_mode<synchronous>, transform_indices = @transform_2, window_bounds = array<i64: 256, 256>}, {transform_indices = @transform_3, window_bounds = array<i64: 2, 1000, 128>}]} {
    %get3A = arith.constant 0 : index
    %get3A_0 = arith.constant 0 : index
    %get3A_1 = arith.constant 0 : index
    %get3A_2 = vector.load %arg1[%get3A, %get3A_0, %get3A_1] : memref<2x1000x128xf32, #tpu.memory_space<vmem>>, vector<1x1000x128xf32>
    %get3A_3 = vector.shape_cast %get3A_2 : vector<1x1000x128xf32> to vector<1000x128xf32>
    %get3A_4 = arith.constant 1 : index
    %get3A_5 = arith.constant 0 : index
    %get3A_6 = arith.constant 0 : index
    %get3A_7 = vector.load %arg1[%get3A_4, %get3A_5, %get3A_6] : memref<2x1000x128xf32, #tpu.memory_space<vmem>>, vector<1x1000x128xf32>
    %get3A_8 = vector.shape_cast %get3A_7 : vector<1x1000x128xf32> to vector<1000x128xf32>
    %concatenate3A = tpu.concatenate %get3A_3, %get3A_8 in 1 : vector<1000x128xf32>, vector<1000x128xf32> -> vector<1000x256xf32>
    %get3A_9 = arith.constant 0 : index
    %get3A_10 = arith.constant 0 : index
    %get3A_11 = vector.load %arg2[%get3A_9, %get3A_10] : memref<1x256xf32, #tpu.memory_space<vmem>>, vector<1x256xf32>
    %add3A = vector.broadcast %get3A_11 : vector<1x256xf32> to vector<1000x256xf32>
    %add3A_12 = arith.addf %concatenate3A, %add3A : vector<1000x256xf32>
    %max3A = arith.constant 0.000000e+00 : f32
    %max3A_13 = vector.broadcast %max3A : f32 to vector<1000x256xf32>
    %max3A_14 = arith.maximumf %add3A_12, %max3A_13 : vector<1000x256xf32>
    %get3A_15 = arith.constant 0 : index
    %get3A_16 = arith.constant 0 : index
    %get3A_17 = vector.load %arg3[%get3A_15, %get3A_16] : memref<256x256xf32, #tpu.memory_space<vmem>>, vector<256x256xf32>
    %dot_general3A = arith.constant dense<0.000000e+00> : vector<1000x256xf32>
    %dot_general3A_18 = tpu.matmul %max3A_14, %get3A_17, %dot_general3A {dimension_numbers = #tpu.dot_dimension_numbers<[1], [0], [0], [1], [0, 0, 1, 1], [], []>, transpose_lhs_hint = false} : vector<1000x256xf32>, vector<256x256xf32>, vector<1000x256xf32> -> vector<1000x256xf32>
    %slice3A = vector.extract_strided_slice %dot_general3A_18 {offsets = [0, 0], sizes = [1000, 128], strides = [1, 1]} : vector<1000x256xf32> to vector<1000x128xf32>
    %swap3A = arith.constant 0 : index
    %swap3A_19 = arith.constant 0 : index
    %swap3A_20 = arith.constant 0 : index
    %swap3A_21 = vector.load %arg4[%swap3A, %swap3A_19, %swap3A_20] : memref<2x1000x128xf32, #tpu.memory_space<vmem>>, vector<1x1000x128xf32>
    %swap3A_22 = vector.shape_cast %swap3A_21 : vector<1x1000x128xf32> to vector<1000x128xf32>
    %swap3A_23 = vector.shape_cast %slice3A : vector<1000x128xf32> to vector<1x1000x128xf32>
    tpu.vector_store %arg4[%swap3A, %swap3A_19, %swap3A_20], %swap3A_23 {strides = array<i32>} : memref<2x1000x128xf32, #tpu.memory_space<vmem>>, vector<1x1000x128xf32>,
    %slice3A_24 = vector.extract_strided_slice %dot_general3A_18 {offsets = [0, 128], sizes = [1000, 128], strides = [1, 1]} : vector<1000x256xf32> to vector<1000x128xf32>
    %swap3A_25 = arith.constant 1 : index
    %swap3A_26 = arith.constant 0 : index
    %swap3A_27 = arith.constant 0 : index
    %swap3A_28 = vector.load %arg4[%swap3A_25, %swap3A_26, %swap3A_27] : memref<2x1000x128xf32, #tpu.memory_space<vmem>>, vector<1x1000x128xf32>
    %swap3A_29 = vector.shape_cast %swap3A_28 : vector<1x1000x128xf32> to vector<1000x128xf32>
    %swap3A_30 = vector.shape_cast %slice3A_24 : vector<1000x128xf32> to vector<1x1000x128xf32>
    tpu.vector_store %arg4[%swap3A_25, %swap3A_26, %swap3A_27], %swap3A_30 {strides = array<i32>} : memref<2x1000x128xf32, #tpu.memory_space<vmem>>, vector<1x1000x128xf32>,
    return
  }
  func.func @transform_0(%arg0: i32) -> (i32, i32, i32) {
    %c0_i32 = arith.constant 0 : i32
    %c0_i32_0 = arith.constant 0 : i32
    %c0_i32_1 = arith.constant 0 : i32
    return %c0_i32, %arg0, %c0_i32_0 : i32, i32, i32
  }
  func.func @transform_1(%arg0: i32) -> (i32, i32) {
    %c0_i32 = arith.constant 0 : i32
    %c0_i32_0 = arith.constant 0 : i32
    %c0_i32_1 = arith.constant 0 : i32
    return %c0_i32, %c0_i32_0 : i32, i32
  }
  func.func @transform_2(%arg0: i32) -> (i32, i32) {
    %c0_i32 = arith.constant 0 : i32
    %c0_i32_0 = arith.constant 0 : i32
    %c0_i32_1 = arith.constant 0 : i32
    return %c0_i32, %c0_i32_0 : i32, i32
  }
  func.func @transform_3(%arg0: i32) -> (i32, i32, i32) {
    %c0_i32 = arith.constant 0 : i32
    %c0_i32_0 = arith.constant 0 : i32
    %c0_i32_1 = arith.constant 0 : i32
    return %c0_i32, %arg0, %c0_i32_0 : i32, i32, i32
  }
}

module attributes {stable_mosaic.version = 14 : i64} {
  func.func @_mm_c_body(%arg0: i32, %arg1: memref<1000x256xf32, #tpu.memory_space<vmem>>, %arg2: memref<2x1000x128xf32, #tpu.memory_space<vmem>>, %arg3: memref<1x256xf32, #tpu.memory_space<vmem>>, %arg4: memref<256x512xf32, #tpu.memory_space<vmem>>, %arg5: memref<1x512xf32, #tpu.memory_space<vmem>>, %arg6: memref<256x512xf32, #tpu.memory_space<vmem>>, %arg7: memref<256x512xf32, #tpu.memory_space<vmem>>, %arg8: memref<1x512xf32, #tpu.memory_space<vmem>>, %arg9: memref<512x1xf32, #tpu.memory_space<vmem>>, %arg10: memref<1x1xf32, #tpu.memory_space<vmem>>, %arg11: memref<512x1xf32, #tpu.memory_space<vmem>>, %arg12: memref<1x1xf32, #tpu.memory_space<vmem>>, %arg13: memref<1000x1xf32, #tpu.memory_space<vmem>>, %arg14: memref<1000x1xf32, #tpu.memory_space<vmem>>) attributes {dimension_semantics = [#tpu.dimension_semantics<arbitrary>], iteration_bounds = array<i64: 10>, scalar_prefetch = 0 : i64, scratch_operands = 0 : i64, tpu.core_type = #tpu.core_type<tc>, window_params = [{transform_indices = @transform_0, window_bounds = array<i64: 1000, 256>}, {transform_indices = @transform_1, window_bounds = array<i64: 2, 1000, 128>}, {pipeline_mode = #tpu.pipeline_mode<synchronous>, transform_indices = @transform_2, window_bounds = array<i64: 1, 256>}, {pipeline_mode = #tpu.pipeline_mode<synchronous>, transform_indices = @transform_3, window_bounds = array<i64: 256, 512>}, {pipeline_mode = #tpu.pipeline_mode<synchronous>, transform_indices = @transform_4, window_bounds = array<i64: 1, 512>}, {pipeline_mode = #tpu.pipeline_mode<synchronous>, transform_indices = @transform_5, window_bounds = array<i64: 256, 512>}, {pipeline_mode = #tpu.pipeline_mode<synchronous>, transform_indices = @transform_6, window_bounds = array<i64: 256, 512>}, {pipeline_mode = #tpu.pipeline_mode<synchronous>, transform_indices = @transform_7, window_bounds = array<i64: 1, 512>}, {pipeline_mode = #tpu.pipeline_mode<synchronous>, transform_indices = @transform_8, window_bounds = array<i64: 512, 1>}, {pipeline_mode = #tpu.pipeline_mode<synchronous>, transform_indices = @transform_9, window_bounds = array<i64: 1, 1>}, {pipeline_mode = #tpu.pipeline_mode<synchronous>, transform_indices = @transform_10, window_bounds = array<i64: 512, 1>}, {pipeline_mode = #tpu.pipeline_mode<synchronous>, transform_indices = @transform_11, window_bounds = array<i64: 1, 1>}, {transform_indices = @transform_12, window_bounds = array<i64: 1000, 1>}, {transform_indices = @transform_13, window_bounds = array<i64: 1000, 1>}]} {
    %get3A = arith.constant 0 : index
    %get3A_0 = arith.constant 0 : index
    %get3A_1 = arith.constant 0 : index
    %get3A_2 = vector.load %arg2[%get3A, %get3A_0, %get3A_1] : memref<2x1000x128xf32, #tpu.memory_space<vmem>>, vector<1x1000x128xf32>
    %get3A_3 = vector.shape_cast %get3A_2 : vector<1x1000x128xf32> to vector<1000x128xf32>
    %get3A_4 = arith.constant 1 : index
    %get3A_5 = arith.constant 0 : index
    %get3A_6 = arith.constant 0 : index
    %get3A_7 = vector.load %arg2[%get3A_4, %get3A_5, %get3A_6] : memref<2x1000x128xf32, #tpu.memory_space<vmem>>, vector<1x1000x128xf32>
    %get3A_8 = vector.shape_cast %get3A_7 : vector<1x1000x128xf32> to vector<1000x128xf32>
    %concatenate3A = tpu.concatenate %get3A_3, %get3A_8 in 1 : vector<1000x128xf32>, vector<1000x128xf32> -> vector<1000x256xf32>
    %get3A_9 = arith.constant 0 : index
    %get3A_10 = arith.constant 0 : index
    %get3A_11 = vector.load %arg3[%get3A_9, %get3A_10] : memref<1x256xf32, #tpu.memory_space<vmem>>, vector<1x256xf32>
    %add3A = vector.broadcast %get3A_11 : vector<1x256xf32> to vector<1000x256xf32>
    %add3A_12 = arith.addf %concatenate3A, %add3A : vector<1000x256xf32>
    %max3A = arith.constant 0.000000e+00 : f32
    %max3A_13 = vector.broadcast %max3A : f32 to vector<1000x256xf32>
    %max3A_14 = arith.maximumf %add3A_12, %max3A_13 : vector<1000x256xf32>
    %get3A_15 = arith.constant 0 : index
    %get3A_16 = arith.constant 0 : index
    %get3A_17 = vector.load %arg4[%get3A_15, %get3A_16] : memref<256x512xf32, #tpu.memory_space<vmem>>, vector<256x512xf32>
    %dot_general3A = arith.constant dense<0.000000e+00> : vector<1000x512xf32>
    %dot_general3A_18 = tpu.matmul %max3A_14, %get3A_17, %dot_general3A {dimension_numbers = #tpu.dot_dimension_numbers<[1], [0], [0], [1], [0, 0, 1, 1], [], []>, transpose_lhs_hint = false} : vector<1000x256xf32>, vector<256x512xf32>, vector<1000x512xf32> -> vector<1000x512xf32>
    %get3A_19 = arith.constant 0 : index
    %get3A_20 = arith.constant 0 : index
    %get3A_21 = vector.load %arg5[%get3A_19, %get3A_20] : memref<1x512xf32, #tpu.memory_space<vmem>>, vector<1x512xf32>
    %add3A_22 = vector.broadcast %get3A_21 : vector<1x512xf32> to vector<1000x512xf32>
    %add3A_23 = arith.addf %dot_general3A_18, %add3A_22 : vector<1000x512xf32>
    %max3A_24 = arith.constant 0.000000e+00 : f32
    %max3A_25 = vector.broadcast %max3A_24 : f32 to vector<1000x512xf32>
    %max3A_26 = arith.maximumf %add3A_23, %max3A_25 : vector<1000x512xf32>
    %get3A_27 = arith.constant 0 : index
    %get3A_28 = arith.constant 0 : index
    %get3A_29 = vector.load %arg9[%get3A_27, %get3A_28] : memref<512x1xf32, #tpu.memory_space<vmem>>, vector<512x1xf32>
    %dot_general3A_30 = arith.constant dense<0.000000e+00> : vector<1000x1xf32>
    %dot_general3A_31 = tpu.matmul %max3A_26, %get3A_29, %dot_general3A_30 {dimension_numbers = #tpu.dot_dimension_numbers<[1], [0], [0], [1], [0, 0, 1, 1], [], []>, transpose_lhs_hint = false} : vector<1000x512xf32>, vector<512x1xf32>, vector<1000x1xf32> -> vector<1000x1xf32>
    %get3A_32 = arith.constant 0 : index
    %get3A_33 = arith.constant 0 : index
    %get3A_34 = vector.load %arg10[%get3A_32, %get3A_33] : memref<1x1xf32, #tpu.memory_space<vmem>>, vector<1x1xf32>
    %add3A_35 = vector.broadcast %get3A_34 : vector<1x1xf32> to vector<1000x1xf32>
    %add3A_36 = arith.addf %dot_general3A_31, %add3A_35 : vector<1000x1xf32>
    %swap3A = arith.constant 0 : index
    %swap3A_37 = arith.constant 0 : index
    %swap3A_38 = vector.load %arg14[%swap3A, %swap3A_37] : memref<1000x1xf32, #tpu.memory_space<vmem>>, vector<1000x1xf32>
    tpu.vector_store %arg14[%swap3A, %swap3A_37], %add3A_36 {strides = array<i32>} : memref<1000x1xf32, #tpu.memory_space<vmem>>, vector<1000x1xf32>,
    %get3A_39 = arith.constant 0 : index
    %get3A_40 = arith.constant 0 : index
    %get3A_41 = vector.load %arg1[%get3A_39, %get3A_40] : memref<1000x256xf32, #tpu.memory_space<vmem>>, vector<1000x256xf32>
    %get3A_42 = arith.constant 0 : index
    %get3A_43 = arith.constant 0 : index
    %get3A_44 = vector.load %arg6[%get3A_42, %get3A_43] : memref<256x512xf32, #tpu.memory_space<vmem>>, vector<256x512xf32>
    %dot_general3A_45 = arith.constant dense<0.000000e+00> : vector<1000x512xf32>
    %dot_general3A_46 = tpu.matmul %get3A_41, %get3A_44, %dot_general3A_45 {dimension_numbers = #tpu.dot_dimension_numbers<[1], [0], [0], [1], [0, 0, 1, 1], [], []>, transpose_lhs_hint = false} : vector<1000x256xf32>, vector<256x512xf32>, vector<1000x512xf32> -> vector<1000x512xf32>
    %get3A_47 = arith.constant 0 : index
    %get3A_48 = arith.constant 0 : index
    %get3A_49 = vector.load %arg7[%get3A_47, %get3A_48] : memref<256x512xf32, #tpu.memory_space<vmem>>, vector<256x512xf32>
    %dot_general3A_50 = arith.constant dense<0.000000e+00> : vector<1000x512xf32>
    %dot_general3A_51 = tpu.matmul %max3A_14, %get3A_49, %dot_general3A_50 {dimension_numbers = #tpu.dot_dimension_numbers<[1], [0], [0], [1], [0, 0, 1, 1], [], []>, transpose_lhs_hint = false} : vector<1000x256xf32>, vector<256x512xf32>, vector<1000x512xf32> -> vector<1000x512xf32>
    %add3A_52 = arith.addf %dot_general3A_46, %dot_general3A_51 : vector<1000x512xf32>
    %get3A_53 = arith.constant 0 : index
    %get3A_54 = arith.constant 0 : index
    %get3A_55 = vector.load %arg8[%get3A_53, %get3A_54] : memref<1x512xf32, #tpu.memory_space<vmem>>, vector<1x512xf32>
    %add3A_56 = vector.broadcast %get3A_55 : vector<1x512xf32> to vector<1000x512xf32>
    %add3A_57 = arith.addf %add3A_52, %add3A_56 : vector<1000x512xf32>
    %max3A_58 = arith.constant 0.000000e+00 : f32
    %max3A_59 = vector.broadcast %max3A_58 : f32 to vector<1000x512xf32>
    %max3A_60 = arith.maximumf %add3A_57, %max3A_59 : vector<1000x512xf32>
    %get3A_61 = arith.constant 0 : index
    %get3A_62 = arith.constant 0 : index
    %get3A_63 = vector.load %arg11[%get3A_61, %get3A_62] : memref<512x1xf32, #tpu.memory_space<vmem>>, vector<512x1xf32>
    %dot_general3A_64 = arith.constant dense<0.000000e+00> : vector<1000x1xf32>
    %dot_general3A_65 = tpu.matmul %max3A_60, %get3A_63, %dot_general3A_64 {dimension_numbers = #tpu.dot_dimension_numbers<[1], [0], [0], [1], [0, 0, 1, 1], [], []>, transpose_lhs_hint = false} : vector<1000x512xf32>, vector<512x1xf32>, vector<1000x1xf32> -> vector<1000x1xf32>
    %get3A_66 = arith.constant 0 : index
    %get3A_67 = arith.constant 0 : index
    %get3A_68 = vector.load %arg12[%get3A_66, %get3A_67] : memref<1x1xf32, #tpu.memory_space<vmem>>, vector<1x1xf32>
    %add3A_69 = vector.broadcast %get3A_68 : vector<1x1xf32> to vector<1000x1xf32>
    %add3A_70 = arith.addf %dot_general3A_65, %add3A_69 : vector<1000x1xf32>
    %swap3A_71 = arith.constant 0 : index
    %swap3A_72 = arith.constant 0 : index
    %swap3A_73 = vector.load %arg13[%swap3A_71, %swap3A_72] : memref<1000x1xf32, #tpu.memory_space<vmem>>, vector<1000x1xf32>
    tpu.vector_store %arg13[%swap3A_71, %swap3A_72], %add3A_70 {strides = array<i32>} : memref<1000x1xf32, #tpu.memory_space<vmem>>, vector<1000x1xf32>,
    return
  }
  func.func @transform_0(%arg0: i32) -> (i32, i32) {
    %c0_i32 = arith.constant 0 : i32
    %c0_i32_0 = arith.constant 0 : i32
    return %arg0, %c0_i32 : i32, i32
  }
  func.func @transform_1(%arg0: i32) -> (i32, i32, i32) {
    %c0_i32 = arith.constant 0 : i32
    %c0_i32_0 = arith.constant 0 : i32
    %c0_i32_1 = arith.constant 0 : i32
    return %c0_i32, %arg0, %c0_i32_0 : i32, i32, i32
  }
  func.func @transform_2(%arg0: i32) -> (i32, i32) {
    %c0_i32 = arith.constant 0 : i32
    %c0_i32_0 = arith.constant 0 : i32
    %c0_i32_1 = arith.constant 0 : i32
    return %c0_i32, %c0_i32_0 : i32, i32
  }
  func.func @transform_3(%arg0: i32) -> (i32, i32) {
    %c0_i32 = arith.constant 0 : i32
    %c0_i32_0 = arith.constant 0 : i32
    %c0_i32_1 = arith.constant 0 : i32
    return %c0_i32, %c0_i32_0 : i32, i32
  }
  func.func @transform_4(%arg0: i32) -> (i32, i32) {
    %c0_i32 = arith.constant 0 : i32
    %c0_i32_0 = arith.constant 0 : i32
    %c0_i32_1 = arith.constant 0 : i32
    return %c0_i32, %c0_i32_0 : i32, i32
  }
  func.func @transform_5(%arg0: i32) -> (i32, i32) {
    %c0_i32 = arith.constant 0 : i32
    %c0_i32_0 = arith.constant 0 : i32
    %c0_i32_1 = arith.constant 0 : i32
    return %c0_i32, %c0_i32_0 : i32, i32
  }
  func.func @transform_6(%arg0: i32) -> (i32, i32) {
    %c0_i32 = arith.constant 0 : i32
    %c0_i32_0 = arith.constant 0 : i32
    %c0_i32_1 = arith.constant 0 : i32
    return %c0_i32, %c0_i32_0 : i32, i32
  }
  func.func @transform_7(%arg0: i32) -> (i32, i32) {
    %c0_i32 = arith.constant 0 : i32
    %c0_i32_0 = arith.constant 0 : i32
    %c0_i32_1 = arith.constant 0 : i32
    return %c0_i32, %c0_i32_0 : i32, i32
  }
  func.func @transform_8(%arg0: i32) -> (i32, i32) {
    %c0_i32 = arith.constant 0 : i32
    %c0_i32_0 = arith.constant 0 : i32
    %c0_i32_1 = arith.constant 0 : i32
    return %c0_i32, %c0_i32_0 : i32, i32
  }
  func.func @transform_9(%arg0: i32) -> (i32, i32) {
    %c0_i32 = arith.constant 0 : i32
    %c0_i32_0 = arith.constant 0 : i32
    %c0_i32_1 = arith.constant 0 : i32
    return %c0_i32, %c0_i32_0 : i32, i32
  }
  func.func @transform_10(%arg0: i32) -> (i32, i32) {
    %c0_i32 = arith.constant 0 : i32
    %c0_i32_0 = arith.constant 0 : i32
    %c0_i32_1 = arith.constant 0 : i32
    return %c0_i32, %c0_i32_0 : i32, i32
  }
  func.func @transform_11(%arg0: i32) -> (i32, i32) {
    %c0_i32 = arith.constant 0 : i32
    %c0_i32_0 = arith.constant 0 : i32
    %c0_i32_1 = arith.constant 0 : i32
    return %c0_i32, %c0_i32_0 : i32, i32
  }
  func.func @transform_12(%arg0: i32) -> (i32, i32) {
    %c0_i32 = arith.constant 0 : i32
    %c0_i32_0 = arith.constant 0 : i32
    return %arg0, %c0_i32 : i32, i32
  }
  func.func @transform_13(%arg0: i32) -> (i32, i32) {
    %c0_i32 = arith.constant 0 : i32
    %c0_i32_0 = arith.constant 0 : i32
    return %arg0, %c0_i32 : i32, i32
  }
}

</mosaic_0001>

<sc_bundles>
// kernel: kernel.11.cloned.1.call-start
scs
__scs_entry_jumppad:
0x0: {  	(pc) =	sbr.rel $0x88, $3  }
0x1: {  	(tag) =	ssettag $0x0;
	lr =	simm.s32 $0x1  }
0x2: {  	[smem:$0x3F90] =	sst lr;
	_ =	strace $0xD0000000  }
0x3: {  	_ = 	snop  }
0x4: {  	_ = 	snop  }
0x5: {  	_ = 	snop  }
0x6: {  	_ = 	snop  }
0x7: {  	_ = 	snop  }
__scs_overlays_trampoline_lowered:
0x8: {  	[smem:$0x3F9F] =	sst s0  }
0x9: {  	[smem:$0x3FA0] =	sst s1  }
0xa: {  	[smem:$0x3FA1] =	sst s2  }
0xb: {  	[smem:$0x3FA2] =	sst s3  }
0xc: {  	[smem:$0x3FA3] =	sst s4  }
0xd: {  	[smem:$0x3FA4] =	sst s5  }
0xe: {  	[smem:$0x3FA5] =	sst s6  }
0xf: {  	[smem:$0x3FA6] =	sst s7  }
0x10: {  	[smem:$0x3FA7] =	sst s8  }
0x11: {  	[smem:$0x3FA8] =	sst s9;
	s0 =	simm.s32 @!p0 $0x0  }
0x12: {  	s1 =	sld [smem:$0x3F8E];
	s0 =	simm.s32 @p0 $0x1  }
0x13: {  	[smem:$0x3FA9] =	sst s0;
	s0 =	simm.s32 @!p1 $0x0  }
0x14: {  	s2 =	sld [smem:$0x3F8D];
	s0 =	simm.s32 @p1 $0x1  }
0x15: {  	[smem:$0x3FAA] =	sst s0;
	s0 =	simm.s32 @!p2 $0x0  }
0x16: {  	s3 =	sld [smem:$0x3FDB];
	s0 =	simm.s32 @p2 $0x1  }
0x17: {  	s4 =	simm.s32 $0x1BF5;
	[smem:$0x3FAC] =	sst s0  }
0x18: {  	s0 =	sld [smem:$0x3F8F];
	_ =	swait.ge [sflag:s4], $0x0  }
0x19: {  	s7 =	sld [smem:$0x3F90]  }
0x1a: {  	s8 =	sadd.s32 $0xFFFFE003, lr  }
0x1b: {  	s9 =	sadd.s32 $0xFFFFFEF7, lr;
	s5 =	simm.s32 $0xFFFFFFFF;
	p2 =	slt.u32 s8, $0xFFFFF086  }
0x1c: {  	p1 =	slt.u32 s9, $0xF7A;
	s5 =	simm.s32 @!p2 $0x0  }
0x1d: {  	s5 =	simm.s32 @p1 $0x1;
	p0 =	seq.s32 s7, s2  }
0x1e: {  	s7 =	smul.u32 @!p0 $0xF7A, s2;
	p2 =	seq.s32 @!p0 s5, $0x0  }
0x1f: {  	s9 =	smul.u32 $0xF7A, s1;
	s8 =	simm.s32 @!p0 $0x1BF5;
	p2 =	por !p2, p0  }
0x20: {  	[sflag:s8] =	ssyncset.s32 @!p0 $0xFFFFF086;
	s6 =	sadd.s32 @!p0 s3, s7;
	s7 =	simm.s32 @!p0 $0x108  }
0x21: {  	s3 =	sadd.s32 s3, s9;
	s6 =	sadd.s32 @!p0 $0x88, s6;
	s7 =	simm.s32 @p2 $0x1082  }
0x22: {  	[simem:s7], [sflag:s8] =	dma.local @!p0 [hbm:s6], $0xF7A  }
0x23: {  	s9 =	sor.u32 $0xD0000000, s2;
	s6 =	simm.s32 $0x108;
	_ =	swait.ge @!p0 [sflag:s8], $0x0  }
0x24: {  	s3 =	sadd.s32 $0x88, s3;
	s6 =	simm.s32 @!p1 $0x1082;
	[sflag:s4] =	ssyncset.s32 $0xFFFFF086  }
0x25: {  	[simem:s6], [sflag:s4] =	dma.local [hbm:s3], $0xF7A  }
0x26: {  	[smem:$0x3F90] =	sst s1;
	(tag) =	ssettag s2;
	_ =	strace s9  }
0x27: {  	s1 =	sld [smem:$0x3FA0]  }
0x28: {  	s2 =	sld [smem:$0x3FA1]  }
0x29: {  	s4 =	sld [smem:$0x3FA3]  }
0x2a: {  	p0 =	seq.s32 s5, $0x0;
	s5 =	sld [smem:$0x3FA4]  }
0x2b: {  	s6 =	sld [smem:$0x3FA5]  }
0x2c: {  	s7 =	sld [smem:$0x3FA6]  }
0x2d: {  	s3 =	simm.s32 $0x108;
	s8 =	sld [smem:$0x3FA7]  }
0x2e: {  	s3 =	simm.s32 @!p0 $0x1082;
	s9 =	sld [smem:$0x3FA8]  }
0x2f: {  	lr =	sadd.s32 s0, s3;
	s0 =	sld [smem:$0x3F9F]  }
0x30: {  	s3 =	sld [smem:$0x3FA2]  }
0x31: {  	[smem:$0x3FAB] =	sst s10  }
0x32: {  	s10 =	sld [smem:$0x3FA9];
	_ =	sdelay $0x3  }
0x33: {  	p0 =	seq.s32 s10, $0x1;
	s10 =	sld [smem:$0x3FAB];
	_ =	sdelay $0x3  }
0x34: {  	[smem:$0x3FAB] =	sst s10  }
0x35: {  	s10 =	sld [smem:$0x3FAA];
	_ =	sdelay $0x3  }
0x36: {  	p1 =	seq.s32 s10, $0x1;
	s10 =	sld [smem:$0x3FAB];
	_ =	sdelay $0x3  }
0x37: {  	[smem:$0x3FAB] =	sst s10  }
0x38: {  	s10 =	sld [smem:$0x3FAC]  }
0x39: {  	_ = 	snop;
	(pc) =	sbr.ind lr, $3  }
0x3a: {  	_ = 	snop  }
0x3b: {  	_ = 	snop  }
0x3c: {  	p2 =	seq.s32 s10, $0x1;
	s10 =	sld [smem:$0x3FAB]  }
0x3d: {  	_ =	shalt  }
0x3e: {  	_ =	shalt  }
0x3f: {  	_ =	shalt  }
0x40: {  	_ =	shalt  }
0x41: {  	_ =	shalt  }
0x42: {  	_ =	shalt  }
0x43: {  	_ =	shalt  }
0x44: {  	_ =	shalt  }
0x45: {  	_ =	shalt  }
0x46: {  	_ =	shalt  }
0x47: {  	_ =	shalt  }
0x48: {  	_ =	shalt  }
0x49: {  	_ =	shalt  }
0x4a: {  	_ =	shalt  }
0x4b: {  	_ =	shalt  }
0x4c: {  	_ =	shalt  }
0x4d: {  	_ =	shalt  }
0x4e: {  	_ =	shalt  }
0x4f: {  	_ =	shalt  }
0x50: {  	_ =	shalt  }
0x51: {  	_ =	shalt  }
0x52: {  	_ =	shalt  }
0x53: {  	_ =	shalt  }
0x54: {  	_ =	shalt  }
0x55: {  	_ =	shalt  }
0x56: {  	_ =	shalt  }
0x57: {  	_ =	shalt  }
0x58: {  	_ =	shalt  }
0x59: {  	_ =	shalt  }
0x5a: {  	_ =	shalt  }
0x5b: {  	_ =	shalt  }
0x5c: {  	_ =	shalt  }
0x5d: {  	_ =	shalt  }
0x5e: {  	_ =	shalt  }
0x5f: {  	_ =	shalt  }
0x60: {  	_ =	shalt  }
0x61: {  	_ =	shalt  }
0x62: {  	_ =	shalt  }
0x63: {  	_ =	shalt  }
0x64: {  	_ =	shalt  }
0x65: {  	_ =	shalt  }
0x66: {  	_ =	shalt  }
0x67: {  	_ =	shalt  }
0x68: {  	_ =	shalt  }
0x69: {  	_ =	shalt  }
0x6a: {  	_ =	shalt  }
0x6b: {  	_ =	shalt  }
0x6c: {  	_ =	shalt  }
0x6d: {  	_ =	shalt  }
0x6e: {  	_ =	shalt  }
0x6f: {  	_ =	shalt  }
0x70: {  	_ =	shalt  }
0x71: {  	_ =	shalt  }
0x72: {  	_ =	shalt  }
0x73: {  	_ =	shalt  }
0x74: {  	_ =	shalt  }
0x75: {  	_ =	shalt  }
0x76: {  	_ =	shalt  }
0x77: {  	_ =	shalt  }
0x78: {  	_ =	shalt  }
0x79: {  	_ =	shalt  }
0x7a: {  	_ =	shalt  }
0x7b: {  	_ =	shalt  }
0x7c: {  	_ =	shalt  }
0x7d: {  	_ =	shalt  }
0x7e: {  	_ =	shalt  }
0x7f: {  	_ =	shalt  }
0x80: {  	_ =	shalt  }
0x81: {  	_ =	shalt  }
0x82: {  	_ =	shalt  }
0x83: {  	_ =	shalt  }
0x84: {  	_ =	shalt  }
0x85: {  	_ =	shalt  }
0x86: {  	_ =	shalt  }
0x87: {  	_ =	shalt  }
.Lfunc_end0:
.L_simem_size_0:
called_computation.1_lowered:
.L_overlay_start_0:
0x88: {  	s2 =	sld [smem:$0x3FD9]  }
0x89: {  	s3 =	sld [smem:$0x3FFE];
	_ =	sdelay $0x1  }
0x8a: {  	s1 =	srdreg.scid  }
0x8b: {  	s0 =	sand.u32 $0x1, s1  }
0x8c: {  	s14 =	sshll.u32 s0, $0xA;
	s2 =	sadd.s32 s3, s2  }
0x8d: {  	s2 =	sadd.s32 s2, s14  }
0x8e: {  	[smem:$0x3FB7] =	sst s2  }
0x8f: {  	_ = 	snop  }
0x90: {  	s2 =	sld [smem:$0x3FD0];
	_ =	sdelay $0x2  }
0x91: {  	s15 =	simm.s32 $0xA;
	s4 =	simm.s32 $0x10  }
0x92: {  	[smem:s4], [sflag:s15] =	dma.local [hbm:s2], $0x1  }
0x93: {  	_ =	swait.eq [sflag:s15], $0x1  }
0x94: {  	[sflag:s15] =	ssyncset.done $0x0  }
0x95: {  	[sflag:s15] =	ssyncadd.s32 $0xFFFFFFFF  }
0x96: {  	s16 =	sld [smem:$0x11];
	(tm) =	ssettm $0x1  }
0x97: {  	s17 =	sld [smem:$0x3FFB];
	_ =	sdelay $0x3  }
0x98: {  	_ =	strace s17  }
0x99: {  	s3 =	sld [smem:$0x3FFC];
	_ =	sdelay $0x3  }
0x9a: {  	_ =	strace s3  }
0x9b: {  	s3 =	sld [smem:$0x3FFD];
	_ =	sdelay $0x3  }
0x9c: {  	_ =	strace s3  }
0x9d: {  	_ =	strace $0x8FFFFFFF  }
0x9e: {  	s18 =	sld [smem:$0x3FDB];
	_ =	sdelay $0x1  }
0x9f: {  	s19 =	simm.s32 $_scs_section_size  }
0xa0: {  	s5 =	simm.s32 $_size__tile_overlayer_lowered;
	s6 =	simm.s32 $_tile_overlayer_lowered  }
0xa1: {  	s22 =	simm.s32 $0x1BFF;
	s21 =	sshll.u32 s6, $0x1;
	s3 =	sadd.s32 s19, s18  }
0xa2: {  	s7 =	simm.s32 $0x0;
	s20 =	sshll.u32 s5, $0x1;
	s5 =	sadd.s32 s21, s3  }
0xa3: {  	[timem:s7], [sflag:s22] =	dma.local [hbm:s5], s20  }
0xa4: {  	_ =	swait.ge [sflag:s22], s20  }
0xa5: {  	s4 =	ssub.s32 $0x0, s20;
	[sflag:s22] =	ssyncset.done $0x0  }
0xa6: {  	[sflag:s22] =	ssyncadd.s32 s4;
	_ =	sdelay $0x1  }
0xa7: {  	s23 =	simm.s32 $0x1B8B  }
0xa8: {  	_ =	swait.ge [sflag:s23], $0x1  }
0xa9: {  	[sflag:s23] =	ssyncset.done $0x0  }
0xaa: {  	s25 =	simm.s32 $0x1B8E;
	s24 =	sld [smem:$0x3FFE];
	[sflag:s23] =	ssyncadd.s32 $0xFFFFFFFF  }
0xab: {  	s26 =	simm.s32 $execute0_lowered;
	[smem:$0x3FD2] =	sst s25  }
0xac: {  	s5 =	sshll.u32 s26, $0x1;
	_ =	strace $0x80000049;
	[dreg:$0x1] =	wrdreg $0xFFFFFFFF  }
0xad: {  	s28 =	simm.s32 $_size_execute0_lowered;
	s3 =	sadd.s32 s3, s5;
	[dreg:$0x0] =	wrdreg $0x0  }
0xae: {  	s5 =	sshll.u32 s28, $0x1;
	[dreg:$0x2] =	wrdreg s3  }
0xaf: {  	[dreg:$0x3] =	wrdreg s5  }
0xb0: {  	[dreg:$0x4] =	wrdreg $0xC0  }
0xb1: {  	_ =	task [dreg:s7], $0x5FFFF  }
0xb2: {  	[dreg:$0x1] =	wrdreg $0xFFFFFFFF  }
0xb3: {  	[dreg:$0x0] =	wrdreg $0x60  }
0xb4: {  	[dreg:$0x2] =	wrdreg s24  }
0xb5: {  	[dreg:$0x3] =	wrdreg s16  }
0xb6: {  	[dreg:$0x4] =	wrdreg $0xA2000  }
0xb7: {  	[dreg:$0x5] =	wrdreg $0x9  }
0xb8: {  	_ =	task.clear_ibuf [dreg:s7], $0x6FFFF;
	_ =	strace $0x90000049  }
0xb9: {  	s29 =	simm.s32 $0x9;
	_ =	strace $0x8000004B  }
0xba: {  	_ =	swait.ge [sflag:s29], $0x1  }
0xbb: {  	[sflag:s29] =	ssyncadd.s32 $0xFFFFFFFF  }
0xbc: {  	_ =	strace $0x9000004B  }
0xbd: {  	_ =	sfence  }
0xbe: {  	s30 =	sld [smem:$0x0];
	_ =	sdelay $0x2  }
0xbf: {  	s31 =	sshll.u32 s1, $0xD;
	s1 =	sshrl.u32 s1, $0x2  }
0xc0: {  	s3 =	sand.u32 $0x4000, s31;
	s1 =	sadd.s32 s1, s30  }
0xc1: {  	s0 =	sor.u32 s3, s0;
	s1 =	sshll.u32 s1, $0x11  }
0xc2: {  	s0 =	sor.u32 s1, s0  }
0xc3: {  	s0 =	sadd.s32 $0x8F2B, s0  }
0xc4: {  	[sflag:s0] =	ssyncadd.remote.s32 $0x1  }
0xc5: {  	_ =	sfence.sel $0xFFFF  }
0xc6: {  	[dreg:$0x0] =	wrdreg $0xFFFFFFFF;
	(pc) =	sbr.abs _section_cstart, $3  }
0xc7: {  	[dreg:$0x1] =	wrdreg $0xFFFFFFFF  }
0xc8: {  	_ =	task.clear_ibuf [dreg:s7], $0x2FFFF;
	_ =	strace $0x9FFFFFFF  }
0xc9: {  	(tm) =	ssettm $0x7FFFFFFF  }
tec
execute0_lowered:
.L_overlay_start_1:
0x0: {  	(tag) =	ssettag $0x1  }
0x1: {  	s0 =	rddreg [dreg:$0x0]  }
0x2: {  	s2 =	rddreg [dreg:$0x2]  }
0x3: {  	s3 =	simm.s32 $0x0;
	s1 =	srdreg.scid;
	s16 =	stileid.u32  }
0x4: {  	[smem:$0x7FF] =	sst s3;
	s5 =	sadd.s32 $0x74E00, s0;
	s6 =	sadd.s32 $0x5EE00, s0  }
0x5: {  	s7 =	sadd.s32 $0x3600, s0;
	s1 =	sand.u32 $0x1, s1;
	s4 =	smul.u32 $0x50000, s16  }
0x6: {  	s17 =	sadd.s32 $0xEB000, s0;
	s20 =	sadd.s32 $0xC3000, s0;
	s10 =	smul.u32 $0x2C00, s16  }
0x7: {  	s12 =	sadd.s32 $0x113000, s0;
	_ =	strace $0x8000004A;
	s8 =	ssub.s32 $0x2, s1  }
0x8: {  	s9 =	smul.u32 $0x2C000, s1;
	[dreg:$0x6] =	wrdreg s12;
	s12 =	sadd.s32 $0xE600, s0  }
0x9: {  	s19 =	smul.u32 $0x2800, s1;
	s0 =	sadd.s32 $0x5EE10, s0;
	[dreg:$0x4] =	wrdreg s17  }
0xa: {  	[dreg:$0x5] =	wrdreg s20;
	s11 =	sshrl.u32 s8, $0x1;
	s4 =	sshrl.u32 s4, $0x2  }
0xb: {  	s8 =	ssub.s32 s8, s11;
	s13 =	sadd.s32 s10, s9;
	s11 =	smul.u32 $0x280, s16  }
0xc: {  	s21 =	sshrl.u32 s10, $0x3;
	s14 =	sadd.s32 s4, s2;
	s18 =	sshrl.u32 s13, $0x3  }
0xd: {  	s15 =	sadd.s32 s6, s18;
	s4 =	sadd.s32 s18, s0;
	s22 =	sadd.s32 s11, s19  }
0xe: {  	s18 =	smul.u32 $0x14000, s16;
	s19 =	sadd.s32 $0x58000, s13;
	[dreg:$0x7] =	wrdreg s15  }
0xf: {  	s15 =	sadd.s32 s7, s21;
	[dreg:$0x9] =	wrdreg s4;
	s23 =	sshrl.u32 s19, $0x3  }
0x10: {  	s4 =	sshll.u32 s22, $0x4;
	s0 =	sadd.s32 s23, s0;
	[dreg:$0x8] =	wrdreg s15  }
0x11: {  	s21 =	sadd.s32 $0x2C000, s10;
	s24 =	sadd.s32 s6, s23;
	[dreg:$0xb] =	wrdreg s0  }
0x12: {  	s9 =	sadd.s32 s12, s4;
	s4 =	sadd.s32 $0x1000, s14;
	[dreg:$0xc] =	wrdreg s24  }
0x13: {  	s25 =	sshrl.u32 s21, $0x3;
	[dreg:$0x17] =	wrdreg s4  }
0x14: {  	s30 =	sshrl.u32 s18, $0x3;
	s0 =	sadd.s32 s7, s25;
	[dreg:$0xa] =	wrdreg s9  }
0x15: {  	s11 =	sadd.s32 s17, s30;
	[dreg:$0xd] =	wrdreg s0  }
0x16: {  	s26 =	smul.u32 $0x140000, s1;
	s1 =	sadd.s32 s20, s30;
	[dreg:$0xe] =	wrdreg s11  }
0x17: {  	s24 =	smax.u32 s8, $0x1;
	[dreg:$0xf] =	wrdreg s1  }
0x18: {  	s25 =	sadd.s32 $0x10, s15;
	[dreg:$0x13] =	wrdreg s24  }
0x19: {  	s16 =	sor.u32 $0x100, s30;
	s30 =	sadd.s32 $0x5810, s15;
	[dreg:$0x14] =	wrdreg s25  }
0x1a: {  	s8 =	sadd.s32 $0x1800, s14;
	[dreg:$0x16] =	wrdreg s30  }
0x1b: {  	s15 =	sadd.s32 $0x2800, s14;
	[dreg:$0x18] =	wrdreg s8  }
0x1c: {  	s4 =	sadd.s32 $0x7800, s14;
	[dreg:$0x1a] =	wrdreg s15  }
0x1d: {  	s22 =	sadd.s32 s17, s16;
	[smem:$0x7E3] =	sst s4  }
0x1e: {  	s23 =	sadd.s32 s20, s16;
	[dreg:$0x10] =	wrdreg s22  }
0x1f: {  	s0 =	sadd.s32 s18, s26;
	s26 =	sadd.s32 $0x800, s14;
	[dreg:$0x11] =	wrdreg s23  }
0x20: {  	s11 =	sadd.s32 $0x2000, s14;
	[dreg:$0x15] =	wrdreg s26  }
0x21: {  	s16 =	sadd.s32 $0x3000, s14;
	[dreg:$0x19] =	wrdreg s11  }
0x22: {  	s17 =	sadd.s32 $0x3800, s14;
	[dreg:$0x1b] =	wrdreg s16  }
0x23: {  	s20 =	sadd.s32 $0x4000, s14;
	[dreg:$0x1c] =	wrdreg s17  }
0x24: {  	s24 =	sadd.s32 $0x5800, s14;
	[dreg:$0x1d] =	wrdreg s20  }
0x25: {  	s25 =	sadd.s32 $0x6000, s14;
	[smem:$0x7DF] =	sst s24  }
0x26: {  	s30 =	sadd.s32 $0x7000, s14;
	[smem:$0x7E0] =	sst s25  }
0x27: {  	s8 =	sadd.s32 $0x8000, s14;
	[smem:$0x7E2] =	sst s30  }
0x28: {  	s15 =	sadd.s32 $0x9000, s14;
	[smem:$0x7E4] =	sst s8  }
0x29: {  	s4 =	sadd.s32 $0xE000, s14;
	[smem:$0x7E6] =	sst s15  }
0x2a: {  	[smem:$0x7F0] =	sst s4  }
0x2b: {  	s22 =	sadd.s32 $0x4800, s14;
	[dreg:$0x12] =	wrdreg s0  }
0x2c: {  	s23 =	sadd.s32 $0x5000, s14;
	[dreg:$0x1e] =	wrdreg s22  }
0x2d: {  	s26 =	sadd.s32 $0x6800, s14;
	[dreg:$0x1f] =	wrdreg s23  }
0x2e: {  	s11 =	sadd.s32 $0x8800, s14;
	[smem:$0x7E1] =	sst s26  }
0x2f: {  	s16 =	sadd.s32 $0x9800, s14;
	[smem:$0x7E5] =	sst s11  }
0x30: {  	s17 =	sadd.s32 $0xA000, s14;
	[smem:$0x7E7] =	sst s16  }
0x31: {  	s20 =	sadd.s32 $0xA800, s14;
	[smem:$0x7E8] =	sst s17  }
0x32: {  	s24 =	sadd.s32 $0xC000, s14;
	[smem:$0x7E9] =	sst s20  }
0x33: {  	s25 =	sadd.s32 $0xC800, s14;
	[smem:$0x7EC] =	sst s24  }
0x34: {  	s30 =	sadd.s32 $0xD800, s14;
	[smem:$0x7ED] =	sst s25  }
0x35: {  	s8 =	sadd.s32 $0xE800, s14;
	[smem:$0x7EF] =	sst s30  }
0x36: {  	s15 =	sadd.s32 $0xF800, s14;
	[smem:$0x7F1] =	sst s8  }
0x37: {  	s0 =	sor.u32 $0x800, s0;
	[smem:$0x7F3] =	sst s15  }
0x38: {  	s22 =	sadd.s32 $0xB000, s14;
	[smem:$0x7FD] =	sst s0  }
0x39: {  	s23 =	sadd.s32 $0xB800, s14;
	[smem:$0x7EA] =	sst s22  }
0x3a: {  	s26 =	sadd.s32 $0xD000, s14;
	[smem:$0x7EB] =	sst s23  }
0x3b: {  	s11 =	sadd.s32 $0xF000, s14;
	[smem:$0x7EE] =	sst s26  }
0x3c: {  	s28 =	simm.s32 $0x200;
	s16 =	sadd.s32 $0x10000, s14;
	[smem:$0x7F2] =	sst s11  }
0x3d: {  	s29 =	simm.s32 $0x2;
	s17 =	sadd.s32 $0x10800, s14;
	[smem:$0x7F4] =	sst s16  }
0x3e: {  	s31 =	simm.s32 $0x4200;
	s20 =	sadd.s32 $0x11000, s14;
	[smem:$0x7F5] =	sst s17  }
0x3f: {  	s1 =	simm.s32 $0x6;
	s24 =	sadd.s32 $0x12800, s14;
	[smem:$0x7F6] =	sst s20  }
0x40: {  	s4 =	simm.s32 $0x4;
	s25 =	sadd.s32 $0x13000, s14;
	[smem:$0x7F9] =	sst s24  }
0x41: {  	s30 =	sadd.s32 $0x100, s9;
	s0 =	simm.s32 $0x3;
	[smem:$0x7FA] =	sst s25  }
0x42: {  	s15 =	simm.s32 $0x8A00;
	s22 =	sadd.s32 $0x11800, s14;
	[smem:$0x7FC] =	sst s30  }
0x43: {  	s9 =	simm.s32 $0x0;
	s23 =	sadd.s32 $0x12000, s14;
	[smem:$0x7F7] =	sst s22  }
0x44: {  	s26 =	sadd.s32 $0x13800, s14;
	s24 =	simm.s32 $0x80;
	[smem:$0x7F8] =	sst s23  }
0x45: {  	s25 =	simm.s32 $0x100;
	s20 =	simm.s32 $0x180;
	[smem:$0x7FB] =	sst s26  }
0x46: {  	s22 =	simm.s32 $0x9;
	s23 =	simm.s32 $0x5;
	s26 =	simm.s32 $0x1  }
.LBB2_1:
0x47: {  	[smem:$0x7DE] =	sst s9  }
0x48: {  	s8 =	rddreg [dreg:$0x1];
	s9 =	simm.s32 $0x8200  }
0x49: {  	[tilespmem:s9], [sflag:$0x9] =	stream.linear.gather [hbm4b:s8+s3], $0x800, $0x38;
	[tilespmem:$0x1E200] =	vst v63  }
0x4a: {  	_ =	swait.ge [sflag:s22], $0x800  }
0x4b: {  	[sflag:s22] =	ssyncset.done $0x0  }
0x4c: {  	s16 =	rddreg [dreg:$0x15];
	[sflag:s22] =	ssyncadd.s32 $0xFFFFF800  }
0x4d: {  	[spmem:s14] =	stream.linear.scatter [tilespmem:s9], [sflag:$0x5], $0x800, $0x38;
	[tilespmem:$0x1E200] =	vst v63  }
0x4e: {  	s17 =	rddreg [dreg:$0x17]  }
0x4f: {  	[spmem:s16] =	stream.linear.scatter [tilespmem:s9], [sflag:$0x5], $0x800, $0x38;
	[tilespmem:$0x1E200] =	vst v63  }
0x50: {  	s30 =	rddreg [dreg:$0x18]  }
0x51: {  	[spmem:s17] =	stream.linear.scatter [tilespmem:s9], [sflag:$0x5], $0x800, $0x38;
	[tilespmem:$0x1E200] =	vst v63  }
0x52: {  	s11 =	rddreg [dreg:$0x19]  }
0x53: {  	[spmem:s30] =	stream.linear.scatter [tilespmem:s9], [sflag:$0x5], $0x800, $0x38;
	[tilespmem:$0x1E200] =	vst v63  }
0x54: {  	s16 =	rddreg [dreg:$0x1a]  }
0x55: {  	[spmem:s11] =	stream.linear.scatter [tilespmem:s9], [sflag:$0x5], $0x800, $0x38;
	[tilespmem:$0x1E200] =	vst v63  }
0x56: {  	s17 =	rddreg [dreg:$0x1b]  }
0x57: {  	[spmem:s16] =	stream.linear.scatter [tilespmem:s9], [sflag:$0x5], $0x800, $0x38;
	[tilespmem:$0x1E200] =	vst v63  }
0x58: {  	s30 =	rddreg [dreg:$0x1c]  }
0x59: {  	[spmem:s17] =	stream.linear.scatter [tilespmem:s9], [sflag:$0x5], $0x800, $0x38;
	[tilespmem:$0x1E200] =	vst v63  }
0x5a: {  	s11 =	rddreg [dreg:$0x1d]  }
0x5b: {  	[spmem:s30] =	stream.linear.scatter [tilespmem:s9], [sflag:$0x5], $0x800, $0x38;
	[tilespmem:$0x1E200] =	vst v63  }
0x5c: {  	s16 =	rddreg [dreg:$0x1e]  }
0x5d: {  	[spmem:s11] =	stream.linear.scatter [tilespmem:s9], [sflag:$0x5], $0x800, $0x38;
	[tilespmem:$0x1E200] =	vst v63  }
0x5e: {  	s17 =	rddreg [dreg:$0x1f]  }
0x5f: {  	[spmem:s16] =	stream.linear.scatter [tilespmem:s9], [sflag:$0x5], $0x800, $0x38;
	[tilespmem:$0x1E200] =	vst v63  }
0x60: {  	s30 =	sld [smem:$0x7DF]  }
0x61: {  	[spmem:s17] =	stream.linear.scatter [tilespmem:s9], [sflag:$0x5], $0x800, $0x38;
	[tilespmem:$0x1E200] =	vst v63  }
0x62: {  	s11 =	sld [smem:$0x7E0]  }
0x63: {  	[spmem:s30] =	stream.linear.scatter [tilespmem:s9], [sflag:$0x5], $0x800, $0x38;
	[tilespmem:$0x1E200] =	vst v63  }
0x64: {  	s16 =	sld [smem:$0x7E1]  }
0x65: {  	[spmem:s11] =	stream.linear.scatter [tilespmem:s9], [sflag:$0x5], $0x800, $0x38;
	[tilespmem:$0x1E200] =	vst v63  }
0x66: {  	s17 =	sld [smem:$0x7E2]  }
0x67: {  	[spmem:s16] =	stream.linear.scatter [tilespmem:s9], [sflag:$0x5], $0x800, $0x38;
	[tilespmem:$0x1E200] =	vst v63  }
0x68: {  	s30 =	sld [smem:$0x7E3]  }
0x69: {  	[spmem:s17] =	stream.linear.scatter [tilespmem:s9], [sflag:$0x5], $0x800, $0x38;
	[tilespmem:$0x1E200] =	vst v63  }
0x6a: {  	s11 =	sld [smem:$0x7E4]  }
0x6b: {  	[spmem:s30] =	stream.linear.scatter [tilespmem:s9], [sflag:$0x5], $0x800, $0x38;
	[tilespmem:$0x1E200] =	vst v63  }
0x6c: {  	s16 =	sld [smem:$0x7E5]  }
0x6d: {  	[spmem:s11] =	stream.linear.scatter [tilespmem:s9], [sflag:$0x5], $0x800, $0x38;
	[tilespmem:$0x1E200] =	vst v63  }
0x6e: {  	s17 =	sld [smem:$0x7E6]  }
0x6f: {  	[spmem:s16] =	stream.linear.scatter [tilespmem:s9], [sflag:$0x5], $0x800, $0x38;
	[tilespmem:$0x1E200] =	vst v63  }
0x70: {  	s30 =	sld [smem:$0x7E7]  }
0x71: {  	[spmem:s17] =	stream.linear.scatter [tilespmem:s9], [sflag:$0x5], $0x800, $0x38;
	[tilespmem:$0x1E200] =	vst v63  }
0x72: {  	s11 =	sld [smem:$0x7E8]  }
0x73: {  	[spmem:s30] =	stream.linear.scatter [tilespmem:s9], [sflag:$0x5], $0x800, $0x38;
	[tilespmem:$0x1E200] =	vst v63  }
0x74: {  	s16 =	sld [smem:$0x7E9]  }
0x75: {  	[spmem:s11] =	stream.linear.scatter [tilespmem:s9], [sflag:$0x5], $0x800, $0x38;
	[tilespmem:$0x1E200] =	vst v63  }
0x76: {  	s17 =	sld [smem:$0x7EA]  }
0x77: {  	[spmem:s16] =	stream.linear.scatter [tilespmem:s9], [sflag:$0x5], $0x800, $0x38;
	[tilespmem:$0x1E200] =	vst v63  }
0x78: {  	s30 =	sld [smem:$0x7EB]  }
0x79: {  	[spmem:s17] =	stream.linear.scatter [tilespmem:s9], [sflag:$0x5], $0x800, $0x38;
	[tilespmem:$0x1E200] =	vst v63  }
0x7a: {  	s11 =	sld [smem:$0x7EC]  }
0x7b: {  	[spmem:s30] =	stream.linear.scatter [tilespmem:s9], [sflag:$0x5], $0x800, $0x38;
	[tilespmem:$0x1E200] =	vst v63  }
0x7c: {  	s16 =	sld [smem:$0x7ED]  }
0x7d: {  	[spmem:s11] =	stream.linear.scatter [tilespmem:s9], [sflag:$0x5], $0x800, $0x38;
	[tilespmem:$0x1E200] =	vst v63  }
0x7e: {  	s17 =	sld [smem:$0x7EE]  }
0x7f: {  	[spmem:s16] =	stream.linear.scatter [tilespmem:s9], [sflag:$0x5], $0x800, $0x38;
	[tilespmem:$0x1E200] =	vst v63  }
0x80: {  	s30 =	sld [smem:$0x7EF]  }
0x81: {  	[spmem:s17] =	stream.linear.scatter [tilespmem:s9], [sflag:$0x5], $0x800, $0x38;
	[tilespmem:$0x1E200] =	vst v63  }
0x82: {  	s11 =	sld [smem:$0x7F0]  }
0x83: {  	[spmem:s30] =	stream.linear.scatter [tilespmem:s9], [sflag:$0x5], $0x800, $0x38;
	[tilespmem:$0x1E200] =	vst v63  }
0x84: {  	s16 =	sld [smem:$0x7F1]  }
0x85: {  	[spmem:s11] =	stream.linear.scatter [tilespmem:s9], [sflag:$0x5], $0x800, $0x38;
	[tilespmem:$0x1E200] =	vst v63  }
0x86: {  	s17 =	sld [smem:$0x7F2]  }
0x87: {  	[spmem:s16] =	stream.linear.scatter [tilespmem:s9], [sflag:$0x5], $0x800, $0x38;
	[tilespmem:$0x1E200] =	vst v63  }
0x88: {  	s30 =	sld [smem:$0x7F3]  }
0x89: {  	[spmem:s17] =	stream.linear.scatter [tilespmem:s9], [sflag:$0x5], $0x800, $0x38;
	[tilespmem:$0x1E200] =	vst v63  }
0x8a: {  	s11 =	sld [smem:$0x7F4]  }
0x8b: {  	[spmem:s30] =	stream.linear.scatter [tilespmem:s9], [sflag:$0x5], $0x800, $0x38;
	[tilespmem:$0x1E200] =	vst v63  }
0x8c: {  	s16 =	sld [smem:$0x7F5]  }
0x8d: {  	[spmem:s11] =	stream.linear.scatter [tilespmem:s9], [sflag:$0x5], $0x800, $0x38;
	[tilespmem:$0x1E200] =	vst v63  }
0x8e: {  	s17 =	sld [smem:$0x7F6]  }
0x8f: {  	[spmem:s16] =	stream.linear.scatter [tilespmem:s9], [sflag:$0x5], $0x800, $0x38;
	[tilespmem:$0x1E200] =	vst v63  }
0x90: {  	s30 =	sld [smem:$0x7F7]  }
0x91: {  	[spmem:s17] =	stream.linear.scatter [tilespmem:s9], [sflag:$0x5], $0x800, $0x38;
	[tilespmem:$0x1E200] =	vst v63  }
0x92: {  	s11 =	sld [smem:$0x7F8]  }
0x93: {  	[spmem:s30] =	stream.linear.scatter [tilespmem:s9], [sflag:$0x5], $0x800, $0x38;
	[tilespmem:$0x1E200] =	vst v63  }
0x94: {  	s16 =	sld [smem:$0x7F9]  }
0x95: {  	[spmem:s11] =	stream.linear.scatter [tilespmem:s9], [sflag:$0x5], $0x800, $0x38;
	[tilespmem:$0x1E200] =	vst v63  }
0x96: {  	s17 =	sld [smem:$0x7FA]  }
0x97: {  	[spmem:s16] =	stream.linear.scatter [tilespmem:s9], [sflag:$0x5], $0x800, $0x38;
	[tilespmem:$0x1E200] =	vst v63  }
0x98: {  	s30 =	sld [smem:$0x7FB]  }
0x99: {  	[spmem:s17] =	stream.linear.scatter [tilespmem:s9], [sflag:$0x5], $0x800, $0x38;
	[tilespmem:$0x1E200] =	vst v63  }
0x9a: {  	_ = 	snop  }
0x9b: {  	[spmem:s30] =	stream.linear.scatter [tilespmem:s9], [sflag:$0x5], $0x800, $0x38;
	[tilespmem:$0x1E200] =	vst v63  }
0x9c: {  	_ =	swait.ge [sflag:s23], $0x800  }
0x9d: {  	s8 =	simm.s32 $0x27;
	[sflag:s23] =	ssyncset.done $0x0  }
.LBB2_2:
0x9e: {  	p0 =	sne.s32 s8, $0x1;
	s8 =	sadd.s32 $0xFFFFFFFF, s8;
	[sflag:s23] =	ssyncadd.s32 $0xFFFFF800  }
.Ltmp0:
0x9f: {  	(pc) =	sbr.rel @p0 .LBB2_2-.Ltmp0, $3  }
0xa0: {  	_ =	sdelay $0x1  }
0xa1: {  	_ =	swait.ge [sflag:s23], $0x800  }
0xa2: {  	[sflag:s23] =	ssyncset.done $0x0  }
0xa3: {  	[sflag:s23] =	ssyncadd.s32 $0xFFFFF800  }
0xa4: {  	[bflag:$0x0] =	sbarrier.arrive $0xFFFF  }
0xa5: {  	s8 =	rddreg [dreg:$0x7]  }
0xa6: {  	[tilespmem:s3], [sflag:$0x1] =	stream.linear.gather [hbm4b:s8+s3], $0x80, $0x38;
	[tilespmem:$0x1E200] =	vst v63  }
0xa7: {  	s9 =	rddreg [dreg:$0x8]  }
0xa8: {  	[tilespmem:s24], [sflag:$0x3] =	stream.linear.gather [hbm4b:s9+s3], $0x80, $0x38;
	[tilespmem:$0x1E200] =	vst v63  }
0xa9: {  	s11 =	rddreg [dreg:$0x9]  }
0xaa: {  	[tilespmem:s25], [sflag:$0x2] =	stream.linear.gather [hbm4b:s11+s3], $0x80, $0x38;
	[tilespmem:$0x1E200] =	vst v63  }
0xab: {  	s8 =	simm.s32 $0x180;
	s9 =	rddreg [dreg:$0x14]  }
0xac: {  	[tilespmem:s8], [sflag:$0x4] =	stream.linear.gather [hbm4b:s9+s3], $0x80, $0x38;
	[tilespmem:$0x1E200] =	vst v63  }
0xad: {  	_ =	swait.ge [sflag:s26], $0x80  }
0xae: {  	[sflag:s26] =	ssyncset.done $0x0  }
0xaf: {  	[sflag:s26] =	ssyncadd.s32 $0xFFFFFF80  }
0xb0: {  	[tilespmem:s28], [sflag:$0x5] =	stream.indirect.gather [hbm4b:s5+s24], $0x80, s3, s24, $0xb8;
	[tilespmem:$0x1E200] =	vst v63  }
0xb1: {  	_ =	swait.ge [sflag:s29], $0x80  }
0xb2: {  	[sflag:s29] =	ssyncset.done $0x0  }
0xb3: {  	[sflag:s29] =	ssyncadd.s32 $0xFFFFFF80  }
0xb4: {  	[tilespmem:s31], [sflag:$0x6] =	stream.indirect.gather [hbm4b:s5+s24], $0x80, s25, s24, $0xb8;
	[tilespmem:$0x1E200] =	vst v63  }
0xb5: {  	_ =	swait.ge [sflag:s23], $0x4000  }
0xb6: {  	[sflag:s23] =	ssyncset.done $0x0  }
0xb7: {  	[sflag:s23] =	ssyncadd.s32 $0xFFFFC000  }
0xb8: {  	s16 =	simm.s32 $0x100;
	_ =	swait.ge [sflag:s0], $0x80  }
0xb9: {  	s11 =	sand.u32 $0x7C00, s16;
	[sflag:s0] =	ssyncset.done $0x0  }
0xba: {  	s9 =	sand.u32 $0x300, s16;
	s16 =	sadd.s32 s13, s11;
	[sflag:s0] =	ssyncadd.s32 $0xFFFFFF80  }
0xbb: {  	[spmem:s2] =	stream.indirect.scatter.add.f32 [tilespmem:s28], [sflag:$0x9], $0x80, s24, s24, $0xb8;
	[tilespmem:$0x1E200] =	vst v63  }
0xbc: {  	s11 =	sadd.s32 s10, s11;
	s16 =	sor.u32 s9, s16;
	_ =	swait.ge [sflag:s22], $0x4000  }
0xbd: {  	s9 =	sor.u32 s9, s11;
	s17 =	sshrl.u32 s16, $0x3;
	[sflag:s22] =	ssyncset.done $0x0  }
0xbe: {  	s9 =	sshrl.u32 s9, $0x3;
	s11 =	sadd.s32 s6, s17;
	[sflag:s22] =	ssyncadd.s32 $0xFFFFC000  }
0xbf: {  	[tilespmem:s3], [sflag:$0x1] =	stream.linear.gather [hbm4b:s11+s3], $0x80, $0x38;
	[tilespmem:$0x1E200] =	vst v63  }
0xc0: {  	s9 =	sadd.s32 s7, s9  }
0xc1: {  	[tilespmem:s24], [sflag:$0x3] =	stream.linear.gather [hbm4b:s9+s3], $0x80, $0x38;
	[tilespmem:$0x1E200] =	vst v63  }
0xc2: {  	_ =	swait.ge [sflag:s1], $0x4000  }
0xc3: {  	[sflag:s1] =	ssyncset.done $0x0  }
0xc4: {  	[sflag:s1] =	ssyncadd.s32 $0xFFFFC000  }
0xc5: {  	s30 =	sand.u32 $0x7C00, s8;
	_ =	swait.ge [sflag:s4], $0x80  }
0xc6: {  	s8 =	sand.u32 $0x380, s8;
	s16 =	sadd.s32 s13, s30;
	[sflag:s4] =	ssyncset.done $0x0  }
0xc7: {  	s11 =	sor.u32 s8, s16;
	s9 =	sadd.s32 s10, s30;
	[sflag:s4] =	ssyncadd.s32 $0xFFFFFF80  }
0xc8: {  	[spmem:s2] =	stream.indirect.scatter.add.f32 [tilespmem:s31], [sflag:$0x9], $0x80, s20, s24, $0xb8;
	[tilespmem:$0x1E200] =	vst v63  }
0xc9: {  	s11 =	sshrl.u32 s11, $0x3;
	s8 =	sor.u32 s8, s9;
	_ =	swait.ge [sflag:s22], $0x4000  }
0xca: {  	s17 =	sadd.s32 s6, s11;
	s30 =	sshrl.u32 s8, $0x3;
	[sflag:s22] =	ssyncset.done $0x0  }
0xcb: {  	s8 =	simm.s32 $0x280;
	s11 =	sadd.s32 s7, s30;
	[sflag:s22] =	ssyncadd.s32 $0xFFFFC000  }
0xcc: {  	[tilespmem:s25], [sflag:$0x2] =	stream.linear.gather [hbm4b:s17+s3], $0x80, $0x38;
	[tilespmem:$0x1E200] =	vst v63  }
.LBB2_4:
0xcd: {  	p0 =	sne.s32 s8, $0x2880;
	s9 =	smov.u32 s8;
	s8 =	sadd.s32 $0x100, s8  }
0xce: {  	[tilespmem:s20], [sflag:$0x4] =	stream.linear.gather [hbm4b:s11+s3], $0x80, $0x38;
	[tilespmem:$0x1E200] =	vst v63  }
0xcf: {  	_ =	swait.ge [sflag:s26], $0x80  }
0xd0: {  	[sflag:s26] =	ssyncset.done $0x0  }
0xd1: {  	[sflag:s26] =	ssyncadd.s32 $0xFFFFFF80  }
0xd2: {  	[tilespmem:s28], [sflag:$0x5] =	stream.indirect.gather [hbm4b:s5+s24], $0x80, s3, s24, $0xb8;
	[tilespmem:$0x1E200] =	vst v63  }
0xd3: {  	_ =	swait.ge [sflag:s29], $0x80  }
0xd4: {  	[sflag:s29] =	ssyncset.done $0x0  }
0xd5: {  	[sflag:s29] =	ssyncadd.s32 $0xFFFFFF80  }
0xd6: {  	[tilespmem:s31], [sflag:$0x6] =	stream.indirect.gather [hbm4b:s5+s24], $0x80, s25, s24, $0xb8;
	[tilespmem:$0x1E200] =	vst v63  }
0xd7: {  	_ =	swait.ge [sflag:s23], $0x4000  }
0xd8: {  	[sflag:s23] =	ssyncset.done $0x0  }
0xd9: {  	[sflag:s23] =	ssyncadd.s32 $0xFFFFC000  }
0xda: {  	_ =	swait.ge [sflag:s0], $0x80  }
0xdb: {  	s11 =	sadd.s32 $0xFFFFFF80, s9;
	[sflag:s0] =	ssyncset.done $0x0  }
0xdc: {  	s16 =	sand.u32 $0x7C00, s11;
	s11 =	sand.u32 $0x300, s11;
	[sflag:s0] =	ssyncadd.s32 $0xFFFFFF80  }
0xdd: {  	[spmem:s2] =	stream.indirect.scatter.add.f32 [tilespmem:s28], [sflag:$0x9], $0x80, s24, s24, $0xb8;
	[tilespmem:$0x1E200] =	vst v63  }
0xde: {  	s30 =	sadd.s32 s13, s16;
	s16 =	sadd.s32 s10, s16;
	_ =	swait.ge [sflag:s22], $0x4000  }
0xdf: {  	s30 =	sor.u32 s11, s30;
	s11 =	sor.u32 s11, s16;
	[sflag:s22] =	ssyncset.done $0x0  }
0xe0: {  	s16 =	sshrl.u32 s30, $0x3;
	s11 =	sshrl.u32 s11, $0x3;
	[sflag:s22] =	ssyncadd.s32 $0xFFFFC000  }
0xe1: {  	s16 =	sadd.s32 s6, s16;
	s11 =	sadd.s32 s7, s11  }
0xe2: {  	[tilespmem:s3], [sflag:$0x1] =	stream.linear.gather [hbm4b:s16+s3], $0x80, $0x38;
	[tilespmem:$0x1E200] =	vst v63  }
0xe3: {  	_ = 	snop  }
0xe4: {  	[tilespmem:s24], [sflag:$0x3] =	stream.linear.gather [hbm4b:s11+s3], $0x80, $0x38;
	[tilespmem:$0x1E200] =	vst v63  }
0xe5: {  	_ =	swait.ge [sflag:s1], $0x4000  }
0xe6: {  	[sflag:s1] =	ssyncset.done $0x0  }
0xe7: {  	[sflag:s1] =	ssyncadd.s32 $0xFFFFC000  }
0xe8: {  	_ =	swait.ge [sflag:s4], $0x80  }
0xe9: {  	s11 =	sand.u32 $0x7C00, s9;
	s9 =	sand.u32 $0x380, s9;
	[sflag:s4] =	ssyncset.done $0x0  }
0xea: {  	s16 =	sadd.s32 s13, s11;
	s11 =	sadd.s32 s10, s11;
	[sflag:s4] =	ssyncadd.s32 $0xFFFFFF80  }
0xeb: {  	[spmem:s2] =	stream.indirect.scatter.add.f32 [tilespmem:s31], [sflag:$0x9], $0x80, s20, s24, $0xb8;
	[tilespmem:$0x1E200] =	vst v63  }
.Ltmp1:
0xec: {  	_ = 	snop;
	(pc) =	sbr.rel @p0 .LBB2_4-.Ltmp1, $4  }
0xed: {  	s16 =	sor.u32 s9, s16;
	s9 =	sor.u32 s9, s11;
	_ =	swait.ge [sflag:s22], $0x4000  }
0xee: {  	s11 =	sshrl.u32 s16, $0x3;
	s9 =	sshrl.u32 s9, $0x3;
	[sflag:s22] =	ssyncset.done $0x0  }
0xef: {  	s16 =	sadd.s32 s6, s11;
	s11 =	sadd.s32 s7, s9;
	[sflag:s22] =	ssyncadd.s32 $0xFFFFC000  }
0xf0: {  	[tilespmem:s25], [sflag:$0x2] =	stream.linear.gather [hbm4b:s16+s3], $0x80, $0x38;
	[tilespmem:$0x1E200] =	vst v63  }
0xf1: {  	[tilespmem:s20], [sflag:$0x4] =	stream.linear.gather [hbm4b:s11+s3], $0x80, $0x38;
	[tilespmem:$0x1E200] =	vst v63  }
0xf2: {  	_ =	swait.ge [sflag:s26], $0x80  }
0xf3: {  	[sflag:s26] =	ssyncset.done $0x0  }
0xf4: {  	[sflag:s26] =	ssyncadd.s32 $0xFFFFFF80  }
0xf5: {  	_ =	swait.ge [sflag:s0], $0x80  }
0xf6: {  	[sflag:s0] =	ssyncset.done $0x0  }
0xf7: {  	[sflag:s0] =	ssyncadd.s32 $0xFFFFFF80  }
0xf8: {  	_ =	swait.ge [sflag:s29], $0x80  }
0xf9: {  	[sflag:s29] =	ssyncset.done $0x0  }
0xfa: {  	[sflag:s29] =	ssyncadd.s32 $0xFFFFFF80  }
0xfb: {  	_ =	swait.ge [sflag:s4], $0x80  }
0xfc: {  	[sflag:s4] =	ssyncset.done $0x0  }
0xfd: {  	[sflag:s4] =	ssyncadd.s32 $0xFFFFFF80  }
0xfe: {  	s8 =	simm.s32 $0x8200;
	[bflag:$0x0] =	sbarrier.arrive $0xFFFF  }
0xff: {  	[tilespmem:s8], [sflag:$0x5] =	stream.linear.gather [spmem:s14], $0x800, $0x38;
	[tilespmem:$0x1E200] =	vst v63  }
0x100: {  	s30 =	simm.s32 $0x9200;
	s8 =	simm.s32 $0x0;
	s9 =	rddreg [dreg:$0xe]  }
0x101: {  	[tilespmem:s30], [sflag:$0x1] =	stream.linear.gather [hbm4b:s9+s8], $0x800, $0x38;
	[tilespmem:$0x1E200] =	vst v63  }
0x102: {  	s16 =	rddreg [dreg:$0x15]  }
0x103: {  	[tilespmem:s15], [sflag:$0x6] =	stream.linear.gather [spmem:s16], $0x800, $0x38;
	[tilespmem:$0x1E200] =	vst v63  }
0x104: {  	s17 =	rddreg [dreg:$0x10];
	s30 =	simm.s32 $0x9A00  }
0x105: {  	[tilespmem:s30], [sflag:$0x2] =	stream.linear.gather [hbm4b:s17+s8], $0x800, $0x38;
	[tilespmem:$0x1E200] =	vst v63  }
.LBB2_6:
0x106: {  	_ =	swait.ge [sflag:s23], $0x800  }
0x107: {  	[sflag:s23] =	ssyncset.done $0x0  }
0x108: {  	[sflag:s23] =	ssyncadd.s32 $0xFFFFF800  }
0x109: {  	_ =	swait.ge [sflag:s26], $0x800  }
0x10a: {  	[sflag:s26] =	ssyncset.done $0x0  }
0x10b: {  	s11 =	simm.s32 $0x0;
	[sflag:s26] =	ssyncadd.s32 $0xFFFFF800  }
0x10c: {  	v0 =	vld [tilespmem:s11+$0x9200]  }
0x10d: {  	v4 =	vld [tilespmem:s11+$0x8200]  }
0x10e: {  	v6 =	vld [tilespmem:s11+$0x8210]  }
0x10f: {  	v5 =	vld [tilespmem:s11+$0x8220]  }
0x110: {  	v3 =	vld [tilespmem:s11+$0x8230]  }
0x111: {  	v1 =	vld [tilespmem:s11+$0x8240]  }
0x112: {  	v2 =	vld [tilespmem:s11+$0x8250];
	v7 =	vmul.f32 v4, v0  }
0x113: {  	s9 =	simm.s32 $0x200;
	v6 =	vmul.f32 v6, v0;
	v4 =	vld [tilespmem:s11+$0x8260]  }
.LBB2_7:
0x114: {  	s16 =	sshra.s32 s9, $0x2;
	p0 =	sne.s32 s9, $0x1E00;
	[tilespmem:s11+$0x8200] =	vst v7;
	v5 =	vmul.f32 v5, v0;
	v7 =	vld [tilespmem:s11+$0x8270]  }
0x115: {  	v8 =	vld [tilespmem:s16+$0x9200];
	[tilespmem:s11+$0x8210] =	vst v6;
	v3 =	vmul.f32 v3, v0  }
0x116: {  	v6 =	vld [tilespmem:s16+$0x8200];
	[tilespmem:s11+$0x8220] =	vst v5;
	v1 =	vmul.f32 v1, v0  }
0x117: {  	v9 =	vld [tilespmem:s16+$0x8210];
	[tilespmem:s11+$0x8230] =	vst v3;
	v2 =	vmul.f32 v2, v0  }
.Ltmp2:
0x118: {  	v5 =	vld [tilespmem:s16+$0x8220];
	[tilespmem:s11+$0x8240] =	vst v1;
	v4 =	vmul.f32 v4, v0;
	(pc) =	sbr.rel @p0 .LBB2_7-.Ltmp2, $4  }
0x119: {  	v3 =	vld [tilespmem:s16+$0x8230];
	[tilespmem:s11+$0x8250] =	vst v2;
	v10 =	vmul.f32 v7, v0  }
0x11a: {  	v1 =	vld [tilespmem:s16+$0x8240];
	[tilespmem:s11+$0x8260] =	vst v4;
	v0 =	vmov v8  }
0x11b: {  	v7 =	vmul.f32 v6, v0;
	v2 =	vld [tilespmem:s16+$0x8250];
	[tilespmem:s11+$0x8270] =	vst v10;
	s11 =	smov.u32 s16  }
0x11c: {  	s9 =	sadd.s32 $0x200, s9;
	v6 =	vmul.f32 v9, v0;
	v4 =	vld [tilespmem:s11+$0x8260]  }
0x11d: {  	[tilespmem:s11+$0x8200] =	vst v7;
	v5 =	vmul.f32 v5, v0;
	v7 =	vld [tilespmem:s11+$0x8270]  }
0x11e: {  	[tilespmem:s11+$0x8210] =	vst v6;
	v3 =	vmul.f32 v3, v0  }
0x11f: {  	[tilespmem:s11+$0x8220] =	vst v5;
	v1 =	vmul.f32 v1, v0  }
0x120: {  	[tilespmem:s11+$0x8230] =	vst v3;
	v2 =	vmul.f32 v2, v0  }
0x121: {  	[tilespmem:s11+$0x8240] =	vst v1;
	v1 =	vmul.f32 v4, v0  }
0x122: {  	[tilespmem:s11+$0x8250] =	vst v2;
	v0 =	vmul.f32 v7, v0  }
0x123: {  	s9 =	sshll.u32 s8, $0x9;
	s30 =	rddreg [dreg:$0xa];
	[tilespmem:s11+$0x8260] =	vst v1  }
0x124: {  	s16 =	simm.s32 $0x0;
	s15 =	simm.s32 $0x8200;
	[tilespmem:s11+$0x8270] =	vst v0;
	s11 =	sadd.s32 s9, s30  }
0x125: {  	[hbm4b:s11+s16] =	stream.linear.scatter [tilespmem:s15], [sflag:$0x7], $0x800, $0x38;
	[tilespmem:$0x1E200] =	vst v63  }
0x126: {  	_ =	swait.ge [sflag:s1], $0x800  }
0x127: {  	[sflag:s1] =	ssyncset.done $0x0  }
0x128: {  	[sflag:s1] =	ssyncadd.s32 $0xFFFFF800  }
0x129: {  	_ =	swait.ge [sflag:s29], $0x800  }
0x12a: {  	[sflag:s29] =	ssyncset.done $0x0  }
0x12b: {  	s11 =	simm.s32 $0x0;
	[sflag:s29] =	ssyncadd.s32 $0xFFFFF800  }
0x12c: {  	v0 =	vld [tilespmem:s11+$0x9A00]  }
0x12d: {  	v4 =	vld [tilespmem:s11+$0x8A00]  }
0x12e: {  	v6 =	vld [tilespmem:s11+$0x8A10]  }
0x12f: {  	v5 =	vld [tilespmem:s11+$0x8A20]  }
0x130: {  	v3 =	vld [tilespmem:s11+$0x8A30]  }
0x131: {  	v1 =	vld [tilespmem:s11+$0x8A40]  }
0x132: {  	v2 =	vld [tilespmem:s11+$0x8A50];
	v7 =	vmul.f32 v4, v0  }
0x133: {  	s16 =	simm.s32 $0x200;
	v6 =	vmul.f32 v6, v0;
	v4 =	vld [tilespmem:s11+$0x8A60]  }
.LBB2_9:
0x134: {  	s30 =	sshra.s32 s16, $0x2;
	p0 =	sne.s32 s16, $0x1E00;
	[tilespmem:s11+$0x8A00] =	vst v7;
	v5 =	vmul.f32 v5, v0;
	v7 =	vld [tilespmem:s11+$0x8A70]  }
0x135: {  	v8 =	vld [tilespmem:s30+$0x9A00];
	[tilespmem:s11+$0x8A10] =	vst v6;
	v3 =	vmul.f32 v3, v0  }
0x136: {  	v6 =	vld [tilespmem:s30+$0x8A00];
	[tilespmem:s11+$0x8A20] =	vst v5;
	v1 =	vmul.f32 v1, v0  }
0x137: {  	v9 =	vld [tilespmem:s30+$0x8A10];
	[tilespmem:s11+$0x8A30] =	vst v3;
	v2 =	vmul.f32 v2, v0  }
.Ltmp3:
0x138: {  	v5 =	vld [tilespmem:s30+$0x8A20];
	[tilespmem:s11+$0x8A40] =	vst v1;
	v4 =	vmul.f32 v4, v0;
	(pc) =	sbr.rel @p0 .LBB2_9-.Ltmp3, $4  }
0x139: {  	v3 =	vld [tilespmem:s30+$0x8A30];
	[tilespmem:s11+$0x8A50] =	vst v2;
	v10 =	vmul.f32 v7, v0  }
0x13a: {  	v1 =	vld [tilespmem:s30+$0x8A40];
	[tilespmem:s11+$0x8A60] =	vst v4;
	v0 =	vmov v8  }
0x13b: {  	v7 =	vmul.f32 v6, v0;
	v2 =	vld [tilespmem:s30+$0x8A50];
	[tilespmem:s11+$0x8A70] =	vst v10;
	s11 =	smov.u32 s30  }
0x13c: {  	s16 =	sadd.s32 $0x200, s16;
	v6 =	vmul.f32 v9, v0;
	v4 =	vld [tilespmem:s11+$0x8A60]  }
0x13d: {  	[tilespmem:s11+$0x8A00] =	vst v7;
	v5 =	vmul.f32 v5, v0;
	v61 =	vld [tilespmem:s11+$0x8A70]  }
0x13e: {  	[tilespmem:s11+$0x8A10] =	vst v6;
	v3 =	vmul.f32 v3, v0  }
0x13f: {  	[tilespmem:s11+$0x8A20] =	vst v5;
	v1 =	vmul.f32 v1, v0  }
0x140: {  	[tilespmem:s11+$0x8A30] =	vst v3;
	v2 =	vmul.f32 v2, v0  }
0x141: {  	s16 =	sld [smem:$0x7FC];
	[tilespmem:s11+$0x8A40] =	vst v1;
	v62 =	vmul.f32 v4, v0  }
0x142: {  	[tilespmem:s11+$0x8A50] =	vst v2;
	v63 =	vmul.f32 v61, v0  }
0x143: {  	[tilespmem:s11+$0x8A60] =	vst v62  }
0x144: {  	s17 =	simm.s32 $0x8A00;
	s9 =	sadd.s32 s16, s9;
	[tilespmem:s11+$0x8A70] =	vst v63;
	s11 =	sshll.u32 s8, $0x1  }
0x145: {  	[hbm4b:s9+s3] =	stream.linear.scatter [tilespmem:s17], [sflag:$0x8], $0x800, $0x38;
	[tilespmem:$0x1E200] =	vst v63  }
0x146: {  	s15 =	simm.s32 $0x7;
	s30 =	smin.u32 s11, $0x25  }
0x147: {  	_ =	swait.ge [sflag:s15], $0x800;
	s9 =	sshll.u32 s30, $0xB  }
0x148: {  	s30 =	simm.s32 $0x8200;
	[sflag:s15] =	ssyncset.done $0x0;
	s9 =	sadd.s32 $0x1000, s9  }
0x149: {  	[sflag:s15] =	ssyncadd.s32 $0xFFFFF800;
	s15 =	sadd.s32 s9, s14;
	s9 =	sadd.s32 s18, s9  }
0x14a: {  	[tilespmem:s30], [sflag:$0x5] =	stream.linear.gather [spmem:s15], $0x800, $0x38;
	[tilespmem:$0x1E200] =	vst v63  }
0x14b: {  	s11 =	smin.u32 s11, $0x24;
	s16 =	rddreg [dreg:$0x4];
	s9 =	sshrl.u32 s9, $0x3  }
0x14c: {  	s30 =	simm.s32 $0x9200;
	s15 =	simm.s32 $0x8;
	s9 =	sadd.s32 s16, s9  }
0x14d: {  	[tilespmem:s30], [sflag:$0x1] =	stream.linear.gather [hbm4b:s9+s3], $0x800, $0x38;
	[tilespmem:$0x1E200] =	vst v63  }
0x14e: {  	s8 =	sadd.s32 $0x1, s8;
	s9 =	sshll.u32 s11, $0xB;
	_ =	swait.ge [sflag:s15], $0x800  }
0x14f: {  	p0 =	sne.s32 s8, $0x14;
	s9 =	sadd.s32 $0x1800, s9;
	[sflag:s15] =	ssyncset.done $0x0  }
.Ltmp4:
0x150: {  	s30 =	sadd.s32 s9, s14;
	s9 =	sadd.s32 s18, s9;
	(pc) =	sbr.rel @p0 .LBB2_6-.Ltmp4, $4  }
0x151: {  	[sflag:s15] =	ssyncadd.s32 $0xFFFFF800;
	s9 =	sshrl.u32 s9, $0x3  }
0x152: {  	[tilespmem:s17], [sflag:$0x6] =	stream.linear.gather [spmem:s30], $0x800, $0x38;
	[tilespmem:$0x1E200] =	vst v63  }
0x153: {  	s15 =	simm.s32 $0x8A00;
	s9 =	sadd.s32 s16, s9;
	s30 =	simm.s32 $0x9A00  }
0x154: {  	[tilespmem:s30], [sflag:$0x2] =	stream.linear.gather [hbm4b:s9+s3], $0x800, $0x38;
	[tilespmem:$0x1E200] =	vst v63  }
0x155: {  	_ =	swait.ge [sflag:s23], $0x800  }
0x156: {  	[sflag:s23] =	ssyncset.done $0x0  }
0x157: {  	[sflag:s23] =	ssyncadd.s32 $0xFFFFF800  }
0x158: {  	_ =	swait.ge [sflag:s26], $0x800  }
0x159: {  	[sflag:s26] =	ssyncset.done $0x0  }
0x15a: {  	[sflag:s26] =	ssyncadd.s32 $0xFFFFF800  }
0x15b: {  	_ =	swait.ge [sflag:s1], $0x800  }
0x15c: {  	[sflag:s1] =	ssyncset.done $0x0  }
0x15d: {  	[sflag:s1] =	ssyncadd.s32 $0xFFFFF800  }
0x15e: {  	_ =	swait.ge [sflag:s29], $0x800  }
0x15f: {  	[sflag:s29] =	ssyncset.done $0x0  }
0x160: {  	[sflag:s29] =	ssyncadd.s32 $0xFFFFF800  }
0x161: {  	s9 =	simm.s32 $0x8200;
	s8 =	rddreg [dreg:$0x1]  }
0x162: {  	[tilespmem:s9], [sflag:$0x9] =	stream.linear.gather [hbm4b:s8+s3], $0x800, $0x38;
	[tilespmem:$0x1E200] =	vst v63  }
0x163: {  	_ =	swait.ge [sflag:s22], $0x800  }
0x164: {  	[sflag:s22] =	ssyncset.done $0x0  }
0x165: {  	s16 =	rddreg [dreg:$0x15];
	[sflag:s22] =	ssyncadd.s32 $0xFFFFF800  }
0x166: {  	[spmem:s14] =	stream.linear.scatter [tilespmem:s9], [sflag:$0x5], $0x800, $0x38;
	[tilespmem:$0x1E200] =	vst v63  }
0x167: {  	s17 =	rddreg [dreg:$0x17]  }
0x168: {  	[spmem:s16] =	stream.linear.scatter [tilespmem:s9], [sflag:$0x5], $0x800, $0x38;
	[tilespmem:$0x1E200] =	vst v63  }
0x169: {  	s30 =	rddreg [dreg:$0x18]  }
0x16a: {  	[spmem:s17] =	stream.linear.scatter [tilespmem:s9], [sflag:$0x5], $0x800, $0x38;
	[tilespmem:$0x1E200] =	vst v63  }
0x16b: {  	s11 =	rddreg [dreg:$0x19]  }
0x16c: {  	[spmem:s30] =	stream.linear.scatter [tilespmem:s9], [sflag:$0x5], $0x800, $0x38;
	[tilespmem:$0x1E200] =	vst v63  }
0x16d: {  	s16 =	rddreg [dreg:$0x1a]  }
0x16e: {  	[spmem:s11] =	stream.linear.scatter [tilespmem:s9], [sflag:$0x5], $0x800, $0x38;
	[tilespmem:$0x1E200] =	vst v63  }
0x16f: {  	s17 =	rddreg [dreg:$0x1b]  }
0x170: {  	[spmem:s16] =	stream.linear.scatter [tilespmem:s9], [sflag:$0x5], $0x800, $0x38;
	[tilespmem:$0x1E200] =	vst v63  }
0x171: {  	s30 =	rddreg [dreg:$0x1c]  }
0x172: {  	[spmem:s17] =	stream.linear.scatter [tilespmem:s9], [sflag:$0x5], $0x800, $0x38;
	[tilespmem:$0x1E200] =	vst v63  }
0x173: {  	s11 =	rddreg [dreg:$0x1d]  }
0x174: {  	[spmem:s30] =	stream.linear.scatter [tilespmem:s9], [sflag:$0x5], $0x800, $0x38;
	[tilespmem:$0x1E200] =	vst v63  }
0x175: {  	s16 =	rddreg [dreg:$0x1e]  }
0x176: {  	[spmem:s11] =	stream.linear.scatter [tilespmem:s9], [sflag:$0x5], $0x800, $0x38;
	[tilespmem:$0x1E200] =	vst v63  }
0x177: {  	s17 =	rddreg [dreg:$0x1f]  }
0x178: {  	[spmem:s16] =	stream.linear.scatter [tilespmem:s9], [sflag:$0x5], $0x800, $0x38;
	[tilespmem:$0x1E200] =	vst v63  }
0x179: {  	s30 =	sld [smem:$0x7DF]  }
0x17a: {  	[spmem:s17] =	stream.linear.scatter [tilespmem:s9], [sflag:$0x5], $0x800, $0x38;
	[tilespmem:$0x1E200] =	vst v63  }
0x17b: {  	s11 =	sld [smem:$0x7E0]  }
0x17c: {  	[spmem:s30] =	stream.linear.scatter [tilespmem:s9], [sflag:$0x5], $0x800, $0x38;
	[tilespmem:$0x1E200] =	vst v63  }
0x17d: {  	s16 =	sld [smem:$0x7E1]  }
0x17e: {  	[spmem:s11] =	stream.linear.scatter [tilespmem:s9], [sflag:$0x5], $0x800, $0x38;
	[tilespmem:$0x1E200] =	vst v63  }
0x17f: {  	s17 =	sld [smem:$0x7E2]  }
0x180: {  	[spmem:s16] =	stream.linear.scatter [tilespmem:s9], [sflag:$0x5], $0x800, $0x38;
	[tilespmem:$0x1E200] =	vst v63  }
0x181: {  	s30 =	sld [smem:$0x7E3]  }
0x182: {  	[spmem:s17] =	stream.linear.scatter [tilespmem:s9], [sflag:$0x5], $0x800, $0x38;
	[tilespmem:$0x1E200] =	vst v63  }
0x183: {  	s11 =	sld [smem:$0x7E4]  }
0x184: {  	[spmem:s30] =	stream.linear.scatter [tilespmem:s9], [sflag:$0x5], $0x800, $0x38;
	[tilespmem:$0x1E200] =	vst v63  }
0x185: {  	s16 =	sld [smem:$0x7E5]  }
0x186: {  	[spmem:s11] =	stream.linear.scatter [tilespmem:s9], [sflag:$0x5], $0x800, $0x38;
	[tilespmem:$0x1E200] =	vst v63  }
0x187: {  	s17 =	sld [smem:$0x7E6]  }
0x188: {  	[spmem:s16] =	stream.linear.scatter [tilespmem:s9], [sflag:$0x5], $0x800, $0x38;
	[tilespmem:$0x1E200] =	vst v63  }
0x189: {  	s30 =	sld [smem:$0x7E7]  }
0x18a: {  	[spmem:s17] =	stream.linear.scatter [tilespmem:s9], [sflag:$0x5], $0x800, $0x38;
	[tilespmem:$0x1E200] =	vst v63  }
0x18b: {  	s11 =	sld [smem:$0x7E8]  }
0x18c: {  	[spmem:s30] =	stream.linear.scatter [tilespmem:s9], [sflag:$0x5], $0x800, $0x38;
	[tilespmem:$0x1E200] =	vst v63  }
0x18d: {  	s16 =	sld [smem:$0x7E9]  }
0x18e: {  	[spmem:s11] =	stream.linear.scatter [tilespmem:s9], [sflag:$0x5], $0x800, $0x38;
	[tilespmem:$0x1E200] =	vst v63  }
0x18f: {  	s17 =	sld [smem:$0x7EA]  }
0x190: {  	[spmem:s16] =	stream.linear.scatter [tilespmem:s9], [sflag:$0x5], $0x800, $0x38;
	[tilespmem:$0x1E200] =	vst v63  }
0x191: {  	s30 =	sld [smem:$0x7EB]  }
0x192: {  	[spmem:s17] =	stream.linear.scatter [tilespmem:s9], [sflag:$0x5], $0x800, $0x38;
	[tilespmem:$0x1E200] =	vst v63  }
0x193: {  	s11 =	sld [smem:$0x7EC]  }
0x194: {  	[spmem:s30] =	stream.linear.scatter [tilespmem:s9], [sflag:$0x5], $0x800, $0x38;
	[tilespmem:$0x1E200] =	vst v63  }
0x195: {  	s16 =	sld [smem:$0x7ED]  }
0x196: {  	[spmem:s11] =	stream.linear.scatter [tilespmem:s9], [sflag:$0x5], $0x800, $0x38;
	[tilespmem:$0x1E200] =	vst v63  }
0x197: {  	s17 =	sld [smem:$0x7EE]  }
0x198: {  	[spmem:s16] =	stream.linear.scatter [tilespmem:s9], [sflag:$0x5], $0x800, $0x38;
	[tilespmem:$0x1E200] =	vst v63  }
0x199: {  	s30 =	sld [smem:$0x7EF]  }
0x19a: {  	[spmem:s17] =	stream.linear.scatter [tilespmem:s9], [sflag:$0x5], $0x800, $0x38;
	[tilespmem:$0x1E200] =	vst v63  }
0x19b: {  	s11 =	sld [smem:$0x7F0]  }
0x19c: {  	[spmem:s30] =	stream.linear.scatter [tilespmem:s9], [sflag:$0x5], $0x800, $0x38;
	[tilespmem:$0x1E200] =	vst v63  }
0x19d: {  	s16 =	sld [smem:$0x7F1]  }
0x19e: {  	[spmem:s11] =	stream.linear.scatter [tilespmem:s9], [sflag:$0x5], $0x800, $0x38;
	[tilespmem:$0x1E200] =	vst v63  }
0x19f: {  	s17 =	sld [smem:$0x7F2]  }
0x1a0: {  	[spmem:s16] =	stream.linear.scatter [tilespmem:s9], [sflag:$0x5], $0x800, $0x38;
	[tilespmem:$0x1E200] =	vst v63  }
0x1a1: {  	s30 =	sld [smem:$0x7F3]  }
0x1a2: {  	[spmem:s17] =	stream.linear.scatter [tilespmem:s9], [sflag:$0x5], $0x800, $0x38;
	[tilespmem:$0x1E200] =	vst v63  }
0x1a3: {  	s11 =	sld [smem:$0x7F4]  }
0x1a4: {  	[spmem:s30] =	stream.linear.scatter [tilespmem:s9], [sflag:$0x5], $0x800, $0x38;
	[tilespmem:$0x1E200] =	vst v63  }
0x1a5: {  	s16 =	sld [smem:$0x7F5]  }
0x1a6: {  	[spmem:s11] =	stream.linear.scatter [tilespmem:s9], [sflag:$0x5], $0x800, $0x38;
	[tilespmem:$0x1E200] =	vst v63  }
0x1a7: {  	s17 =	sld [smem:$0x7F6]  }
0x1a8: {  	[spmem:s16] =	stream.linear.scatter [tilespmem:s9], [sflag:$0x5], $0x800, $0x38;
	[tilespmem:$0x1E200] =	vst v63  }
0x1a9: {  	s30 =	sld [smem:$0x7F7]  }
0x1aa: {  	[spmem:s17] =	stream.linear.scatter [tilespmem:s9], [sflag:$0x5], $0x800, $0x38;
	[tilespmem:$0x1E200] =	vst v63  }
0x1ab: {  	s11 =	sld [smem:$0x7F8]  }
0x1ac: {  	[spmem:s30] =	stream.linear.scatter [tilespmem:s9], [sflag:$0x5], $0x800, $0x38;
	[tilespmem:$0x1E200] =	vst v63  }
0x1ad: {  	s16 =	sld [smem:$0x7F9]  }
0x1ae: {  	[spmem:s11] =	stream.linear.scatter [tilespmem:s9], [sflag:$0x5], $0x800, $0x38;
	[tilespmem:$0x1E200] =	vst v63  }
0x1af: {  	s17 =	sld [smem:$0x7FA]  }
0x1b0: {  	[spmem:s16] =	stream.linear.scatter [tilespmem:s9], [sflag:$0x5], $0x800, $0x38;
	[tilespmem:$0x1E200] =	vst v63  }
0x1b1: {  	s30 =	sld [smem:$0x7FB]  }
0x1b2: {  	[spmem:s17] =	stream.linear.scatter [tilespmem:s9], [sflag:$0x5], $0x800, $0x38;
	[tilespmem:$0x1E200] =	vst v63  }
0x1b3: {  	_ = 	snop  }
0x1b4: {  	[spmem:s30] =	stream.linear.scatter [tilespmem:s9], [sflag:$0x5], $0x800, $0x38;
	[tilespmem:$0x1E200] =	vst v63  }
0x1b5: {  	_ =	swait.ge [sflag:s23], $0x800  }
0x1b6: {  	s8 =	simm.s32 $0x27;
	[sflag:s23] =	ssyncset.done $0x0  }
.LBB2_12:
0x1b7: {  	p0 =	sne.s32 s8, $0x1;
	s8 =	sadd.s32 $0xFFFFFFFF, s8;
	[sflag:s23] =	ssyncadd.s32 $0xFFFFF800  }
.Ltmp5:
0x1b8: {  	(pc) =	sbr.rel @p0 .LBB2_12-.Ltmp5, $3  }
0x1b9: {  	_ =	sdelay $0x1  }
0x1ba: {  	_ =	swait.ge [sflag:s23], $0x800  }
0x1bb: {  	[sflag:s23] =	ssyncset.done $0x0  }
0x1bc: {  	[sflag:s23] =	ssyncadd.s32 $0xFFFFF800  }
0x1bd: {  	[bflag:$0x0] =	sbarrier.arrive $0xFFFF  }
0x1be: {  	s8 =	rddreg [dreg:$0xc]  }
0x1bf: {  	[tilespmem:s3], [sflag:$0x1] =	stream.linear.gather [hbm4b:s8+s3], $0x80, $0x38;
	[tilespmem:$0x1E200] =	vst v63  }
0x1c0: {  	s9 =	rddreg [dreg:$0xd]  }
0x1c1: {  	[tilespmem:s24], [sflag:$0x3] =	stream.linear.gather [hbm4b:s9+s3], $0x80, $0x38;
	[tilespmem:$0x1E200] =	vst v63  }
0x1c2: {  	s11 =	rddreg [dreg:$0xb]  }
0x1c3: {  	[tilespmem:s25], [sflag:$0x2] =	stream.linear.gather [hbm4b:s11+s3], $0x80, $0x38;
	[tilespmem:$0x1E200] =	vst v63  }
0x1c4: {  	s8 =	simm.s32 $0x180;
	s9 =	rddreg [dreg:$0x16]  }
0x1c5: {  	[tilespmem:s8], [sflag:$0x4] =	stream.linear.gather [hbm4b:s9+s3], $0x80, $0x38;
	[tilespmem:$0x1E200] =	vst v63  }
0x1c6: {  	_ =	swait.ge [sflag:s26], $0x80  }
0x1c7: {  	[sflag:s26] =	ssyncset.done $0x0  }
0x1c8: {  	[sflag:s26] =	ssyncadd.s32 $0xFFFFFF80  }
0x1c9: {  	[tilespmem:s28], [sflag:$0x5] =	stream.indirect.gather [hbm4b:s12+s24], $0x80, s3, s24, $0xb8;
	[tilespmem:$0x1E200] =	vst v63  }
0x1ca: {  	_ =	swait.ge [sflag:s29], $0x80  }
0x1cb: {  	[sflag:s29] =	ssyncset.done $0x0  }
0x1cc: {  	[sflag:s29] =	ssyncadd.s32 $0xFFFFFF80  }
0x1cd: {  	[tilespmem:s31], [sflag:$0x6] =	stream.indirect.gather [hbm4b:s12+s24], $0x80, s25, s24, $0xb8;
	[tilespmem:$0x1E200] =	vst v63  }
0x1ce: {  	_ =	swait.ge [sflag:s23], $0x4000  }
0x1cf: {  	[sflag:s23] =	ssyncset.done $0x0  }
0x1d0: {  	[sflag:s23] =	ssyncadd.s32 $0xFFFFC000  }
0x1d1: {  	s16 =	simm.s32 $0x100;
	_ =	swait.ge [sflag:s0], $0x80  }
0x1d2: {  	s11 =	sand.u32 $0x7C00, s16;
	[sflag:s0] =	ssyncset.done $0x0  }
0x1d3: {  	s9 =	sand.u32 $0x300, s16;
	s16 =	sadd.s32 s19, s11;
	[sflag:s0] =	ssyncadd.s32 $0xFFFFFF80  }
0x1d4: {  	[spmem:s2] =	stream.indirect.scatter.add.f32 [tilespmem:s28], [sflag:$0x9], $0x80, s24, s24, $0xb8;
	[tilespmem:$0x1E200] =	vst v63  }
0x1d5: {  	s11 =	sadd.s32 s21, s11;
	s16 =	sor.u32 s9, s16;
	_ =	swait.ge [sflag:s22], $0x4000  }
0x1d6: {  	s9 =	sor.u32 s9, s11;
	s17 =	sshrl.u32 s16, $0x3;
	[sflag:s22] =	ssyncset.done $0x0  }
0x1d7: {  	s9 =	sshrl.u32 s9, $0x3;
	s11 =	sadd.s32 s6, s17;
	[sflag:s22] =	ssyncadd.s32 $0xFFFFC000  }
0x1d8: {  	[tilespmem:s3], [sflag:$0x1] =	stream.linear.gather [hbm4b:s11+s3], $0x80, $0x38;
	[tilespmem:$0x1E200] =	vst v63  }
0x1d9: {  	s9 =	sadd.s32 s7, s9  }
0x1da: {  	[tilespmem:s24], [sflag:$0x3] =	stream.linear.gather [hbm4b:s9+s3], $0x80, $0x38;
	[tilespmem:$0x1E200] =	vst v63  }
0x1db: {  	_ =	swait.ge [sflag:s1], $0x4000  }
0x1dc: {  	[sflag:s1] =	ssyncset.done $0x0  }
0x1dd: {  	[sflag:s1] =	ssyncadd.s32 $0xFFFFC000  }
0x1de: {  	s30 =	sand.u32 $0x7C00, s8;
	_ =	swait.ge [sflag:s4], $0x80  }
0x1df: {  	s8 =	sand.u32 $0x380, s8;
	s16 =	sadd.s32 s19, s30;
	[sflag:s4] =	ssyncset.done $0x0  }
0x1e0: {  	s11 =	sor.u32 s8, s16;
	s9 =	sadd.s32 s21, s30;
	[sflag:s4] =	ssyncadd.s32 $0xFFFFFF80  }
0x1e1: {  	[spmem:s2] =	stream.indirect.scatter.add.f32 [tilespmem:s31], [sflag:$0x9], $0x80, s20, s24, $0xb8;
	[tilespmem:$0x1E200] =	vst v63  }
0x1e2: {  	s11 =	sshrl.u32 s11, $0x3;
	s8 =	sor.u32 s8, s9;
	_ =	swait.ge [sflag:s22], $0x4000  }
0x1e3: {  	s17 =	sadd.s32 s6, s11;
	s30 =	sshrl.u32 s8, $0x3;
	[sflag:s22] =	ssyncset.done $0x0  }
0x1e4: {  	s8 =	simm.s32 $0x280;
	s11 =	sadd.s32 s7, s30;
	[sflag:s22] =	ssyncadd.s32 $0xFFFFC000  }
0x1e5: {  	[tilespmem:s25], [sflag:$0x2] =	stream.linear.gather [hbm4b:s17+s3], $0x80, $0x38;
	[tilespmem:$0x1E200] =	vst v63  }
.LBB2_14:
0x1e6: {  	p0 =	sne.s32 s8, $0x2880;
	s9 =	smov.u32 s8;
	s8 =	sadd.s32 $0x100, s8  }
0x1e7: {  	[tilespmem:s20], [sflag:$0x4] =	stream.linear.gather [hbm4b:s11+s3], $0x80, $0x38;
	[tilespmem:$0x1E200] =	vst v63  }
0x1e8: {  	_ =	swait.ge [sflag:s26], $0x80  }
0x1e9: {  	[sflag:s26] =	ssyncset.done $0x0  }
0x1ea: {  	[sflag:s26] =	ssyncadd.s32 $0xFFFFFF80  }
0x1eb: {  	[tilespmem:s28], [sflag:$0x5] =	stream.indirect.gather [hbm4b:s12+s24], $0x80, s3, s24, $0xb8;
	[tilespmem:$0x1E200] =	vst v63  }
0x1ec: {  	_ =	swait.ge [sflag:s29], $0x80  }
0x1ed: {  	[sflag:s29] =	ssyncset.done $0x0  }
0x1ee: {  	[sflag:s29] =	ssyncadd.s32 $0xFFFFFF80  }
0x1ef: {  	[tilespmem:s31], [sflag:$0x6] =	stream.indirect.gather [hbm4b:s12+s24], $0x80, s25, s24, $0xb8;
	[tilespmem:$0x1E200] =	vst v63  }
0x1f0: {  	_ =	swait.ge [sflag:s23], $0x4000  }
0x1f1: {  	[sflag:s23] =	ssyncset.done $0x0  }
0x1f2: {  	[sflag:s23] =	ssyncadd.s32 $0xFFFFC000  }
0x1f3: {  	_ =	swait.ge [sflag:s0], $0x80  }
0x1f4: {  	s11 =	sadd.s32 $0xFFFFFF80, s9;
	[sflag:s0] =	ssyncset.done $0x0  }
0x1f5: {  	s16 =	sand.u32 $0x7C00, s11;
	s11 =	sand.u32 $0x300, s11;
	[sflag:s0] =	ssyncadd.s32 $0xFFFFFF80  }
0x1f6: {  	[spmem:s2] =	stream.indirect.scatter.add.f32 [tilespmem:s28], [sflag:$0x9], $0x80, s24, s24, $0xb8;
	[tilespmem:$0x1E200] =	vst v63  }
0x1f7: {  	s30 =	sadd.s32 s19, s16;
	s16 =	sadd.s32 s21, s16;
	_ =	swait.ge [sflag:s22], $0x4000  }
0x1f8: {  	s30 =	sor.u32 s11, s30;
	s11 =	sor.u32 s11, s16;
	[sflag:s22] =	ssyncset.done $0x0  }
0x1f9: {  	s16 =	sshrl.u32 s30, $0x3;
	s11 =	sshrl.u32 s11, $0x3;
	[sflag:s22] =	ssyncadd.s32 $0xFFFFC000  }
0x1fa: {  	s16 =	sadd.s32 s6, s16;
	s11 =	sadd.s32 s7, s11  }
0x1fb: {  	[tilespmem:s3], [sflag:$0x1] =	stream.linear.gather [hbm4b:s16+s3], $0x80, $0x38;
	[tilespmem:$0x1E200] =	vst v63  }
0x1fc: {  	_ = 	snop  }
0x1fd: {  	[tilespmem:s24], [sflag:$0x3] =	stream.linear.gather [hbm4b:s11+s3], $0x80, $0x38;
	[tilespmem:$0x1E200] =	vst v63  }
0x1fe: {  	_ =	swait.ge [sflag:s1], $0x4000  }
0x1ff: {  	[sflag:s1] =	ssyncset.done $0x0  }
0x200: {  	[sflag:s1] =	ssyncadd.s32 $0xFFFFC000  }
0x201: {  	_ =	swait.ge [sflag:s4], $0x80  }
0x202: {  	s11 =	sand.u32 $0x7C00, s9;
	s9 =	sand.u32 $0x380, s9;
	[sflag:s4] =	ssyncset.done $0x0  }
0x203: {  	s16 =	sadd.s32 s19, s11;
	s11 =	sadd.s32 s21, s11;
	[sflag:s4] =	ssyncadd.s32 $0xFFFFFF80  }
0x204: {  	[spmem:s2] =	stream.indirect.scatter.add.f32 [tilespmem:s31], [sflag:$0x9], $0x80, s20, s24, $0xb8;
	[tilespmem:$0x1E200] =	vst v63  }
.Ltmp6:
0x205: {  	_ = 	snop;
	(pc) =	sbr.rel @p0 .LBB2_14-.Ltmp6, $4  }
0x206: {  	s16 =	sor.u32 s9, s16;
	s9 =	sor.u32 s9, s11;
	_ =	swait.ge [sflag:s22], $0x4000  }
0x207: {  	s11 =	sshrl.u32 s16, $0x3;
	s9 =	sshrl.u32 s9, $0x3;
	[sflag:s22] =	ssyncset.done $0x0  }
0x208: {  	s16 =	sadd.s32 s6, s11;
	s11 =	sadd.s32 s7, s9;
	[sflag:s22] =	ssyncadd.s32 $0xFFFFC000  }
0x209: {  	[tilespmem:s25], [sflag:$0x2] =	stream.linear.gather [hbm4b:s16+s3], $0x80, $0x38;
	[tilespmem:$0x1E200] =	vst v63  }
0x20a: {  	[tilespmem:s20], [sflag:$0x4] =	stream.linear.gather [hbm4b:s11+s3], $0x80, $0x38;
	[tilespmem:$0x1E200] =	vst v63  }
0x20b: {  	_ =	swait.ge [sflag:s26], $0x80  }
0x20c: {  	[sflag:s26] =	ssyncset.done $0x0  }
0x20d: {  	[sflag:s26] =	ssyncadd.s32 $0xFFFFFF80  }
0x20e: {  	_ =	swait.ge [sflag:s0], $0x80  }
0x20f: {  	[sflag:s0] =	ssyncset.done $0x0  }
0x210: {  	[sflag:s0] =	ssyncadd.s32 $0xFFFFFF80  }
0x211: {  	_ =	swait.ge [sflag:s29], $0x80  }
0x212: {  	[sflag:s29] =	ssyncset.done $0x0  }
0x213: {  	[sflag:s29] =	ssyncadd.s32 $0xFFFFFF80  }
0x214: {  	_ =	swait.ge [sflag:s4], $0x80  }
0x215: {  	[sflag:s4] =	ssyncset.done $0x0  }
0x216: {  	[sflag:s4] =	ssyncadd.s32 $0xFFFFFF80  }
0x217: {  	s8 =	simm.s32 $0x8200;
	[bflag:$0x0] =	sbarrier.arrive $0xFFFF  }
0x218: {  	[tilespmem:s8], [sflag:$0x5] =	stream.linear.gather [spmem:s14], $0x800, $0x38;
	[tilespmem:$0x1E200] =	vst v63  }
0x219: {  	s30 =	simm.s32 $0x9200;
	s8 =	simm.s32 $0x0;
	s9 =	rddreg [dreg:$0xf]  }
0x21a: {  	[tilespmem:s30], [sflag:$0x1] =	stream.linear.gather [hbm4b:s9+s8], $0x800, $0x38;
	[tilespmem:$0x1E200] =	vst v63  }
0x21b: {  	s16 =	rddreg [dreg:$0x15]  }
0x21c: {  	[tilespmem:s15], [sflag:$0x6] =	stream.linear.gather [spmem:s16], $0x800, $0x38;
	[tilespmem:$0x1E200] =	vst v63  }
0x21d: {  	s17 =	rddreg [dreg:$0x11];
	s30 =	simm.s32 $0x9A00  }
0x21e: {  	[tilespmem:s30], [sflag:$0x2] =	stream.linear.gather [hbm4b:s17+s8], $0x800, $0x38;
	[tilespmem:$0x1E200] =	vst v63  }
.LBB2_16:
0x21f: {  	_ =	swait.ge [sflag:s23], $0x800  }
0x220: {  	[sflag:s23] =	ssyncset.done $0x0  }
0x221: {  	[sflag:s23] =	ssyncadd.s32 $0xFFFFF800  }
0x222: {  	_ =	swait.ge [sflag:s26], $0x800  }
0x223: {  	[sflag:s26] =	ssyncset.done $0x0  }
0x224: {  	s11 =	simm.s32 $0x0;
	[sflag:s26] =	ssyncadd.s32 $0xFFFFF800  }
0x225: {  	v0 =	vld [tilespmem:s11+$0x9200]  }
0x226: {  	v4 =	vld [tilespmem:s11+$0x8200]  }
0x227: {  	v6 =	vld [tilespmem:s11+$0x8210]  }
0x228: {  	v5 =	vld [tilespmem:s11+$0x8220]  }
0x229: {  	v3 =	vld [tilespmem:s11+$0x8230]  }
0x22a: {  	v1 =	vld [tilespmem:s11+$0x8240]  }
0x22b: {  	v2 =	vld [tilespmem:s11+$0x8250];
	v7 =	vmul.f32 v4, v0  }
0x22c: {  	s9 =	simm.s32 $0x200;
	v6 =	vmul.f32 v6, v0;
	v4 =	vld [tilespmem:s11+$0x8260]  }
.LBB2_17:
0x22d: {  	s16 =	sshra.s32 s9, $0x2;
	p0 =	sne.s32 s9, $0x1E00;
	[tilespmem:s11+$0x8200] =	vst v7;
	v5 =	vmul.f32 v5, v0;
	v7 =	vld [tilespmem:s11+$0x8270]  }
0x22e: {  	v8 =	vld [tilespmem:s16+$0x9200];
	[tilespmem:s11+$0x8210] =	vst v6;
	v3 =	vmul.f32 v3, v0  }
0x22f: {  	v6 =	vld [tilespmem:s16+$0x8200];
	[tilespmem:s11+$0x8220] =	vst v5;
	v1 =	vmul.f32 v1, v0  }
0x230: {  	v9 =	vld [tilespmem:s16+$0x8210];
	[tilespmem:s11+$0x8230] =	vst v3;
	v2 =	vmul.f32 v2, v0  }
.Ltmp7:
0x231: {  	v5 =	vld [tilespmem:s16+$0x8220];
	[tilespmem:s11+$0x8240] =	vst v1;
	v4 =	vmul.f32 v4, v0;
	(pc) =	sbr.rel @p0 .LBB2_17-.Ltmp7, $4  }
0x232: {  	v3 =	vld [tilespmem:s16+$0x8230];
	[tilespmem:s11+$0x8250] =	vst v2;
	v10 =	vmul.f32 v7, v0  }
0x233: {  	v1 =	vld [tilespmem:s16+$0x8240];
	[tilespmem:s11+$0x8260] =	vst v4;
	v0 =	vmov v8  }
0x234: {  	v7 =	vmul.f32 v6, v0;
	v2 =	vld [tilespmem:s16+$0x8250];
	[tilespmem:s11+$0x8270] =	vst v10;
	s11 =	smov.u32 s16  }
0x235: {  	s9 =	sadd.s32 $0x200, s9;
	v6 =	vmul.f32 v9, v0;
	v4 =	vld [tilespmem:s11+$0x8260]  }
0x236: {  	[tilespmem:s11+$0x8200] =	vst v7;
	v5 =	vmul.f32 v5, v0;
	v7 =	vld [tilespmem:s11+$0x8270]  }
0x237: {  	[tilespmem:s11+$0x8210] =	vst v6;
	v3 =	vmul.f32 v3, v0  }
0x238: {  	[tilespmem:s11+$0x8220] =	vst v5;
	v1 =	vmul.f32 v1, v0  }
0x239: {  	[tilespmem:s11+$0x8230] =	vst v3;
	v2 =	vmul.f32 v2, v0  }
0x23a: {  	s9 =	sshll.u32 s8, $0xC;
	s16 =	rddreg [dreg:$0x12];
	[tilespmem:s11+$0x8240] =	vst v1;
	v1 =	vmul.f32 v4, v0  }
0x23b: {  	s16 =	sadd.s32 s9, s16;
	[tilespmem:s11+$0x8250] =	vst v2;
	v0 =	vmul.f32 v7, v0  }
0x23c: {  	s17 =	rddreg [dreg:$0x6];
	s16 =	sshrl.u32 s16, $0x3;
	[tilespmem:s11+$0x8260] =	vst v1  }
0x23d: {  	s30 =	simm.s32 $0x0;
	s15 =	simm.s32 $0x8200;
	[tilespmem:s11+$0x8270] =	vst v0;
	s11 =	sadd.s32 s17, s16  }
0x23e: {  	[hbm4b:s11+s30] =	stream.linear.scatter [tilespmem:s15], [sflag:$0x7], $0x800, $0x38;
	[tilespmem:$0x1E200] =	vst v63  }
0x23f: {  	_ =	swait.ge [sflag:s1], $0x800  }
0x240: {  	[sflag:s1] =	ssyncset.done $0x0  }
0x241: {  	[sflag:s1] =	ssyncadd.s32 $0xFFFFF800  }
0x242: {  	_ =	swait.ge [sflag:s29], $0x800  }
0x243: {  	[sflag:s29] =	ssyncset.done $0x0  }
0x244: {  	s11 =	simm.s32 $0x0;
	[sflag:s29] =	ssyncadd.s32 $0xFFFFF800  }
0x245: {  	v0 =	vld [tilespmem:s11+$0x9A00]  }
0x246: {  	v4 =	vld [tilespmem:s11+$0x8A00]  }
0x247: {  	v6 =	vld [tilespmem:s11+$0x8A10]  }
0x248: {  	v5 =	vld [tilespmem:s11+$0x8A20]  }
0x249: {  	v3 =	vld [tilespmem:s11+$0x8A30]  }
0x24a: {  	v1 =	vld [tilespmem:s11+$0x8A40]  }
0x24b: {  	v2 =	vld [tilespmem:s11+$0x8A50];
	v7 =	vmul.f32 v4, v0  }
0x24c: {  	s16 =	simm.s32 $0x200;
	v6 =	vmul.f32 v6, v0;
	v4 =	vld [tilespmem:s11+$0x8A60]  }
.LBB2_19:
0x24d: {  	s30 =	sshra.s32 s16, $0x2;
	p0 =	sne.s32 s16, $0x1E00;
	[tilespmem:s11+$0x8A00] =	vst v7;
	v5 =	vmul.f32 v5, v0;
	v7 =	vld [tilespmem:s11+$0x8A70]  }
0x24e: {  	v8 =	vld [tilespmem:s30+$0x9A00];
	[tilespmem:s11+$0x8A10] =	vst v6;
	v3 =	vmul.f32 v3, v0  }
0x24f: {  	v6 =	vld [tilespmem:s30+$0x8A00];
	[tilespmem:s11+$0x8A20] =	vst v5;
	v1 =	vmul.f32 v1, v0  }
0x250: {  	v9 =	vld [tilespmem:s30+$0x8A10];
	[tilespmem:s11+$0x8A30] =	vst v3;
	v2 =	vmul.f32 v2, v0  }
.Ltmp8:
0x251: {  	v5 =	vld [tilespmem:s30+$0x8A20];
	[tilespmem:s11+$0x8A40] =	vst v1;
	v4 =	vmul.f32 v4, v0;
	(pc) =	sbr.rel @p0 .LBB2_19-.Ltmp8, $4  }
0x252: {  	v3 =	vld [tilespmem:s30+$0x8A30];
	[tilespmem:s11+$0x8A50] =	vst v2;
	v10 =	vmul.f32 v7, v0  }
0x253: {  	v1 =	vld [tilespmem:s30+$0x8A40];
	[tilespmem:s11+$0x8A60] =	vst v4;
	v0 =	vmov v8  }
0x254: {  	v7 =	vmul.f32 v6, v0;
	v2 =	vld [tilespmem:s30+$0x8A50];
	[tilespmem:s11+$0x8A70] =	vst v10;
	s11 =	smov.u32 s30  }
0x255: {  	s16 =	sadd.s32 $0x200, s16;
	v6 =	vmul.f32 v9, v0;
	v4 =	vld [tilespmem:s11+$0x8A60]  }
0x256: {  	[tilespmem:s11+$0x8A00] =	vst v7;
	v5 =	vmul.f32 v5, v0;
	v61 =	vld [tilespmem:s11+$0x8A70]  }
0x257: {  	[tilespmem:s11+$0x8A10] =	vst v6;
	v3 =	vmul.f32 v3, v0  }
0x258: {  	s16 =	sld [smem:$0x7FD];
	[tilespmem:s11+$0x8A20] =	vst v5;
	v1 =	vmul.f32 v1, v0  }
0x259: {  	[tilespmem:s11+$0x8A30] =	vst v3;
	v2 =	vmul.f32 v2, v0  }
0x25a: {  	[tilespmem:s11+$0x8A40] =	vst v1;
	v62 =	vmul.f32 v4, v0  }
0x25b: {  	s9 =	sadd.s32 s16, s9;
	[tilespmem:s11+$0x8A50] =	vst v2;
	v63 =	vmul.f32 v61, v0  }
0x25c: {  	s17 =	rddreg [dreg:$0x6];
	s9 =	sshrl.u32 s9, $0x3;
	[tilespmem:s11+$0x8A60] =	vst v62  }
0x25d: {  	s9 =	sadd.s32 s17, s9;
	s17 =	simm.s32 $0x8A00;
	[tilespmem:s11+$0x8A70] =	vst v63;
	s11 =	sshll.u32 s8, $0x1  }
0x25e: {  	[hbm4b:s9+s3] =	stream.linear.scatter [tilespmem:s17], [sflag:$0x8], $0x800, $0x38;
	[tilespmem:$0x1E200] =	vst v63  }
0x25f: {  	s15 =	simm.s32 $0x7;
	s30 =	smin.u32 s11, $0x25  }
0x260: {  	_ =	swait.ge [sflag:s15], $0x800;
	s9 =	sshll.u32 s30, $0xB  }
0x261: {  	s30 =	simm.s32 $0x8200;
	[sflag:s15] =	ssyncset.done $0x0;
	s9 =	sadd.s32 $0x1000, s9  }
0x262: {  	[sflag:s15] =	ssyncadd.s32 $0xFFFFF800;
	s15 =	sadd.s32 s9, s14;
	s9 =	sadd.s32 s18, s9  }
0x263: {  	[tilespmem:s30], [sflag:$0x5] =	stream.linear.gather [spmem:s15], $0x800, $0x38;
	[tilespmem:$0x1E200] =	vst v63  }
0x264: {  	s11 =	smin.u32 s11, $0x24;
	s16 =	rddreg [dreg:$0x5];
	s9 =	sshrl.u32 s9, $0x3  }
0x265: {  	s30 =	simm.s32 $0x9200;
	s15 =	simm.s32 $0x8;
	s9 =	sadd.s32 s16, s9  }
0x266: {  	[tilespmem:s30], [sflag:$0x1] =	stream.linear.gather [hbm4b:s9+s3], $0x800, $0x38;
	[tilespmem:$0x1E200] =	vst v63  }
0x267: {  	s8 =	sadd.s32 $0x1, s8;
	s9 =	sshll.u32 s11, $0xB;
	_ =	swait.ge [sflag:s15], $0x800  }
0x268: {  	p0 =	sne.s32 s8, $0x14;
	s9 =	sadd.s32 $0x1800, s9;
	[sflag:s15] =	ssyncset.done $0x0  }
.Ltmp9:
0x269: {  	s30 =	sadd.s32 s9, s14;
	s9 =	sadd.s32 s18, s9;
	(pc) =	sbr.rel @p0 .LBB2_16-.Ltmp9, $4  }
0x26a: {  	[sflag:s15] =	ssyncadd.s32 $0xFFFFF800;
	s9 =	sshrl.u32 s9, $0x3  }
0x26b: {  	[tilespmem:s17], [sflag:$0x6] =	stream.linear.gather [spmem:s30], $0x800, $0x38;
	[tilespmem:$0x1E200] =	vst v63  }
0x26c: {  	s15 =	simm.s32 $0x8A00;
	s9 =	sadd.s32 s16, s9;
	s30 =	simm.s32 $0x9A00  }
0x26d: {  	[tilespmem:s30], [sflag:$0x2] =	stream.linear.gather [hbm4b:s9+s3], $0x800, $0x38;
	[tilespmem:$0x1E200] =	vst v63  }
0x26e: {  	_ =	swait.ge [sflag:s23], $0x800  }
0x26f: {  	[sflag:s23] =	ssyncset.done $0x0  }
0x270: {  	[sflag:s23] =	ssyncadd.s32 $0xFFFFF800  }
0x271: {  	_ =	swait.ge [sflag:s26], $0x800  }
0x272: {  	[sflag:s26] =	ssyncset.done $0x0  }
0x273: {  	[sflag:s26] =	ssyncadd.s32 $0xFFFFF800  }
0x274: {  	_ =	swait.ge [sflag:s1], $0x800  }
0x275: {  	[sflag:s1] =	ssyncset.done $0x0  }
0x276: {  	[sflag:s1] =	ssyncadd.s32 $0xFFFFF800  }
0x277: {  	_ =	swait.ge [sflag:s29], $0x800  }
0x278: {  	s9 =	sld [smem:$0x7DE];
	_ =	sdelay $0x2  }
0x279: {  	s8 =	rddreg [dreg:$0x13];
	s9 =	sadd.s32 $0x1, s9  }
0x27a: {  	p0 =	sne.s32 s9, s8  }
.Ltmp10:
0x27b: {  	_ = 	snop;
	(pc) =	sbr.rel @p0 .LBB2_1-.Ltmp10, $3  }
0x27c: {  	_ =	sdelay $0x1  }
0x27d: {  	[sflag:s29] =	ssyncset.done $0x0  }
0x27e: {  	[sflag:s29] =	ssyncadd.s32 $0xFFFFF800  }
0x27f: {  	_ =	sfence.sel $0x180000  }
0x280: {  	[bflag:$0x0] =	sbarrier.arrive $0xFFFF  }
0x281: {  	_ =	strace $0x9000004A  }
0x282: {  	s0 =	stileid.u32;
	[bflag:$0x2] =	sbarrier.arrive $0xFFFF  }
0x283: {  	p0 =	sne.s32 s0, $0x0;
	s0 =	rddreg [dreg:$0x3]  }
0x284: {  	s0 =	sadd.s32 @!p0 $0x100000, s0  }
0x285: {  	[sflag:s0] =	ssyncadd.tile.s32 @!p0 $0x1;
	_ =	shalt  }
.Lfunc_end2:
_tile_overlayer_lowered:
.L_overlay_start_2:
0x286: {  	(tag) =	ssettag $0x2  }
0x287: {  	s0 =	rddreg [dreg:$0x0];
	s2 =	stileid.u32  }
0x288: {  	s1 =	rddreg [dreg:$0x1];
	p0 =	sne.s32 s2, $0x0  }
0x289: {  	s3 =	rddreg [dreg:$0x2];
	[bflag:$0x3] =	sbarrier.arrive $0xFFFF;
	s2 =	simm.s32 @!p0 $0x1C09  }
0x28a: {  	[timem:s3], [sflag:s2] =	dma.local @!p0 [hbm:s0], s1  }
0x28b: {  	s0 =	simm.s32 @!p0 $0x9  }
0x28c: {  	_ =	swait.ge @!p0 [sflag:s0], s1  }
0x28d: {  	s1 =	ssub.s32 @!p0 $0x0, s1;
	[sflag:s0] =	ssyncset.done @!p0 $0x0  }
0x28e: {  	[sflag:s0] =	ssyncadd.s32 @!p0 s1  }
0x28f: {  	[bflag:$0x3] =	sbarrier.arrive $0xFFFF  }
0x290: {  	_ =	shalt  }

// kernel: kernel.14.cloned.1.call-start
scs
__scs_entry_jumppad:
0x0: {  	(pc) =	sbr.rel $0x88, $3  }
0x1: {  	(tag) =	ssettag $0x0;
	lr =	simm.s32 $0x1  }
0x2: {  	[smem:$0x3F90] =	sst lr;
	_ =	strace $0xD0000000  }
0x3: {  	_ = 	snop  }
0x4: {  	_ = 	snop  }
0x5: {  	_ = 	snop  }
0x6: {  	_ = 	snop  }
0x7: {  	_ = 	snop  }
__scs_overlays_trampoline_lowered:
0x8: {  	[smem:$0x3F9F] =	sst s0  }
0x9: {  	[smem:$0x3FA0] =	sst s1  }
0xa: {  	[smem:$0x3FA1] =	sst s2  }
0xb: {  	[smem:$0x3FA2] =	sst s3  }
0xc: {  	[smem:$0x3FA3] =	sst s4  }
0xd: {  	[smem:$0x3FA4] =	sst s5  }
0xe: {  	[smem:$0x3FA5] =	sst s6  }
0xf: {  	[smem:$0x3FA6] =	sst s7  }
0x10: {  	[smem:$0x3FA7] =	sst s8  }
0x11: {  	[smem:$0x3FA8] =	sst s9;
	s0 =	simm.s32 @!p0 $0x0  }
0x12: {  	s1 =	sld [smem:$0x3F8E];
	s0 =	simm.s32 @p0 $0x1  }
0x13: {  	[smem:$0x3FA9] =	sst s0;
	s0 =	simm.s32 @!p1 $0x0  }
0x14: {  	s2 =	sld [smem:$0x3F8D];
	s0 =	simm.s32 @p1 $0x1  }
0x15: {  	[smem:$0x3FAA] =	sst s0;
	s0 =	simm.s32 @!p2 $0x0  }
0x16: {  	s3 =	sld [smem:$0x3FDB];
	s0 =	simm.s32 @p2 $0x1  }
0x17: {  	s4 =	simm.s32 $0x1BF5;
	[smem:$0x3FAC] =	sst s0  }
0x18: {  	s0 =	sld [smem:$0x3F8F];
	_ =	swait.ge [sflag:s4], $0x0  }
0x19: {  	s7 =	sld [smem:$0x3F90]  }
0x1a: {  	s8 =	sadd.s32 $0xFFFFE003, lr  }
0x1b: {  	s9 =	sadd.s32 $0xFFFFFEF7, lr;
	s5 =	simm.s32 $0xFFFFFFFF;
	p2 =	slt.u32 s8, $0xFFFFF086  }
0x1c: {  	p1 =	slt.u32 s9, $0xF7A;
	s5 =	simm.s32 @!p2 $0x0  }
0x1d: {  	s5 =	simm.s32 @p1 $0x1;
	p0 =	seq.s32 s7, s2  }
0x1e: {  	s7 =	smul.u32 @!p0 $0xF7A, s2;
	p2 =	seq.s32 @!p0 s5, $0x0  }
0x1f: {  	s9 =	smul.u32 $0xF7A, s1;
	s8 =	simm.s32 @!p0 $0x1BF5;
	p2 =	por !p2, p0  }
0x20: {  	[sflag:s8] =	ssyncset.s32 @!p0 $0xFFFFF086;
	s6 =	sadd.s32 @!p0 s3, s7;
	s7 =	simm.s32 @!p0 $0x108  }
0x21: {  	s3 =	sadd.s32 s3, s9;
	s6 =	sadd.s32 @!p0 $0x88, s6;
	s7 =	simm.s32 @p2 $0x1082  }
0x22: {  	[simem:s7], [sflag:s8] =	dma.local @!p0 [hbm:s6], $0xF7A  }
0x23: {  	s9 =	sor.u32 $0xD0000000, s2;
	s6 =	simm.s32 $0x108;
	_ =	swait.ge @!p0 [sflag:s8], $0x0  }
0x24: {  	s3 =	sadd.s32 $0x88, s3;
	s6 =	simm.s32 @!p1 $0x1082;
	[sflag:s4] =	ssyncset.s32 $0xFFFFF086  }
0x25: {  	[simem:s6], [sflag:s4] =	dma.local [hbm:s3], $0xF7A  }
0x26: {  	[smem:$0x3F90] =	sst s1;
	(tag) =	ssettag s2;
	_ =	strace s9  }
0x27: {  	s1 =	sld [smem:$0x3FA0]  }
0x28: {  	s2 =	sld [smem:$0x3FA1]  }
0x29: {  	s4 =	sld [smem:$0x3FA3]  }
0x2a: {  	p0 =	seq.s32 s5, $0x0;
	s5 =	sld [smem:$0x3FA4]  }
0x2b: {  	s6 =	sld [smem:$0x3FA5]  }
0x2c: {  	s7 =	sld [smem:$0x3FA6]  }
0x2d: {  	s3 =	simm.s32 $0x108;
	s8 =	sld [smem:$0x3FA7]  }
0x2e: {  	s3 =	simm.s32 @!p0 $0x1082;
	s9 =	sld [smem:$0x3FA8]  }
0x2f: {  	lr =	sadd.s32 s0, s3;
	s0 =	sld [smem:$0x3F9F]  }
0x30: {  	s3 =	sld [smem:$0x3FA2]  }
0x31: {  	[smem:$0x3FAB] =	sst s10  }
0x32: {  	s10 =	sld [smem:$0x3FA9];
	_ =	sdelay $0x3  }
0x33: {  	p0 =	seq.s32 s10, $0x1;
	s10 =	sld [smem:$0x3FAB];
	_ =	sdelay $0x3  }
0x34: {  	[smem:$0x3FAB] =	sst s10  }
0x35: {  	s10 =	sld [smem:$0x3FAA];
	_ =	sdelay $0x3  }
0x36: {  	p1 =	seq.s32 s10, $0x1;
	s10 =	sld [smem:$0x3FAB];
	_ =	sdelay $0x3  }
0x37: {  	[smem:$0x3FAB] =	sst s10  }
0x38: {  	s10 =	sld [smem:$0x3FAC]  }
0x39: {  	_ = 	snop;
	(pc) =	sbr.ind lr, $3  }
0x3a: {  	_ = 	snop  }
0x3b: {  	_ = 	snop  }
0x3c: {  	p2 =	seq.s32 s10, $0x1;
	s10 =	sld [smem:$0x3FAB]  }
0x3d: {  	_ =	shalt  }
0x3e: {  	_ =	shalt  }
0x3f: {  	_ =	shalt  }
0x40: {  	_ =	shalt  }
0x41: {  	_ =	shalt  }
0x42: {  	_ =	shalt  }
0x43: {  	_ =	shalt  }
0x44: {  	_ =	shalt  }
0x45: {  	_ =	shalt  }
0x46: {  	_ =	shalt  }
0x47: {  	_ =	shalt  }
0x48: {  	_ =	shalt  }
0x49: {  	_ =	shalt  }
0x4a: {  	_ =	shalt  }
0x4b: {  	_ =	shalt  }
0x4c: {  	_ =	shalt  }
0x4d: {  	_ =	shalt  }
0x4e: {  	_ =	shalt  }
0x4f: {  	_ =	shalt  }
0x50: {  	_ =	shalt  }
0x51: {  	_ =	shalt  }
0x52: {  	_ =	shalt  }
0x53: {  	_ =	shalt  }
0x54: {  	_ =	shalt  }
0x55: {  	_ =	shalt  }
0x56: {  	_ =	shalt  }
0x57: {  	_ =	shalt  }
0x58: {  	_ =	shalt  }
0x59: {  	_ =	shalt  }
0x5a: {  	_ =	shalt  }
0x5b: {  	_ =	shalt  }
0x5c: {  	_ =	shalt  }
0x5d: {  	_ =	shalt  }
0x5e: {  	_ =	shalt  }
0x5f: {  	_ =	shalt  }
0x60: {  	_ =	shalt  }
0x61: {  	_ =	shalt  }
0x62: {  	_ =	shalt  }
0x63: {  	_ =	shalt  }
0x64: {  	_ =	shalt  }
0x65: {  	_ =	shalt  }
0x66: {  	_ =	shalt  }
0x67: {  	_ =	shalt  }
0x68: {  	_ =	shalt  }
0x69: {  	_ =	shalt  }
0x6a: {  	_ =	shalt  }
0x6b: {  	_ =	shalt  }
0x6c: {  	_ =	shalt  }
0x6d: {  	_ =	shalt  }
0x6e: {  	_ =	shalt  }
0x6f: {  	_ =	shalt  }
0x70: {  	_ =	shalt  }
0x71: {  	_ =	shalt  }
0x72: {  	_ =	shalt  }
0x73: {  	_ =	shalt  }
0x74: {  	_ =	shalt  }
0x75: {  	_ =	shalt  }
0x76: {  	_ =	shalt  }
0x77: {  	_ =	shalt  }
0x78: {  	_ =	shalt  }
0x79: {  	_ =	shalt  }
0x7a: {  	_ =	shalt  }
0x7b: {  	_ =	shalt  }
0x7c: {  	_ =	shalt  }
0x7d: {  	_ =	shalt  }
0x7e: {  	_ =	shalt  }
0x7f: {  	_ =	shalt  }
0x80: {  	_ =	shalt  }
0x81: {  	_ =	shalt  }
0x82: {  	_ =	shalt  }
0x83: {  	_ =	shalt  }
0x84: {  	_ =	shalt  }
0x85: {  	_ =	shalt  }
0x86: {  	_ =	shalt  }
0x87: {  	_ =	shalt  }
.Lfunc_end0:
.L_simem_size_0:
called_computation.2_lowered:
.L_overlay_start_0:
0x88: {  	s2 =	sld [smem:$0x3FD9]  }
0x89: {  	s3 =	sld [smem:$0x3FFE];
	_ =	sdelay $0x1  }
0x8a: {  	s1 =	srdreg.scid  }
0x8b: {  	s0 =	sand.u32 $0x1, s1  }
0x8c: {  	s14 =	sshll.u32 s0, $0xA;
	s2 =	sadd.s32 s3, s2  }
0x8d: {  	s2 =	sadd.s32 s2, s14  }
0x8e: {  	[smem:$0x3FB7] =	sst s2  }
0x8f: {  	_ = 	snop  }
0x90: {  	s2 =	sld [smem:$0x3FD0];
	_ =	sdelay $0x2  }
0x91: {  	s15 =	simm.s32 $0xA;
	s4 =	simm.s32 $0x10  }
0x92: {  	[smem:s4], [sflag:s15] =	dma.local [hbm:s2], $0x1  }
0x93: {  	_ =	swait.eq [sflag:s15], $0x1  }
0x94: {  	[sflag:s15] =	ssyncset.done $0x0  }
0x95: {  	[sflag:s15] =	ssyncadd.s32 $0xFFFFFFFF  }
0x96: {  	s16 =	sld [smem:$0x11];
	(tm) =	ssettm $0x1  }
0x97: {  	s17 =	sld [smem:$0x3FFB];
	_ =	sdelay $0x3  }
0x98: {  	_ =	strace s17  }
0x99: {  	s3 =	sld [smem:$0x3FFC];
	_ =	sdelay $0x3  }
0x9a: {  	_ =	strace s3  }
0x9b: {  	s3 =	sld [smem:$0x3FFD];
	_ =	sdelay $0x3  }
0x9c: {  	_ =	strace s3  }
0x9d: {  	_ =	strace $0x8FFFFFFF  }
0x9e: {  	s18 =	sld [smem:$0x3FDB];
	_ =	sdelay $0x1  }
0x9f: {  	s19 =	simm.s32 $_scs_section_size  }
0xa0: {  	s5 =	simm.s32 $_size__tile_overlayer_lowered;
	s6 =	simm.s32 $_tile_overlayer_lowered  }
0xa1: {  	s22 =	simm.s32 $0x1BFF;
	s21 =	sshll.u32 s6, $0x1;
	s3 =	sadd.s32 s19, s18  }
0xa2: {  	s7 =	simm.s32 $0x0;
	s20 =	sshll.u32 s5, $0x1;
	s5 =	sadd.s32 s21, s3  }
0xa3: {  	[timem:s7], [sflag:s22] =	dma.local [hbm:s5], s20  }
0xa4: {  	_ =	swait.ge [sflag:s22], s20  }
0xa5: {  	s4 =	ssub.s32 $0x0, s20;
	[sflag:s22] =	ssyncset.done $0x0  }
0xa6: {  	[sflag:s22] =	ssyncadd.s32 s4;
	_ =	sdelay $0x1  }
0xa7: {  	s23 =	simm.s32 $0x1B8B  }
0xa8: {  	_ =	swait.ge [sflag:s23], $0x1  }
0xa9: {  	[sflag:s23] =	ssyncset.done $0x0  }
0xaa: {  	s25 =	simm.s32 $0x1B8E;
	s24 =	sld [smem:$0x3FFE];
	[sflag:s23] =	ssyncadd.s32 $0xFFFFFFFF  }
0xab: {  	s26 =	simm.s32 $execute0_lowered;
	[smem:$0x3FD2] =	sst s25  }
0xac: {  	s5 =	sshll.u32 s26, $0x1;
	_ =	strace $0x8000004C;
	[dreg:$0x1] =	wrdreg $0xFFFFFFFF  }
0xad: {  	s28 =	simm.s32 $_size_execute0_lowered;
	s3 =	sadd.s32 s3, s5;
	[dreg:$0x0] =	wrdreg $0x0  }
0xae: {  	s5 =	sshll.u32 s28, $0x1;
	[dreg:$0x2] =	wrdreg s3  }
0xaf: {  	[dreg:$0x3] =	wrdreg s5  }
0xb0: {  	[dreg:$0x4] =	wrdreg $0xC0  }
0xb1: {  	_ =	task [dreg:s7], $0x5FFFF  }
0xb2: {  	[dreg:$0x1] =	wrdreg $0xFFFFFFFF  }
0xb3: {  	[dreg:$0x0] =	wrdreg $0x60  }
0xb4: {  	[dreg:$0x2] =	wrdreg s24  }
0xb5: {  	[dreg:$0x3] =	wrdreg s16  }
0xb6: {  	[dreg:$0x4] =	wrdreg $0xA2000  }
0xb7: {  	[dreg:$0x5] =	wrdreg $0x9  }
0xb8: {  	_ =	task.clear_ibuf [dreg:s7], $0x6FFFF;
	_ =	strace $0x9000004C  }
0xb9: {  	s29 =	simm.s32 $0x9;
	_ =	strace $0x8000004E  }
0xba: {  	_ =	swait.ge [sflag:s29], $0x1  }
0xbb: {  	[sflag:s29] =	ssyncadd.s32 $0xFFFFFFFF  }
0xbc: {  	_ =	strace $0x9000004E  }
0xbd: {  	_ =	sfence  }
0xbe: {  	s30 =	sld [smem:$0x0];
	_ =	sdelay $0x2  }
0xbf: {  	s31 =	sshll.u32 s1, $0xD;
	s1 =	sshrl.u32 s1, $0x2  }
0xc0: {  	s3 =	sand.u32 $0x4000, s31;
	s1 =	sadd.s32 s1, s30  }
0xc1: {  	s0 =	sor.u32 s3, s0;
	s1 =	sshll.u32 s1, $0x11  }
0xc2: {  	s0 =	sor.u32 s1, s0  }
0xc3: {  	s0 =	sadd.s32 $0x8F2B, s0  }
0xc4: {  	[sflag:s0] =	ssyncadd.remote.s32 $0x1  }
0xc5: {  	_ =	sfence.sel $0xFFFF  }
0xc6: {  	[dreg:$0x0] =	wrdreg $0xFFFFFFFF;
	(pc) =	sbr.abs _section_cstart, $3  }
0xc7: {  	[dreg:$0x1] =	wrdreg $0xFFFFFFFF  }
0xc8: {  	_ =	task.clear_ibuf [dreg:s7], $0x2FFFF;
	_ =	strace $0x9FFFFFFF  }
0xc9: {  	(tm) =	ssettm $0x7FFFFFFF  }
tec
execute0_lowered:
.L_overlay_start_1:
0x0: {  	(tag) =	ssettag $0x1  }
0x1: {  	s0 =	rddreg [dreg:$0x0]  }
0x2: {  	s2 =	rddreg [dreg:$0x2]  }
0x3: {  	s3 =	simm.s32 $0x0;
	s1 =	srdreg.scid;
	s16 =	stileid.u32  }
0x4: {  	[smem:$0x7FF] =	sst s3;
	s5 =	sadd.s32 $0x74E00, s0;
	s6 =	sadd.s32 $0x5EE00, s0  }
0x5: {  	s7 =	sadd.s32 $0x3600, s0;
	s1 =	sand.u32 $0x1, s1;
	s4 =	smul.u32 $0x50000, s16  }
0x6: {  	s17 =	sadd.s32 $0xEB000, s0;
	s20 =	sadd.s32 $0xC3000, s0;
	s10 =	smul.u32 $0x2C00, s16  }
0x7: {  	s12 =	sadd.s32 $0x113000, s0;
	_ =	strace $0x8000004D;
	s8 =	ssub.s32 $0x2, s1  }
0x8: {  	s9 =	smul.u32 $0x2C000, s1;
	[dreg:$0x6] =	wrdreg s12;
	s12 =	sadd.s32 $0xE600, s0  }
0x9: {  	s19 =	smul.u32 $0x2800, s1;
	s0 =	sadd.s32 $0x5EE10, s0;
	[dreg:$0x4] =	wrdreg s17  }
0xa: {  	[dreg:$0x5] =	wrdreg s20;
	s11 =	sshrl.u32 s8, $0x1;
	s4 =	sshrl.u32 s4, $0x2  }
0xb: {  	s8 =	ssub.s32 s8, s11;
	s13 =	sadd.s32 s10, s9;
	s11 =	smul.u32 $0x280, s16  }
0xc: {  	s21 =	sshrl.u32 s10, $0x3;
	s14 =	sadd.s32 s4, s2;
	s18 =	sshrl.u32 s13, $0x3  }
0xd: {  	s15 =	sadd.s32 s6, s18;
	s4 =	sadd.s32 s18, s0;
	s22 =	sadd.s32 s11, s19  }
0xe: {  	s18 =	smul.u32 $0x14000, s16;
	s19 =	sadd.s32 $0x58000, s13;
	[dreg:$0x7] =	wrdreg s15  }
0xf: {  	s15 =	sadd.s32 s7, s21;
	[dreg:$0x9] =	wrdreg s4;
	s23 =	sshrl.u32 s19, $0x3  }
0x10: {  	s4 =	sshll.u32 s22, $0x4;
	s0 =	sadd.s32 s23, s0;
	[dreg:$0x8] =	wrdreg s15  }
0x11: {  	s21 =	sadd.s32 $0x2C000, s10;
	s24 =	sadd.s32 s6, s23;
	[dreg:$0xb] =	wrdreg s0  }
0x12: {  	s9 =	sadd.s32 s12, s4;
	s4 =	sadd.s32 $0x1000, s14;
	[dreg:$0xc] =	wrdreg s24  }
0x13: {  	s25 =	sshrl.u32 s21, $0x3;
	[dreg:$0x17] =	wrdreg s4  }
0x14: {  	s30 =	sshrl.u32 s18, $0x3;
	s0 =	sadd.s32 s7, s25;
	[dreg:$0xa] =	wrdreg s9  }
0x15: {  	s11 =	sadd.s32 s17, s30;
	[dreg:$0xd] =	wrdreg s0  }
0x16: {  	s26 =	smul.u32 $0x140000, s1;
	s1 =	sadd.s32 s20, s30;
	[dreg:$0xe] =	wrdreg s11  }
0x17: {  	s24 =	smax.u32 s8, $0x1;
	[dreg:$0xf] =	wrdreg s1  }
0x18: {  	s25 =	sadd.s32 $0x10, s15;
	[dreg:$0x13] =	wrdreg s24  }
0x19: {  	s16 =	sor.u32 $0x100, s30;
	s30 =	sadd.s32 $0x5810, s15;
	[dreg:$0x14] =	wrdreg s25  }
0x1a: {  	s8 =	sadd.s32 $0x1800, s14;
	[dreg:$0x16] =	wrdreg s30  }
0x1b: {  	s15 =	sadd.s32 $0x2800, s14;
	[dreg:$0x18] =	wrdreg s8  }
0x1c: {  	s4 =	sadd.s32 $0x7800, s14;
	[dreg:$0x1a] =	wrdreg s15  }
0x1d: {  	s22 =	sadd.s32 s17, s16;
	[smem:$0x7E3] =	sst s4  }
0x1e: {  	s23 =	sadd.s32 s20, s16;
	[dreg:$0x10] =	wrdreg s22  }
0x1f: {  	s0 =	sadd.s32 s18, s26;
	s26 =	sadd.s32 $0x800, s14;
	[dreg:$0x11] =	wrdreg s23  }
0x20: {  	s11 =	sadd.s32 $0x2000, s14;
	[dreg:$0x15] =	wrdreg s26  }
0x21: {  	s16 =	sadd.s32 $0x3000, s14;
	[dreg:$0x19] =	wrdreg s11  }
0x22: {  	s17 =	sadd.s32 $0x3800, s14;
	[dreg:$0x1b] =	wrdreg s16  }
0x23: {  	s20 =	sadd.s32 $0x4000, s14;
	[dreg:$0x1c] =	wrdreg s17  }
0x24: {  	s24 =	sadd.s32 $0x5800, s14;
	[dreg:$0x1d] =	wrdreg s20  }
0x25: {  	s25 =	sadd.s32 $0x6000, s14;
	[smem:$0x7DF] =	sst s24  }
0x26: {  	s30 =	sadd.s32 $0x7000, s14;
	[smem:$0x7E0] =	sst s25  }
0x27: {  	s8 =	sadd.s32 $0x8000, s14;
	[smem:$0x7E2] =	sst s30  }
0x28: {  	s15 =	sadd.s32 $0x9000, s14;
	[smem:$0x7E4] =	sst s8  }
0x29: {  	s4 =	sadd.s32 $0xE000, s14;
	[smem:$0x7E6] =	sst s15  }
0x2a: {  	[smem:$0x7F0] =	sst s4  }
0x2b: {  	s22 =	sadd.s32 $0x4800, s14;
	[dreg:$0x12] =	wrdreg s0  }
0x2c: {  	s23 =	sadd.s32 $0x5000, s14;
	[dreg:$0x1e] =	wrdreg s22  }
0x2d: {  	s26 =	sadd.s32 $0x6800, s14;
	[dreg:$0x1f] =	wrdreg s23  }
0x2e: {  	s11 =	sadd.s32 $0x8800, s14;
	[smem:$0x7E1] =	sst s26  }
0x2f: {  	s16 =	sadd.s32 $0x9800, s14;
	[smem:$0x7E5] =	sst s11  }
0x30: {  	s17 =	sadd.s32 $0xA000, s14;
	[smem:$0x7E7] =	sst s16  }
0x31: {  	s20 =	sadd.s32 $0xA800, s14;
	[smem:$0x7E8] =	sst s17  }
0x32: {  	s24 =	sadd.s32 $0xC000, s14;
	[smem:$0x7E9] =	sst s20  }
0x33: {  	s25 =	sadd.s32 $0xC800, s14;
	[smem:$0x7EC] =	sst s24  }
0x34: {  	s30 =	sadd.s32 $0xD800, s14;
	[smem:$0x7ED] =	sst s25  }
0x35: {  	s8 =	sadd.s32 $0xE800, s14;
	[smem:$0x7EF] =	sst s30  }
0x36: {  	s15 =	sadd.s32 $0xF800, s14;
	[smem:$0x7F1] =	sst s8  }
0x37: {  	s0 =	sor.u32 $0x800, s0;
	[smem:$0x7F3] =	sst s15  }
0x38: {  	s22 =	sadd.s32 $0xB000, s14;
	[smem:$0x7FD] =	sst s0  }
0x39: {  	s23 =	sadd.s32 $0xB800, s14;
	[smem:$0x7EA] =	sst s22  }
0x3a: {  	s26 =	sadd.s32 $0xD000, s14;
	[smem:$0x7EB] =	sst s23  }
0x3b: {  	s11 =	sadd.s32 $0xF000, s14;
	[smem:$0x7EE] =	sst s26  }
0x3c: {  	s28 =	simm.s32 $0x200;
	s16 =	sadd.s32 $0x10000, s14;
	[smem:$0x7F2] =	sst s11  }
0x3d: {  	s29 =	simm.s32 $0x2;
	s17 =	sadd.s32 $0x10800, s14;
	[smem:$0x7F4] =	sst s16  }
0x3e: {  	s31 =	simm.s32 $0x4200;
	s20 =	sadd.s32 $0x11000, s14;
	[smem:$0x7F5] =	sst s17  }
0x3f: {  	s1 =	simm.s32 $0x6;
	s24 =	sadd.s32 $0x12800, s14;
	[smem:$0x7F6] =	sst s20  }
0x40: {  	s4 =	simm.s32 $0x4;
	s25 =	sadd.s32 $0x13000, s14;
	[smem:$0x7F9] =	sst s24  }
0x41: {  	s30 =	sadd.s32 $0x100, s9;
	s0 =	simm.s32 $0x3;
	[smem:$0x7FA] =	sst s25  }
0x42: {  	s15 =	simm.s32 $0x8A00;
	s22 =	sadd.s32 $0x11800, s14;
	[smem:$0x7FC] =	sst s30  }
0x43: {  	s9 =	simm.s32 $0x0;
	s23 =	sadd.s32 $0x12000, s14;
	[smem:$0x7F7] =	sst s22  }
0x44: {  	s26 =	sadd.s32 $0x13800, s14;
	s24 =	simm.s32 $0x80;
	[smem:$0x7F8] =	sst s23  }
0x45: {  	s25 =	simm.s32 $0x100;
	s20 =	simm.s32 $0x180;
	[smem:$0x7FB] =	sst s26  }
0x46: {  	s22 =	simm.s32 $0x9;
	s23 =	simm.s32 $0x5;
	s26 =	simm.s32 $0x1  }
.LBB2_1:
0x47: {  	[smem:$0x7DE] =	sst s9  }
0x48: {  	s8 =	rddreg [dreg:$0x1];
	s9 =	simm.s32 $0x8200  }
0x49: {  	[tilespmem:s9], [sflag:$0x9] =	stream.linear.gather [hbm4b:s8+s3], $0x800, $0x38;
	[tilespmem:$0x1E200] =	vst v63  }
0x4a: {  	_ =	swait.ge [sflag:s22], $0x800  }
0x4b: {  	[sflag:s22] =	ssyncset.done $0x0  }
0x4c: {  	s16 =	rddreg [dreg:$0x15];
	[sflag:s22] =	ssyncadd.s32 $0xFFFFF800  }
0x4d: {  	[spmem:s14] =	stream.linear.scatter [tilespmem:s9], [sflag:$0x5], $0x800, $0x38;
	[tilespmem:$0x1E200] =	vst v63  }
0x4e: {  	s17 =	rddreg [dreg:$0x17]  }
0x4f: {  	[spmem:s16] =	stream.linear.scatter [tilespmem:s9], [sflag:$0x5], $0x800, $0x38;
	[tilespmem:$0x1E200] =	vst v63  }
0x50: {  	s30 =	rddreg [dreg:$0x18]  }
0x51: {  	[spmem:s17] =	stream.linear.scatter [tilespmem:s9], [sflag:$0x5], $0x800, $0x38;
	[tilespmem:$0x1E200] =	vst v63  }
0x52: {  	s11 =	rddreg [dreg:$0x19]  }
0x53: {  	[spmem:s30] =	stream.linear.scatter [tilespmem:s9], [sflag:$0x5], $0x800, $0x38;
	[tilespmem:$0x1E200] =	vst v63  }
0x54: {  	s16 =	rddreg [dreg:$0x1a]  }
0x55: {  	[spmem:s11] =	stream.linear.scatter [tilespmem:s9], [sflag:$0x5], $0x800, $0x38;
	[tilespmem:$0x1E200] =	vst v63  }
0x56: {  	s17 =	rddreg [dreg:$0x1b]  }
0x57: {  	[spmem:s16] =	stream.linear.scatter [tilespmem:s9], [sflag:$0x5], $0x800, $0x38;
	[tilespmem:$0x1E200] =	vst v63  }
0x58: {  	s30 =	rddreg [dreg:$0x1c]  }
0x59: {  	[spmem:s17] =	stream.linear.scatter [tilespmem:s9], [sflag:$0x5], $0x800, $0x38;
	[tilespmem:$0x1E200] =	vst v63  }
0x5a: {  	s11 =	rddreg [dreg:$0x1d]  }
0x5b: {  	[spmem:s30] =	stream.linear.scatter [tilespmem:s9], [sflag:$0x5], $0x800, $0x38;
	[tilespmem:$0x1E200] =	vst v63  }
0x5c: {  	s16 =	rddreg [dreg:$0x1e]  }
0x5d: {  	[spmem:s11] =	stream.linear.scatter [tilespmem:s9], [sflag:$0x5], $0x800, $0x38;
	[tilespmem:$0x1E200] =	vst v63  }
0x5e: {  	s17 =	rddreg [dreg:$0x1f]  }
0x5f: {  	[spmem:s16] =	stream.linear.scatter [tilespmem:s9], [sflag:$0x5], $0x800, $0x38;
	[tilespmem:$0x1E200] =	vst v63  }
0x60: {  	s30 =	sld [smem:$0x7DF]  }
0x61: {  	[spmem:s17] =	stream.linear.scatter [tilespmem:s9], [sflag:$0x5], $0x800, $0x38;
	[tilespmem:$0x1E200] =	vst v63  }
0x62: {  	s11 =	sld [smem:$0x7E0]  }
0x63: {  	[spmem:s30] =	stream.linear.scatter [tilespmem:s9], [sflag:$0x5], $0x800, $0x38;
	[tilespmem:$0x1E200] =	vst v63  }
0x64: {  	s16 =	sld [smem:$0x7E1]  }
0x65: {  	[spmem:s11] =	stream.linear.scatter [tilespmem:s9], [sflag:$0x5], $0x800, $0x38;
	[tilespmem:$0x1E200] =	vst v63  }
0x66: {  	s17 =	sld [smem:$0x7E2]  }
0x67: {  	[spmem:s16] =	stream.linear.scatter [tilespmem:s9], [sflag:$0x5], $0x800, $0x38;
	[tilespmem:$0x1E200] =	vst v63  }
0x68: {  	s30 =	sld [smem:$0x7E3]  }
0x69: {  	[spmem:s17] =	stream.linear.scatter [tilespmem:s9], [sflag:$0x5], $0x800, $0x38;
	[tilespmem:$0x1E200] =	vst v63  }
0x6a: {  	s11 =	sld [smem:$0x7E4]  }
0x6b: {  	[spmem:s30] =	stream.linear.scatter [tilespmem:s9], [sflag:$0x5], $0x800, $0x38;
	[tilespmem:$0x1E200] =	vst v63  }
0x6c: {  	s16 =	sld [smem:$0x7E5]  }
0x6d: {  	[spmem:s11] =	stream.linear.scatter [tilespmem:s9], [sflag:$0x5], $0x800, $0x38;
	[tilespmem:$0x1E200] =	vst v63  }
0x6e: {  	s17 =	sld [smem:$0x7E6]  }
0x6f: {  	[spmem:s16] =	stream.linear.scatter [tilespmem:s9], [sflag:$0x5], $0x800, $0x38;
	[tilespmem:$0x1E200] =	vst v63  }
0x70: {  	s30 =	sld [smem:$0x7E7]  }
0x71: {  	[spmem:s17] =	stream.linear.scatter [tilespmem:s9], [sflag:$0x5], $0x800, $0x38;
	[tilespmem:$0x1E200] =	vst v63  }
0x72: {  	s11 =	sld [smem:$0x7E8]  }
0x73: {  	[spmem:s30] =	stream.linear.scatter [tilespmem:s9], [sflag:$0x5], $0x800, $0x38;
	[tilespmem:$0x1E200] =	vst v63  }
0x74: {  	s16 =	sld [smem:$0x7E9]  }
0x75: {  	[spmem:s11] =	stream.linear.scatter [tilespmem:s9], [sflag:$0x5], $0x800, $0x38;
	[tilespmem:$0x1E200] =	vst v63  }
0x76: {  	s17 =	sld [smem:$0x7EA]  }
0x77: {  	[spmem:s16] =	stream.linear.scatter [tilespmem:s9], [sflag:$0x5], $0x800, $0x38;
	[tilespmem:$0x1E200] =	vst v63  }
0x78: {  	s30 =	sld [smem:$0x7EB]  }
0x79: {  	[spmem:s17] =	stream.linear.scatter [tilespmem:s9], [sflag:$0x5], $0x800, $0x38;
	[tilespmem:$0x1E200] =	vst v63  }
0x7a: {  	s11 =	sld [smem:$0x7EC]  }
0x7b: {  	[spmem:s30] =	stream.linear.scatter [tilespmem:s9], [sflag:$0x5], $0x800, $0x38;
	[tilespmem:$0x1E200] =	vst v63  }
0x7c: {  	s16 =	sld [smem:$0x7ED]  }
0x7d: {  	[spmem:s11] =	stream.linear.scatter [tilespmem:s9], [sflag:$0x5], $0x800, $0x38;
	[tilespmem:$0x1E200] =	vst v63  }
0x7e: {  	s17 =	sld [smem:$0x7EE]  }
0x7f: {  	[spmem:s16] =	stream.linear.scatter [tilespmem:s9], [sflag:$0x5], $0x800, $0x38;
	[tilespmem:$0x1E200] =	vst v63  }
0x80: {  	s30 =	sld [smem:$0x7EF]  }
0x81: {  	[spmem:s17] =	stream.linear.scatter [tilespmem:s9], [sflag:$0x5], $0x800, $0x38;
	[tilespmem:$0x1E200] =	vst v63  }
0x82: {  	s11 =	sld [smem:$0x7F0]  }
0x83: {  	[spmem:s30] =	stream.linear.scatter [tilespmem:s9], [sflag:$0x5], $0x800, $0x38;
	[tilespmem:$0x1E200] =	vst v63  }
0x84: {  	s16 =	sld [smem:$0x7F1]  }
0x85: {  	[spmem:s11] =	stream.linear.scatter [tilespmem:s9], [sflag:$0x5], $0x800, $0x38;
	[tilespmem:$0x1E200] =	vst v63  }
0x86: {  	s17 =	sld [smem:$0x7F2]  }
0x87: {  	[spmem:s16] =	stream.linear.scatter [tilespmem:s9], [sflag:$0x5], $0x800, $0x38;
	[tilespmem:$0x1E200] =	vst v63  }
0x88: {  	s30 =	sld [smem:$0x7F3]  }
0x89: {  	[spmem:s17] =	stream.linear.scatter [tilespmem:s9], [sflag:$0x5], $0x800, $0x38;
	[tilespmem:$0x1E200] =	vst v63  }
0x8a: {  	s11 =	sld [smem:$0x7F4]  }
0x8b: {  	[spmem:s30] =	stream.linear.scatter [tilespmem:s9], [sflag:$0x5], $0x800, $0x38;
	[tilespmem:$0x1E200] =	vst v63  }
0x8c: {  	s16 =	sld [smem:$0x7F5]  }
0x8d: {  	[spmem:s11] =	stream.linear.scatter [tilespmem:s9], [sflag:$0x5], $0x800, $0x38;
	[tilespmem:$0x1E200] =	vst v63  }
0x8e: {  	s17 =	sld [smem:$0x7F6]  }
0x8f: {  	[spmem:s16] =	stream.linear.scatter [tilespmem:s9], [sflag:$0x5], $0x800, $0x38;
	[tilespmem:$0x1E200] =	vst v63  }
0x90: {  	s30 =	sld [smem:$0x7F7]  }
0x91: {  	[spmem:s17] =	stream.linear.scatter [tilespmem:s9], [sflag:$0x5], $0x800, $0x38;
	[tilespmem:$0x1E200] =	vst v63  }
0x92: {  	s11 =	sld [smem:$0x7F8]  }
0x93: {  	[spmem:s30] =	stream.linear.scatter [tilespmem:s9], [sflag:$0x5], $0x800, $0x38;
	[tilespmem:$0x1E200] =	vst v63  }
0x94: {  	s16 =	sld [smem:$0x7F9]  }
0x95: {  	[spmem:s11] =	stream.linear.scatter [tilespmem:s9], [sflag:$0x5], $0x800, $0x38;
	[tilespmem:$0x1E200] =	vst v63  }
0x96: {  	s17 =	sld [smem:$0x7FA]  }
0x97: {  	[spmem:s16] =	stream.linear.scatter [tilespmem:s9], [sflag:$0x5], $0x800, $0x38;
	[tilespmem:$0x1E200] =	vst v63  }
0x98: {  	s30 =	sld [smem:$0x7FB]  }
0x99: {  	[spmem:s17] =	stream.linear.scatter [tilespmem:s9], [sflag:$0x5], $0x800, $0x38;
	[tilespmem:$0x1E200] =	vst v63  }
0x9a: {  	_ = 	snop  }
0x9b: {  	[spmem:s30] =	stream.linear.scatter [tilespmem:s9], [sflag:$0x5], $0x800, $0x38;
	[tilespmem:$0x1E200] =	vst v63  }
0x9c: {  	_ =	swait.ge [sflag:s23], $0x800  }
0x9d: {  	s8 =	simm.s32 $0x27;
	[sflag:s23] =	ssyncset.done $0x0  }
.LBB2_2:
0x9e: {  	p0 =	sne.s32 s8, $0x1;
	s8 =	sadd.s32 $0xFFFFFFFF, s8;
	[sflag:s23] =	ssyncadd.s32 $0xFFFFF800  }
.Ltmp0:
0x9f: {  	(pc) =	sbr.rel @p0 .LBB2_2-.Ltmp0, $3  }
0xa0: {  	_ =	sdelay $0x1  }
0xa1: {  	_ =	swait.ge [sflag:s23], $0x800  }
0xa2: {  	[sflag:s23] =	ssyncset.done $0x0  }
0xa3: {  	[sflag:s23] =	ssyncadd.s32 $0xFFFFF800  }
0xa4: {  	[bflag:$0x0] =	sbarrier.arrive $0xFFFF  }
0xa5: {  	s8 =	rddreg [dreg:$0x7]  }
0xa6: {  	[tilespmem:s3], [sflag:$0x1] =	stream.linear.gather [hbm4b:s8+s3], $0x80, $0x38;
	[tilespmem:$0x1E200] =	vst v63  }
0xa7: {  	s9 =	rddreg [dreg:$0x8]  }
0xa8: {  	[tilespmem:s24], [sflag:$0x3] =	stream.linear.gather [hbm4b:s9+s3], $0x80, $0x38;
	[tilespmem:$0x1E200] =	vst v63  }
0xa9: {  	s11 =	rddreg [dreg:$0x9]  }
0xaa: {  	[tilespmem:s25], [sflag:$0x2] =	stream.linear.gather [hbm4b:s11+s3], $0x80, $0x38;
	[tilespmem:$0x1E200] =	vst v63  }
0xab: {  	s8 =	simm.s32 $0x180;
	s9 =	rddreg [dreg:$0x14]  }
0xac: {  	[tilespmem:s8], [sflag:$0x4] =	stream.linear.gather [hbm4b:s9+s3], $0x80, $0x38;
	[tilespmem:$0x1E200] =	vst v63  }
0xad: {  	_ =	swait.ge [sflag:s26], $0x80  }
0xae: {  	[sflag:s26] =	ssyncset.done $0x0  }
0xaf: {  	[sflag:s26] =	ssyncadd.s32 $0xFFFFFF80  }
0xb0: {  	[tilespmem:s28], [sflag:$0x5] =	stream.indirect.gather [hbm4b:s5+s24], $0x80, s3, s24, $0xb8;
	[tilespmem:$0x1E200] =	vst v63  }
0xb1: {  	_ =	swait.ge [sflag:s29], $0x80  }
0xb2: {  	[sflag:s29] =	ssyncset.done $0x0  }
0xb3: {  	[sflag:s29] =	ssyncadd.s32 $0xFFFFFF80  }
0xb4: {  	[tilespmem:s31], [sflag:$0x6] =	stream.indirect.gather [hbm4b:s5+s24], $0x80, s25, s24, $0xb8;
	[tilespmem:$0x1E200] =	vst v63  }
0xb5: {  	_ =	swait.ge [sflag:s23], $0x4000  }
0xb6: {  	[sflag:s23] =	ssyncset.done $0x0  }
0xb7: {  	[sflag:s23] =	ssyncadd.s32 $0xFFFFC000  }
0xb8: {  	s16 =	simm.s32 $0x100;
	_ =	swait.ge [sflag:s0], $0x80  }
0xb9: {  	s11 =	sand.u32 $0x7C00, s16;
	[sflag:s0] =	ssyncset.done $0x0  }
0xba: {  	s9 =	sand.u32 $0x300, s16;
	s16 =	sadd.s32 s13, s11;
	[sflag:s0] =	ssyncadd.s32 $0xFFFFFF80  }
0xbb: {  	[spmem:s2] =	stream.indirect.scatter.add.f32 [tilespmem:s28], [sflag:$0x9], $0x80, s24, s24, $0xb8;
	[tilespmem:$0x1E200] =	vst v63  }
0xbc: {  	s11 =	sadd.s32 s10, s11;
	s16 =	sor.u32 s9, s16;
	_ =	swait.ge [sflag:s22], $0x4000  }
0xbd: {  	s9 =	sor.u32 s9, s11;
	s17 =	sshrl.u32 s16, $0x3;
	[sflag:s22] =	ssyncset.done $0x0  }
0xbe: {  	s9 =	sshrl.u32 s9, $0x3;
	s11 =	sadd.s32 s6, s17;
	[sflag:s22] =	ssyncadd.s32 $0xFFFFC000  }
0xbf: {  	[tilespmem:s3], [sflag:$0x1] =	stream.linear.gather [hbm4b:s11+s3], $0x80, $0x38;
	[tilespmem:$0x1E200] =	vst v63  }
0xc0: {  	s9 =	sadd.s32 s7, s9  }
0xc1: {  	[tilespmem:s24], [sflag:$0x3] =	stream.linear.gather [hbm4b:s9+s3], $0x80, $0x38;
	[tilespmem:$0x1E200] =	vst v63  }
0xc2: {  	_ =	swait.ge [sflag:s1], $0x4000  }
0xc3: {  	[sflag:s1] =	ssyncset.done $0x0  }
0xc4: {  	[sflag:s1] =	ssyncadd.s32 $0xFFFFC000  }
0xc5: {  	s30 =	sand.u32 $0x7C00, s8;
	_ =	swait.ge [sflag:s4], $0x80  }
0xc6: {  	s8 =	sand.u32 $0x380, s8;
	s16 =	sadd.s32 s13, s30;
	[sflag:s4] =	ssyncset.done $0x0  }
0xc7: {  	s11 =	sor.u32 s8, s16;
	s9 =	sadd.s32 s10, s30;
	[sflag:s4] =	ssyncadd.s32 $0xFFFFFF80  }
0xc8: {  	[spmem:s2] =	stream.indirect.scatter.add.f32 [tilespmem:s31], [sflag:$0x9], $0x80, s20, s24, $0xb8;
	[tilespmem:$0x1E200] =	vst v63  }
0xc9: {  	s11 =	sshrl.u32 s11, $0x3;
	s8 =	sor.u32 s8, s9;
	_ =	swait.ge [sflag:s22], $0x4000  }
0xca: {  	s17 =	sadd.s32 s6, s11;
	s30 =	sshrl.u32 s8, $0x3;
	[sflag:s22] =	ssyncset.done $0x0  }
0xcb: {  	s8 =	simm.s32 $0x280;
	s11 =	sadd.s32 s7, s30;
	[sflag:s22] =	ssyncadd.s32 $0xFFFFC000  }
0xcc: {  	[tilespmem:s25], [sflag:$0x2] =	stream.linear.gather [hbm4b:s17+s3], $0x80, $0x38;
	[tilespmem:$0x1E200] =	vst v63  }
.LBB2_4:
0xcd: {  	p0 =	sne.s32 s8, $0x2880;
	s9 =	smov.u32 s8;
	s8 =	sadd.s32 $0x100, s8  }
0xce: {  	[tilespmem:s20], [sflag:$0x4] =	stream.linear.gather [hbm4b:s11+s3], $0x80, $0x38;
	[tilespmem:$0x1E200] =	vst v63  }
0xcf: {  	_ =	swait.ge [sflag:s26], $0x80  }
0xd0: {  	[sflag:s26] =	ssyncset.done $0x0  }
0xd1: {  	[sflag:s26] =	ssyncadd.s32 $0xFFFFFF80  }
0xd2: {  	[tilespmem:s28], [sflag:$0x5] =	stream.indirect.gather [hbm4b:s5+s24], $0x80, s3, s24, $0xb8;
	[tilespmem:$0x1E200] =	vst v63  }
0xd3: {  	_ =	swait.ge [sflag:s29], $0x80  }
0xd4: {  	[sflag:s29] =	ssyncset.done $0x0  }
0xd5: {  	[sflag:s29] =	ssyncadd.s32 $0xFFFFFF80  }
0xd6: {  	[tilespmem:s31], [sflag:$0x6] =	stream.indirect.gather [hbm4b:s5+s24], $0x80, s25, s24, $0xb8;
	[tilespmem:$0x1E200] =	vst v63  }
0xd7: {  	_ =	swait.ge [sflag:s23], $0x4000  }
0xd8: {  	[sflag:s23] =	ssyncset.done $0x0  }
0xd9: {  	[sflag:s23] =	ssyncadd.s32 $0xFFFFC000  }
0xda: {  	_ =	swait.ge [sflag:s0], $0x80  }
0xdb: {  	s11 =	sadd.s32 $0xFFFFFF80, s9;
	[sflag:s0] =	ssyncset.done $0x0  }
0xdc: {  	s16 =	sand.u32 $0x7C00, s11;
	s11 =	sand.u32 $0x300, s11;
	[sflag:s0] =	ssyncadd.s32 $0xFFFFFF80  }
0xdd: {  	[spmem:s2] =	stream.indirect.scatter.add.f32 [tilespmem:s28], [sflag:$0x9], $0x80, s24, s24, $0xb8;
	[tilespmem:$0x1E200] =	vst v63  }
0xde: {  	s30 =	sadd.s32 s13, s16;
	s16 =	sadd.s32 s10, s16;
	_ =	swait.ge [sflag:s22], $0x4000  }
0xdf: {  	s30 =	sor.u32 s11, s30;
	s11 =	sor.u32 s11, s16;
	[sflag:s22] =	ssyncset.done $0x0  }
0xe0: {  	s16 =	sshrl.u32 s30, $0x3;
	s11 =	sshrl.u32 s11, $0x3;
	[sflag:s22] =	ssyncadd.s32 $0xFFFFC000  }
0xe1: {  	s16 =	sadd.s32 s6, s16;
	s11 =	sadd.s32 s7, s11  }
0xe2: {  	[tilespmem:s3], [sflag:$0x1] =	stream.linear.gather [hbm4b:s16+s3], $0x80, $0x38;
	[tilespmem:$0x1E200] =	vst v63  }
0xe3: {  	_ = 	snop  }
0xe4: {  	[tilespmem:s24], [sflag:$0x3] =	stream.linear.gather [hbm4b:s11+s3], $0x80, $0x38;
	[tilespmem:$0x1E200] =	vst v63  }
0xe5: {  	_ =	swait.ge [sflag:s1], $0x4000  }
0xe6: {  	[sflag:s1] =	ssyncset.done $0x0  }
0xe7: {  	[sflag:s1] =	ssyncadd.s32 $0xFFFFC000  }
0xe8: {  	_ =	swait.ge [sflag:s4], $0x80  }
0xe9: {  	s11 =	sand.u32 $0x7C00, s9;
	s9 =	sand.u32 $0x380, s9;
	[sflag:s4] =	ssyncset.done $0x0  }
0xea: {  	s16 =	sadd.s32 s13, s11;
	s11 =	sadd.s32 s10, s11;
	[sflag:s4] =	ssyncadd.s32 $0xFFFFFF80  }
0xeb: {  	[spmem:s2] =	stream.indirect.scatter.add.f32 [tilespmem:s31], [sflag:$0x9], $0x80, s20, s24, $0xb8;
	[tilespmem:$0x1E200] =	vst v63  }
.Ltmp1:
0xec: {  	_ = 	snop;
	(pc) =	sbr.rel @p0 .LBB2_4-.Ltmp1, $4  }
0xed: {  	s16 =	sor.u32 s9, s16;
	s9 =	sor.u32 s9, s11;
	_ =	swait.ge [sflag:s22], $0x4000  }
0xee: {  	s11 =	sshrl.u32 s16, $0x3;
	s9 =	sshrl.u32 s9, $0x3;
	[sflag:s22] =	ssyncset.done $0x0  }
0xef: {  	s16 =	sadd.s32 s6, s11;
	s11 =	sadd.s32 s7, s9;
	[sflag:s22] =	ssyncadd.s32 $0xFFFFC000  }
0xf0: {  	[tilespmem:s25], [sflag:$0x2] =	stream.linear.gather [hbm4b:s16+s3], $0x80, $0x38;
	[tilespmem:$0x1E200] =	vst v63  }
0xf1: {  	[tilespmem:s20], [sflag:$0x4] =	stream.linear.gather [hbm4b:s11+s3], $0x80, $0x38;
	[tilespmem:$0x1E200] =	vst v63  }
0xf2: {  	_ =	swait.ge [sflag:s26], $0x80  }
0xf3: {  	[sflag:s26] =	ssyncset.done $0x0  }
0xf4: {  	[sflag:s26] =	ssyncadd.s32 $0xFFFFFF80  }
0xf5: {  	_ =	swait.ge [sflag:s0], $0x80  }
0xf6: {  	[sflag:s0] =	ssyncset.done $0x0  }
0xf7: {  	[sflag:s0] =	ssyncadd.s32 $0xFFFFFF80  }
0xf8: {  	_ =	swait.ge [sflag:s29], $0x80  }
0xf9: {  	[sflag:s29] =	ssyncset.done $0x0  }
0xfa: {  	[sflag:s29] =	ssyncadd.s32 $0xFFFFFF80  }
0xfb: {  	_ =	swait.ge [sflag:s4], $0x80  }
0xfc: {  	[sflag:s4] =	ssyncset.done $0x0  }
0xfd: {  	[sflag:s4] =	ssyncadd.s32 $0xFFFFFF80  }
0xfe: {  	s8 =	simm.s32 $0x8200;
	[bflag:$0x0] =	sbarrier.arrive $0xFFFF  }
0xff: {  	[tilespmem:s8], [sflag:$0x5] =	stream.linear.gather [spmem:s14], $0x800, $0x38;
	[tilespmem:$0x1E200] =	vst v63  }
0x100: {  	s30 =	simm.s32 $0x9200;
	s8 =	simm.s32 $0x0;
	s9 =	rddreg [dreg:$0xe]  }
0x101: {  	[tilespmem:s30], [sflag:$0x1] =	stream.linear.gather [hbm4b:s9+s8], $0x800, $0x38;
	[tilespmem:$0x1E200] =	vst v63  }
0x102: {  	s16 =	rddreg [dreg:$0x15]  }
0x103: {  	[tilespmem:s15], [sflag:$0x6] =	stream.linear.gather [spmem:s16], $0x800, $0x38;
	[tilespmem:$0x1E200] =	vst v63  }
0x104: {  	s17 =	rddreg [dreg:$0x10];
	s30 =	simm.s32 $0x9A00  }
0x105: {  	[tilespmem:s30], [sflag:$0x2] =	stream.linear.gather [hbm4b:s17+s8], $0x800, $0x38;
	[tilespmem:$0x1E200] =	vst v63  }
.LBB2_6:
0x106: {  	_ =	swait.ge [sflag:s23], $0x800  }
0x107: {  	[sflag:s23] =	ssyncset.done $0x0  }
0x108: {  	[sflag:s23] =	ssyncadd.s32 $0xFFFFF800  }
0x109: {  	_ =	swait.ge [sflag:s26], $0x800  }
0x10a: {  	[sflag:s26] =	ssyncset.done $0x0  }
0x10b: {  	s11 =	simm.s32 $0x0;
	[sflag:s26] =	ssyncadd.s32 $0xFFFFF800  }
0x10c: {  	v0 =	vld [tilespmem:s11+$0x9200]  }
0x10d: {  	v4 =	vld [tilespmem:s11+$0x8200]  }
0x10e: {  	v6 =	vld [tilespmem:s11+$0x8210]  }
0x10f: {  	v5 =	vld [tilespmem:s11+$0x8220]  }
0x110: {  	v3 =	vld [tilespmem:s11+$0x8230]  }
0x111: {  	v1 =	vld [tilespmem:s11+$0x8240]  }
0x112: {  	v2 =	vld [tilespmem:s11+$0x8250];
	v7 =	vmul.f32 v4, v0  }
0x113: {  	s9 =	simm.s32 $0x200;
	v6 =	vmul.f32 v6, v0;
	v4 =	vld [tilespmem:s11+$0x8260]  }
.LBB2_7:
0x114: {  	s16 =	sshra.s32 s9, $0x2;
	p0 =	sne.s32 s9, $0x1E00;
	[tilespmem:s11+$0x8200] =	vst v7;
	v5 =	vmul.f32 v5, v0;
	v7 =	vld [tilespmem:s11+$0x8270]  }
0x115: {  	v8 =	vld [tilespmem:s16+$0x9200];
	[tilespmem:s11+$0x8210] =	vst v6;
	v3 =	vmul.f32 v3, v0  }
0x116: {  	v6 =	vld [tilespmem:s16+$0x8200];
	[tilespmem:s11+$0x8220] =	vst v5;
	v1 =	vmul.f32 v1, v0  }
0x117: {  	v9 =	vld [tilespmem:s16+$0x8210];
	[tilespmem:s11+$0x8230] =	vst v3;
	v2 =	vmul.f32 v2, v0  }
.Ltmp2:
0x118: {  	v5 =	vld [tilespmem:s16+$0x8220];
	[tilespmem:s11+$0x8240] =	vst v1;
	v4 =	vmul.f32 v4, v0;
	(pc) =	sbr.rel @p0 .LBB2_7-.Ltmp2, $4  }
0x119: {  	v3 =	vld [tilespmem:s16+$0x8230];
	[tilespmem:s11+$0x8250] =	vst v2;
	v10 =	vmul.f32 v7, v0  }
0x11a: {  	v1 =	vld [tilespmem:s16+$0x8240];
	[tilespmem:s11+$0x8260] =	vst v4;
	v0 =	vmov v8  }
0x11b: {  	v7 =	vmul.f32 v6, v0;
	v2 =	vld [tilespmem:s16+$0x8250];
	[tilespmem:s11+$0x8270] =	vst v10;
	s11 =	smov.u32 s16  }
0x11c: {  	s9 =	sadd.s32 $0x200, s9;
	v6 =	vmul.f32 v9, v0;
	v4 =	vld [tilespmem:s11+$0x8260]  }
0x11d: {  	[tilespmem:s11+$0x8200] =	vst v7;
	v5 =	vmul.f32 v5, v0;
	v7 =	vld [tilespmem:s11+$0x8270]  }
0x11e: {  	[tilespmem:s11+$0x8210] =	vst v6;
	v3 =	vmul.f32 v3, v0  }
0x11f: {  	[tilespmem:s11+$0x8220] =	vst v5;
	v1 =	vmul.f32 v1, v0  }
0x120: {  	[tilespmem:s11+$0x8230] =	vst v3;
	v2 =	vmul.f32 v2, v0  }
0x121: {  	[tilespmem:s11+$0x8240] =	vst v1;
	v1 =	vmul.f32 v4, v0  }
0x122: {  	[tilespmem:s11+$0x8250] =	vst v2;
	v0 =	vmul.f32 v7, v0  }
0x123: {  	s9 =	sshll.u32 s8, $0x9;
	s30 =	rddreg [dreg:$0xa];
	[tilespmem:s11+$0x8260] =	vst v1  }
0x124: {  	s16 =	simm.s32 $0x0;
	s15 =	simm.s32 $0x8200;
	[tilespmem:s11+$0x8270] =	vst v0;
	s11 =	sadd.s32 s9, s30  }
0x125: {  	[hbm4b:s11+s16] =	stream.linear.scatter [tilespmem:s15], [sflag:$0x7], $0x800, $0x38;
	[tilespmem:$0x1E200] =	vst v63  }
0x126: {  	_ =	swait.ge [sflag:s1], $0x800  }
0x127: {  	[sflag:s1] =	ssyncset.done $0x0  }
0x128: {  	[sflag:s1] =	ssyncadd.s32 $0xFFFFF800  }
0x129: {  	_ =	swait.ge [sflag:s29], $0x800  }
0x12a: {  	[sflag:s29] =	ssyncset.done $0x0  }
0x12b: {  	s11 =	simm.s32 $0x0;
	[sflag:s29] =	ssyncadd.s32 $0xFFFFF800  }
0x12c: {  	v0 =	vld [tilespmem:s11+$0x9A00]  }
0x12d: {  	v4 =	vld [tilespmem:s11+$0x8A00]  }
0x12e: {  	v6 =	vld [tilespmem:s11+$0x8A10]  }
0x12f: {  	v5 =	vld [tilespmem:s11+$0x8A20]  }
0x130: {  	v3 =	vld [tilespmem:s11+$0x8A30]  }
0x131: {  	v1 =	vld [tilespmem:s11+$0x8A40]  }
0x132: {  	v2 =	vld [tilespmem:s11+$0x8A50];
	v7 =	vmul.f32 v4, v0  }
0x133: {  	s16 =	simm.s32 $0x200;
	v6 =	vmul.f32 v6, v0;
	v4 =	vld [tilespmem:s11+$0x8A60]  }
.LBB2_9:
0x134: {  	s30 =	sshra.s32 s16, $0x2;
	p0 =	sne.s32 s16, $0x1E00;
	[tilespmem:s11+$0x8A00] =	vst v7;
	v5 =	vmul.f32 v5, v0;
	v7 =	vld [tilespmem:s11+$0x8A70]  }
0x135: {  	v8 =	vld [tilespmem:s30+$0x9A00];
	[tilespmem:s11+$0x8A10] =	vst v6;
	v3 =	vmul.f32 v3, v0  }
0x136: {  	v6 =	vld [tilespmem:s30+$0x8A00];
	[tilespmem:s11+$0x8A20] =	vst v5;
	v1 =	vmul.f32 v1, v0  }
0x137: {  	v9 =	vld [tilespmem:s30+$0x8A10];
	[tilespmem:s11+$0x8A30] =	vst v3;
	v2 =	vmul.f32 v2, v0  }
.Ltmp3:
0x138: {  	v5 =	vld [tilespmem:s30+$0x8A20];
	[tilespmem:s11+$0x8A40] =	vst v1;
	v4 =	vmul.f32 v4, v0;
	(pc) =	sbr.rel @p0 .LBB2_9-.Ltmp3, $4  }
0x139: {  	v3 =	vld [tilespmem:s30+$0x8A30];
	[tilespmem:s11+$0x8A50] =	vst v2;
	v10 =	vmul.f32 v7, v0  }
0x13a: {  	v1 =	vld [tilespmem:s30+$0x8A40];
	[tilespmem:s11+$0x8A60] =	vst v4;
	v0 =	vmov v8  }
0x13b: {  	v7 =	vmul.f32 v6, v0;
	v2 =	vld [tilespmem:s30+$0x8A50];
	[tilespmem:s11+$0x8A70] =	vst v10;
	s11 =	smov.u32 s30  }
0x13c: {  	s16 =	sadd.s32 $0x200, s16;
	v6 =	vmul.f32 v9, v0;
	v4 =	vld [tilespmem:s11+$0x8A60]  }
0x13d: {  	[tilespmem:s11+$0x8A00] =	vst v7;
	v5 =	vmul.f32 v5, v0;
	v61 =	vld [tilespmem:s11+$0x8A70]  }
0x13e: {  	[tilespmem:s11+$0x8A10] =	vst v6;
	v3 =	vmul.f32 v3, v0  }
0x13f: {  	[tilespmem:s11+$0x8A20] =	vst v5;
	v1 =	vmul.f32 v1, v0  }
0x140: {  	[tilespmem:s11+$0x8A30] =	vst v3;
	v2 =	vmul.f32 v2, v0  }
0x141: {  	s16 =	sld [smem:$0x7FC];
	[tilespmem:s11+$0x8A40] =	vst v1;
	v62 =	vmul.f32 v4, v0  }
0x142: {  	[tilespmem:s11+$0x8A50] =	vst v2;
	v63 =	vmul.f32 v61, v0  }
0x143: {  	[tilespmem:s11+$0x8A60] =	vst v62  }
0x144: {  	s17 =	simm.s32 $0x8A00;
	s9 =	sadd.s32 s16, s9;
	[tilespmem:s11+$0x8A70] =	vst v63;
	s11 =	sshll.u32 s8, $0x1  }
0x145: {  	[hbm4b:s9+s3] =	stream.linear.scatter [tilespmem:s17], [sflag:$0x8], $0x800, $0x38;
	[tilespmem:$0x1E200] =	vst v63  }
0x146: {  	s15 =	simm.s32 $0x7;
	s30 =	smin.u32 s11, $0x25  }
0x147: {  	_ =	swait.ge [sflag:s15], $0x800;
	s9 =	sshll.u32 s30, $0xB  }
0x148: {  	s30 =	simm.s32 $0x8200;
	[sflag:s15] =	ssyncset.done $0x0;
	s9 =	sadd.s32 $0x1000, s9  }
0x149: {  	[sflag:s15] =	ssyncadd.s32 $0xFFFFF800;
	s15 =	sadd.s32 s9, s14;
	s9 =	sadd.s32 s18, s9  }
0x14a: {  	[tilespmem:s30], [sflag:$0x5] =	stream.linear.gather [spmem:s15], $0x800, $0x38;
	[tilespmem:$0x1E200] =	vst v63  }
0x14b: {  	s11 =	smin.u32 s11, $0x24;
	s16 =	rddreg [dreg:$0x4];
	s9 =	sshrl.u32 s9, $0x3  }
0x14c: {  	s30 =	simm.s32 $0x9200;
	s15 =	simm.s32 $0x8;
	s9 =	sadd.s32 s16, s9  }
0x14d: {  	[tilespmem:s30], [sflag:$0x1] =	stream.linear.gather [hbm4b:s9+s3], $0x800, $0x38;
	[tilespmem:$0x1E200] =	vst v63  }
0x14e: {  	s8 =	sadd.s32 $0x1, s8;
	s9 =	sshll.u32 s11, $0xB;
	_ =	swait.ge [sflag:s15], $0x800  }
0x14f: {  	p0 =	sne.s32 s8, $0x14;
	s9 =	sadd.s32 $0x1800, s9;
	[sflag:s15] =	ssyncset.done $0x0  }
.Ltmp4:
0x150: {  	s30 =	sadd.s32 s9, s14;
	s9 =	sadd.s32 s18, s9;
	(pc) =	sbr.rel @p0 .LBB2_6-.Ltmp4, $4  }
0x151: {  	[sflag:s15] =	ssyncadd.s32 $0xFFFFF800;
	s9 =	sshrl.u32 s9, $0x3  }
0x152: {  	[tilespmem:s17], [sflag:$0x6] =	stream.linear.gather [spmem:s30], $0x800, $0x38;
	[tilespmem:$0x1E200] =	vst v63  }
0x153: {  	s15 =	simm.s32 $0x8A00;
	s9 =	sadd.s32 s16, s9;
	s30 =	simm.s32 $0x9A00  }
0x154: {  	[tilespmem:s30], [sflag:$0x2] =	stream.linear.gather [hbm4b:s9+s3], $0x800, $0x38;
	[tilespmem:$0x1E200] =	vst v63  }
0x155: {  	_ =	swait.ge [sflag:s23], $0x800  }
0x156: {  	[sflag:s23] =	ssyncset.done $0x0  }
0x157: {  	[sflag:s23] =	ssyncadd.s32 $0xFFFFF800  }
0x158: {  	_ =	swait.ge [sflag:s26], $0x800  }
0x159: {  	[sflag:s26] =	ssyncset.done $0x0  }
0x15a: {  	[sflag:s26] =	ssyncadd.s32 $0xFFFFF800  }
0x15b: {  	_ =	swait.ge [sflag:s1], $0x800  }
0x15c: {  	[sflag:s1] =	ssyncset.done $0x0  }
0x15d: {  	[sflag:s1] =	ssyncadd.s32 $0xFFFFF800  }
0x15e: {  	_ =	swait.ge [sflag:s29], $0x800  }
0x15f: {  	[sflag:s29] =	ssyncset.done $0x0  }
0x160: {  	[sflag:s29] =	ssyncadd.s32 $0xFFFFF800  }
0x161: {  	s9 =	simm.s32 $0x8200;
	s8 =	rddreg [dreg:$0x1]  }
0x162: {  	[tilespmem:s9], [sflag:$0x9] =	stream.linear.gather [hbm4b:s8+s3], $0x800, $0x38;
	[tilespmem:$0x1E200] =	vst v63  }
0x163: {  	_ =	swait.ge [sflag:s22], $0x800  }
0x164: {  	[sflag:s22] =	ssyncset.done $0x0  }
0x165: {  	s16 =	rddreg [dreg:$0x15];
	[sflag:s22] =	ssyncadd.s32 $0xFFFFF800  }
0x166: {  	[spmem:s14] =	stream.linear.scatter [tilespmem:s9], [sflag:$0x5], $0x800, $0x38;
	[tilespmem:$0x1E200] =	vst v63  }
0x167: {  	s17 =	rddreg [dreg:$0x17]  }
0x168: {  	[spmem:s16] =	stream.linear.scatter [tilespmem:s9], [sflag:$0x5], $0x800, $0x38;
	[tilespmem:$0x1E200] =	vst v63  }
0x169: {  	s30 =	rddreg [dreg:$0x18]  }
0x16a: {  	[spmem:s17] =	stream.linear.scatter [tilespmem:s9], [sflag:$0x5], $0x800, $0x38;
	[tilespmem:$0x1E200] =	vst v63  }
0x16b: {  	s11 =	rddreg [dreg:$0x19]  }
0x16c: {  	[spmem:s30] =	stream.linear.scatter [tilespmem:s9], [sflag:$0x5], $0x800, $0x38;
	[tilespmem:$0x1E200] =	vst v63  }
0x16d: {  	s16 =	rddreg [dreg:$0x1a]  }
0x16e: {  	[spmem:s11] =	stream.linear.scatter [tilespmem:s9], [sflag:$0x5], $0x800, $0x38;
	[tilespmem:$0x1E200] =	vst v63  }
0x16f: {  	s17 =	rddreg [dreg:$0x1b]  }
0x170: {  	[spmem:s16] =	stream.linear.scatter [tilespmem:s9], [sflag:$0x5], $0x800, $0x38;
	[tilespmem:$0x1E200] =	vst v63  }
0x171: {  	s30 =	rddreg [dreg:$0x1c]  }
0x172: {  	[spmem:s17] =	stream.linear.scatter [tilespmem:s9], [sflag:$0x5], $0x800, $0x38;
	[tilespmem:$0x1E200] =	vst v63  }
0x173: {  	s11 =	rddreg [dreg:$0x1d]  }
0x174: {  	[spmem:s30] =	stream.linear.scatter [tilespmem:s9], [sflag:$0x5], $0x800, $0x38;
	[tilespmem:$0x1E200] =	vst v63  }
0x175: {  	s16 =	rddreg [dreg:$0x1e]  }
0x176: {  	[spmem:s11] =	stream.linear.scatter [tilespmem:s9], [sflag:$0x5], $0x800, $0x38;
	[tilespmem:$0x1E200] =	vst v63  }
0x177: {  	s17 =	rddreg [dreg:$0x1f]  }
0x178: {  	[spmem:s16] =	stream.linear.scatter [tilespmem:s9], [sflag:$0x5], $0x800, $0x38;
	[tilespmem:$0x1E200] =	vst v63  }
0x179: {  	s30 =	sld [smem:$0x7DF]  }
0x17a: {  	[spmem:s17] =	stream.linear.scatter [tilespmem:s9], [sflag:$0x5], $0x800, $0x38;
	[tilespmem:$0x1E200] =	vst v63  }
0x17b: {  	s11 =	sld [smem:$0x7E0]  }
0x17c: {  	[spmem:s30] =	stream.linear.scatter [tilespmem:s9], [sflag:$0x5], $0x800, $0x38;
	[tilespmem:$0x1E200] =	vst v63  }
0x17d: {  	s16 =	sld [smem:$0x7E1]  }
0x17e: {  	[spmem:s11] =	stream.linear.scatter [tilespmem:s9], [sflag:$0x5], $0x800, $0x38;
	[tilespmem:$0x1E200] =	vst v63  }
0x17f: {  	s17 =	sld [smem:$0x7E2]  }
0x180: {  	[spmem:s16] =	stream.linear.scatter [tilespmem:s9], [sflag:$0x5], $0x800, $0x38;
	[tilespmem:$0x1E200] =	vst v63  }
0x181: {  	s30 =	sld [smem:$0x7E3]  }
0x182: {  	[spmem:s17] =	stream.linear.scatter [tilespmem:s9], [sflag:$0x5], $0x800, $0x38;
	[tilespmem:$0x1E200] =	vst v63  }
0x183: {  	s11 =	sld [smem:$0x7E4]  }
0x184: {  	[spmem:s30] =	stream.linear.scatter [tilespmem:s9], [sflag:$0x5], $0x800, $0x38;
	[tilespmem:$0x1E200] =	vst v63  }
0x185: {  	s16 =	sld [smem:$0x7E5]  }
0x186: {  	[spmem:s11] =	stream.linear.scatter [tilespmem:s9], [sflag:$0x5], $0x800, $0x38;
	[tilespmem:$0x1E200] =	vst v63  }
0x187: {  	s17 =	sld [smem:$0x7E6]  }
0x188: {  	[spmem:s16] =	stream.linear.scatter [tilespmem:s9], [sflag:$0x5], $0x800, $0x38;
	[tilespmem:$0x1E200] =	vst v63  }
0x189: {  	s30 =	sld [smem:$0x7E7]  }
0x18a: {  	[spmem:s17] =	stream.linear.scatter [tilespmem:s9], [sflag:$0x5], $0x800, $0x38;
	[tilespmem:$0x1E200] =	vst v63  }
0x18b: {  	s11 =	sld [smem:$0x7E8]  }
0x18c: {  	[spmem:s30] =	stream.linear.scatter [tilespmem:s9], [sflag:$0x5], $0x800, $0x38;
	[tilespmem:$0x1E200] =	vst v63  }
0x18d: {  	s16 =	sld [smem:$0x7E9]  }
0x18e: {  	[spmem:s11] =	stream.linear.scatter [tilespmem:s9], [sflag:$0x5], $0x800, $0x38;
	[tilespmem:$0x1E200] =	vst v63  }
0x18f: {  	s17 =	sld [smem:$0x7EA]  }
0x190: {  	[spmem:s16] =	stream.linear.scatter [tilespmem:s9], [sflag:$0x5], $0x800, $0x38;
	[tilespmem:$0x1E200] =	vst v63  }
0x191: {  	s30 =	sld [smem:$0x7EB]  }
0x192: {  	[spmem:s17] =	stream.linear.scatter [tilespmem:s9], [sflag:$0x5], $0x800, $0x38;
	[tilespmem:$0x1E200] =	vst v63  }
0x193: {  	s11 =	sld [smem:$0x7EC]  }
0x194: {  	[spmem:s30] =	stream.linear.scatter [tilespmem:s9], [sflag:$0x5], $0x800, $0x38;
	[tilespmem:$0x1E200] =	vst v63  }
0x195: {  	s16 =	sld [smem:$0x7ED]  }
0x196: {  	[spmem:s11] =	stream.linear.scatter [tilespmem:s9], [sflag:$0x5], $0x800, $0x38;
	[tilespmem:$0x1E200] =	vst v63  }
0x197: {  	s17 =	sld [smem:$0x7EE]  }
0x198: {  	[spmem:s16] =	stream.linear.scatter [tilespmem:s9], [sflag:$0x5], $0x800, $0x38;
	[tilespmem:$0x1E200] =	vst v63  }
0x199: {  	s30 =	sld [smem:$0x7EF]  }
0x19a: {  	[spmem:s17] =	stream.linear.scatter [tilespmem:s9], [sflag:$0x5], $0x800, $0x38;
	[tilespmem:$0x1E200] =	vst v63  }
0x19b: {  	s11 =	sld [smem:$0x7F0]  }
0x19c: {  	[spmem:s30] =	stream.linear.scatter [tilespmem:s9], [sflag:$0x5], $0x800, $0x38;
	[tilespmem:$0x1E200] =	vst v63  }
0x19d: {  	s16 =	sld [smem:$0x7F1]  }
0x19e: {  	[spmem:s11] =	stream.linear.scatter [tilespmem:s9], [sflag:$0x5], $0x800, $0x38;
	[tilespmem:$0x1E200] =	vst v63  }
0x19f: {  	s17 =	sld [smem:$0x7F2]  }
0x1a0: {  	[spmem:s16] =	stream.linear.scatter [tilespmem:s9], [sflag:$0x5], $0x800, $0x38;
	[tilespmem:$0x1E200] =	vst v63  }
0x1a1: {  	s30 =	sld [smem:$0x7F3]  }
0x1a2: {  	[spmem:s17] =	stream.linear.scatter [tilespmem:s9], [sflag:$0x5], $0x800, $0x38;
	[tilespmem:$0x1E200] =	vst v63  }
0x1a3: {  	s11 =	sld [smem:$0x7F4]  }
0x1a4: {  	[spmem:s30] =	stream.linear.scatter [tilespmem:s9], [sflag:$0x5], $0x800, $0x38;
	[tilespmem:$0x1E200] =	vst v63  }
0x1a5: {  	s16 =	sld [smem:$0x7F5]  }
0x1a6: {  	[spmem:s11] =	stream.linear.scatter [tilespmem:s9], [sflag:$0x5], $0x800, $0x38;
	[tilespmem:$0x1E200] =	vst v63  }
0x1a7: {  	s17 =	sld [smem:$0x7F6]  }
0x1a8: {  	[spmem:s16] =	stream.linear.scatter [tilespmem:s9], [sflag:$0x5], $0x800, $0x38;
	[tilespmem:$0x1E200] =	vst v63  }
0x1a9: {  	s30 =	sld [smem:$0x7F7]  }
0x1aa: {  	[spmem:s17] =	stream.linear.scatter [tilespmem:s9], [sflag:$0x5], $0x800, $0x38;
	[tilespmem:$0x1E200] =	vst v63  }
0x1ab: {  	s11 =	sld [smem:$0x7F8]  }
0x1ac: {  	[spmem:s30] =	stream.linear.scatter [tilespmem:s9], [sflag:$0x5], $0x800, $0x38;
	[tilespmem:$0x1E200] =	vst v63  }
0x1ad: {  	s16 =	sld [smem:$0x7F9]  }
0x1ae: {  	[spmem:s11] =	stream.linear.scatter [tilespmem:s9], [sflag:$0x5], $0x800, $0x38;
	[tilespmem:$0x1E200] =	vst v63  }
0x1af: {  	s17 =	sld [smem:$0x7FA]  }
0x1b0: {  	[spmem:s16] =	stream.linear.scatter [tilespmem:s9], [sflag:$0x5], $0x800, $0x38;
	[tilespmem:$0x1E200] =	vst v63  }
0x1b1: {  	s30 =	sld [smem:$0x7FB]  }
0x1b2: {  	[spmem:s17] =	stream.linear.scatter [tilespmem:s9], [sflag:$0x5], $0x800, $0x38;
	[tilespmem:$0x1E200] =	vst v63  }
0x1b3: {  	_ = 	snop  }
0x1b4: {  	[spmem:s30] =	stream.linear.scatter [tilespmem:s9], [sflag:$0x5], $0x800, $0x38;
	[tilespmem:$0x1E200] =	vst v63  }
0x1b5: {  	_ =	swait.ge [sflag:s23], $0x800  }
0x1b6: {  	s8 =	simm.s32 $0x27;
	[sflag:s23] =	ssyncset.done $0x0  }
.LBB2_12:
0x1b7: {  	p0 =	sne.s32 s8, $0x1;
	s8 =	sadd.s32 $0xFFFFFFFF, s8;
	[sflag:s23] =	ssyncadd.s32 $0xFFFFF800  }
.Ltmp5:
0x1b8: {  	(pc) =	sbr.rel @p0 .LBB2_12-.Ltmp5, $3  }
0x1b9: {  	_ =	sdelay $0x1  }
0x1ba: {  	_ =	swait.ge [sflag:s23], $0x800  }
0x1bb: {  	[sflag:s23] =	ssyncset.done $0x0  }
0x1bc: {  	[sflag:s23] =	ssyncadd.s32 $0xFFFFF800  }
0x1bd: {  	[bflag:$0x0] =	sbarrier.arrive $0xFFFF  }
0x1be: {  	s8 =	rddreg [dreg:$0xc]  }
0x1bf: {  	[tilespmem:s3], [sflag:$0x1] =	stream.linear.gather [hbm4b:s8+s3], $0x80, $0x38;
	[tilespmem:$0x1E200] =	vst v63  }
0x1c0: {  	s9 =	rddreg [dreg:$0xd]  }
0x1c1: {  	[tilespmem:s24], [sflag:$0x3] =	stream.linear.gather [hbm4b:s9+s3], $0x80, $0x38;
	[tilespmem:$0x1E200] =	vst v63  }
0x1c2: {  	s11 =	rddreg [dreg:$0xb]  }
0x1c3: {  	[tilespmem:s25], [sflag:$0x2] =	stream.linear.gather [hbm4b:s11+s3], $0x80, $0x38;
	[tilespmem:$0x1E200] =	vst v63  }
0x1c4: {  	s8 =	simm.s32 $0x180;
	s9 =	rddreg [dreg:$0x16]  }
0x1c5: {  	[tilespmem:s8], [sflag:$0x4] =	stream.linear.gather [hbm4b:s9+s3], $0x80, $0x38;
	[tilespmem:$0x1E200] =	vst v63  }
0x1c6: {  	_ =	swait.ge [sflag:s26], $0x80  }
0x1c7: {  	[sflag:s26] =	ssyncset.done $0x0  }
0x1c8: {  	[sflag:s26] =	ssyncadd.s32 $0xFFFFFF80  }
0x1c9: {  	[tilespmem:s28], [sflag:$0x5] =	stream.indirect.gather [hbm4b:s12+s24], $0x80, s3, s24, $0xb8;
	[tilespmem:$0x1E200] =	vst v63  }
0x1ca: {  	_ =	swait.ge [sflag:s29], $0x80  }
0x1cb: {  	[sflag:s29] =	ssyncset.done $0x0  }
0x1cc: {  	[sflag:s29] =	ssyncadd.s32 $0xFFFFFF80  }
0x1cd: {  	[tilespmem:s31], [sflag:$0x6] =	stream.indirect.gather [hbm4b:s12+s24], $0x80, s25, s24, $0xb8;
	[tilespmem:$0x1E200] =	vst v63  }
0x1ce: {  	_ =	swait.ge [sflag:s23], $0x4000  }
0x1cf: {  	[sflag:s23] =	ssyncset.done $0x0  }
0x1d0: {  	[sflag:s23] =	ssyncadd.s32 $0xFFFFC000  }
0x1d1: {  	s16 =	simm.s32 $0x100;
	_ =	swait.ge [sflag:s0], $0x80  }
0x1d2: {  	s11 =	sand.u32 $0x7C00, s16;
	[sflag:s0] =	ssyncset.done $0x0  }
0x1d3: {  	s9 =	sand.u32 $0x300, s16;
	s16 =	sadd.s32 s19, s11;
	[sflag:s0] =	ssyncadd.s32 $0xFFFFFF80  }
0x1d4: {  	[spmem:s2] =	stream.indirect.scatter.add.f32 [tilespmem:s28], [sflag:$0x9], $0x80, s24, s24, $0xb8;
	[tilespmem:$0x1E200] =	vst v63  }
0x1d5: {  	s11 =	sadd.s32 s21, s11;
	s16 =	sor.u32 s9, s16;
	_ =	swait.ge [sflag:s22], $0x4000  }
0x1d6: {  	s9 =	sor.u32 s9, s11;
	s17 =	sshrl.u32 s16, $0x3;
	[sflag:s22] =	ssyncset.done $0x0  }
0x1d7: {  	s9 =	sshrl.u32 s9, $0x3;
	s11 =	sadd.s32 s6, s17;
	[sflag:s22] =	ssyncadd.s32 $0xFFFFC000  }
0x1d8: {  	[tilespmem:s3], [sflag:$0x1] =	stream.linear.gather [hbm4b:s11+s3], $0x80, $0x38;
	[tilespmem:$0x1E200] =	vst v63  }
0x1d9: {  	s9 =	sadd.s32 s7, s9  }
0x1da: {  	[tilespmem:s24], [sflag:$0x3] =	stream.linear.gather [hbm4b:s9+s3], $0x80, $0x38;
	[tilespmem:$0x1E200] =	vst v63  }
0x1db: {  	_ =	swait.ge [sflag:s1], $0x4000  }
0x1dc: {  	[sflag:s1] =	ssyncset.done $0x0  }
0x1dd: {  	[sflag:s1] =	ssyncadd.s32 $0xFFFFC000  }
0x1de: {  	s30 =	sand.u32 $0x7C00, s8;
	_ =	swait.ge [sflag:s4], $0x80  }
0x1df: {  	s8 =	sand.u32 $0x380, s8;
	s16 =	sadd.s32 s19, s30;
	[sflag:s4] =	ssyncset.done $0x0  }
0x1e0: {  	s11 =	sor.u32 s8, s16;
	s9 =	sadd.s32 s21, s30;
	[sflag:s4] =	ssyncadd.s32 $0xFFFFFF80  }
0x1e1: {  	[spmem:s2] =	stream.indirect.scatter.add.f32 [tilespmem:s31], [sflag:$0x9], $0x80, s20, s24, $0xb8;
	[tilespmem:$0x1E200] =	vst v63  }
0x1e2: {  	s11 =	sshrl.u32 s11, $0x3;
	s8 =	sor.u32 s8, s9;
	_ =	swait.ge [sflag:s22], $0x4000  }
0x1e3: {  	s17 =	sadd.s32 s6, s11;
	s30 =	sshrl.u32 s8, $0x3;
	[sflag:s22] =	ssyncset.done $0x0  }
0x1e4: {  	s8 =	simm.s32 $0x280;
	s11 =	sadd.s32 s7, s30;
	[sflag:s22] =	ssyncadd.s32 $0xFFFFC000  }
0x1e5: {  	[tilespmem:s25], [sflag:$0x2] =	stream.linear.gather [hbm4b:s17+s3], $0x80, $0x38;
	[tilespmem:$0x1E200] =	vst v63  }
.LBB2_14:
0x1e6: {  	p0 =	sne.s32 s8, $0x2880;
	s9 =	smov.u32 s8;
	s8 =	sadd.s32 $0x100, s8  }
0x1e7: {  	[tilespmem:s20], [sflag:$0x4] =	stream.linear.gather [hbm4b:s11+s3], $0x80, $0x38;
	[tilespmem:$0x1E200] =	vst v63  }
0x1e8: {  	_ =	swait.ge [sflag:s26], $0x80  }
0x1e9: {  	[sflag:s26] =	ssyncset.done $0x0  }
0x1ea: {  	[sflag:s26] =	ssyncadd.s32 $0xFFFFFF80  }
0x1eb: {  	[tilespmem:s28], [sflag:$0x5] =	stream.indirect.gather [hbm4b:s12+s24], $0x80, s3, s24, $0xb8;
	[tilespmem:$0x1E200] =	vst v63  }
0x1ec: {  	_ =	swait.ge [sflag:s29], $0x80  }
0x1ed: {  	[sflag:s29] =	ssyncset.done $0x0  }
0x1ee: {  	[sflag:s29] =	ssyncadd.s32 $0xFFFFFF80  }
0x1ef: {  	[tilespmem:s31], [sflag:$0x6] =	stream.indirect.gather [hbm4b:s12+s24], $0x80, s25, s24, $0xb8;
	[tilespmem:$0x1E200] =	vst v63  }
0x1f0: {  	_ =	swait.ge [sflag:s23], $0x4000  }
0x1f1: {  	[sflag:s23] =	ssyncset.done $0x0  }
0x1f2: {  	[sflag:s23] =	ssyncadd.s32 $0xFFFFC000  }
0x1f3: {  	_ =	swait.ge [sflag:s0], $0x80  }
0x1f4: {  	s11 =	sadd.s32 $0xFFFFFF80, s9;
	[sflag:s0] =	ssyncset.done $0x0  }
0x1f5: {  	s16 =	sand.u32 $0x7C00, s11;
	s11 =	sand.u32 $0x300, s11;
	[sflag:s0] =	ssyncadd.s32 $0xFFFFFF80  }
0x1f6: {  	[spmem:s2] =	stream.indirect.scatter.add.f32 [tilespmem:s28], [sflag:$0x9], $0x80, s24, s24, $0xb8;
	[tilespmem:$0x1E200] =	vst v63  }
0x1f7: {  	s30 =	sadd.s32 s19, s16;
	s16 =	sadd.s32 s21, s16;
	_ =	swait.ge [sflag:s22], $0x4000  }
0x1f8: {  	s30 =	sor.u32 s11, s30;
	s11 =	sor.u32 s11, s16;
	[sflag:s22] =	ssyncset.done $0x0  }
0x1f9: {  	s16 =	sshrl.u32 s30, $0x3;
	s11 =	sshrl.u32 s11, $0x3;
	[sflag:s22] =	ssyncadd.s32 $0xFFFFC000  }
0x1fa: {  	s16 =	sadd.s32 s6, s16;
	s11 =	sadd.s32 s7, s11  }
0x1fb: {  	[tilespmem:s3], [sflag:$0x1] =	stream.linear.gather [hbm4b:s16+s3], $0x80, $0x38;
	[tilespmem:$0x1E200] =	vst v63  }
0x1fc: {  	_ = 	snop  }
0x1fd: {  	[tilespmem:s24], [sflag:$0x3] =	stream.linear.gather [hbm4b:s11+s3], $0x80, $0x38;
	[tilespmem:$0x1E200] =	vst v63  }
0x1fe: {  	_ =	swait.ge [sflag:s1], $0x4000  }
0x1ff: {  	[sflag:s1] =	ssyncset.done $0x0  }
0x200: {  	[sflag:s1] =	ssyncadd.s32 $0xFFFFC000  }
0x201: {  	_ =	swait.ge [sflag:s4], $0x80  }
0x202: {  	s11 =	sand.u32 $0x7C00, s9;
	s9 =	sand.u32 $0x380, s9;
	[sflag:s4] =	ssyncset.done $0x0  }
0x203: {  	s16 =	sadd.s32 s19, s11;
	s11 =	sadd.s32 s21, s11;
	[sflag:s4] =	ssyncadd.s32 $0xFFFFFF80  }
0x204: {  	[spmem:s2] =	stream.indirect.scatter.add.f32 [tilespmem:s31], [sflag:$0x9], $0x80, s20, s24, $0xb8;
	[tilespmem:$0x1E200] =	vst v63  }
.Ltmp6:
0x205: {  	_ = 	snop;
	(pc) =	sbr.rel @p0 .LBB2_14-.Ltmp6, $4  }
0x206: {  	s16 =	sor.u32 s9, s16;
	s9 =	sor.u32 s9, s11;
	_ =	swait.ge [sflag:s22], $0x4000  }
0x207: {  	s11 =	sshrl.u32 s16, $0x3;
	s9 =	sshrl.u32 s9, $0x3;
	[sflag:s22] =	ssyncset.done $0x0  }
0x208: {  	s16 =	sadd.s32 s6, s11;
	s11 =	sadd.s32 s7, s9;
	[sflag:s22] =	ssyncadd.s32 $0xFFFFC000  }
0x209: {  	[tilespmem:s25], [sflag:$0x2] =	stream.linear.gather [hbm4b:s16+s3], $0x80, $0x38;
	[tilespmem:$0x1E200] =	vst v63  }
0x20a: {  	[tilespmem:s20], [sflag:$0x4] =	stream.linear.gather [hbm4b:s11+s3], $0x80, $0x38;
	[tilespmem:$0x1E200] =	vst v63  }
0x20b: {  	_ =	swait.ge [sflag:s26], $0x80  }
0x20c: {  	[sflag:s26] =	ssyncset.done $0x0  }
0x20d: {  	[sflag:s26] =	ssyncadd.s32 $0xFFFFFF80  }
0x20e: {  	_ =	swait.ge [sflag:s0], $0x80  }
0x20f: {  	[sflag:s0] =	ssyncset.done $0x0  }
0x210: {  	[sflag:s0] =	ssyncadd.s32 $0xFFFFFF80  }
0x211: {  	_ =	swait.ge [sflag:s29], $0x80  }
0x212: {  	[sflag:s29] =	ssyncset.done $0x0  }
0x213: {  	[sflag:s29] =	ssyncadd.s32 $0xFFFFFF80  }
0x214: {  	_ =	swait.ge [sflag:s4], $0x80  }
0x215: {  	[sflag:s4] =	ssyncset.done $0x0  }
0x216: {  	[sflag:s4] =	ssyncadd.s32 $0xFFFFFF80  }
0x217: {  	s8 =	simm.s32 $0x8200;
	[bflag:$0x0] =	sbarrier.arrive $0xFFFF  }
0x218: {  	[tilespmem:s8], [sflag:$0x5] =	stream.linear.gather [spmem:s14], $0x800, $0x38;
	[tilespmem:$0x1E200] =	vst v63  }
0x219: {  	s30 =	simm.s32 $0x9200;
	s8 =	simm.s32 $0x0;
	s9 =	rddreg [dreg:$0xf]  }
0x21a: {  	[tilespmem:s30], [sflag:$0x1] =	stream.linear.gather [hbm4b:s9+s8], $0x800, $0x38;
	[tilespmem:$0x1E200] =	vst v63  }
0x21b: {  	s16 =	rddreg [dreg:$0x15]  }
0x21c: {  	[tilespmem:s15], [sflag:$0x6] =	stream.linear.gather [spmem:s16], $0x800, $0x38;
	[tilespmem:$0x1E200] =	vst v63  }
0x21d: {  	s17 =	rddreg [dreg:$0x11];
	s30 =	simm.s32 $0x9A00  }
0x21e: {  	[tilespmem:s30], [sflag:$0x2] =	stream.linear.gather [hbm4b:s17+s8], $0x800, $0x38;
	[tilespmem:$0x1E200] =	vst v63  }
.LBB2_16:
0x21f: {  	_ =	swait.ge [sflag:s23], $0x800  }
0x220: {  	[sflag:s23] =	ssyncset.done $0x0  }
0x221: {  	[sflag:s23] =	ssyncadd.s32 $0xFFFFF800  }
0x222: {  	_ =	swait.ge [sflag:s26], $0x800  }
0x223: {  	[sflag:s26] =	ssyncset.done $0x0  }
0x224: {  	s11 =	simm.s32 $0x0;
	[sflag:s26] =	ssyncadd.s32 $0xFFFFF800  }
0x225: {  	v0 =	vld [tilespmem:s11+$0x9200]  }
0x226: {  	v4 =	vld [tilespmem:s11+$0x8200]  }
0x227: {  	v6 =	vld [tilespmem:s11+$0x8210]  }
0x228: {  	v5 =	vld [tilespmem:s11+$0x8220]  }
0x229: {  	v3 =	vld [tilespmem:s11+$0x8230]  }
0x22a: {  	v1 =	vld [tilespmem:s11+$0x8240]  }
0x22b: {  	v2 =	vld [tilespmem:s11+$0x8250];
	v7 =	vmul.f32 v4, v0  }
0x22c: {  	s9 =	simm.s32 $0x200;
	v6 =	vmul.f32 v6, v0;
	v4 =	vld [tilespmem:s11+$0x8260]  }
.LBB2_17:
0x22d: {  	s16 =	sshra.s32 s9, $0x2;
	p0 =	sne.s32 s9, $0x1E00;
	[tilespmem:s11+$0x8200] =	vst v7;
	v5 =	vmul.f32 v5, v0;
	v7 =	vld [tilespmem:s11+$0x8270]  }
0x22e: {  	v8 =	vld [tilespmem:s16+$0x9200];
	[tilespmem:s11+$0x8210] =	vst v6;
	v3 =	vmul.f32 v3, v0  }
0x22f: {  	v6 =	vld [tilespmem:s16+$0x8200];
	[tilespmem:s11+$0x8220] =	vst v5;
	v1 =	vmul.f32 v1, v0  }
0x230: {  	v9 =	vld [tilespmem:s16+$0x8210];
	[tilespmem:s11+$0x8230] =	vst v3;
	v2 =	vmul.f32 v2, v0  }
.Ltmp7:
0x231: {  	v5 =	vld [tilespmem:s16+$0x8220];
	[tilespmem:s11+$0x8240] =	vst v1;
	v4 =	vmul.f32 v4, v0;
	(pc) =	sbr.rel @p0 .LBB2_17-.Ltmp7, $4  }
0x232: {  	v3 =	vld [tilespmem:s16+$0x8230];
	[tilespmem:s11+$0x8250] =	vst v2;
	v10 =	vmul.f32 v7, v0  }
0x233: {  	v1 =	vld [tilespmem:s16+$0x8240];
	[tilespmem:s11+$0x8260] =	vst v4;
	v0 =	vmov v8  }
0x234: {  	v7 =	vmul.f32 v6, v0;
	v2 =	vld [tilespmem:s16+$0x8250];
	[tilespmem:s11+$0x8270] =	vst v10;
	s11 =	smov.u32 s16  }
0x235: {  	s9 =	sadd.s32 $0x200, s9;
	v6 =	vmul.f32 v9, v0;
	v4 =	vld [tilespmem:s11+$0x8260]  }
0x236: {  	[tilespmem:s11+$0x8200] =	vst v7;
	v5 =	vmul.f32 v5, v0;
	v7 =	vld [tilespmem:s11+$0x8270]  }
0x237: {  	[tilespmem:s11+$0x8210] =	vst v6;
	v3 =	vmul.f32 v3, v0  }
0x238: {  	[tilespmem:s11+$0x8220] =	vst v5;
	v1 =	vmul.f32 v1, v0  }
0x239: {  	[tilespmem:s11+$0x8230] =	vst v3;
	v2 =	vmul.f32 v2, v0  }
0x23a: {  	s9 =	sshll.u32 s8, $0xC;
	s16 =	rddreg [dreg:$0x12];
	[tilespmem:s11+$0x8240] =	vst v1;
	v1 =	vmul.f32 v4, v0  }
0x23b: {  	s16 =	sadd.s32 s9, s16;
	[tilespmem:s11+$0x8250] =	vst v2;
	v0 =	vmul.f32 v7, v0  }
0x23c: {  	s17 =	rddreg [dreg:$0x6];
	s16 =	sshrl.u32 s16, $0x3;
	[tilespmem:s11+$0x8260] =	vst v1  }
0x23d: {  	s30 =	simm.s32 $0x0;
	s15 =	simm.s32 $0x8200;
	[tilespmem:s11+$0x8270] =	vst v0;
	s11 =	sadd.s32 s17, s16  }
0x23e: {  	[hbm4b:s11+s30] =	stream.linear.scatter [tilespmem:s15], [sflag:$0x7], $0x800, $0x38;
	[tilespmem:$0x1E200] =	vst v63  }
0x23f: {  	_ =	swait.ge [sflag:s1], $0x800  }
0x240: {  	[sflag:s1] =	ssyncset.done $0x0  }
0x241: {  	[sflag:s1] =	ssyncadd.s32 $0xFFFFF800  }
0x242: {  	_ =	swait.ge [sflag:s29], $0x800  }
0x243: {  	[sflag:s29] =	ssyncset.done $0x0  }
0x244: {  	s11 =	simm.s32 $0x0;
	[sflag:s29] =	ssyncadd.s32 $0xFFFFF800  }
0x245: {  	v0 =	vld [tilespmem:s11+$0x9A00]  }
0x246: {  	v4 =	vld [tilespmem:s11+$0x8A00]  }
0x247: {  	v6 =	vld [tilespmem:s11+$0x8A10]  }
0x248: {  	v5 =	vld [tilespmem:s11+$0x8A20]  }
0x249: {  	v3 =	vld [tilespmem:s11+$0x8A30]  }
0x24a: {  	v1 =	vld [tilespmem:s11+$0x8A40]  }
0x24b: {  	v2 =	vld [tilespmem:s11+$0x8A50];
	v7 =	vmul.f32 v4, v0  }
0x24c: {  	s16 =	simm.s32 $0x200;
	v6 =	vmul.f32 v6, v0;
	v4 =	vld [tilespmem:s11+$0x8A60]  }
.LBB2_19:
0x24d: {  	s30 =	sshra.s32 s16, $0x2;
	p0 =	sne.s32 s16, $0x1E00;
	[tilespmem:s11+$0x8A00] =	vst v7;
	v5 =	vmul.f32 v5, v0;
	v7 =	vld [tilespmem:s11+$0x8A70]  }
0x24e: {  	v8 =	vld [tilespmem:s30+$0x9A00];
	[tilespmem:s11+$0x8A10] =	vst v6;
	v3 =	vmul.f32 v3, v0  }
0x24f: {  	v6 =	vld [tilespmem:s30+$0x8A00];
	[tilespmem:s11+$0x8A20] =	vst v5;
	v1 =	vmul.f32 v1, v0  }
0x250: {  	v9 =	vld [tilespmem:s30+$0x8A10];
	[tilespmem:s11+$0x8A30] =	vst v3;
	v2 =	vmul.f32 v2, v0  }
.Ltmp8:
0x251: {  	v5 =	vld [tilespmem:s30+$0x8A20];
	[tilespmem:s11+$0x8A40] =	vst v1;
	v4 =	vmul.f32 v4, v0;
	(pc) =	sbr.rel @p0 .LBB2_19-.Ltmp8, $4  }
0x252: {  	v3 =	vld [tilespmem:s30+$0x8A30];
	[tilespmem:s11+$0x8A50] =	vst v2;
	v10 =	vmul.f32 v7, v0  }
0x253: {  	v1 =	vld [tilespmem:s30+$0x8A40];
	[tilespmem:s11+$0x8A60] =	vst v4;
	v0 =	vmov v8  }
0x254: {  	v7 =	vmul.f32 v6, v0;
	v2 =	vld [tilespmem:s30+$0x8A50];
	[tilespmem:s11+$0x8A70] =	vst v10;
	s11 =	smov.u32 s30  }
0x255: {  	s16 =	sadd.s32 $0x200, s16;
	v6 =	vmul.f32 v9, v0;
	v4 =	vld [tilespmem:s11+$0x8A60]  }
0x256: {  	[tilespmem:s11+$0x8A00] =	vst v7;
	v5 =	vmul.f32 v5, v0;
	v61 =	vld [tilespmem:s11+$0x8A70]  }
0x257: {  	[tilespmem:s11+$0x8A10] =	vst v6;
	v3 =	vmul.f32 v3, v0  }
0x258: {  	s16 =	sld [smem:$0x7FD];
	[tilespmem:s11+$0x8A20] =	vst v5;
	v1 =	vmul.f32 v1, v0  }
0x259: {  	[tilespmem:s11+$0x8A30] =	vst v3;
	v2 =	vmul.f32 v2, v0  }
0x25a: {  	[tilespmem:s11+$0x8A40] =	vst v1;
	v62 =	vmul.f32 v4, v0  }
0x25b: {  	s9 =	sadd.s32 s16, s9;
	[tilespmem:s11+$0x8A50] =	vst v2;
	v63 =	vmul.f32 v61, v0  }
0x25c: {  	s17 =	rddreg [dreg:$0x6];
	s9 =	sshrl.u32 s9, $0x3;
	[tilespmem:s11+$0x8A60] =	vst v62  }
0x25d: {  	s9 =	sadd.s32 s17, s9;
	s17 =	simm.s32 $0x8A00;
	[tilespmem:s11+$0x8A70] =	vst v63;
	s11 =	sshll.u32 s8, $0x1  }
0x25e: {  	[hbm4b:s9+s3] =	stream.linear.scatter [tilespmem:s17], [sflag:$0x8], $0x800, $0x38;
	[tilespmem:$0x1E200] =	vst v63  }
0x25f: {  	s15 =	simm.s32 $0x7;
	s30 =	smin.u32 s11, $0x25  }
0x260: {  	_ =	swait.ge [sflag:s15], $0x800;
	s9 =	sshll.u32 s30, $0xB  }
0x261: {  	s30 =	simm.s32 $0x8200;
	[sflag:s15] =	ssyncset.done $0x0;
	s9 =	sadd.s32 $0x1000, s9  }
0x262: {  	[sflag:s15] =	ssyncadd.s32 $0xFFFFF800;
	s15 =	sadd.s32 s9, s14;
	s9 =	sadd.s32 s18, s9  }
0x263: {  	[tilespmem:s30], [sflag:$0x5] =	stream.linear.gather [spmem:s15], $0x800, $0x38;
	[tilespmem:$0x1E200] =	vst v63  }
0x264: {  	s11 =	smin.u32 s11, $0x24;
	s16 =	rddreg [dreg:$0x5];
	s9 =	sshrl.u32 s9, $0x3  }
0x265: {  	s30 =	simm.s32 $0x9200;
	s15 =	simm.s32 $0x8;
	s9 =	sadd.s32 s16, s9  }
0x266: {  	[tilespmem:s30], [sflag:$0x1] =	stream.linear.gather [hbm4b:s9+s3], $0x800, $0x38;
	[tilespmem:$0x1E200] =	vst v63  }
0x267: {  	s8 =	sadd.s32 $0x1, s8;
	s9 =	sshll.u32 s11, $0xB;
	_ =	swait.ge [sflag:s15], $0x800  }
0x268: {  	p0 =	sne.s32 s8, $0x14;
	s9 =	sadd.s32 $0x1800, s9;
	[sflag:s15] =	ssyncset.done $0x0  }
.Ltmp9:
0x269: {  	s30 =	sadd.s32 s9, s14;
	s9 =	sadd.s32 s18, s9;
	(pc) =	sbr.rel @p0 .LBB2_16-.Ltmp9, $4  }
0x26a: {  	[sflag:s15] =	ssyncadd.s32 $0xFFFFF800;
	s9 =	sshrl.u32 s9, $0x3  }
0x26b: {  	[tilespmem:s17], [sflag:$0x6] =	stream.linear.gather [spmem:s30], $0x800, $0x38;
	[tilespmem:$0x1E200] =	vst v63  }
0x26c: {  	s15 =	simm.s32 $0x8A00;
	s9 =	sadd.s32 s16, s9;
	s30 =	simm.s32 $0x9A00  }
0x26d: {  	[tilespmem:s30], [sflag:$0x2] =	stream.linear.gather [hbm4b:s9+s3], $0x800, $0x38;
	[tilespmem:$0x1E200] =	vst v63  }
0x26e: {  	_ =	swait.ge [sflag:s23], $0x800  }
0x26f: {  	[sflag:s23] =	ssyncset.done $0x0  }
0x270: {  	[sflag:s23] =	ssyncadd.s32 $0xFFFFF800  }
0x271: {  	_ =	swait.ge [sflag:s26], $0x800  }
0x272: {  	[sflag:s26] =	ssyncset.done $0x0  }
0x273: {  	[sflag:s26] =	ssyncadd.s32 $0xFFFFF800  }
0x274: {  	_ =	swait.ge [sflag:s1], $0x800  }
0x275: {  	[sflag:s1] =	ssyncset.done $0x0  }
0x276: {  	[sflag:s1] =	ssyncadd.s32 $0xFFFFF800  }
0x277: {  	_ =	swait.ge [sflag:s29], $0x800  }
0x278: {  	s9 =	sld [smem:$0x7DE];
	_ =	sdelay $0x2  }
0x279: {  	s8 =	rddreg [dreg:$0x13];
	s9 =	sadd.s32 $0x1, s9  }
0x27a: {  	p0 =	sne.s32 s9, s8  }
.Ltmp10:
0x27b: {  	_ = 	snop;
	(pc) =	sbr.rel @p0 .LBB2_1-.Ltmp10, $3  }
0x27c: {  	_ =	sdelay $0x1  }
0x27d: {  	[sflag:s29] =	ssyncset.done $0x0  }
0x27e: {  	[sflag:s29] =	ssyncadd.s32 $0xFFFFF800  }
0x27f: {  	_ =	sfence.sel $0x180000  }
0x280: {  	[bflag:$0x0] =	sbarrier.arrive $0xFFFF  }
0x281: {  	_ =	strace $0x9000004D  }
0x282: {  	s0 =	stileid.u32;
	[bflag:$0x2] =	sbarrier.arrive $0xFFFF  }
0x283: {  	p0 =	sne.s32 s0, $0x0;
	s0 =	rddreg [dreg:$0x3]  }
0x284: {  	s0 =	sadd.s32 @!p0 $0x100000, s0  }
0x285: {  	[sflag:s0] =	ssyncadd.tile.s32 @!p0 $0x1;
	_ =	shalt  }
.Lfunc_end2:
_tile_overlayer_lowered:
.L_overlay_start_2:
0x286: {  	(tag) =	ssettag $0x2  }
0x287: {  	s0 =	rddreg [dreg:$0x0];
	s2 =	stileid.u32  }
0x288: {  	s1 =	rddreg [dreg:$0x1];
	p0 =	sne.s32 s2, $0x0  }
0x289: {  	s3 =	rddreg [dreg:$0x2];
	[bflag:$0x3] =	sbarrier.arrive $0xFFFF;
	s2 =	simm.s32 @!p0 $0x1C09  }
0x28a: {  	[timem:s3], [sflag:s2] =	dma.local @!p0 [hbm:s0], s1  }
0x28b: {  	s0 =	simm.s32 @!p0 $0x9  }
0x28c: {  	_ =	swait.ge @!p0 [sflag:s0], s1  }
0x28d: {  	s1 =	ssub.s32 @!p0 $0x0, s1;
	[sflag:s0] =	ssyncset.done @!p0 $0x0  }
0x28e: {  	[sflag:s0] =	ssyncadd.s32 @!p0 s1  }
0x28f: {  	[bflag:$0x3] =	sbarrier.arrive $0xFFFF  }
0x290: {  	_ =	shalt  }

// kernel: kernel.8.cloned.1.call-start
scs
__scs_entry_jumppad:
0x0: {  	(pc) =	sbr.rel $0x88, $3  }
0x1: {  	(tag) =	ssettag $0x0;
	lr =	simm.s32 $0x1  }
0x2: {  	[smem:$0x3F90] =	sst lr;
	_ =	strace $0xD0000000  }
0x3: {  	_ = 	snop  }
0x4: {  	_ = 	snop  }
0x5: {  	_ = 	snop  }
0x6: {  	_ = 	snop  }
0x7: {  	_ = 	snop  }
__scs_overlays_trampoline_lowered:
0x8: {  	[smem:$0x3F9F] =	sst s0  }
0x9: {  	[smem:$0x3FA0] =	sst s1  }
0xa: {  	[smem:$0x3FA1] =	sst s2  }
0xb: {  	[smem:$0x3FA2] =	sst s3  }
0xc: {  	[smem:$0x3FA3] =	sst s4  }
0xd: {  	[smem:$0x3FA4] =	sst s5  }
0xe: {  	[smem:$0x3FA5] =	sst s6  }
0xf: {  	[smem:$0x3FA6] =	sst s7  }
0x10: {  	[smem:$0x3FA7] =	sst s8  }
0x11: {  	[smem:$0x3FA8] =	sst s9;
	s0 =	simm.s32 @!p0 $0x0  }
0x12: {  	s1 =	sld [smem:$0x3F8E];
	s0 =	simm.s32 @p0 $0x1  }
0x13: {  	[smem:$0x3FA9] =	sst s0;
	s0 =	simm.s32 @!p1 $0x0  }
0x14: {  	s2 =	sld [smem:$0x3F8D];
	s0 =	simm.s32 @p1 $0x1  }
0x15: {  	[smem:$0x3FAA] =	sst s0;
	s0 =	simm.s32 @!p2 $0x0  }
0x16: {  	s3 =	sld [smem:$0x3FDB];
	s0 =	simm.s32 @p2 $0x1  }
0x17: {  	s4 =	simm.s32 $0x1BF5;
	[smem:$0x3FAC] =	sst s0  }
0x18: {  	s0 =	sld [smem:$0x3F8F];
	_ =	swait.ge [sflag:s4], $0x0  }
0x19: {  	s7 =	sld [smem:$0x3F90]  }
0x1a: {  	s8 =	sadd.s32 $0xFFFFE003, lr  }
0x1b: {  	s9 =	sadd.s32 $0xFFFFFEF7, lr;
	s5 =	simm.s32 $0xFFFFFFFF;
	p2 =	slt.u32 s8, $0xFFFFF086  }
0x1c: {  	p1 =	slt.u32 s9, $0xF7A;
	s5 =	simm.s32 @!p2 $0x0  }
0x1d: {  	s5 =	simm.s32 @p1 $0x1;
	p0 =	seq.s32 s7, s2  }
0x1e: {  	s7 =	smul.u32 @!p0 $0xF7A, s2;
	p2 =	seq.s32 @!p0 s5, $0x0  }
0x1f: {  	s9 =	smul.u32 $0xF7A, s1;
	s8 =	simm.s32 @!p0 $0x1BF5;
	p2 =	por !p2, p0  }
0x20: {  	[sflag:s8] =	ssyncset.s32 @!p0 $0xFFFFF086;
	s6 =	sadd.s32 @!p0 s3, s7;
	s7 =	simm.s32 @!p0 $0x108  }
0x21: {  	s3 =	sadd.s32 s3, s9;
	s6 =	sadd.s32 @!p0 $0x88, s6;
	s7 =	simm.s32 @p2 $0x1082  }
0x22: {  	[simem:s7], [sflag:s8] =	dma.local @!p0 [hbm:s6], $0xF7A  }
0x23: {  	s9 =	sor.u32 $0xD0000000, s2;
	s6 =	simm.s32 $0x108;
	_ =	swait.ge @!p0 [sflag:s8], $0x0  }
0x24: {  	s3 =	sadd.s32 $0x88, s3;
	s6 =	simm.s32 @!p1 $0x1082;
	[sflag:s4] =	ssyncset.s32 $0xFFFFF086  }
0x25: {  	[simem:s6], [sflag:s4] =	dma.local [hbm:s3], $0xF7A  }
0x26: {  	[smem:$0x3F90] =	sst s1;
	(tag) =	ssettag s2;
	_ =	strace s9  }
0x27: {  	s1 =	sld [smem:$0x3FA0]  }
0x28: {  	s2 =	sld [smem:$0x3FA1]  }
0x29: {  	s4 =	sld [smem:$0x3FA3]  }
0x2a: {  	p0 =	seq.s32 s5, $0x0;
	s5 =	sld [smem:$0x3FA4]  }
0x2b: {  	s6 =	sld [smem:$0x3FA5]  }
0x2c: {  	s7 =	sld [smem:$0x3FA6]  }
0x2d: {  	s3 =	simm.s32 $0x108;
	s8 =	sld [smem:$0x3FA7]  }
0x2e: {  	s3 =	simm.s32 @!p0 $0x1082;
	s9 =	sld [smem:$0x3FA8]  }
0x2f: {  	lr =	sadd.s32 s0, s3;
	s0 =	sld [smem:$0x3F9F]  }
0x30: {  	s3 =	sld [smem:$0x3FA2]  }
0x31: {  	[smem:$0x3FAB] =	sst s10  }
0x32: {  	s10 =	sld [smem:$0x3FA9];
	_ =	sdelay $0x3  }
0x33: {  	p0 =	seq.s32 s10, $0x1;
	s10 =	sld [smem:$0x3FAB];
	_ =	sdelay $0x3  }
0x34: {  	[smem:$0x3FAB] =	sst s10  }
0x35: {  	s10 =	sld [smem:$0x3FAA];
	_ =	sdelay $0x3  }
0x36: {  	p1 =	seq.s32 s10, $0x1;
	s10 =	sld [smem:$0x3FAB];
	_ =	sdelay $0x3  }
0x37: {  	[smem:$0x3FAB] =	sst s10  }
0x38: {  	s10 =	sld [smem:$0x3FAC]  }
0x39: {  	_ = 	snop;
	(pc) =	sbr.ind lr, $3  }
0x3a: {  	_ = 	snop  }
0x3b: {  	_ = 	snop  }
0x3c: {  	p2 =	seq.s32 s10, $0x1;
	s10 =	sld [smem:$0x3FAB]  }
0x3d: {  	_ =	shalt  }
0x3e: {  	_ =	shalt  }
0x3f: {  	_ =	shalt  }
0x40: {  	_ =	shalt  }
0x41: {  	_ =	shalt  }
0x42: {  	_ =	shalt  }
0x43: {  	_ =	shalt  }
0x44: {  	_ =	shalt  }
0x45: {  	_ =	shalt  }
0x46: {  	_ =	shalt  }
0x47: {  	_ =	shalt  }
0x48: {  	_ =	shalt  }
0x49: {  	_ =	shalt  }
0x4a: {  	_ =	shalt  }
0x4b: {  	_ =	shalt  }
0x4c: {  	_ =	shalt  }
0x4d: {  	_ =	shalt  }
0x4e: {  	_ =	shalt  }
0x4f: {  	_ =	shalt  }
0x50: {  	_ =	shalt  }
0x51: {  	_ =	shalt  }
0x52: {  	_ =	shalt  }
0x53: {  	_ =	shalt  }
0x54: {  	_ =	shalt  }
0x55: {  	_ =	shalt  }
0x56: {  	_ =	shalt  }
0x57: {  	_ =	shalt  }
0x58: {  	_ =	shalt  }
0x59: {  	_ =	shalt  }
0x5a: {  	_ =	shalt  }
0x5b: {  	_ =	shalt  }
0x5c: {  	_ =	shalt  }
0x5d: {  	_ =	shalt  }
0x5e: {  	_ =	shalt  }
0x5f: {  	_ =	shalt  }
0x60: {  	_ =	shalt  }
0x61: {  	_ =	shalt  }
0x62: {  	_ =	shalt  }
0x63: {  	_ =	shalt  }
0x64: {  	_ =	shalt  }
0x65: {  	_ =	shalt  }
0x66: {  	_ =	shalt  }
0x67: {  	_ =	shalt  }
0x68: {  	_ =	shalt  }
0x69: {  	_ =	shalt  }
0x6a: {  	_ =	shalt  }
0x6b: {  	_ =	shalt  }
0x6c: {  	_ =	shalt  }
0x6d: {  	_ =	shalt  }
0x6e: {  	_ =	shalt  }
0x6f: {  	_ =	shalt  }
0x70: {  	_ =	shalt  }
0x71: {  	_ =	shalt  }
0x72: {  	_ =	shalt  }
0x73: {  	_ =	shalt  }
0x74: {  	_ =	shalt  }
0x75: {  	_ =	shalt  }
0x76: {  	_ =	shalt  }
0x77: {  	_ =	shalt  }
0x78: {  	_ =	shalt  }
0x79: {  	_ =	shalt  }
0x7a: {  	_ =	shalt  }
0x7b: {  	_ =	shalt  }
0x7c: {  	_ =	shalt  }
0x7d: {  	_ =	shalt  }
0x7e: {  	_ =	shalt  }
0x7f: {  	_ =	shalt  }
0x80: {  	_ =	shalt  }
0x81: {  	_ =	shalt  }
0x82: {  	_ =	shalt  }
0x83: {  	_ =	shalt  }
0x84: {  	_ =	shalt  }
0x85: {  	_ =	shalt  }
0x86: {  	_ =	shalt  }
0x87: {  	_ =	shalt  }
.Lfunc_end0:
.L_simem_size_0:
called_computation_lowered:
.L_overlay_start_0:
0x88: {  	s2 =	sld [smem:$0x3FD9]  }
0x89: {  	s3 =	sld [smem:$0x3FFE];
	_ =	sdelay $0x1  }
0x8a: {  	s1 =	srdreg.scid  }
0x8b: {  	s0 =	sand.u32 $0x1, s1  }
0x8c: {  	s14 =	sshll.u32 s0, $0xA;
	s2 =	sadd.s32 s3, s2  }
0x8d: {  	s2 =	sadd.s32 s2, s14  }
0x8e: {  	[smem:$0x3FB7] =	sst s2  }
0x8f: {  	_ = 	snop  }
0x90: {  	s2 =	sld [smem:$0x3FD0];
	_ =	sdelay $0x2  }
0x91: {  	s15 =	simm.s32 $0xA;
	s4 =	simm.s32 $0x10  }
0x92: {  	[smem:s4], [sflag:s15] =	dma.local [hbm:s2], $0x1  }
0x93: {  	_ =	swait.eq [sflag:s15], $0x1  }
0x94: {  	[sflag:s15] =	ssyncset.done $0x0  }
0x95: {  	[sflag:s15] =	ssyncadd.s32 $0xFFFFFFFF  }
0x96: {  	s16 =	sld [smem:$0x11];
	(tm) =	ssettm $0x1  }
0x97: {  	s17 =	sld [smem:$0x3FFB];
	_ =	sdelay $0x3  }
0x98: {  	_ =	strace s17  }
0x99: {  	s3 =	sld [smem:$0x3FFC];
	_ =	sdelay $0x3  }
0x9a: {  	_ =	strace s3  }
0x9b: {  	s3 =	sld [smem:$0x3FFD];
	_ =	sdelay $0x3  }
0x9c: {  	_ =	strace s3  }
0x9d: {  	_ =	strace $0x8FFFFFFF  }
0x9e: {  	s18 =	sld [smem:$0x3FDB];
	_ =	sdelay $0x1  }
0x9f: {  	s19 =	simm.s32 $_scs_section_size  }
0xa0: {  	s5 =	simm.s32 $_size__tile_overlayer_lowered;
	s6 =	simm.s32 $_tile_overlayer_lowered  }
0xa1: {  	s22 =	simm.s32 $0x1BFF;
	s21 =	sshll.u32 s6, $0x1;
	s3 =	sadd.s32 s19, s18  }
0xa2: {  	s7 =	simm.s32 $0x0;
	s20 =	sshll.u32 s5, $0x1;
	s5 =	sadd.s32 s21, s3  }
0xa3: {  	[timem:s7], [sflag:s22] =	dma.local [hbm:s5], s20  }
0xa4: {  	_ =	swait.ge [sflag:s22], s20  }
0xa5: {  	s4 =	ssub.s32 $0x0, s20;
	[sflag:s22] =	ssyncset.done $0x0  }
0xa6: {  	[sflag:s22] =	ssyncadd.s32 s4;
	_ =	sdelay $0x1  }
0xa7: {  	s23 =	simm.s32 $0x1B8B  }
0xa8: {  	_ =	swait.ge [sflag:s23], $0x1  }
0xa9: {  	[sflag:s23] =	ssyncset.done $0x0  }
0xaa: {  	s25 =	simm.s32 $0x1B8E;
	s24 =	sld [smem:$0x3FFE];
	[sflag:s23] =	ssyncadd.s32 $0xFFFFFFFF  }
0xab: {  	s26 =	simm.s32 $execute0_lowered;
	[smem:$0x3FD2] =	sst s25  }
0xac: {  	s5 =	sshll.u32 s26, $0x1;
	_ =	strace $0x80000046;
	[dreg:$0x1] =	wrdreg $0xFFFFFFFF  }
0xad: {  	s28 =	simm.s32 $_size_execute0_lowered;
	s3 =	sadd.s32 s3, s5;
	[dreg:$0x0] =	wrdreg $0x0  }
0xae: {  	s5 =	sshll.u32 s28, $0x1;
	[dreg:$0x2] =	wrdreg s3  }
0xaf: {  	[dreg:$0x3] =	wrdreg s5  }
0xb0: {  	[dreg:$0x4] =	wrdreg $0xC0  }
0xb1: {  	_ =	task [dreg:s7], $0x5FFFF  }
0xb2: {  	[dreg:$0x1] =	wrdreg $0xFFFFFFFF  }
0xb3: {  	[dreg:$0x0] =	wrdreg $0x60  }
0xb4: {  	[dreg:$0x2] =	wrdreg s24  }
0xb5: {  	[dreg:$0x3] =	wrdreg s16  }
0xb6: {  	[dreg:$0x4] =	wrdreg $0x81000  }
0xb7: {  	[dreg:$0x5] =	wrdreg $0x9  }
0xb8: {  	_ =	task.clear_ibuf [dreg:s7], $0x6FFFF;
	_ =	strace $0x90000046  }
0xb9: {  	s29 =	simm.s32 $0x9;
	_ =	strace $0x80000048  }
0xba: {  	_ =	swait.ge [sflag:s29], $0x1  }
0xbb: {  	[sflag:s29] =	ssyncadd.s32 $0xFFFFFFFF  }
0xbc: {  	_ =	strace $0x90000048  }
0xbd: {  	_ =	sfence  }
0xbe: {  	s30 =	sld [smem:$0x0];
	_ =	sdelay $0x2  }
0xbf: {  	s31 =	sshll.u32 s1, $0xD;
	s1 =	sshrl.u32 s1, $0x2  }
0xc0: {  	s3 =	sand.u32 $0x4000, s31;
	s1 =	sadd.s32 s1, s30  }
0xc1: {  	s0 =	sor.u32 s3, s0;
	s1 =	sshll.u32 s1, $0x11  }
0xc2: {  	s0 =	sor.u32 s1, s0  }
0xc3: {  	s0 =	sadd.s32 $0x8F2B, s0  }
0xc4: {  	[sflag:s0] =	ssyncadd.remote.s32 $0x1  }
0xc5: {  	_ =	sfence.sel $0xFFFF  }
0xc6: {  	[dreg:$0x0] =	wrdreg $0xFFFFFFFF;
	(pc) =	sbr.abs _section_cstart, $3  }
0xc7: {  	[dreg:$0x1] =	wrdreg $0xFFFFFFFF  }
0xc8: {  	_ =	task.clear_ibuf [dreg:s7], $0x2FFFF;
	_ =	strace $0x9FFFFFFF  }
0xc9: {  	(tm) =	ssettm $0x7FFFFFFF  }
tec
execute0_lowered:
.L_overlay_start_1:
0x0: {  	(tag) =	ssettag $0x1  }
0x1: {  	s0 =	rddreg [dreg:$0x0]  }
0x2: {  	s2 =	rddreg [dreg:$0x2];
	s1 =	srdreg.scid  }
0x3: {  	s4 =	simm.s32 $0x0;
	s10 =	stileid.u32;
	s28 =	simm.s32 $0x1  }
0x4: {  	s29 =	simm.s32 $0x2;
	s30 =	simm.s32 $0x6100;
	s31 =	simm.s32 $0x0  }
0x5: {  	s1 =	sand.u32 $0x1, s1;
	[smem:$0x7FF] =	sst s4;
	s6 =	smul.u32 $0x2C00, s10  }
0x6: {  	s5 =	sadd.s32 $0x3600, s0;
	s7 =	sadd.s32 $0xE600, s0;
	s23 =	smul.u32 $0x50000, s10  }
0x7: {  	s11 =	smul.u32 $0x14000, s10;
	s3 =	sxor.u32 $0x1, s1;
	_ =	strace $0x80000047  }
0x8: {  	[dreg:$0x4] =	wrdreg s7;
	s9 =	ssub.s32 $0x2, s1;
	s1 =	smul.u32 $0x140000, s1  }
0x9: {  	s7 =	sadd.s32 $0xEE00, s0;
	s3 =	smul.u32 $0x2C000, s3;
	s0 =	sshrl.u32 s23, $0x2  }
0xa: {  	s24 =	sshrl.u32 s9, $0x1;
	s23 =	simm.s32 $0x100;
	s10 =	sadd.s32 s0, s2  }
0xb: {  	s12 =	sadd.s32 s11, s1;
	s8 =	sadd.s32 s6, s3;
	s3 =	ssub.s32 s9, s24  }
0xc: {  	s14 =	sadd.s32 $0x2000, s10;
	s15 =	sadd.s32 $0x4000, s10;
	s16 =	sadd.s32 $0x6000, s10  }
0xd: {  	s17 =	sadd.s32 $0x8000, s10;
	s18 =	sadd.s32 $0xA000, s10;
	s19 =	sadd.s32 $0xC000, s10  }
0xe: {  	s20 =	sadd.s32 $0xE000, s10;
	s21 =	sadd.s32 $0x10000, s10;
	s6 =	sshrl.u32 s8, $0x3  }
0xf: {  	s22 =	sadd.s32 $0x12000, s10;
	s26 =	smax.u32 s3, $0x1;
	s9 =	sadd.s32 s5, s6  }
0x10: {  	s24 =	simm.s32 $0x3;
	[dreg:$0x6] =	wrdreg s26;
	s25 =	sadd.s32 $0x10, s9  }
0x11: {  	s26 =	simm.s32 $0x80;
	[dreg:$0x5] =	wrdreg s25;
	s25 =	simm.s32 $0x4100  }
.LBB2_1:
0x12: {  	s0 =	rddreg [dreg:$0x4]  }
0x13: {  	[tilespmem:s23], [sflag:$0x3] =	stream.linear.gather [hbm4b:s0+s4], $0x4000, $0x38;
	[tilespmem:$0x1C100] =	vst v63  }
0x14: {  	_ =	swait.ge [sflag:s24], $0x4000  }
0x15: {  	[sflag:s24] =	ssyncset.done $0x0  }
0x16: {  	[sflag:s24] =	ssyncadd.s32 $0xFFFFC000  }
0x17: {  	s1 =	rddreg [dreg:$0x1]  }
0x18: {  	[tilespmem:s25], [sflag:$0x3] =	stream.linear.gather [hbm4b:s1+s4], $0x2000, $0x38;
	[tilespmem:$0x1C100] =	vst v63  }
0x19: {  	_ =	swait.ge [sflag:s24], $0x2000  }
0x1a: {  	[sflag:s24] =	ssyncset.done $0x0  }
0x1b: {  	[sflag:s24] =	ssyncadd.s32 $0xFFFFE000  }
0x1c: {  	[spmem:s10] =	stream.linear.scatter [tilespmem:s25], [sflag:$0x3], $0x2000, $0x38;
	[tilespmem:$0x1C100] =	vst v63  }
0x1d: {  	_ =	swait.ge [sflag:s24], $0x2000  }
0x1e: {  	[sflag:s24] =	ssyncset.done $0x0  }
0x1f: {  	[sflag:s24] =	ssyncadd.s32 $0xFFFFE000  }
0x20: {  	[spmem:s14] =	stream.linear.scatter [tilespmem:s25], [sflag:$0x3], $0x2000, $0x38;
	[tilespmem:$0x1C100] =	vst v63  }
0x21: {  	_ =	swait.ge [sflag:s24], $0x2000  }
0x22: {  	[sflag:s24] =	ssyncset.done $0x0  }
0x23: {  	[sflag:s24] =	ssyncadd.s32 $0xFFFFE000  }
0x24: {  	[spmem:s15] =	stream.linear.scatter [tilespmem:s25], [sflag:$0x3], $0x2000, $0x38;
	[tilespmem:$0x1C100] =	vst v63  }
0x25: {  	_ =	swait.ge [sflag:s24], $0x2000  }
0x26: {  	[sflag:s24] =	ssyncset.done $0x0  }
0x27: {  	[sflag:s24] =	ssyncadd.s32 $0xFFFFE000  }
0x28: {  	[spmem:s16] =	stream.linear.scatter [tilespmem:s25], [sflag:$0x3], $0x2000, $0x38;
	[tilespmem:$0x1C100] =	vst v63  }
0x29: {  	_ =	swait.ge [sflag:s24], $0x2000  }
0x2a: {  	[sflag:s24] =	ssyncset.done $0x0  }
0x2b: {  	[sflag:s24] =	ssyncadd.s32 $0xFFFFE000  }
0x2c: {  	[spmem:s17] =	stream.linear.scatter [tilespmem:s25], [sflag:$0x3], $0x2000, $0x38;
	[tilespmem:$0x1C100] =	vst v63  }
0x2d: {  	_ =	swait.ge [sflag:s24], $0x2000  }
0x2e: {  	[sflag:s24] =	ssyncset.done $0x0  }
0x2f: {  	[sflag:s24] =	ssyncadd.s32 $0xFFFFE000  }
0x30: {  	[spmem:s18] =	stream.linear.scatter [tilespmem:s25], [sflag:$0x3], $0x2000, $0x38;
	[tilespmem:$0x1C100] =	vst v63  }
0x31: {  	_ =	swait.ge [sflag:s24], $0x2000  }
0x32: {  	[sflag:s24] =	ssyncset.done $0x0  }
0x33: {  	[sflag:s24] =	ssyncadd.s32 $0xFFFFE000  }
0x34: {  	[spmem:s19] =	stream.linear.scatter [tilespmem:s25], [sflag:$0x3], $0x2000, $0x38;
	[tilespmem:$0x1C100] =	vst v63  }
0x35: {  	_ =	swait.ge [sflag:s24], $0x2000  }
0x36: {  	[sflag:s24] =	ssyncset.done $0x0  }
0x37: {  	[sflag:s24] =	ssyncadd.s32 $0xFFFFE000  }
0x38: {  	[spmem:s20] =	stream.linear.scatter [tilespmem:s25], [sflag:$0x3], $0x2000, $0x38;
	[tilespmem:$0x1C100] =	vst v63  }
0x39: {  	_ =	swait.ge [sflag:s24], $0x2000  }
0x3a: {  	[sflag:s24] =	ssyncset.done $0x0  }
0x3b: {  	[sflag:s24] =	ssyncadd.s32 $0xFFFFE000  }
0x3c: {  	[spmem:s21] =	stream.linear.scatter [tilespmem:s25], [sflag:$0x3], $0x2000, $0x38;
	[tilespmem:$0x1C100] =	vst v63  }
0x3d: {  	_ =	swait.ge [sflag:s24], $0x2000  }
0x3e: {  	[sflag:s24] =	ssyncset.done $0x0  }
0x3f: {  	[sflag:s24] =	ssyncadd.s32 $0xFFFFE000  }
0x40: {  	[spmem:s22] =	stream.linear.scatter [tilespmem:s25], [sflag:$0x3], $0x2000, $0x38;
	[tilespmem:$0x1C100] =	vst v63  }
0x41: {  	_ =	swait.ge [sflag:s24], $0x2000  }
0x42: {  	[sflag:s24] =	ssyncset.done $0x0  }
0x43: {  	[sflag:s24] =	ssyncadd.s32 $0xFFFFE000  }
0x44: {  	[bflag:$0x0] =	sbarrier.arrive $0xFFFF  }
0x45: {  	[tilespmem:s4], [sflag:$0x1] =	stream.linear.gather [hbm4b:s9+s4], $0x80, $0x38;
	[tilespmem:$0x1C100] =	vst v63  }
0x46: {  	s3 =	rddreg [dreg:$0x5]  }
0x47: {  	[tilespmem:s26], [sflag:$0x2] =	stream.linear.gather [hbm4b:s3+s4], $0x80, $0x38;
	[tilespmem:$0x1C100] =	vst v63  }
0x48: {  	s6 =	simm.s32 $0x100;
	_ =	swait.ge [sflag:s28], $0x80  }
0x49: {  	s1 =	sand.u32 $0x7C00, s6;
	[sflag:s28] =	ssyncset.done $0x0  }
0x4a: {  	s0 =	sand.u32 $0x300, s6;
	s1 =	sadd.s32 s8, s1;
	[sflag:s28] =	ssyncadd.s32 $0xFFFFFF80  }
0x4b: {  	[spmem:s2] =	stream.indirect.scatter.add.f32 [tilespmem:s23], [sflag:$0x3], $0x80, s4, s26, $0xb8;
	[tilespmem:$0x1C100] =	vst v63  }
0x4c: {  	s0 =	sor.u32 s0, s1;
	_ =	swait.ge [sflag:s24], $0x4000  }
0x4d: {  	s0 =	sshrl.u32 s0, $0x3;
	[sflag:s24] =	ssyncset.done $0x0  }
0x4e: {  	s0 =	sadd.s32 s5, s0;
	[sflag:s24] =	ssyncadd.s32 $0xFFFFC000  }
0x4f: {  	[tilespmem:s4], [sflag:$0x1] =	stream.linear.gather [hbm4b:s0+s4], $0x80, $0x38;
	[tilespmem:$0x1C100] =	vst v63  }
0x50: {  	s11 =	simm.s32 $0x180;
	_ =	swait.ge [sflag:s29], $0x80  }
0x51: {  	s13 =	sand.u32 $0x7C00, s11;
	[sflag:s29] =	ssyncset.done $0x0  }
0x52: {  	s1 =	sadd.s32 s8, s13;
	s0 =	sand.u32 $0x380, s11;
	[sflag:s29] =	ssyncadd.s32 $0xFFFFFF80  }
0x53: {  	[spmem:s2] =	stream.indirect.scatter.add.f32 [tilespmem:s23], [sflag:$0x3], $0x80, s26, s26, $0xb8;
	[tilespmem:$0x1C100] =	vst v63  }
0x54: {  	s1 =	sor.u32 s0, s1;
	_ =	swait.ge [sflag:s24], $0x4000  }
0x55: {  	s0 =	simm.s32 $0x280;
	s1 =	sshrl.u32 s1, $0x3;
	[sflag:s24] =	ssyncset.done $0x0  }
.LBB2_2:
0x56: {  	p0 =	sne.s32 s0, $0x2880  }
0x57: {  	[sflag:s24] =	ssyncadd.s32 $0xFFFFC000;
	s1 =	sadd.s32 s5, s1;
	s3 =	smov.u32 s0  }
0x58: {  	[tilespmem:s26], [sflag:$0x2] =	stream.linear.gather [hbm4b:s1+s4], $0x80, $0x38;
	[tilespmem:$0x1C100] =	vst v63  }
0x59: {  	s0 =	sadd.s32 $0x100, s0;
	s1 =	sadd.s32 $0xFFFFFF80, s3;
	_ =	swait.ge [sflag:s28], $0x80  }
0x5a: {  	s6 =	sand.u32 $0x7C00, s1;
	s1 =	sand.u32 $0x300, s1;
	[sflag:s28] =	ssyncset.done $0x0  }
0x5b: {  	s6 =	sadd.s32 s8, s6;
	[sflag:s28] =	ssyncadd.s32 $0xFFFFFF80  }
0x5c: {  	[spmem:s2] =	stream.indirect.scatter.add.f32 [tilespmem:s23], [sflag:$0x3], $0x80, s4, s26, $0xb8;
	[tilespmem:$0x1C100] =	vst v63  }
0x5d: {  	s1 =	sor.u32 s1, s6;
	_ =	swait.ge [sflag:s24], $0x4000  }
0x5e: {  	s1 =	sshrl.u32 s1, $0x3;
	[sflag:s24] =	ssyncset.done $0x0  }
0x5f: {  	s1 =	sadd.s32 s5, s1;
	[sflag:s24] =	ssyncadd.s32 $0xFFFFC000  }
0x60: {  	[tilespmem:s4], [sflag:$0x1] =	stream.linear.gather [hbm4b:s1+s4], $0x80, $0x38;
	[tilespmem:$0x1C100] =	vst v63  }
0x61: {  	_ =	swait.ge [sflag:s29], $0x80  }
.Ltmp0:
0x62: {  	s1 =	sand.u32 $0x7C00, s3;
	[sflag:s29] =	ssyncset.done $0x0;
	(pc) =	sbr.rel @p0 .LBB2_2-.Ltmp0, $4  }
0x63: {  	s3 =	sand.u32 $0x380, s3;
	s1 =	sadd.s32 s8, s1;
	[sflag:s29] =	ssyncadd.s32 $0xFFFFFF80  }
0x64: {  	[spmem:s2] =	stream.indirect.scatter.add.f32 [tilespmem:s23], [sflag:$0x3], $0x80, s26, s26, $0xb8;
	[tilespmem:$0x1C100] =	vst v63  }
0x65: {  	s1 =	sor.u32 s3, s1;
	_ =	swait.ge [sflag:s24], $0x4000  }
0x66: {  	s1 =	sshrl.u32 s1, $0x3;
	[sflag:s24] =	ssyncset.done $0x0  }
0x67: {  	[sflag:s24] =	ssyncadd.s32 $0xFFFFC000;
	s0 =	sadd.s32 s5, s1  }
0x68: {  	[tilespmem:s26], [sflag:$0x2] =	stream.linear.gather [hbm4b:s0+s4], $0x80, $0x38;
	[tilespmem:$0x1C100] =	vst v63  }
0x69: {  	_ =	swait.ge [sflag:s28], $0x80  }
0x6a: {  	[sflag:s28] =	ssyncset.done $0x0  }
0x6b: {  	[sflag:s28] =	ssyncadd.s32 $0xFFFFFF80  }
0x6c: {  	_ =	swait.ge [sflag:s29], $0x80  }
0x6d: {  	[sflag:s29] =	ssyncset.done $0x0  }
0x6e: {  	[sflag:s29] =	ssyncadd.s32 $0xFFFFFF80  }
0x6f: {  	s0 =	simm.s32 $0x0;
	[bflag:$0x0] =	sbarrier.arrive $0xFFFF  }
.LBB2_4:
0x70: {  	s3 =	sshll.u32 s0, $0xD  }
0x71: {  	s1 =	sand.u32 $0x3FFFE000, s3  }
0x72: {  	s1 =	sadd.s32 s1, s10  }
0x73: {  	[tilespmem:s25], [sflag:$0x3] =	stream.linear.gather [spmem:s1], $0x2000, $0x38;
	[tilespmem:$0x1C100] =	vst v63  }
0x74: {  	_ =	swait.ge [sflag:s24], $0x2000  }
0x75: {  	[sflag:s24] =	ssyncset.done $0x0  }
0x76: {  	s6 =	simm.s32 $0x0;
	[sflag:s24] =	ssyncadd.s32 $0xFFFFE000  }
0x77: {  	v0 =	vld [tilespmem:s6+$0x4100];
	_ =	sdelay $0x4  }
0x78: {  	s1 =	simm.s32 $0x80;
	(erf) = vrcp.f32 v0  }
0x79: {  	v1 =	vld [tilespmem:s1+$0x4100];
	_ =	sdelay $0x3  }
0x7a: {  	s11 =	simm.s32 $0x400  }
.LBB2_5:
0x7b: {  	s13 =	sshra.s32 s11, $0x2;
	p0 =	sne.s32 s11, $0x7E00;
	s11 =	sadd.s32 $0x200, s11;
	(erf) = vrcp.f32 v1;
	v2 =	vmov v1  }
.Ltmp1:
0x7c: {  	v1 =	vld [tilespmem:s13+$0x4100];
	(pc) =	sbr.rel @p0 .LBB2_5-.Ltmp1, $4  }
0x7d: {  	_ = 	snop  }
0x7e: {  	vm0 =	vgt.f32 v0, $0.0e+00;
	v0 =	vmov v2;
	v3 =	vpop (erf)  }
0x7f: {  	v2 =	vnsel vm0, $0x0, v3  }
0x80: {  	[tilespmem:s6+$0x6100] =	vst v2;
	s6 =	smov.u32 s1;
	s1 =	smov.u32 s13  }
0x81: {  	(erf) = vrcp.f32 v1;
	_ =	sdelay $0x7  }
0x82: {  	vm0 =	vgt.f32 v0, $0.0e+00;
	v61 =	vpop (erf)  }
0x83: {  	vm15 =	vgt.f32 v1, $0.0e+00;
	s3 =	sadd.s32 s3, s12;
	s0 =	sadd.s32 $0x1, s0;
	v0 =	vnsel vm0, $0x0, v61;
	v62 =	vpop (erf)  }
0x84: {  	s3 =	sshrl.u32 s3, $0x3;
	p0 =	sne.s32 s0, $0xA;
	[tilespmem:s6+$0x6100] =	vst v0;
	v63 =	vnsel vm15, $0x0, v62  }
.Ltmp2:
0x85: {  	s13 =	sadd.s32 s7, s3;
	[tilespmem:s1+$0x6100] =	vst v63;
	(pc) =	sbr.rel @p0 .LBB2_4-.Ltmp2, $4  }
0x86: {  	[hbm4b:s13+s4] =	stream.linear.scatter [tilespmem:s30], [sflag:$0x3], $0x2000, $0x38;
	[tilespmem:$0x1C100] =	vst v63  }
0x87: {  	_ =	swait.ge [sflag:s24], $0x2000  }
0x88: {  	[sflag:s24] =	ssyncset.done $0x0  }
0x89: {  	[sflag:s24] =	ssyncadd.s32 $0xFFFFE000  }
0x8a: {  	s31 =	sadd.s32 $0x1, s31;
	s0 =	rddreg [dreg:$0x6]  }
0x8b: {  	p0 =	sne.s32 s31, s0  }
.Ltmp3:
0x8c: {  	_ = 	snop;
	(pc) =	sbr.rel @p0 .LBB2_1-.Ltmp3, $1  }
0x8d: {  	_ =	sdelay $0x3  }
0x8e: {  	_ =	sfence.sel $0x180000  }
0x8f: {  	[bflag:$0x0] =	sbarrier.arrive $0xFFFF  }
0x90: {  	_ =	strace $0x90000047  }
0x91: {  	s0 =	stileid.u32;
	[bflag:$0x2] =	sbarrier.arrive $0xFFFF  }
0x92: {  	p0 =	sne.s32 s0, $0x0;
	s0 =	rddreg [dreg:$0x3]  }
0x93: {  	s0 =	sadd.s32 @!p0 $0x100000, s0  }
0x94: {  	[sflag:s0] =	ssyncadd.tile.s32 @!p0 $0x1;
	_ =	shalt  }
.Lfunc_end2:
_tile_overlayer_lowered:
.L_overlay_start_2:
0x95: {  	(tag) =	ssettag $0x2  }
0x96: {  	s0 =	rddreg [dreg:$0x0];
	s2 =	stileid.u32  }
0x97: {  	s1 =	rddreg [dreg:$0x1];
	p0 =	sne.s32 s2, $0x0  }
0x98: {  	s3 =	rddreg [dreg:$0x2];
	[bflag:$0x3] =	sbarrier.arrive $0xFFFF;
	s2 =	simm.s32 @!p0 $0x1C03  }
0x99: {  	[timem:s3], [sflag:s2] =	dma.local @!p0 [hbm:s0], s1  }
0x9a: {  	s0 =	simm.s32 @!p0 $0x3  }
0x9b: {  	_ =	swait.ge @!p0 [sflag:s0], s1  }
0x9c: {  	s1 =	ssub.s32 @!p0 $0x0, s1;
	[sflag:s0] =	ssyncset.done @!p0 $0x0  }
0x9d: {  	[sflag:s0] =	ssyncadd.s32 @!p0 s1  }
0x9e: {  	[bflag:$0x3] =	sbarrier.arrive $0xFFFF  }
0x9f: {  	_ =	shalt  }

</sc_bundles>
